<compile_context>
chip_gen: v7x
topology: tpu7x:2x2x1
jax: 0.10.2.dev20260603
libtpu: 0.0.44.dev20260713+nightly
codegen_flags: <defaults>
</compile_context>

<pallas_src>
import functools

import jax
import jax.numpy as jnp
from jax import lax
from jax.experimental import pallas as pl
from jax.experimental.pallas import tpu as pltpu
from jax.experimental.pallas import tpu_sc as plsc

B, L, C, H, W = 2, 16, 32, 64, 64
HW = H * W
NW = 32
PX = HW // NW
NV = PX // 16


def _warp_pscan(flows_r, table):
    mesh = plsc.VectorSubcoreMesh(core_axis_name="c", subcore_axis_name="s")

    @functools.partial(
        pl.kernel,
        mesh=mesh,
        out_type=jax.ShapeDtypeStruct((B, L, HW, C), jnp.float32),
        compiler_params=pltpu.CompilerParams(use_tc_tiling_on_sc=False,
                                             needs_layout_passes=False),
        scratch_types=[
            pltpu.VMEM((B, L, 2, PX), jnp.float32),
            pltpu.VMEM((2, PX), jnp.float32),
            pltpu.VMEM((4, PX), jnp.int32),
            pltpu.VMEM((4, PX), jnp.int32),
            pltpu.VMEM((4 * PX + 16,), jnp.float32),
            pltpu.VMEM((4 * PX + 16,), jnp.float32),
            pltpu.VMEM((4, PX, C), jnp.bfloat16),
            pltpu.VMEM((4, PX, C), jnp.bfloat16),
            pltpu.VMEM((PX, C), jnp.float32),
            pltpu.SemaphoreType.DMA,
            pltpu.SemaphoreType.DMA,
        ],
    )
    def warp_kernel(flows_hbm, table_hbm, out_hbm, cumf, gxy, idx_a, idx_b,
                    w_a, w_b, rows_a, rows_b, acc, sem_a, sem_b):
        idxs = (idx_a, idx_b)
        ws = (w_a, w_b)
        rowss = (rows_a, rows_b)
        sems = (sem_a, sem_b)

        wid = lax.axis_index("s") * 2 + lax.axis_index("c")
        base = wid * PX

        pltpu.sync_copy(flows_hbm.at[:, :, :, pl.ds(base, PX)], cumf)

        def csum_step(l, _):
            for bb in range(B):
                for comp in range(2):
                    for j in range(NV):
                        s = pl.ds(j * 16, 16)
                        cumf[bb, l, comp, s] = (cumf[bb, l, comp, s]
                                                + cumf[bb, l - 1, comp, s])
            return 0
        lax.fori_loop(1, L, csum_step, 0)

        for j in range(NV):
            pi = jnp.arange(16, dtype=jnp.int32) + (base + j * 16)
            pxi = lax.rem(pi, W)
            pyi = lax.div(pi, W)
            s = pl.ds(j * 16, 16)
            gxy[0, s] = (pxi.astype(jnp.float32) + 0.5) * (2.0 / W) - 1.0
            gxy[1, s] = (pyi.astype(jnp.float32) + 0.5) * (2.0 / H) - 1.0

        def compute_and_fire(b, t, k, slot):
            idx4 = idxs[slot]
            w4 = ws[slot]
            tb = (b * L + k) * HW

            @plsc.parallel_loop(0, NV, unroll=2)
            def _(j):
                s = pl.ds(j * 16, 16)
                relx = cumf[b, t, 0, s] - cumf[b, k, 0, s]
                rely = cumf[b, t, 1, s] - cumf[b, k, 1, s]
                a = (gxy[0, s] + relx) + 1.0
                r = lax.rem(a, 2.0)
                r = jnp.where(r < 0.0, r + 2.0, r)
                fx = r - 1.0
                ixf = ((fx + 1.0) * float(W) - 1.0) * 0.5
                x0 = ixf.astype(jnp.int32)
                x0 = jnp.where(ixf < 0.0, -1, x0)
                wx1 = ixf - x0.astype(jnp.float32)
                wx0 = 1.0 - wx1
                yv = gxy[1, s] + rely
                iyf = ((yv + 1.0) * float(H) - 1.0) * 0.5
                iyf = jnp.minimum(jnp.maximum(iyf, -4.0), float(H) + 4.0)
                y0 = iyf.astype(jnp.int32)
                y0 = jnp.where(y0.astype(jnp.float32) > iyf, y0 - 1, y0)
                wy1 = iyf - y0.astype(jnp.float32)
                wy0 = 1.0 - wy1
                x0c = jnp.maximum(x0, 0)
                wfx = jnp.where(x0 < 0, wx1, wx0)
                wsx = jnp.where((x0 < 0) | (x0 >= W - 1), 0.0, wx1)
                dxp = jnp.where(x0c >= W - 1, 0, 1)
                for tap in range(2):
                    yq = y0 + tap
                    valid_y = (yq >= 0) & (yq <= H - 1)
                    yqc = jnp.clip(yq, 0, H - 1)
                    wyv = jnp.where(valid_y, wy1 if tap else wy0, 0.0)
                    rbase = tb + yqc * W + x0c
                    idx4[tap, s] = rbase
                    idx4[2 + tap, s] = rbase + dxp
                    w4[pl.ds((2 * tap) * PX + j * 16, 16)] = wyv * wfx
                    w4[pl.ds((2 * tap + 1) * PX + j * 16, 16)] = wyv * wsx
            for q in range(4):
                pltpu.async_copy(table_hbm.at[idx4.at[q]],
                                 rowss[slot].at[q], sems[slot])

        def wait_slot(slot):
            for q in range(4):
                pltpu.make_async_copy(table_hbm.at[idxs[slot].at[q]],
                                      rowss[slot].at[q], sems[slot]).wait()

        def accumulate(slot):
            w4 = ws[slot]
            rows = rowss[slot]

            @plsc.parallel_loop(0, PX, unroll=8)
            def _(p):
                a0 = acc[p, pl.ds(0, 16)]
                a1 = acc[p, pl.ds(16, 16)]
                for tap in range(2):
                    wf = w4[pl.ds((2 * tap) * PX + p, 16)][0]
                    wsc = w4[pl.ds((2 * tap + 1) * PX + p, 16)][0]
                    lo, hi = plsc.unpack(
                        rows[tap, p, :], format=plsc.PackFormat.INTERLEAVED)
                    a0 = a0 + wf * lo
                    a1 = a1 + wf * hi
                    lo2, hi2 = plsc.unpack(
                        rows[2 + tap, p, :],
                        format=plsc.PackFormat.INTERLEAVED)
                    a0 = a0 + wsc * lo2
                    a1 = a1 + wsc * hi2
                acc[p, pl.ds(0, 16)] = a0
                acc[p, pl.ds(16, 16)] = a1

        def b_loop(b, _):
            def t_loop(t, _):
                compute_and_fire(b, t, 0, 0)

                @plsc.parallel_loop(0, PX, unroll=8)
                def _(p):
                    z = jnp.zeros(16, jnp.float32)
                    acc[p, pl.ds(0, 16)] = z
                    acc[p, pl.ds(16, 16)] = z

                def kk_loop(i, _):
                    k0 = i * 2

                    @pl.when(k0 + 1 <= t)
                    def _():
                        compute_and_fire(b, t, k0 + 1, 1)
                    wait_slot(0)
                    accumulate(0)

                    @pl.when(k0 + 1 <= t)
                    def _():
                        @pl.when(k0 + 2 <= t)
                        def _():
                            compute_and_fire(b, t, k0 + 2, 0)
                        wait_slot(1)
                        accumulate(1)
                    return 0
                lax.fori_loop(0, lax.div(t + 2, 2), kk_loop, 0)

                pltpu.sync_copy(acc, out_hbm.at[b, t, pl.ds(base, PX), :])
                return 0
            lax.fori_loop(0, L, t_loop, 0)
            return 0
        lax.fori_loop(0, B, b_loop, 0)

    return warp_kernel(flows_r, table)


@jax.jit
def kernel(flows, images):
    flows_r = flows.reshape(B, L, 2, HW)
    table = (images.transpose(0, 1, 3, 4, 2).reshape(B * L * HW, C)
             .astype(jnp.bfloat16))
    out_cl = _warp_pscan(flows_r, table)
    out6 = out_cl.reshape(B, L, H, W, 2, C // 2)
    return out6.transpose(0, 1, 5, 4, 2, 3).reshape(B, L, C, H, W)

# --- scband reference (transcript-rebuilt; emitter-appended) ---
"""Pipeline reference for scband-grid-sample-pscan-24094766530929 (READ-ONLY COPY).

The authoritative reference and input builder live on the scoring server;
editing this copy changes nothing except your own understanding.
"""

import jax, jax.numpy as jnp
import numpy as np


def _grid_sample_bilinear(img, grid):
    # img: [N, C, H, W]; grid: [N, Ho, Wo, 2] with (x, y) in [-1, 1]
    # Matches torch.nn.functional.grid_sample(mode='bilinear', padding_mode='zeros', align_corners=False)
    N, C, H, W = img.shape
    x = grid[..., 0]
    y = grid[..., 1]
    ix = ((x + 1.0) * W - 1.0) / 2.0
    iy = ((y + 1.0) * H - 1.0) / 2.0
    x0 = jnp.floor(ix)
    y0 = jnp.floor(iy)
    x1 = x0 + 1.0
    y1 = y0 + 1.0
    wx1 = ix - x0
    wx0 = 1.0 - wx1
    wy1 = iy - y0
    wy0 = 1.0 - wy1
    b = jnp.arange(N)[:, None, None]

    def gather(xi, yi):
        valid = (xi >= 0) & (xi <= W - 1) & (yi >= 0) & (yi <= H - 1)
        xi_c = jnp.clip(xi, 0, W - 1).astype(jnp.int32)
        yi_c = jnp.clip(yi, 0, H - 1).astype(jnp.int32)
        vals = img[b, :, yi_c, xi_c]  # [N, Ho, Wo, C]
        return jnp.where(valid[..., None], vals, 0.0)

    v00 = gather(x0, y0)
    v01 = gather(x1, y0)
    v10 = gather(x0, y1)
    v11 = gather(x1, y1)
    out = (wy0 * wx0)[..., None] * v00 \
        + (wy0 * wx1)[..., None] * v01 \
        + (wy1 * wx0)[..., None] * v10 \
        + (wy1 * wx1)[..., None] * v11
    return jnp.transpose(out, (0, 3, 1, 2))  # [N, C, Ho, Wo]


def setup_inputs(seed: int = 0) -> dict:
    key = jax.random.key(seed)
    k1, k2 = jax.random.split(key)
    flows = jax.random.normal(k1, (2, 16, 2, 64, 64), dtype=jnp.float32)
    images = jax.random.normal(k2, (2, 16, 32, 64, 64), dtype=jnp.float32)
    return {"flows": flows, "images": images}


def reference(flows, images):
    B, L, _, H, W = flows.shape
    C = images.shape[2]
    dtype = flows.dtype
    cum_flows = jnp.cumsum(flows.astype(jnp.float32), axis=1).astype(dtype)
    k_idx, t_idx = jnp.triu_indices(L, k=0)
    n_pairs = k_idx.shape[0]
    batch_idx = jnp.repeat(jnp.arange(B), n_pairs)
    k_flat = jnp.tile(k_idx, B)
    t_flat = jnp.tile(t_idx, B)
    flows_t = cum_flows[batch_idx, t_flat]  # [B*Np, 2, H, W]
    flows_k = cum_flows[batch_idx, k_flat]
    flat_rel_flows = flows_t - flows_k
    step_y = 2.0 / H
    step_x = 2.0 / W
    grid_y = jnp.linspace(-1.0 + step_y * 0.5, 1.0 - step_y * 0.5, H, dtype=dtype)
    grid_x = jnp.linspace(-1.0 + step_x * 0.5, 1.0 - step_x * 0.5, W, dtype=dtype)
    gx, gy = jnp.meshgrid(grid_x, grid_y, indexing='xy')  # each [H, W]
    base_grid = jnp.stack([gx, gy], axis=-1)[None]  # [1, H, W, 2]
    final_grid = base_grid + jnp.transpose(flat_rel_flows, (0, 2, 3, 1))
    fx = jnp.remainder(final_grid[..., 0] + 1.0, 2.0) - 1.0
    final_grid = jnp.stack([fx, final_grid[..., 1]], axis=-1)
    flat_images = images[batch_idx, k_flat]  # [B*Np, C, H, W]
    warped_flat = _grid_sample_bilinear(flat_images, final_grid)
    target_flat_indices = batch_idx * L + t_flat
    h_state_flat = jnp.zeros((B * L, C, H, W), dtype=dtype).at[target_flat_indices].add(warped_flat)
    return h_state_flat.reshape(B, L, C, H, W)

if __name__ == "__main__":
    import jax
    _d = setup_inputs()
    print(jax.jit(kernel)(*tuple(_d.values())))

</pallas_src>

<mosaic_0001>
#map = affine_map<(d0, d1) -> (0, 0, 0, 0)>
#map1 = affine_map<(d0, d1) -> (0, 0)>
module attributes {stable_mosaic.version = 14 : i64} {
  func.func @warp_kernel(%arg0: i32, %arg1: i32, %arg2: memref<2x16x2x4096xf32, #tpu.memory_space<hbm>>, %arg3: memref<131072x32xbf16, #tpu.memory_space<hbm>>, %arg4: memref<2x16x4096x32xf32, #tpu.memory_space<hbm>>, %arg5: memref<2x16x2x128xf32, #tpu.memory_space<vmem>>, %arg6: memref<2x128xf32, #tpu.memory_space<vmem>>, %arg7: memref<4x128xi32, #tpu.memory_space<vmem>>, %arg8: memref<4x128xi32, #tpu.memory_space<vmem>>, %arg9: memref<528xf32, #tpu.memory_space<vmem>>, %arg10: memref<528xf32, #tpu.memory_space<vmem>>, %arg11: memref<4x128x32xbf16, #tpu.memory_space<vmem>>, %arg12: memref<4x128x32xbf16, #tpu.memory_space<vmem>>, %arg13: memref<128x32xf32, #tpu.memory_space<vmem>>, %arg14: memref<!tpu.dma_semaphore, #tpu.memory_space<semaphore_mem>>, %arg15: memref<!tpu.dma_semaphore, #tpu.memory_space<semaphore_mem>>) attributes {dimension_semantics = [#tpu.dimension_semantics<core_parallel>, #tpu.dimension_semantics<subcore_parallel>], iteration_bounds = array<i64: 2, 16>, scalar_prefetch = 0 : i64, scratch_operands = 11 : i64, tpu.core_type = #tpu.core_type<sc_vector_subcore>, window_params = [{transform_indices = #map}, {transform_indices = #map1}, {transform_indices = #map}]} {
    %mul3A = arith.constant 2 : i32
    %mul3A_0 = arith.muli %arg1, %mul3A : i32
    %add3A = arith.addi %mul3A_0, %arg0 : i32
    %mul3A_1 = arith.constant 128 : i32
    %mul3A_2 = arith.muli %add3A, %mul3A_1 : i32
    "tpu.region"() ({
      %run_scoped3A = tpu.sem_alloc : memref<!tpu.dma_semaphore, #tpu.memory_space<semaphore_mem>>
      %dma_start3A = arith.constant 0 : i32
      %dma_start3A_322 = arith.constant 0 : i32
      %dma_start3A_323 = arith.constant 0 : i32
      %dma_start3A_324 = tpu.memref_slice %arg2[%dma_start3A, %dma_start3A_322, %dma_start3A_323, %mul3A_2] : memref<2x16x2x4096xf32, #tpu.memory_space<hbm>> -> memref<2x16x2x128xf32, #tpu.memory_space<hbm>>
      %dma_start3A_325 = arith.constant 0 : i32
      %dma_start3A_326 = arith.constant 0 : i32
      %dma_start3A_327 = arith.constant 0 : i32
      %dma_start3A_328 = tpu.memref_slice %arg2[%dma_start3A_325, %dma_start3A_326, %dma_start3A_327, %mul3A_2] : memref<2x16x2x4096xf32, #tpu.memory_space<hbm>> -> memref<2x16x2x128xf32, #tpu.memory_space<hbm>>
      tpu.enqueue_dma source(%dma_start3A_328 : memref<2x16x2x128xf32, #tpu.memory_space<hbm>>) target(%arg5 : memref<2x16x2x128xf32, #tpu.memory_space<vmem>>) target_semaphore(%run_scoped3A : memref<!tpu.dma_semaphore, #tpu.memory_space<semaphore_mem>>)
      %dma_wait3A = arith.constant 0 : i32
      %dma_wait3A_329 = arith.constant 0 : i32
      %dma_wait3A_330 = arith.constant 0 : i32
      %dma_wait3A_331 = tpu.memref_slice %arg2[%dma_wait3A, %dma_wait3A_329, %dma_wait3A_330, %mul3A_2] : memref<2x16x2x4096xf32, #tpu.memory_space<hbm>> -> memref<2x16x2x128xf32, #tpu.memory_space<hbm>>
      %dma_wait3A_332 = arith.constant 0 : i32
      %dma_wait3A_333 = arith.constant 0 : i32
      %dma_wait3A_334 = arith.constant 0 : i32
      %dma_wait3A_335 = tpu.memref_slice %arg2[%dma_wait3A_332, %dma_wait3A_333, %dma_wait3A_334, %mul3A_2] : memref<2x16x2x4096xf32, #tpu.memory_space<hbm>> -> memref<2x16x2x128xf32, #tpu.memory_space<hbm>>
      tpu.wait_dma2 semaphore(%run_scoped3A : memref<!tpu.dma_semaphore, #tpu.memory_space<semaphore_mem>>) src(%dma_wait3A_335 : memref<2x16x2x128xf32, #tpu.memory_space<hbm>>) dst(%arg5 : memref<2x16x2x128xf32, #tpu.memory_space<vmem>>)
      tpu.yield
    }) : () -> ()
    %scan3A = arith.constant 0 : i32
    %scan3A_3 = arith.constant 1 : i32
    %scan3A_4 = arith.constant 15 : i32
    %scan3A_5 = arith.addi %scan3A_3, %scan3A_4 : i32
    %scan3A_6 = arith.constant 1 : i32
    %scan3A_7 = scf.for %scan3A_322 = %scan3A_3 to %scan3A_5 step %scan3A_6 iter_args(%scan3A_323 = %scan3A) -> (i32)  : i32 {
      %get3A = arith.constant 0 : i32
      %get3A_324 = arith.constant 0 : i32
      %get3A_325 = arith.index_cast %get3A : i32 to index
      %get3A_326 = arith.index_cast %scan3A_322 : i32 to index
      %get3A_327 = arith.index_cast %get3A_324 : i32 to index
      %get3A_328 = arith.constant 0 : index
      %get3A_329 = tpu.vector_load %arg5[%get3A_325, %get3A_326, %get3A_327, %get3A_328] {strides = array<i32>} : memref<2x16x2x128xf32, #tpu.memory_space<vmem>>, vector<16xf32>,
      %sub3A_330 = arith.constant 1 : i32
      %sub3A_331 = arith.subi %scan3A_322, %sub3A_330 : i32
      %get3A_332 = arith.constant 0 : i32
      %get3A_333 = arith.constant 0 : i32
      %get3A_334 = arith.index_cast %get3A_332 : i32 to index
      %get3A_335 = arith.index_cast %sub3A_331 : i32 to index
      %get3A_336 = arith.index_cast %get3A_333 : i32 to index
      %get3A_337 = arith.constant 0 : index
      %get3A_338 = tpu.vector_load %arg5[%get3A_334, %get3A_335, %get3A_336, %get3A_337] {strides = array<i32>} : memref<2x16x2x128xf32, #tpu.memory_space<vmem>>, vector<16xf32>,
      %add3A_339 = arith.addf %get3A_329, %get3A_338 : vector<16xf32>
      %swap3A_340 = arith.constant 0 : i32
      %swap3A_341 = arith.constant 0 : i32
      %swap3A_342 = arith.index_cast %swap3A_340 : i32 to index
      %swap3A_343 = arith.index_cast %scan3A_322 : i32 to index
      %swap3A_344 = arith.index_cast %swap3A_341 : i32 to index
      %swap3A_345 = arith.constant 0 : index
      %swap3A_346 = tpu.vector_load %arg5[%swap3A_342, %swap3A_343, %swap3A_344, %swap3A_345] {strides = array<i32>} : memref<2x16x2x128xf32, #tpu.memory_space<vmem>>, vector<16xf32>,
      tpu.vector_store %arg5[%swap3A_342, %swap3A_343, %swap3A_344, %swap3A_345], %add3A_339 {strides = array<i32>} : memref<2x16x2x128xf32, #tpu.memory_space<vmem>>, vector<16xf32>,
      %get3A_347 = arith.constant 0 : i32
      %get3A_348 = arith.constant 0 : i32
      %get3A_349 = arith.index_cast %get3A_347 : i32 to index
      %get3A_350 = arith.index_cast %scan3A_322 : i32 to index
      %get3A_351 = arith.index_cast %get3A_348 : i32 to index
      %get3A_352 = arith.constant 16 : index
      %get3A_353 = tpu.vector_load %arg5[%get3A_349, %get3A_350, %get3A_351, %get3A_352] {strides = array<i32>} : memref<2x16x2x128xf32, #tpu.memory_space<vmem>>, vector<16xf32>,
      %sub3A_354 = arith.constant 1 : i32
      %sub3A_355 = arith.subi %scan3A_322, %sub3A_354 : i32
      %get3A_356 = arith.constant 0 : i32
      %get3A_357 = arith.constant 0 : i32
      %get3A_358 = arith.index_cast %get3A_356 : i32 to index
      %get3A_359 = arith.index_cast %sub3A_355 : i32 to index
      %get3A_360 = arith.index_cast %get3A_357 : i32 to index
      %get3A_361 = arith.constant 16 : index
      %get3A_362 = tpu.vector_load %arg5[%get3A_358, %get3A_359, %get3A_360, %get3A_361] {strides = array<i32>} : memref<2x16x2x128xf32, #tpu.memory_space<vmem>>, vector<16xf32>,
      %add3A_363 = arith.addf %get3A_353, %get3A_362 : vector<16xf32>
      %swap3A_364 = arith.constant 0 : i32
      %swap3A_365 = arith.constant 0 : i32
      %swap3A_366 = arith.index_cast %swap3A_364 : i32 to index
      %swap3A_367 = arith.index_cast %scan3A_322 : i32 to index
      %swap3A_368 = arith.index_cast %swap3A_365 : i32 to index
      %swap3A_369 = arith.constant 16 : index
      %swap3A_370 = tpu.vector_load %arg5[%swap3A_366, %swap3A_367, %swap3A_368, %swap3A_369] {strides = array<i32>} : memref<2x16x2x128xf32, #tpu.memory_space<vmem>>, vector<16xf32>,
      tpu.vector_store %arg5[%swap3A_366, %swap3A_367, %swap3A_368, %swap3A_369], %add3A_363 {strides = array<i32>} : memref<2x16x2x128xf32, #tpu.memory_space<vmem>>, vector<16xf32>,
      %get3A_371 = arith.constant 0 : i32
      %get3A_372 = arith.constant 0 : i32
      %get3A_373 = arith.index_cast %get3A_371 : i32 to index
      %get3A_374 = arith.index_cast %scan3A_322 : i32 to index
      %get3A_375 = arith.index_cast %get3A_372 : i32 to index
      %get3A_376 = arith.constant 32 : index
      %get3A_377 = tpu.vector_load %arg5[%get3A_373, %get3A_374, %get3A_375, %get3A_376] {strides = array<i32>} : memref<2x16x2x128xf32, #tpu.memory_space<vmem>>, vector<16xf32>,
      %sub3A_378 = arith.constant 1 : i32
      %sub3A_379 = arith.subi %scan3A_322, %sub3A_378 : i32
      %get3A_380 = arith.constant 0 : i32
      %get3A_381 = arith.constant 0 : i32
      %get3A_382 = arith.index_cast %get3A_380 : i32 to index
      %get3A_383 = arith.index_cast %sub3A_379 : i32 to index
      %get3A_384 = arith.index_cast %get3A_381 : i32 to index
      %get3A_385 = arith.constant 32 : index
      %get3A_386 = tpu.vector_load %arg5[%get3A_382, %get3A_383, %get3A_384, %get3A_385] {strides = array<i32>} : memref<2x16x2x128xf32, #tpu.memory_space<vmem>>, vector<16xf32>,
      %add3A_387 = arith.addf %get3A_377, %get3A_386 : vector<16xf32>
      %swap3A_388 = arith.constant 0 : i32
      %swap3A_389 = arith.constant 0 : i32
      %swap3A_390 = arith.index_cast %swap3A_388 : i32 to index
      %swap3A_391 = arith.index_cast %scan3A_322 : i32 to index
      %swap3A_392 = arith.index_cast %swap3A_389 : i32 to index
      %swap3A_393 = arith.constant 32 : index
      %swap3A_394 = tpu.vector_load %arg5[%swap3A_390, %swap3A_391, %swap3A_392, %swap3A_393] {strides = array<i32>} : memref<2x16x2x128xf32, #tpu.memory_space<vmem>>, vector<16xf32>,
      tpu.vector_store %arg5[%swap3A_390, %swap3A_391, %swap3A_392, %swap3A_393], %add3A_387 {strides = array<i32>} : memref<2x16x2x128xf32, #tpu.memory_space<vmem>>, vector<16xf32>,
      %get3A_395 = arith.constant 0 : i32
      %get3A_396 = arith.constant 0 : i32
      %get3A_397 = arith.index_cast %get3A_395 : i32 to index
      %get3A_398 = arith.index_cast %scan3A_322 : i32 to index
      %get3A_399 = arith.index_cast %get3A_396 : i32 to index
      %get3A_400 = arith.constant 48 : index
      %get3A_401 = tpu.vector_load %arg5[%get3A_397, %get3A_398, %get3A_399, %get3A_400] {strides = array<i32>} : memref<2x16x2x128xf32, #tpu.memory_space<vmem>>, vector<16xf32>,
      %sub3A_402 = arith.constant 1 : i32
      %sub3A_403 = arith.subi %scan3A_322, %sub3A_402 : i32
      %get3A_404 = arith.constant 0 : i32
      %get3A_405 = arith.constant 0 : i32
      %get3A_406 = arith.index_cast %get3A_404 : i32 to index
      %get3A_407 = arith.index_cast %sub3A_403 : i32 to index
      %get3A_408 = arith.index_cast %get3A_405 : i32 to index
      %get3A_409 = arith.constant 48 : index
      %get3A_410 = tpu.vector_load %arg5[%get3A_406, %get3A_407, %get3A_408, %get3A_409] {strides = array<i32>} : memref<2x16x2x128xf32, #tpu.memory_space<vmem>>, vector<16xf32>,
      %add3A_411 = arith.addf %get3A_401, %get3A_410 : vector<16xf32>
      %swap3A_412 = arith.constant 0 : i32
      %swap3A_413 = arith.constant 0 : i32
      %swap3A_414 = arith.index_cast %swap3A_412 : i32 to index
      %swap3A_415 = arith.index_cast %scan3A_322 : i32 to index
      %swap3A_416 = arith.index_cast %swap3A_413 : i32 to index
      %swap3A_417 = arith.constant 48 : index
      %swap3A_418 = tpu.vector_load %arg5[%swap3A_414, %swap3A_415, %swap3A_416, %swap3A_417] {strides = array<i32>} : memref<2x16x2x128xf32, #tpu.memory_space<vmem>>, vector<16xf32>,
      tpu.vector_store %arg5[%swap3A_414, %swap3A_415, %swap3A_416, %swap3A_417], %add3A_411 {strides = array<i32>} : memref<2x16x2x128xf32, #tpu.memory_space<vmem>>, vector<16xf32>,
      %get3A_419 = arith.constant 0 : i32
      %get3A_420 = arith.constant 0 : i32
      %get3A_421 = arith.index_cast %get3A_419 : i32 to index
      %get3A_422 = arith.index_cast %scan3A_322 : i32 to index
      %get3A_423 = arith.index_cast %get3A_420 : i32 to index
      %get3A_424 = arith.constant 64 : index
      %get3A_425 = tpu.vector_load %arg5[%get3A_421, %get3A_422, %get3A_423, %get3A_424] {strides = array<i32>} : memref<2x16x2x128xf32, #tpu.memory_space<vmem>>, vector<16xf32>,
      %sub3A_426 = arith.constant 1 : i32
      %sub3A_427 = arith.subi %scan3A_322, %sub3A_426 : i32
      %get3A_428 = arith.constant 0 : i32
      %get3A_429 = arith.constant 0 : i32
      %get3A_430 = arith.index_cast %get3A_428 : i32 to index
      %get3A_431 = arith.index_cast %sub3A_427 : i32 to index
      %get3A_432 = arith.index_cast %get3A_429 : i32 to index
      %get3A_433 = arith.constant 64 : index
      %get3A_434 = tpu.vector_load %arg5[%get3A_430, %get3A_431, %get3A_432, %get3A_433] {strides = array<i32>} : memref<2x16x2x128xf32, #tpu.memory_space<vmem>>, vector<16xf32>,
      %add3A_435 = arith.addf %get3A_425, %get3A_434 : vector<16xf32>
      %swap3A_436 = arith.constant 0 : i32
      %swap3A_437 = arith.constant 0 : i32
      %swap3A_438 = arith.index_cast %swap3A_436 : i32 to index
      %swap3A_439 = arith.index_cast %scan3A_322 : i32 to index
      %swap3A_440 = arith.index_cast %swap3A_437 : i32 to index
      %swap3A_441 = arith.constant 64 : index
      %swap3A_442 = tpu.vector_load %arg5[%swap3A_438, %swap3A_439, %swap3A_440, %swap3A_441] {strides = array<i32>} : memref<2x16x2x128xf32, #tpu.memory_space<vmem>>, vector<16xf32>,
      tpu.vector_store %arg5[%swap3A_438, %swap3A_439, %swap3A_440, %swap3A_441], %add3A_435 {strides = array<i32>} : memref<2x16x2x128xf32, #tpu.memory_space<vmem>>, vector<16xf32>,
      %get3A_443 = arith.constant 0 : i32
      %get3A_444 = arith.constant 0 : i32
      %get3A_445 = arith.index_cast %get3A_443 : i32 to index
      %get3A_446 = arith.index_cast %scan3A_322 : i32 to index
      %get3A_447 = arith.index_cast %get3A_444 : i32 to index
      %get3A_448 = arith.constant 80 : index
      %get3A_449 = tpu.vector_load %arg5[%get3A_445, %get3A_446, %get3A_447, %get3A_448] {strides = array<i32>} : memref<2x16x2x128xf32, #tpu.memory_space<vmem>>, vector<16xf32>,
      %sub3A_450 = arith.constant 1 : i32
      %sub3A_451 = arith.subi %scan3A_322, %sub3A_450 : i32
      %get3A_452 = arith.constant 0 : i32
      %get3A_453 = arith.constant 0 : i32
      %get3A_454 = arith.index_cast %get3A_452 : i32 to index
      %get3A_455 = arith.index_cast %sub3A_451 : i32 to index
      %get3A_456 = arith.index_cast %get3A_453 : i32 to index
      %get3A_457 = arith.constant 80 : index
      %get3A_458 = tpu.vector_load %arg5[%get3A_454, %get3A_455, %get3A_456, %get3A_457] {strides = array<i32>} : memref<2x16x2x128xf32, #tpu.memory_space<vmem>>, vector<16xf32>,
      %add3A_459 = arith.addf %get3A_449, %get3A_458 : vector<16xf32>
      %swap3A_460 = arith.constant 0 : i32
      %swap3A_461 = arith.constant 0 : i32
      %swap3A_462 = arith.index_cast %swap3A_460 : i32 to index
      %swap3A_463 = arith.index_cast %scan3A_322 : i32 to index
      %swap3A_464 = arith.index_cast %swap3A_461 : i32 to index
      %swap3A_465 = arith.constant 80 : index
      %swap3A_466 = tpu.vector_load %arg5[%swap3A_462, %swap3A_463, %swap3A_464, %swap3A_465] {strides = array<i32>} : memref<2x16x2x128xf32, #tpu.memory_space<vmem>>, vector<16xf32>,
      tpu.vector_store %arg5[%swap3A_462, %swap3A_463, %swap3A_464, %swap3A_465], %add3A_459 {strides = array<i32>} : memref<2x16x2x128xf32, #tpu.memory_space<vmem>>, vector<16xf32>,
      %get3A_467 = arith.constant 0 : i32
      %get3A_468 = arith.constant 0 : i32
      %get3A_469 = arith.index_cast %get3A_467 : i32 to index
      %get3A_470 = arith.index_cast %scan3A_322 : i32 to index
      %get3A_471 = arith.index_cast %get3A_468 : i32 to index
      %get3A_472 = arith.constant 96 : index
      %get3A_473 = tpu.vector_load %arg5[%get3A_469, %get3A_470, %get3A_471, %get3A_472] {strides = array<i32>} : memref<2x16x2x128xf32, #tpu.memory_space<vmem>>, vector<16xf32>,
      %sub3A_474 = arith.constant 1 : i32
      %sub3A_475 = arith.subi %scan3A_322, %sub3A_474 : i32
      %get3A_476 = arith.constant 0 : i32
      %get3A_477 = arith.constant 0 : i32
      %get3A_478 = arith.index_cast %get3A_476 : i32 to index
      %get3A_479 = arith.index_cast %sub3A_475 : i32 to index
      %get3A_480 = arith.index_cast %get3A_477 : i32 to index
      %get3A_481 = arith.constant 96 : index
      %get3A_482 = tpu.vector_load %arg5[%get3A_478, %get3A_479, %get3A_480, %get3A_481] {strides = array<i32>} : memref<2x16x2x128xf32, #tpu.memory_space<vmem>>, vector<16xf32>,
      %add3A_483 = arith.addf %get3A_473, %get3A_482 : vector<16xf32>
      %swap3A_484 = arith.constant 0 : i32
      %swap3A_485 = arith.constant 0 : i32
      %swap3A_486 = arith.index_cast %swap3A_484 : i32 to index
      %swap3A_487 = arith.index_cast %scan3A_322 : i32 to index
      %swap3A_488 = arith.index_cast %swap3A_485 : i32 to index
      %swap3A_489 = arith.constant 96 : index
      %swap3A_490 = tpu.vector_load %arg5[%swap3A_486, %swap3A_487, %swap3A_488, %swap3A_489] {strides = array<i32>} : memref<2x16x2x128xf32, #tpu.memory_space<vmem>>, vector<16xf32>,
      tpu.vector_store %arg5[%swap3A_486, %swap3A_487, %swap3A_488, %swap3A_489], %add3A_483 {strides = array<i32>} : memref<2x16x2x128xf32, #tpu.memory_space<vmem>>, vector<16xf32>,
      %get3A_491 = arith.constant 0 : i32
      %get3A_492 = arith.constant 0 : i32
      %get3A_493 = arith.index_cast %get3A_491 : i32 to index
      %get3A_494 = arith.index_cast %scan3A_322 : i32 to index
      %get3A_495 = arith.index_cast %get3A_492 : i32 to index
      %get3A_496 = arith.constant 112 : index
      %get3A_497 = tpu.vector_load %arg5[%get3A_493, %get3A_494, %get3A_495, %get3A_496] {strides = array<i32>} : memref<2x16x2x128xf32, #tpu.memory_space<vmem>>, vector<16xf32>,
      %sub3A_498 = arith.constant 1 : i32
      %sub3A_499 = arith.subi %scan3A_322, %sub3A_498 : i32
      %get3A_500 = arith.constant 0 : i32
      %get3A_501 = arith.constant 0 : i32
      %get3A_502 = arith.index_cast %get3A_500 : i32 to index
      %get3A_503 = arith.index_cast %sub3A_499 : i32 to index
      %get3A_504 = arith.index_cast %get3A_501 : i32 to index
      %get3A_505 = arith.constant 112 : index
      %get3A_506 = tpu.vector_load %arg5[%get3A_502, %get3A_503, %get3A_504, %get3A_505] {strides = array<i32>} : memref<2x16x2x128xf32, #tpu.memory_space<vmem>>, vector<16xf32>,
      %add3A_507 = arith.addf %get3A_497, %get3A_506 : vector<16xf32>
      %swap3A_508 = arith.constant 0 : i32
      %swap3A_509 = arith.constant 0 : i32
      %swap3A_510 = arith.index_cast %swap3A_508 : i32 to index
      %swap3A_511 = arith.index_cast %scan3A_322 : i32 to index
      %swap3A_512 = arith.index_cast %swap3A_509 : i32 to index
      %swap3A_513 = arith.constant 112 : index
      %swap3A_514 = tpu.vector_load %arg5[%swap3A_510, %swap3A_511, %swap3A_512, %swap3A_513] {strides = array<i32>} : memref<2x16x2x128xf32, #tpu.memory_space<vmem>>, vector<16xf32>,
      tpu.vector_store %arg5[%swap3A_510, %swap3A_511, %swap3A_512, %swap3A_513], %add3A_507 {strides = array<i32>} : memref<2x16x2x128xf32, #tpu.memory_space<vmem>>, vector<16xf32>,
      %get3A_515 = arith.constant 0 : i32
      %get3A_516 = arith.constant 1 : i32
      %get3A_517 = arith.index_cast %get3A_515 : i32 to index
      %get3A_518 = arith.index_cast %scan3A_322 : i32 to index
      %get3A_519 = arith.index_cast %get3A_516 : i32 to index
      %get3A_520 = arith.constant 0 : index
      %get3A_521 = tpu.vector_load %arg5[%get3A_517, %get3A_518, %get3A_519, %get3A_520] {strides = array<i32>} : memref<2x16x2x128xf32, #tpu.memory_space<vmem>>, vector<16xf32>,
      %sub3A_522 = arith.constant 1 : i32
      %sub3A_523 = arith.subi %scan3A_322, %sub3A_522 : i32
      %get3A_524 = arith.constant 0 : i32
      %get3A_525 = arith.constant 1 : i32
      %get3A_526 = arith.index_cast %get3A_524 : i32 to index
      %get3A_527 = arith.index_cast %sub3A_523 : i32 to index
      %get3A_528 = arith.index_cast %get3A_525 : i32 to index
      %get3A_529 = arith.constant 0 : index
      %get3A_530 = tpu.vector_load %arg5[%get3A_526, %get3A_527, %get3A_528, %get3A_529] {strides = array<i32>} : memref<2x16x2x128xf32, #tpu.memory_space<vmem>>, vector<16xf32>,
      %add3A_531 = arith.addf %get3A_521, %get3A_530 : vector<16xf32>
      %swap3A_532 = arith.constant 0 : i32
      %swap3A_533 = arith.constant 1 : i32
      %swap3A_534 = arith.index_cast %swap3A_532 : i32 to index
      %swap3A_535 = arith.index_cast %scan3A_322 : i32 to index
      %swap3A_536 = arith.index_cast %swap3A_533 : i32 to index
      %swap3A_537 = arith.constant 0 : index
      %swap3A_538 = tpu.vector_load %arg5[%swap3A_534, %swap3A_535, %swap3A_536, %swap3A_537] {strides = array<i32>} : memref<2x16x2x128xf32, #tpu.memory_space<vmem>>, vector<16xf32>,
      tpu.vector_store %arg5[%swap3A_534, %swap3A_535, %swap3A_536, %swap3A_537], %add3A_531 {strides = array<i32>} : memref<2x16x2x128xf32, #tpu.memory_space<vmem>>, vector<16xf32>,
      %get3A_539 = arith.constant 0 : i32
      %get3A_540 = arith.constant 1 : i32
      %get3A_541 = arith.index_cast %get3A_539 : i32 to index
      %get3A_542 = arith.index_cast %scan3A_322 : i32 to index
      %get3A_543 = arith.index_cast %get3A_540 : i32 to index
      %get3A_544 = arith.constant 16 : index
      %get3A_545 = tpu.vector_load %arg5[%get3A_541, %get3A_542, %get3A_543, %get3A_544] {strides = array<i32>} : memref<2x16x2x128xf32, #tpu.memory_space<vmem>>, vector<16xf32>,
      %sub3A_546 = arith.constant 1 : i32
      %sub3A_547 = arith.subi %scan3A_322, %sub3A_546 : i32
      %get3A_548 = arith.constant 0 : i32
      %get3A_549 = arith.constant 1 : i32
      %get3A_550 = arith.index_cast %get3A_548 : i32 to index
      %get3A_551 = arith.index_cast %sub3A_547 : i32 to index
      %get3A_552 = arith.index_cast %get3A_549 : i32 to index
      %get3A_553 = arith.constant 16 : index
      %get3A_554 = tpu.vector_load %arg5[%get3A_550, %get3A_551, %get3A_552, %get3A_553] {strides = array<i32>} : memref<2x16x2x128xf32, #tpu.memory_space<vmem>>, vector<16xf32>,
      %add3A_555 = arith.addf %get3A_545, %get3A_554 : vector<16xf32>
      %swap3A_556 = arith.constant 0 : i32
      %swap3A_557 = arith.constant 1 : i32
      %swap3A_558 = arith.index_cast %swap3A_556 : i32 to index
      %swap3A_559 = arith.index_cast %scan3A_322 : i32 to index
      %swap3A_560 = arith.index_cast %swap3A_557 : i32 to index
      %swap3A_561 = arith.constant 16 : index
      %swap3A_562 = tpu.vector_load %arg5[%swap3A_558, %swap3A_559, %swap3A_560, %swap3A_561] {strides = array<i32>} : memref<2x16x2x128xf32, #tpu.memory_space<vmem>>, vector<16xf32>,
      tpu.vector_store %arg5[%swap3A_558, %swap3A_559, %swap3A_560, %swap3A_561], %add3A_555 {strides = array<i32>} : memref<2x16x2x128xf32, #tpu.memory_space<vmem>>, vector<16xf32>,
      %get3A_563 = arith.constant 0 : i32
      %get3A_564 = arith.constant 1 : i32
      %get3A_565 = arith.index_cast %get3A_563 : i32 to index
      %get3A_566 = arith.index_cast %scan3A_322 : i32 to index
      %get3A_567 = arith.index_cast %get3A_564 : i32 to index
      %get3A_568 = arith.constant 32 : index
      %get3A_569 = tpu.vector_load %arg5[%get3A_565, %get3A_566, %get3A_567, %get3A_568] {strides = array<i32>} : memref<2x16x2x128xf32, #tpu.memory_space<vmem>>, vector<16xf32>,
      %sub3A_570 = arith.constant 1 : i32
      %sub3A_571 = arith.subi %scan3A_322, %sub3A_570 : i32
      %get3A_572 = arith.constant 0 : i32
      %get3A_573 = arith.constant 1 : i32
      %get3A_574 = arith.index_cast %get3A_572 : i32 to index
      %get3A_575 = arith.index_cast %sub3A_571 : i32 to index
      %get3A_576 = arith.index_cast %get3A_573 : i32 to index
      %get3A_577 = arith.constant 32 : index
      %get3A_578 = tpu.vector_load %arg5[%get3A_574, %get3A_575, %get3A_576, %get3A_577] {strides = array<i32>} : memref<2x16x2x128xf32, #tpu.memory_space<vmem>>, vector<16xf32>,
      %add3A_579 = arith.addf %get3A_569, %get3A_578 : vector<16xf32>
      %swap3A_580 = arith.constant 0 : i32
      %swap3A_581 = arith.constant 1 : i32
      %swap3A_582 = arith.index_cast %swap3A_580 : i32 to index
      %swap3A_583 = arith.index_cast %scan3A_322 : i32 to index
      %swap3A_584 = arith.index_cast %swap3A_581 : i32 to index
      %swap3A_585 = arith.constant 32 : index
      %swap3A_586 = tpu.vector_load %arg5[%swap3A_582, %swap3A_583, %swap3A_584, %swap3A_585] {strides = array<i32>} : memref<2x16x2x128xf32, #tpu.memory_space<vmem>>, vector<16xf32>,
      tpu.vector_store %arg5[%swap3A_582, %swap3A_583, %swap3A_584, %swap3A_585], %add3A_579 {strides = array<i32>} : memref<2x16x2x128xf32, #tpu.memory_space<vmem>>, vector<16xf32>,
      %get3A_587 = arith.constant 0 : i32
      %get3A_588 = arith.constant 1 : i32
      %get3A_589 = arith.index_cast %get3A_587 : i32 to index
      %get3A_590 = arith.index_cast %scan3A_322 : i32 to index
      %get3A_591 = arith.index_cast %get3A_588 : i32 to index
      %get3A_592 = arith.constant 48 : index
      %get3A_593 = tpu.vector_load %arg5[%get3A_589, %get3A_590, %get3A_591, %get3A_592] {strides = array<i32>} : memref<2x16x2x128xf32, #tpu.memory_space<vmem>>, vector<16xf32>,
      %sub3A_594 = arith.constant 1 : i32
      %sub3A_595 = arith.subi %scan3A_322, %sub3A_594 : i32
      %get3A_596 = arith.constant 0 : i32
      %get3A_597 = arith.constant 1 : i32
      %get3A_598 = arith.index_cast %get3A_596 : i32 to index
      %get3A_599 = arith.index_cast %sub3A_595 : i32 to index
      %get3A_600 = arith.index_cast %get3A_597 : i32 to index
      %get3A_601 = arith.constant 48 : index
      %get3A_602 = tpu.vector_load %arg5[%get3A_598, %get3A_599, %get3A_600, %get3A_601] {strides = array<i32>} : memref<2x16x2x128xf32, #tpu.memory_space<vmem>>, vector<16xf32>,
      %add3A_603 = arith.addf %get3A_593, %get3A_602 : vector<16xf32>
      %swap3A_604 = arith.constant 0 : i32
      %swap3A_605 = arith.constant 1 : i32
      %swap3A_606 = arith.index_cast %swap3A_604 : i32 to index
      %swap3A_607 = arith.index_cast %scan3A_322 : i32 to index
      %swap3A_608 = arith.index_cast %swap3A_605 : i32 to index
      %swap3A_609 = arith.constant 48 : index
      %swap3A_610 = tpu.vector_load %arg5[%swap3A_606, %swap3A_607, %swap3A_608, %swap3A_609] {strides = array<i32>} : memref<2x16x2x128xf32, #tpu.memory_space<vmem>>, vector<16xf32>,
      tpu.vector_store %arg5[%swap3A_606, %swap3A_607, %swap3A_608, %swap3A_609], %add3A_603 {strides = array<i32>} : memref<2x16x2x128xf32, #tpu.memory_space<vmem>>, vector<16xf32>,
      %get3A_611 = arith.constant 0 : i32
      %get3A_612 = arith.constant 1 : i32
      %get3A_613 = arith.index_cast %get3A_611 : i32 to index
      %get3A_614 = arith.index_cast %scan3A_322 : i32 to index
      %get3A_615 = arith.index_cast %get3A_612 : i32 to index
      %get3A_616 = arith.constant 64 : index
      %get3A_617 = tpu.vector_load %arg5[%get3A_613, %get3A_614, %get3A_615, %get3A_616] {strides = array<i32>} : memref<2x16x2x128xf32, #tpu.memory_space<vmem>>, vector<16xf32>,
      %sub3A_618 = arith.constant 1 : i32
      %sub3A_619 = arith.subi %scan3A_322, %sub3A_618 : i32
      %get3A_620 = arith.constant 0 : i32
      %get3A_621 = arith.constant 1 : i32
      %get3A_622 = arith.index_cast %get3A_620 : i32 to index
      %get3A_623 = arith.index_cast %sub3A_619 : i32 to index
      %get3A_624 = arith.index_cast %get3A_621 : i32 to index
      %get3A_625 = arith.constant 64 : index
      %get3A_626 = tpu.vector_load %arg5[%get3A_622, %get3A_623, %get3A_624, %get3A_625] {strides = array<i32>} : memref<2x16x2x128xf32, #tpu.memory_space<vmem>>, vector<16xf32>,
      %add3A_627 = arith.addf %get3A_617, %get3A_626 : vector<16xf32>
      %swap3A_628 = arith.constant 0 : i32
      %swap3A_629 = arith.constant 1 : i32
      %swap3A_630 = arith.index_cast %swap3A_628 : i32 to index
      %swap3A_631 = arith.index_cast %scan3A_322 : i32 to index
      %swap3A_632 = arith.index_cast %swap3A_629 : i32 to index
      %swap3A_633 = arith.constant 64 : index
      %swap3A_634 = tpu.vector_load %arg5[%swap3A_630, %swap3A_631, %swap3A_632, %swap3A_633] {strides = array<i32>} : memref<2x16x2x128xf32, #tpu.memory_space<vmem>>, vector<16xf32>,
      tpu.vector_store %arg5[%swap3A_630, %swap3A_631, %swap3A_632, %swap3A_633], %add3A_627 {strides = array<i32>} : memref<2x16x2x128xf32, #tpu.memory_space<vmem>>, vector<16xf32>,
      %get3A_635 = arith.constant 0 : i32
      %get3A_636 = arith.constant 1 : i32
      %get3A_637 = arith.index_cast %get3A_635 : i32 to index
      %get3A_638 = arith.index_cast %scan3A_322 : i32 to index
      %get3A_639 = arith.index_cast %get3A_636 : i32 to index
      %get3A_640 = arith.constant 80 : index
      %get3A_641 = tpu.vector_load %arg5[%get3A_637, %get3A_638, %get3A_639, %get3A_640] {strides = array<i32>} : memref<2x16x2x128xf32, #tpu.memory_space<vmem>>, vector<16xf32>,
      %sub3A_642 = arith.constant 1 : i32
      %sub3A_643 = arith.subi %scan3A_322, %sub3A_642 : i32
      %get3A_644 = arith.constant 0 : i32
      %get3A_645 = arith.constant 1 : i32
      %get3A_646 = arith.index_cast %get3A_644 : i32 to index
      %get3A_647 = arith.index_cast %sub3A_643 : i32 to index
      %get3A_648 = arith.index_cast %get3A_645 : i32 to index
      %get3A_649 = arith.constant 80 : index
      %get3A_650 = tpu.vector_load %arg5[%get3A_646, %get3A_647, %get3A_648, %get3A_649] {strides = array<i32>} : memref<2x16x2x128xf32, #tpu.memory_space<vmem>>, vector<16xf32>,
      %add3A_651 = arith.addf %get3A_641, %get3A_650 : vector<16xf32>
      %swap3A_652 = arith.constant 0 : i32
      %swap3A_653 = arith.constant 1 : i32
      %swap3A_654 = arith.index_cast %swap3A_652 : i32 to index
      %swap3A_655 = arith.index_cast %scan3A_322 : i32 to index
      %swap3A_656 = arith.index_cast %swap3A_653 : i32 to index
      %swap3A_657 = arith.constant 80 : index
      %swap3A_658 = tpu.vector_load %arg5[%swap3A_654, %swap3A_655, %swap3A_656, %swap3A_657] {strides = array<i32>} : memref<2x16x2x128xf32, #tpu.memory_space<vmem>>, vector<16xf32>,
      tpu.vector_store %arg5[%swap3A_654, %swap3A_655, %swap3A_656, %swap3A_657], %add3A_651 {strides = array<i32>} : memref<2x16x2x128xf32, #tpu.memory_space<vmem>>, vector<16xf32>,
      %get3A_659 = arith.constant 0 : i32
      %get3A_660 = arith.constant 1 : i32
      %get3A_661 = arith.index_cast %get3A_659 : i32 to index
      %get3A_662 = arith.index_cast %scan3A_322 : i32 to index
      %get3A_663 = arith.index_cast %get3A_660 : i32 to index
      %get3A_664 = arith.constant 96 : index
      %get3A_665 = tpu.vector_load %arg5[%get3A_661, %get3A_662, %get3A_663, %get3A_664] {strides = array<i32>} : memref<2x16x2x128xf32, #tpu.memory_space<vmem>>, vector<16xf32>,
      %sub3A_666 = arith.constant 1 : i32
      %sub3A_667 = arith.subi %scan3A_322, %sub3A_666 : i32
      %get3A_668 = arith.constant 0 : i32
      %get3A_669 = arith.constant 1 : i32
      %get3A_670 = arith.index_cast %get3A_668 : i32 to index
      %get3A_671 = arith.index_cast %sub3A_667 : i32 to index
      %get3A_672 = arith.index_cast %get3A_669 : i32 to index
      %get3A_673 = arith.constant 96 : index
      %get3A_674 = tpu.vector_load %arg5[%get3A_670, %get3A_671, %get3A_672, %get3A_673] {strides = array<i32>} : memref<2x16x2x128xf32, #tpu.memory_space<vmem>>, vector<16xf32>,
      %add3A_675 = arith.addf %get3A_665, %get3A_674 : vector<16xf32>
      %swap3A_676 = arith.constant 0 : i32
      %swap3A_677 = arith.constant 1 : i32
      %swap3A_678 = arith.index_cast %swap3A_676 : i32 to index
      %swap3A_679 = arith.index_cast %scan3A_322 : i32 to index
      %swap3A_680 = arith.index_cast %swap3A_677 : i32 to index
      %swap3A_681 = arith.constant 96 : index
      %swap3A_682 = tpu.vector_load %arg5[%swap3A_678, %swap3A_679, %swap3A_680, %swap3A_681] {strides = array<i32>} : memref<2x16x2x128xf32, #tpu.memory_space<vmem>>, vector<16xf32>,
      tpu.vector_store %arg5[%swap3A_678, %swap3A_679, %swap3A_680, %swap3A_681], %add3A_675 {strides = array<i32>} : memref<2x16x2x128xf32, #tpu.memory_space<vmem>>, vector<16xf32>,
      %get3A_683 = arith.constant 0 : i32
      %get3A_684 = arith.constant 1 : i32
      %get3A_685 = arith.index_cast %get3A_683 : i32 to index
      %get3A_686 = arith.index_cast %scan3A_322 : i32 to index
      %get3A_687 = arith.index_cast %get3A_684 : i32 to index
      %get3A_688 = arith.constant 112 : index
      %get3A_689 = tpu.vector_load %arg5[%get3A_685, %get3A_686, %get3A_687, %get3A_688] {strides = array<i32>} : memref<2x16x2x128xf32, #tpu.memory_space<vmem>>, vector<16xf32>,
      %sub3A_690 = arith.constant 1 : i32
      %sub3A_691 = arith.subi %scan3A_322, %sub3A_690 : i32
      %get3A_692 = arith.constant 0 : i32
      %get3A_693 = arith.constant 1 : i32
      %get3A_694 = arith.index_cast %get3A_692 : i32 to index
      %get3A_695 = arith.index_cast %sub3A_691 : i32 to index
      %get3A_696 = arith.index_cast %get3A_693 : i32 to index
      %get3A_697 = arith.constant 112 : index
      %get3A_698 = tpu.vector_load %arg5[%get3A_694, %get3A_695, %get3A_696, %get3A_697] {strides = array<i32>} : memref<2x16x2x128xf32, #tpu.memory_space<vmem>>, vector<16xf32>,
      %add3A_699 = arith.addf %get3A_689, %get3A_698 : vector<16xf32>
      %swap3A_700 = arith.constant 0 : i32
      %swap3A_701 = arith.constant 1 : i32
      %swap3A_702 = arith.index_cast %swap3A_700 : i32 to index
      %swap3A_703 = arith.index_cast %scan3A_322 : i32 to index
      %swap3A_704 = arith.index_cast %swap3A_701 : i32 to index
      %swap3A_705 = arith.constant 112 : index
      %swap3A_706 = tpu.vector_load %arg5[%swap3A_702, %swap3A_703, %swap3A_704, %swap3A_705] {strides = array<i32>} : memref<2x16x2x128xf32, #tpu.memory_space<vmem>>, vector<16xf32>,
      tpu.vector_store %arg5[%swap3A_702, %swap3A_703, %swap3A_704, %swap3A_705], %add3A_699 {strides = array<i32>} : memref<2x16x2x128xf32, #tpu.memory_space<vmem>>, vector<16xf32>,
      %get3A_707 = arith.constant 1 : i32
      %get3A_708 = arith.constant 0 : i32
      %get3A_709 = arith.index_cast %get3A_707 : i32 to index
      %get3A_710 = arith.index_cast %scan3A_322 : i32 to index
      %get3A_711 = arith.index_cast %get3A_708 : i32 to index
      %get3A_712 = arith.constant 0 : index
      %get3A_713 = tpu.vector_load %arg5[%get3A_709, %get3A_710, %get3A_711, %get3A_712] {strides = array<i32>} : memref<2x16x2x128xf32, #tpu.memory_space<vmem>>, vector<16xf32>,
      %sub3A_714 = arith.constant 1 : i32
      %sub3A_715 = arith.subi %scan3A_322, %sub3A_714 : i32
      %get3A_716 = arith.constant 1 : i32
      %get3A_717 = arith.constant 0 : i32
      %get3A_718 = arith.index_cast %get3A_716 : i32 to index
      %get3A_719 = arith.index_cast %sub3A_715 : i32 to index
      %get3A_720 = arith.index_cast %get3A_717 : i32 to index
      %get3A_721 = arith.constant 0 : index
      %get3A_722 = tpu.vector_load %arg5[%get3A_718, %get3A_719, %get3A_720, %get3A_721] {strides = array<i32>} : memref<2x16x2x128xf32, #tpu.memory_space<vmem>>, vector<16xf32>,
      %add3A_723 = arith.addf %get3A_713, %get3A_722 : vector<16xf32>
      %swap3A_724 = arith.constant 1 : i32
      %swap3A_725 = arith.constant 0 : i32
      %swap3A_726 = arith.index_cast %swap3A_724 : i32 to index
      %swap3A_727 = arith.index_cast %scan3A_322 : i32 to index
      %swap3A_728 = arith.index_cast %swap3A_725 : i32 to index
      %swap3A_729 = arith.constant 0 : index
      %swap3A_730 = tpu.vector_load %arg5[%swap3A_726, %swap3A_727, %swap3A_728, %swap3A_729] {strides = array<i32>} : memref<2x16x2x128xf32, #tpu.memory_space<vmem>>, vector<16xf32>,
      tpu.vector_store %arg5[%swap3A_726, %swap3A_727, %swap3A_728, %swap3A_729], %add3A_723 {strides = array<i32>} : memref<2x16x2x128xf32, #tpu.memory_space<vmem>>, vector<16xf32>,
      %get3A_731 = arith.constant 1 : i32
      %get3A_732 = arith.constant 0 : i32
      %get3A_733 = arith.index_cast %get3A_731 : i32 to index
      %get3A_734 = arith.index_cast %scan3A_322 : i32 to index
      %get3A_735 = arith.index_cast %get3A_732 : i32 to index
      %get3A_736 = arith.constant 16 : index
      %get3A_737 = tpu.vector_load %arg5[%get3A_733, %get3A_734, %get3A_735, %get3A_736] {strides = array<i32>} : memref<2x16x2x128xf32, #tpu.memory_space<vmem>>, vector<16xf32>,
      %sub3A_738 = arith.constant 1 : i32
      %sub3A_739 = arith.subi %scan3A_322, %sub3A_738 : i32
      %get3A_740 = arith.constant 1 : i32
      %get3A_741 = arith.constant 0 : i32
      %get3A_742 = arith.index_cast %get3A_740 : i32 to index
      %get3A_743 = arith.index_cast %sub3A_739 : i32 to index
      %get3A_744 = arith.index_cast %get3A_741 : i32 to index
      %get3A_745 = arith.constant 16 : index
      %get3A_746 = tpu.vector_load %arg5[%get3A_742, %get3A_743, %get3A_744, %get3A_745] {strides = array<i32>} : memref<2x16x2x128xf32, #tpu.memory_space<vmem>>, vector<16xf32>,
      %add3A_747 = arith.addf %get3A_737, %get3A_746 : vector<16xf32>
      %swap3A_748 = arith.constant 1 : i32
      %swap3A_749 = arith.constant 0 : i32
      %swap3A_750 = arith.index_cast %swap3A_748 : i32 to index
      %swap3A_751 = arith.index_cast %scan3A_322 : i32 to index
      %swap3A_752 = arith.index_cast %swap3A_749 : i32 to index
      %swap3A_753 = arith.constant 16 : index
      %swap3A_754 = tpu.vector_load %arg5[%swap3A_750, %swap3A_751, %swap3A_752, %swap3A_753] {strides = array<i32>} : memref<2x16x2x128xf32, #tpu.memory_space<vmem>>, vector<16xf32>,
      tpu.vector_store %arg5[%swap3A_750, %swap3A_751, %swap3A_752, %swap3A_753], %add3A_747 {strides = array<i32>} : memref<2x16x2x128xf32, #tpu.memory_space<vmem>>, vector<16xf32>,
      %get3A_755 = arith.constant 1 : i32
      %get3A_756 = arith.constant 0 : i32
      %get3A_757 = arith.index_cast %get3A_755 : i32 to index
      %get3A_758 = arith.index_cast %scan3A_322 : i32 to index
      %get3A_759 = arith.index_cast %get3A_756 : i32 to index
      %get3A_760 = arith.constant 32 : index
      %get3A_761 = tpu.vector_load %arg5[%get3A_757, %get3A_758, %get3A_759, %get3A_760] {strides = array<i32>} : memref<2x16x2x128xf32, #tpu.memory_space<vmem>>, vector<16xf32>,
      %sub3A_762 = arith.constant 1 : i32
      %sub3A_763 = arith.subi %scan3A_322, %sub3A_762 : i32
      %get3A_764 = arith.constant 1 : i32
      %get3A_765 = arith.constant 0 : i32
      %get3A_766 = arith.index_cast %get3A_764 : i32 to index
      %get3A_767 = arith.index_cast %sub3A_763 : i32 to index
      %get3A_768 = arith.index_cast %get3A_765 : i32 to index
      %get3A_769 = arith.constant 32 : index
      %get3A_770 = tpu.vector_load %arg5[%get3A_766, %get3A_767, %get3A_768, %get3A_769] {strides = array<i32>} : memref<2x16x2x128xf32, #tpu.memory_space<vmem>>, vector<16xf32>,
      %add3A_771 = arith.addf %get3A_761, %get3A_770 : vector<16xf32>
      %swap3A_772 = arith.constant 1 : i32
      %swap3A_773 = arith.constant 0 : i32
      %swap3A_774 = arith.index_cast %swap3A_772 : i32 to index
      %swap3A_775 = arith.index_cast %scan3A_322 : i32 to index
      %swap3A_776 = arith.index_cast %swap3A_773 : i32 to index
      %swap3A_777 = arith.constant 32 : index
      %swap3A_778 = tpu.vector_load %arg5[%swap3A_774, %swap3A_775, %swap3A_776, %swap3A_777] {strides = array<i32>} : memref<2x16x2x128xf32, #tpu.memory_space<vmem>>, vector<16xf32>,
      tpu.vector_store %arg5[%swap3A_774, %swap3A_775, %swap3A_776, %swap3A_777], %add3A_771 {strides = array<i32>} : memref<2x16x2x128xf32, #tpu.memory_space<vmem>>, vector<16xf32>,
      %get3A_779 = arith.constant 1 : i32
      %get3A_780 = arith.constant 0 : i32
      %get3A_781 = arith.index_cast %get3A_779 : i32 to index
      %get3A_782 = arith.index_cast %scan3A_322 : i32 to index
      %get3A_783 = arith.index_cast %get3A_780 : i32 to index
      %get3A_784 = arith.constant 48 : index
      %get3A_785 = tpu.vector_load %arg5[%get3A_781, %get3A_782, %get3A_783, %get3A_784] {strides = array<i32>} : memref<2x16x2x128xf32, #tpu.memory_space<vmem>>, vector<16xf32>,
      %sub3A_786 = arith.constant 1 : i32
      %sub3A_787 = arith.subi %scan3A_322, %sub3A_786 : i32
      %get3A_788 = arith.constant 1 : i32
      %get3A_789 = arith.constant 0 : i32
      %get3A_790 = arith.index_cast %get3A_788 : i32 to index
      %get3A_791 = arith.index_cast %sub3A_787 : i32 to index
      %get3A_792 = arith.index_cast %get3A_789 : i32 to index
      %get3A_793 = arith.constant 48 : index
      %get3A_794 = tpu.vector_load %arg5[%get3A_790, %get3A_791, %get3A_792, %get3A_793] {strides = array<i32>} : memref<2x16x2x128xf32, #tpu.memory_space<vmem>>, vector<16xf32>,
      %add3A_795 = arith.addf %get3A_785, %get3A_794 : vector<16xf32>
      %swap3A_796 = arith.constant 1 : i32
      %swap3A_797 = arith.constant 0 : i32
      %swap3A_798 = arith.index_cast %swap3A_796 : i32 to index
      %swap3A_799 = arith.index_cast %scan3A_322 : i32 to index
      %swap3A_800 = arith.index_cast %swap3A_797 : i32 to index
      %swap3A_801 = arith.constant 48 : index
      %swap3A_802 = tpu.vector_load %arg5[%swap3A_798, %swap3A_799, %swap3A_800, %swap3A_801] {strides = array<i32>} : memref<2x16x2x128xf32, #tpu.memory_space<vmem>>, vector<16xf32>,
      tpu.vector_store %arg5[%swap3A_798, %swap3A_799, %swap3A_800, %swap3A_801], %add3A_795 {strides = array<i32>} : memref<2x16x2x128xf32, #tpu.memory_space<vmem>>, vector<16xf32>,
      %get3A_803 = arith.constant 1 : i32
      %get3A_804 = arith.constant 0 : i32
      %get3A_805 = arith.index_cast %get3A_803 : i32 to index
      %get3A_806 = arith.index_cast %scan3A_322 : i32 to index
      %get3A_807 = arith.index_cast %get3A_804 : i32 to index
      %get3A_808 = arith.constant 64 : index
      %get3A_809 = tpu.vector_load %arg5[%get3A_805, %get3A_806, %get3A_807, %get3A_808] {strides = array<i32>} : memref<2x16x2x128xf32, #tpu.memory_space<vmem>>, vector<16xf32>,
      %sub3A_810 = arith.constant 1 : i32
      %sub3A_811 = arith.subi %scan3A_322, %sub3A_810 : i32
      %get3A_812 = arith.constant 1 : i32
      %get3A_813 = arith.constant 0 : i32
      %get3A_814 = arith.index_cast %get3A_812 : i32 to index
      %get3A_815 = arith.index_cast %sub3A_811 : i32 to index
      %get3A_816 = arith.index_cast %get3A_813 : i32 to index
      %get3A_817 = arith.constant 64 : index
      %get3A_818 = tpu.vector_load %arg5[%get3A_814, %get3A_815, %get3A_816, %get3A_817] {strides = array<i32>} : memref<2x16x2x128xf32, #tpu.memory_space<vmem>>, vector<16xf32>,
      %add3A_819 = arith.addf %get3A_809, %get3A_818 : vector<16xf32>
      %swap3A_820 = arith.constant 1 : i32
      %swap3A_821 = arith.constant 0 : i32
      %swap3A_822 = arith.index_cast %swap3A_820 : i32 to index
      %swap3A_823 = arith.index_cast %scan3A_322 : i32 to index
      %swap3A_824 = arith.index_cast %swap3A_821 : i32 to index
      %swap3A_825 = arith.constant 64 : index
      %swap3A_826 = tpu.vector_load %arg5[%swap3A_822, %swap3A_823, %swap3A_824, %swap3A_825] {strides = array<i32>} : memref<2x16x2x128xf32, #tpu.memory_space<vmem>>, vector<16xf32>,
      tpu.vector_store %arg5[%swap3A_822, %swap3A_823, %swap3A_824, %swap3A_825], %add3A_819 {strides = array<i32>} : memref<2x16x2x128xf32, #tpu.memory_space<vmem>>, vector<16xf32>,
      %get3A_827 = arith.constant 1 : i32
      %get3A_828 = arith.constant 0 : i32
      %get3A_829 = arith.index_cast %get3A_827 : i32 to index
      %get3A_830 = arith.index_cast %scan3A_322 : i32 to index
      %get3A_831 = arith.index_cast %get3A_828 : i32 to index
      %get3A_832 = arith.constant 80 : index
      %get3A_833 = tpu.vector_load %arg5[%get3A_829, %get3A_830, %get3A_831, %get3A_832] {strides = array<i32>} : memref<2x16x2x128xf32, #tpu.memory_space<vmem>>, vector<16xf32>,
      %sub3A_834 = arith.constant 1 : i32
      %sub3A_835 = arith.subi %scan3A_322, %sub3A_834 : i32
      %get3A_836 = arith.constant 1 : i32
      %get3A_837 = arith.constant 0 : i32
      %get3A_838 = arith.index_cast %get3A_836 : i32 to index
      %get3A_839 = arith.index_cast %sub3A_835 : i32 to index
      %get3A_840 = arith.index_cast %get3A_837 : i32 to index
      %get3A_841 = arith.constant 80 : index
      %get3A_842 = tpu.vector_load %arg5[%get3A_838, %get3A_839, %get3A_840, %get3A_841] {strides = array<i32>} : memref<2x16x2x128xf32, #tpu.memory_space<vmem>>, vector<16xf32>,
      %add3A_843 = arith.addf %get3A_833, %get3A_842 : vector<16xf32>
      %swap3A_844 = arith.constant 1 : i32
      %swap3A_845 = arith.constant 0 : i32
      %swap3A_846 = arith.index_cast %swap3A_844 : i32 to index
      %swap3A_847 = arith.index_cast %scan3A_322 : i32 to index
      %swap3A_848 = arith.index_cast %swap3A_845 : i32 to index
      %swap3A_849 = arith.constant 80 : index
      %swap3A_850 = tpu.vector_load %arg5[%swap3A_846, %swap3A_847, %swap3A_848, %swap3A_849] {strides = array<i32>} : memref<2x16x2x128xf32, #tpu.memory_space<vmem>>, vector<16xf32>,
      tpu.vector_store %arg5[%swap3A_846, %swap3A_847, %swap3A_848, %swap3A_849], %add3A_843 {strides = array<i32>} : memref<2x16x2x128xf32, #tpu.memory_space<vmem>>, vector<16xf32>,
      %get3A_851 = arith.constant 1 : i32
      %get3A_852 = arith.constant 0 : i32
      %get3A_853 = arith.index_cast %get3A_851 : i32 to index
      %get3A_854 = arith.index_cast %scan3A_322 : i32 to index
      %get3A_855 = arith.index_cast %get3A_852 : i32 to index
      %get3A_856 = arith.constant 96 : index
      %get3A_857 = tpu.vector_load %arg5[%get3A_853, %get3A_854, %get3A_855, %get3A_856] {strides = array<i32>} : memref<2x16x2x128xf32, #tpu.memory_space<vmem>>, vector<16xf32>,
      %sub3A_858 = arith.constant 1 : i32
      %sub3A_859 = arith.subi %scan3A_322, %sub3A_858 : i32
      %get3A_860 = arith.constant 1 : i32
      %get3A_861 = arith.constant 0 : i32
      %get3A_862 = arith.index_cast %get3A_860 : i32 to index
      %get3A_863 = arith.index_cast %sub3A_859 : i32 to index
      %get3A_864 = arith.index_cast %get3A_861 : i32 to index
      %get3A_865 = arith.constant 96 : index
      %get3A_866 = tpu.vector_load %arg5[%get3A_862, %get3A_863, %get3A_864, %get3A_865] {strides = array<i32>} : memref<2x16x2x128xf32, #tpu.memory_space<vmem>>, vector<16xf32>,
      %add3A_867 = arith.addf %get3A_857, %get3A_866 : vector<16xf32>
      %swap3A_868 = arith.constant 1 : i32
      %swap3A_869 = arith.constant 0 : i32
      %swap3A_870 = arith.index_cast %swap3A_868 : i32 to index
      %swap3A_871 = arith.index_cast %scan3A_322 : i32 to index
      %swap3A_872 = arith.index_cast %swap3A_869 : i32 to index
      %swap3A_873 = arith.constant 96 : index
      %swap3A_874 = tpu.vector_load %arg5[%swap3A_870, %swap3A_871, %swap3A_872, %swap3A_873] {strides = array<i32>} : memref<2x16x2x128xf32, #tpu.memory_space<vmem>>, vector<16xf32>,
      tpu.vector_store %arg5[%swap3A_870, %swap3A_871, %swap3A_872, %swap3A_873], %add3A_867 {strides = array<i32>} : memref<2x16x2x128xf32, #tpu.memory_space<vmem>>, vector<16xf32>,
      %get3A_875 = arith.constant 1 : i32
      %get3A_876 = arith.constant 0 : i32
      %get3A_877 = arith.index_cast %get3A_875 : i32 to index
      %get3A_878 = arith.index_cast %scan3A_322 : i32 to index
      %get3A_879 = arith.index_cast %get3A_876 : i32 to index
      %get3A_880 = arith.constant 112 : index
      %get3A_881 = tpu.vector_load %arg5[%get3A_877, %get3A_878, %get3A_879, %get3A_880] {strides = array<i32>} : memref<2x16x2x128xf32, #tpu.memory_space<vmem>>, vector<16xf32>,
      %sub3A_882 = arith.constant 1 : i32
      %sub3A_883 = arith.subi %scan3A_322, %sub3A_882 : i32
      %get3A_884 = arith.constant 1 : i32
      %get3A_885 = arith.constant 0 : i32
      %get3A_886 = arith.index_cast %get3A_884 : i32 to index
      %get3A_887 = arith.index_cast %sub3A_883 : i32 to index
      %get3A_888 = arith.index_cast %get3A_885 : i32 to index
      %get3A_889 = arith.constant 112 : index
      %get3A_890 = tpu.vector_load %arg5[%get3A_886, %get3A_887, %get3A_888, %get3A_889] {strides = array<i32>} : memref<2x16x2x128xf32, #tpu.memory_space<vmem>>, vector<16xf32>,
      %add3A_891 = arith.addf %get3A_881, %get3A_890 : vector<16xf32>
      %swap3A_892 = arith.constant 1 : i32
      %swap3A_893 = arith.constant 0 : i32
      %swap3A_894 = arith.index_cast %swap3A_892 : i32 to index
      %swap3A_895 = arith.index_cast %scan3A_322 : i32 to index
      %swap3A_896 = arith.index_cast %swap3A_893 : i32 to index
      %swap3A_897 = arith.constant 112 : index
      %swap3A_898 = tpu.vector_load %arg5[%swap3A_894, %swap3A_895, %swap3A_896, %swap3A_897] {strides = array<i32>} : memref<2x16x2x128xf32, #tpu.memory_space<vmem>>, vector<16xf32>,
      tpu.vector_store %arg5[%swap3A_894, %swap3A_895, %swap3A_896, %swap3A_897], %add3A_891 {strides = array<i32>} : memref<2x16x2x128xf32, #tpu.memory_space<vmem>>, vector<16xf32>,
      %get3A_899 = arith.constant 1 : i32
      %get3A_900 = arith.constant 1 : i32
      %get3A_901 = arith.index_cast %get3A_899 : i32 to index
      %get3A_902 = arith.index_cast %scan3A_322 : i32 to index
      %get3A_903 = arith.index_cast %get3A_900 : i32 to index
      %get3A_904 = arith.constant 0 : index
      %get3A_905 = tpu.vector_load %arg5[%get3A_901, %get3A_902, %get3A_903, %get3A_904] {strides = array<i32>} : memref<2x16x2x128xf32, #tpu.memory_space<vmem>>, vector<16xf32>,
      %sub3A_906 = arith.constant 1 : i32
      %sub3A_907 = arith.subi %scan3A_322, %sub3A_906 : i32
      %get3A_908 = arith.constant 1 : i32
      %get3A_909 = arith.constant 1 : i32
      %get3A_910 = arith.index_cast %get3A_908 : i32 to index
      %get3A_911 = arith.index_cast %sub3A_907 : i32 to index
      %get3A_912 = arith.index_cast %get3A_909 : i32 to index
      %get3A_913 = arith.constant 0 : index
      %get3A_914 = tpu.vector_load %arg5[%get3A_910, %get3A_911, %get3A_912, %get3A_913] {strides = array<i32>} : memref<2x16x2x128xf32, #tpu.memory_space<vmem>>, vector<16xf32>,
      %add3A_915 = arith.addf %get3A_905, %get3A_914 : vector<16xf32>
      %swap3A_916 = arith.constant 1 : i32
      %swap3A_917 = arith.constant 1 : i32
      %swap3A_918 = arith.index_cast %swap3A_916 : i32 to index
      %swap3A_919 = arith.index_cast %scan3A_322 : i32 to index
      %swap3A_920 = arith.index_cast %swap3A_917 : i32 to index
      %swap3A_921 = arith.constant 0 : index
      %swap3A_922 = tpu.vector_load %arg5[%swap3A_918, %swap3A_919, %swap3A_920, %swap3A_921] {strides = array<i32>} : memref<2x16x2x128xf32, #tpu.memory_space<vmem>>, vector<16xf32>,
      tpu.vector_store %arg5[%swap3A_918, %swap3A_919, %swap3A_920, %swap3A_921], %add3A_915 {strides = array<i32>} : memref<2x16x2x128xf32, #tpu.memory_space<vmem>>, vector<16xf32>,
      %get3A_923 = arith.constant 1 : i32
      %get3A_924 = arith.constant 1 : i32
      %get3A_925 = arith.index_cast %get3A_923 : i32 to index
      %get3A_926 = arith.index_cast %scan3A_322 : i32 to index
      %get3A_927 = arith.index_cast %get3A_924 : i32 to index
      %get3A_928 = arith.constant 16 : index
      %get3A_929 = tpu.vector_load %arg5[%get3A_925, %get3A_926, %get3A_927, %get3A_928] {strides = array<i32>} : memref<2x16x2x128xf32, #tpu.memory_space<vmem>>, vector<16xf32>,
      %sub3A_930 = arith.constant 1 : i32
      %sub3A_931 = arith.subi %scan3A_322, %sub3A_930 : i32
      %get3A_932 = arith.constant 1 : i32
      %get3A_933 = arith.constant 1 : i32
      %get3A_934 = arith.index_cast %get3A_932 : i32 to index
      %get3A_935 = arith.index_cast %sub3A_931 : i32 to index
      %get3A_936 = arith.index_cast %get3A_933 : i32 to index
      %get3A_937 = arith.constant 16 : index
      %get3A_938 = tpu.vector_load %arg5[%get3A_934, %get3A_935, %get3A_936, %get3A_937] {strides = array<i32>} : memref<2x16x2x128xf32, #tpu.memory_space<vmem>>, vector<16xf32>,
      %add3A_939 = arith.addf %get3A_929, %get3A_938 : vector<16xf32>
      %swap3A_940 = arith.constant 1 : i32
      %swap3A_941 = arith.constant 1 : i32
      %swap3A_942 = arith.index_cast %swap3A_940 : i32 to index
      %swap3A_943 = arith.index_cast %scan3A_322 : i32 to index
      %swap3A_944 = arith.index_cast %swap3A_941 : i32 to index
      %swap3A_945 = arith.constant 16 : index
      %swap3A_946 = tpu.vector_load %arg5[%swap3A_942, %swap3A_943, %swap3A_944, %swap3A_945] {strides = array<i32>} : memref<2x16x2x128xf32, #tpu.memory_space<vmem>>, vector<16xf32>,
      tpu.vector_store %arg5[%swap3A_942, %swap3A_943, %swap3A_944, %swap3A_945], %add3A_939 {strides = array<i32>} : memref<2x16x2x128xf32, #tpu.memory_space<vmem>>, vector<16xf32>,
      %get3A_947 = arith.constant 1 : i32
      %get3A_948 = arith.constant 1 : i32
      %get3A_949 = arith.index_cast %get3A_947 : i32 to index
      %get3A_950 = arith.index_cast %scan3A_322 : i32 to index
      %get3A_951 = arith.index_cast %get3A_948 : i32 to index
      %get3A_952 = arith.constant 32 : index
      %get3A_953 = tpu.vector_load %arg5[%get3A_949, %get3A_950, %get3A_951, %get3A_952] {strides = array<i32>} : memref<2x16x2x128xf32, #tpu.memory_space<vmem>>, vector<16xf32>,
      %sub3A_954 = arith.constant 1 : i32
      %sub3A_955 = arith.subi %scan3A_322, %sub3A_954 : i32
      %get3A_956 = arith.constant 1 : i32
      %get3A_957 = arith.constant 1 : i32
      %get3A_958 = arith.index_cast %get3A_956 : i32 to index
      %get3A_959 = arith.index_cast %sub3A_955 : i32 to index
      %get3A_960 = arith.index_cast %get3A_957 : i32 to index
      %get3A_961 = arith.constant 32 : index
      %get3A_962 = tpu.vector_load %arg5[%get3A_958, %get3A_959, %get3A_960, %get3A_961] {strides = array<i32>} : memref<2x16x2x128xf32, #tpu.memory_space<vmem>>, vector<16xf32>,
      %add3A_963 = arith.addf %get3A_953, %get3A_962 : vector<16xf32>
      %swap3A_964 = arith.constant 1 : i32
      %swap3A_965 = arith.constant 1 : i32
      %swap3A_966 = arith.index_cast %swap3A_964 : i32 to index
      %swap3A_967 = arith.index_cast %scan3A_322 : i32 to index
      %swap3A_968 = arith.index_cast %swap3A_965 : i32 to index
      %swap3A_969 = arith.constant 32 : index
      %swap3A_970 = tpu.vector_load %arg5[%swap3A_966, %swap3A_967, %swap3A_968, %swap3A_969] {strides = array<i32>} : memref<2x16x2x128xf32, #tpu.memory_space<vmem>>, vector<16xf32>,
      tpu.vector_store %arg5[%swap3A_966, %swap3A_967, %swap3A_968, %swap3A_969], %add3A_963 {strides = array<i32>} : memref<2x16x2x128xf32, #tpu.memory_space<vmem>>, vector<16xf32>,
      %get3A_971 = arith.constant 1 : i32
      %get3A_972 = arith.constant 1 : i32
      %get3A_973 = arith.index_cast %get3A_971 : i32 to index
      %get3A_974 = arith.index_cast %scan3A_322 : i32 to index
      %get3A_975 = arith.index_cast %get3A_972 : i32 to index
      %get3A_976 = arith.constant 48 : index
      %get3A_977 = tpu.vector_load %arg5[%get3A_973, %get3A_974, %get3A_975, %get3A_976] {strides = array<i32>} : memref<2x16x2x128xf32, #tpu.memory_space<vmem>>, vector<16xf32>,
      %sub3A_978 = arith.constant 1 : i32
      %sub3A_979 = arith.subi %scan3A_322, %sub3A_978 : i32
      %get3A_980 = arith.constant 1 : i32
      %get3A_981 = arith.constant 1 : i32
      %get3A_982 = arith.index_cast %get3A_980 : i32 to index
      %get3A_983 = arith.index_cast %sub3A_979 : i32 to index
      %get3A_984 = arith.index_cast %get3A_981 : i32 to index
      %get3A_985 = arith.constant 48 : index
      %get3A_986 = tpu.vector_load %arg5[%get3A_982, %get3A_983, %get3A_984, %get3A_985] {strides = array<i32>} : memref<2x16x2x128xf32, #tpu.memory_space<vmem>>, vector<16xf32>,
      %add3A_987 = arith.addf %get3A_977, %get3A_986 : vector<16xf32>
      %swap3A_988 = arith.constant 1 : i32
      %swap3A_989 = arith.constant 1 : i32
      %swap3A_990 = arith.index_cast %swap3A_988 : i32 to index
      %swap3A_991 = arith.index_cast %scan3A_322 : i32 to index
      %swap3A_992 = arith.index_cast %swap3A_989 : i32 to index
      %swap3A_993 = arith.constant 48 : index
      %swap3A_994 = tpu.vector_load %arg5[%swap3A_990, %swap3A_991, %swap3A_992, %swap3A_993] {strides = array<i32>} : memref<2x16x2x128xf32, #tpu.memory_space<vmem>>, vector<16xf32>,
      tpu.vector_store %arg5[%swap3A_990, %swap3A_991, %swap3A_992, %swap3A_993], %add3A_987 {strides = array<i32>} : memref<2x16x2x128xf32, #tpu.memory_space<vmem>>, vector<16xf32>,
      %get3A_995 = arith.constant 1 : i32
      %get3A_996 = arith.constant 1 : i32
      %get3A_997 = arith.index_cast %get3A_995 : i32 to index
      %get3A_998 = arith.index_cast %scan3A_322 : i32 to index
      %get3A_999 = arith.index_cast %get3A_996 : i32 to index
      %get3A_1000 = arith.constant 64 : index
      %get3A_1001 = tpu.vector_load %arg5[%get3A_997, %get3A_998, %get3A_999, %get3A_1000] {strides = array<i32>} : memref<2x16x2x128xf32, #tpu.memory_space<vmem>>, vector<16xf32>,
      %sub3A_1002 = arith.constant 1 : i32
      %sub3A_1003 = arith.subi %scan3A_322, %sub3A_1002 : i32
      %get3A_1004 = arith.constant 1 : i32
      %get3A_1005 = arith.constant 1 : i32
      %get3A_1006 = arith.index_cast %get3A_1004 : i32 to index
      %get3A_1007 = arith.index_cast %sub3A_1003 : i32 to index
      %get3A_1008 = arith.index_cast %get3A_1005 : i32 to index
      %get3A_1009 = arith.constant 64 : index
      %get3A_1010 = tpu.vector_load %arg5[%get3A_1006, %get3A_1007, %get3A_1008, %get3A_1009] {strides = array<i32>} : memref<2x16x2x128xf32, #tpu.memory_space<vmem>>, vector<16xf32>,
      %add3A_1011 = arith.addf %get3A_1001, %get3A_1010 : vector<16xf32>
      %swap3A_1012 = arith.constant 1 : i32
      %swap3A_1013 = arith.constant 1 : i32
      %swap3A_1014 = arith.index_cast %swap3A_1012 : i32 to index
      %swap3A_1015 = arith.index_cast %scan3A_322 : i32 to index
      %swap3A_1016 = arith.index_cast %swap3A_1013 : i32 to index
      %swap3A_1017 = arith.constant 64 : index
      %swap3A_1018 = tpu.vector_load %arg5[%swap3A_1014, %swap3A_1015, %swap3A_1016, %swap3A_1017] {strides = array<i32>} : memref<2x16x2x128xf32, #tpu.memory_space<vmem>>, vector<16xf32>,
      tpu.vector_store %arg5[%swap3A_1014, %swap3A_1015, %swap3A_1016, %swap3A_1017], %add3A_1011 {strides = array<i32>} : memref<2x16x2x128xf32, #tpu.memory_space<vmem>>, vector<16xf32>,
      %get3A_1019 = arith.constant 1 : i32
      %get3A_1020 = arith.constant 1 : i32
      %get3A_1021 = arith.index_cast %get3A_1019 : i32 to index
      %get3A_1022 = arith.index_cast %scan3A_322 : i32 to index
      %get3A_1023 = arith.index_cast %get3A_1020 : i32 to index
      %get3A_1024 = arith.constant 80 : index
      %get3A_1025 = tpu.vector_load %arg5[%get3A_1021, %get3A_1022, %get3A_1023, %get3A_1024] {strides = array<i32>} : memref<2x16x2x128xf32, #tpu.memory_space<vmem>>, vector<16xf32>,
      %sub3A_1026 = arith.constant 1 : i32
      %sub3A_1027 = arith.subi %scan3A_322, %sub3A_1026 : i32
      %get3A_1028 = arith.constant 1 : i32
      %get3A_1029 = arith.constant 1 : i32
      %get3A_1030 = arith.index_cast %get3A_1028 : i32 to index
      %get3A_1031 = arith.index_cast %sub3A_1027 : i32 to index
      %get3A_1032 = arith.index_cast %get3A_1029 : i32 to index
      %get3A_1033 = arith.constant 80 : index
      %get3A_1034 = tpu.vector_load %arg5[%get3A_1030, %get3A_1031, %get3A_1032, %get3A_1033] {strides = array<i32>} : memref<2x16x2x128xf32, #tpu.memory_space<vmem>>, vector<16xf32>,
      %add3A_1035 = arith.addf %get3A_1025, %get3A_1034 : vector<16xf32>
      %swap3A_1036 = arith.constant 1 : i32
      %swap3A_1037 = arith.constant 1 : i32
      %swap3A_1038 = arith.index_cast %swap3A_1036 : i32 to index
      %swap3A_1039 = arith.index_cast %scan3A_322 : i32 to index
      %swap3A_1040 = arith.index_cast %swap3A_1037 : i32 to index
      %swap3A_1041 = arith.constant 80 : index
      %swap3A_1042 = tpu.vector_load %arg5[%swap3A_1038, %swap3A_1039, %swap3A_1040, %swap3A_1041] {strides = array<i32>} : memref<2x16x2x128xf32, #tpu.memory_space<vmem>>, vector<16xf32>,
      tpu.vector_store %arg5[%swap3A_1038, %swap3A_1039, %swap3A_1040, %swap3A_1041], %add3A_1035 {strides = array<i32>} : memref<2x16x2x128xf32, #tpu.memory_space<vmem>>, vector<16xf32>,
      %get3A_1043 = arith.constant 1 : i32
      %get3A_1044 = arith.constant 1 : i32
      %get3A_1045 = arith.index_cast %get3A_1043 : i32 to index
      %get3A_1046 = arith.index_cast %scan3A_322 : i32 to index
      %get3A_1047 = arith.index_cast %get3A_1044 : i32 to index
      %get3A_1048 = arith.constant 96 : index
      %get3A_1049 = tpu.vector_load %arg5[%get3A_1045, %get3A_1046, %get3A_1047, %get3A_1048] {strides = array<i32>} : memref<2x16x2x128xf32, #tpu.memory_space<vmem>>, vector<16xf32>,
      %sub3A_1050 = arith.constant 1 : i32
      %sub3A_1051 = arith.subi %scan3A_322, %sub3A_1050 : i32
      %get3A_1052 = arith.constant 1 : i32
      %get3A_1053 = arith.constant 1 : i32
      %get3A_1054 = arith.index_cast %get3A_1052 : i32 to index
      %get3A_1055 = arith.index_cast %sub3A_1051 : i32 to index
      %get3A_1056 = arith.index_cast %get3A_1053 : i32 to index
      %get3A_1057 = arith.constant 96 : index
      %get3A_1058 = tpu.vector_load %arg5[%get3A_1054, %get3A_1055, %get3A_1056, %get3A_1057] {strides = array<i32>} : memref<2x16x2x128xf32, #tpu.memory_space<vmem>>, vector<16xf32>,
      %add3A_1059 = arith.addf %get3A_1049, %get3A_1058 : vector<16xf32>
      %swap3A_1060 = arith.constant 1 : i32
      %swap3A_1061 = arith.constant 1 : i32
      %swap3A_1062 = arith.index_cast %swap3A_1060 : i32 to index
      %swap3A_1063 = arith.index_cast %scan3A_322 : i32 to index
      %swap3A_1064 = arith.index_cast %swap3A_1061 : i32 to index
      %swap3A_1065 = arith.constant 96 : index
      %swap3A_1066 = tpu.vector_load %arg5[%swap3A_1062, %swap3A_1063, %swap3A_1064, %swap3A_1065] {strides = array<i32>} : memref<2x16x2x128xf32, #tpu.memory_space<vmem>>, vector<16xf32>,
      tpu.vector_store %arg5[%swap3A_1062, %swap3A_1063, %swap3A_1064, %swap3A_1065], %add3A_1059 {strides = array<i32>} : memref<2x16x2x128xf32, #tpu.memory_space<vmem>>, vector<16xf32>,
      %get3A_1067 = arith.constant 1 : i32
      %get3A_1068 = arith.constant 1 : i32
      %get3A_1069 = arith.index_cast %get3A_1067 : i32 to index
      %get3A_1070 = arith.index_cast %scan3A_322 : i32 to index
      %get3A_1071 = arith.index_cast %get3A_1068 : i32 to index
      %get3A_1072 = arith.constant 112 : index
      %get3A_1073 = tpu.vector_load %arg5[%get3A_1069, %get3A_1070, %get3A_1071, %get3A_1072] {strides = array<i32>} : memref<2x16x2x128xf32, #tpu.memory_space<vmem>>, vector<16xf32>,
      %sub3A_1074 = arith.constant 1 : i32
      %sub3A_1075 = arith.subi %scan3A_322, %sub3A_1074 : i32
      %get3A_1076 = arith.constant 1 : i32
      %get3A_1077 = arith.constant 1 : i32
      %get3A_1078 = arith.index_cast %get3A_1076 : i32 to index
      %get3A_1079 = arith.index_cast %sub3A_1075 : i32 to index
      %get3A_1080 = arith.index_cast %get3A_1077 : i32 to index
      %get3A_1081 = arith.constant 112 : index
      %get3A_1082 = tpu.vector_load %arg5[%get3A_1078, %get3A_1079, %get3A_1080, %get3A_1081] {strides = array<i32>} : memref<2x16x2x128xf32, #tpu.memory_space<vmem>>, vector<16xf32>,
      %add3A_1083 = arith.addf %get3A_1073, %get3A_1082 : vector<16xf32>
      %swap3A_1084 = arith.constant 1 : i32
      %swap3A_1085 = arith.constant 1 : i32
      %swap3A_1086 = arith.index_cast %swap3A_1084 : i32 to index
      %swap3A_1087 = arith.index_cast %scan3A_322 : i32 to index
      %swap3A_1088 = arith.index_cast %swap3A_1085 : i32 to index
      %swap3A_1089 = arith.constant 112 : index
      %swap3A_1090 = tpu.vector_load %arg5[%swap3A_1086, %swap3A_1087, %swap3A_1088, %swap3A_1089] {strides = array<i32>} : memref<2x16x2x128xf32, #tpu.memory_space<vmem>>, vector<16xf32>,
      tpu.vector_store %arg5[%swap3A_1086, %swap3A_1087, %swap3A_1088, %swap3A_1089], %add3A_1083 {strides = array<i32>} : memref<2x16x2x128xf32, #tpu.memory_space<vmem>>, vector<16xf32>,
      %scan3A_1091 = arith.constant 0 : i32
      scf.yield %scan3A_1091 : i32
    }
    %scan3A_8 = arith.constant 15 : i32
    %iota3A = tpu.iota {dimensions = array<i32: 0>} : vector<16xi32>
    %add3A_9 = arith.constant 0 : i32
    %add3A_10 = arith.addi %mul3A_2, %add3A_9 : i32
    %add3A_11 = vector.broadcast %add3A_10 : i32 to vector<16xi32>
    %add3A_12 = arith.addi %iota3A, %add3A_11 : vector<16xi32>
    %rem3A = arith.constant 64 : i32
    %rem3A_13 = vector.broadcast %rem3A : i32 to vector<16xi32>
    %rem3A_14 = arith.remsi %add3A_12, %rem3A_13 : vector<16xi32>
    %div3A = arith.constant 64 : i32
    %div3A_15 = vector.broadcast %div3A : i32 to vector<16xi32>
    %div3A_16 = arith.divsi %add3A_12, %div3A_15 : vector<16xi32>
    %convert_element_type3A = arith.sitofp %rem3A_14 : vector<16xi32> to vector<16xf32>
    %add3A_17 = arith.constant 5.000000e-01 : f32
    %add3A_18 = vector.broadcast %add3A_17 : f32 to vector<16xf32>
    %add3A_19 = arith.addf %convert_element_type3A, %add3A_18 : vector<16xf32>
    %mul3A_20 = arith.constant 3.125000e-02 : f32
    %mul3A_21 = vector.broadcast %mul3A_20 : f32 to vector<16xf32>
    %mul3A_22 = arith.mulf %add3A_19, %mul3A_21 : vector<16xf32>
    %sub3A = arith.constant 1.000000e+00 : f32
    %sub3A_23 = vector.broadcast %sub3A : f32 to vector<16xf32>
    %sub3A_24 = arith.subf %mul3A_22, %sub3A_23 : vector<16xf32>
    %swap3A = arith.constant 0 : i32
    %swap3A_25 = arith.index_cast %swap3A : i32 to index
    %swap3A_26 = arith.constant 0 : index
    %swap3A_27 = tpu.vector_load %arg6[%swap3A_25, %swap3A_26] {strides = array<i32>} : memref<2x128xf32, #tpu.memory_space<vmem>>, vector<16xf32>,
    tpu.vector_store %arg6[%swap3A_25, %swap3A_26], %sub3A_24 {strides = array<i32>} : memref<2x128xf32, #tpu.memory_space<vmem>>, vector<16xf32>,
    %convert_element_type3A_28 = arith.sitofp %div3A_16 : vector<16xi32> to vector<16xf32>
    %add3A_29 = arith.constant 5.000000e-01 : f32
    %add3A_30 = vector.broadcast %add3A_29 : f32 to vector<16xf32>
    %add3A_31 = arith.addf %convert_element_type3A_28, %add3A_30 : vector<16xf32>
    %mul3A_32 = arith.constant 3.125000e-02 : f32
    %mul3A_33 = vector.broadcast %mul3A_32 : f32 to vector<16xf32>
    %mul3A_34 = arith.mulf %add3A_31, %mul3A_33 : vector<16xf32>
    %sub3A_35 = arith.constant 1.000000e+00 : f32
    %sub3A_36 = vector.broadcast %sub3A_35 : f32 to vector<16xf32>
    %sub3A_37 = arith.subf %mul3A_34, %sub3A_36 : vector<16xf32>
    %swap3A_38 = arith.constant 1 : i32
    %swap3A_39 = arith.index_cast %swap3A_38 : i32 to index
    %swap3A_40 = arith.constant 0 : index
    %swap3A_41 = tpu.vector_load %arg6[%swap3A_39, %swap3A_40] {strides = array<i32>} : memref<2x128xf32, #tpu.memory_space<vmem>>, vector<16xf32>,
    tpu.vector_store %arg6[%swap3A_39, %swap3A_40], %sub3A_37 {strides = array<i32>} : memref<2x128xf32, #tpu.memory_space<vmem>>, vector<16xf32>,
    %iota3A_42 = tpu.iota {dimensions = array<i32: 0>} : vector<16xi32>
    %add3A_43 = arith.constant 16 : i32
    %add3A_44 = arith.addi %mul3A_2, %add3A_43 : i32
    %add3A_45 = vector.broadcast %add3A_44 : i32 to vector<16xi32>
    %add3A_46 = arith.addi %iota3A_42, %add3A_45 : vector<16xi32>
    %rem3A_47 = arith.constant 64 : i32
    %rem3A_48 = vector.broadcast %rem3A_47 : i32 to vector<16xi32>
    %rem3A_49 = arith.remsi %add3A_46, %rem3A_48 : vector<16xi32>
    %div3A_50 = arith.constant 64 : i32
    %div3A_51 = vector.broadcast %div3A_50 : i32 to vector<16xi32>
    %div3A_52 = arith.divsi %add3A_46, %div3A_51 : vector<16xi32>
    %convert_element_type3A_53 = arith.sitofp %rem3A_49 : vector<16xi32> to vector<16xf32>
    %add3A_54 = arith.constant 5.000000e-01 : f32
    %add3A_55 = vector.broadcast %add3A_54 : f32 to vector<16xf32>
    %add3A_56 = arith.addf %convert_element_type3A_53, %add3A_55 : vector<16xf32>
    %mul3A_57 = arith.constant 3.125000e-02 : f32
    %mul3A_58 = vector.broadcast %mul3A_57 : f32 to vector<16xf32>
    %mul3A_59 = arith.mulf %add3A_56, %mul3A_58 : vector<16xf32>
    %sub3A_60 = arith.constant 1.000000e+00 : f32
    %sub3A_61 = vector.broadcast %sub3A_60 : f32 to vector<16xf32>
    %sub3A_62 = arith.subf %mul3A_59, %sub3A_61 : vector<16xf32>
    %swap3A_63 = arith.constant 0 : i32
    %swap3A_64 = arith.index_cast %swap3A_63 : i32 to index
    %swap3A_65 = arith.constant 16 : index
    %swap3A_66 = tpu.vector_load %arg6[%swap3A_64, %swap3A_65] {strides = array<i32>} : memref<2x128xf32, #tpu.memory_space<vmem>>, vector<16xf32>,
    tpu.vector_store %arg6[%swap3A_64, %swap3A_65], %sub3A_62 {strides = array<i32>} : memref<2x128xf32, #tpu.memory_space<vmem>>, vector<16xf32>,
    %convert_element_type3A_67 = arith.sitofp %div3A_52 : vector<16xi32> to vector<16xf32>
    %add3A_68 = arith.constant 5.000000e-01 : f32
    %add3A_69 = vector.broadcast %add3A_68 : f32 to vector<16xf32>
    %add3A_70 = arith.addf %convert_element_type3A_67, %add3A_69 : vector<16xf32>
    %mul3A_71 = arith.constant 3.125000e-02 : f32
    %mul3A_72 = vector.broadcast %mul3A_71 : f32 to vector<16xf32>
    %mul3A_73 = arith.mulf %add3A_70, %mul3A_72 : vector<16xf32>
    %sub3A_74 = arith.constant 1.000000e+00 : f32
    %sub3A_75 = vector.broadcast %sub3A_74 : f32 to vector<16xf32>
    %sub3A_76 = arith.subf %mul3A_73, %sub3A_75 : vector<16xf32>
    %swap3A_77 = arith.constant 1 : i32
    %swap3A_78 = arith.index_cast %swap3A_77 : i32 to index
    %swap3A_79 = arith.constant 16 : index
    %swap3A_80 = tpu.vector_load %arg6[%swap3A_78, %swap3A_79] {strides = array<i32>} : memref<2x128xf32, #tpu.memory_space<vmem>>, vector<16xf32>,
    tpu.vector_store %arg6[%swap3A_78, %swap3A_79], %sub3A_76 {strides = array<i32>} : memref<2x128xf32, #tpu.memory_space<vmem>>, vector<16xf32>,
    %iota3A_81 = tpu.iota {dimensions = array<i32: 0>} : vector<16xi32>
    %add3A_82 = arith.constant 32 : i32
    %add3A_83 = arith.addi %mul3A_2, %add3A_82 : i32
    %add3A_84 = vector.broadcast %add3A_83 : i32 to vector<16xi32>
    %add3A_85 = arith.addi %iota3A_81, %add3A_84 : vector<16xi32>
    %rem3A_86 = arith.constant 64 : i32
    %rem3A_87 = vector.broadcast %rem3A_86 : i32 to vector<16xi32>
    %rem3A_88 = arith.remsi %add3A_85, %rem3A_87 : vector<16xi32>
    %div3A_89 = arith.constant 64 : i32
    %div3A_90 = vector.broadcast %div3A_89 : i32 to vector<16xi32>
    %div3A_91 = arith.divsi %add3A_85, %div3A_90 : vector<16xi32>
    %convert_element_type3A_92 = arith.sitofp %rem3A_88 : vector<16xi32> to vector<16xf32>
    %add3A_93 = arith.constant 5.000000e-01 : f32
    %add3A_94 = vector.broadcast %add3A_93 : f32 to vector<16xf32>
    %add3A_95 = arith.addf %convert_element_type3A_92, %add3A_94 : vector<16xf32>
    %mul3A_96 = arith.constant 3.125000e-02 : f32
    %mul3A_97 = vector.broadcast %mul3A_96 : f32 to vector<16xf32>
    %mul3A_98 = arith.mulf %add3A_95, %mul3A_97 : vector<16xf32>
    %sub3A_99 = arith.constant 1.000000e+00 : f32
    %sub3A_100 = vector.broadcast %sub3A_99 : f32 to vector<16xf32>
    %sub3A_101 = arith.subf %mul3A_98, %sub3A_100 : vector<16xf32>
    %swap3A_102 = arith.constant 0 : i32
    %swap3A_103 = arith.index_cast %swap3A_102 : i32 to index
    %swap3A_104 = arith.constant 32 : index
    %swap3A_105 = tpu.vector_load %arg6[%swap3A_103, %swap3A_104] {strides = array<i32>} : memref<2x128xf32, #tpu.memory_space<vmem>>, vector<16xf32>,
    tpu.vector_store %arg6[%swap3A_103, %swap3A_104], %sub3A_101 {strides = array<i32>} : memref<2x128xf32, #tpu.memory_space<vmem>>, vector<16xf32>,
    %convert_element_type3A_106 = arith.sitofp %div3A_91 : vector<16xi32> to vector<16xf32>
    %add3A_107 = arith.constant 5.000000e-01 : f32
    %add3A_108 = vector.broadcast %add3A_107 : f32 to vector<16xf32>
    %add3A_109 = arith.addf %convert_element_type3A_106, %add3A_108 : vector<16xf32>
    %mul3A_110 = arith.constant 3.125000e-02 : f32
    %mul3A_111 = vector.broadcast %mul3A_110 : f32 to vector<16xf32>
    %mul3A_112 = arith.mulf %add3A_109, %mul3A_111 : vector<16xf32>
    %sub3A_113 = arith.constant 1.000000e+00 : f32
    %sub3A_114 = vector.broadcast %sub3A_113 : f32 to vector<16xf32>
    %sub3A_115 = arith.subf %mul3A_112, %sub3A_114 : vector<16xf32>
    %swap3A_116 = arith.constant 1 : i32
    %swap3A_117 = arith.index_cast %swap3A_116 : i32 to index
    %swap3A_118 = arith.constant 32 : index
    %swap3A_119 = tpu.vector_load %arg6[%swap3A_117, %swap3A_118] {strides = array<i32>} : memref<2x128xf32, #tpu.memory_space<vmem>>, vector<16xf32>,
    tpu.vector_store %arg6[%swap3A_117, %swap3A_118], %sub3A_115 {strides = array<i32>} : memref<2x128xf32, #tpu.memory_space<vmem>>, vector<16xf32>,
    %iota3A_120 = tpu.iota {dimensions = array<i32: 0>} : vector<16xi32>
    %add3A_121 = arith.constant 48 : i32
    %add3A_122 = arith.addi %mul3A_2, %add3A_121 : i32
    %add3A_123 = vector.broadcast %add3A_122 : i32 to vector<16xi32>
    %add3A_124 = arith.addi %iota3A_120, %add3A_123 : vector<16xi32>
    %rem3A_125 = arith.constant 64 : i32
    %rem3A_126 = vector.broadcast %rem3A_125 : i32 to vector<16xi32>
    %rem3A_127 = arith.remsi %add3A_124, %rem3A_126 : vector<16xi32>
    %div3A_128 = arith.constant 64 : i32
    %div3A_129 = vector.broadcast %div3A_128 : i32 to vector<16xi32>
    %div3A_130 = arith.divsi %add3A_124, %div3A_129 : vector<16xi32>
    %convert_element_type3A_131 = arith.sitofp %rem3A_127 : vector<16xi32> to vector<16xf32>
    %add3A_132 = arith.constant 5.000000e-01 : f32
    %add3A_133 = vector.broadcast %add3A_132 : f32 to vector<16xf32>
    %add3A_134 = arith.addf %convert_element_type3A_131, %add3A_133 : vector<16xf32>
    %mul3A_135 = arith.constant 3.125000e-02 : f32
    %mul3A_136 = vector.broadcast %mul3A_135 : f32 to vector<16xf32>
    %mul3A_137 = arith.mulf %add3A_134, %mul3A_136 : vector<16xf32>
    %sub3A_138 = arith.constant 1.000000e+00 : f32
    %sub3A_139 = vector.broadcast %sub3A_138 : f32 to vector<16xf32>
    %sub3A_140 = arith.subf %mul3A_137, %sub3A_139 : vector<16xf32>
    %swap3A_141 = arith.constant 0 : i32
    %swap3A_142 = arith.index_cast %swap3A_141 : i32 to index
    %swap3A_143 = arith.constant 48 : index
    %swap3A_144 = tpu.vector_load %arg6[%swap3A_142, %swap3A_143] {strides = array<i32>} : memref<2x128xf32, #tpu.memory_space<vmem>>, vector<16xf32>,
    tpu.vector_store %arg6[%swap3A_142, %swap3A_143], %sub3A_140 {strides = array<i32>} : memref<2x128xf32, #tpu.memory_space<vmem>>, vector<16xf32>,
    %convert_element_type3A_145 = arith.sitofp %div3A_130 : vector<16xi32> to vector<16xf32>
    %add3A_146 = arith.constant 5.000000e-01 : f32
    %add3A_147 = vector.broadcast %add3A_146 : f32 to vector<16xf32>
    %add3A_148 = arith.addf %convert_element_type3A_145, %add3A_147 : vector<16xf32>
    %mul3A_149 = arith.constant 3.125000e-02 : f32
    %mul3A_150 = vector.broadcast %mul3A_149 : f32 to vector<16xf32>
    %mul3A_151 = arith.mulf %add3A_148, %mul3A_150 : vector<16xf32>
    %sub3A_152 = arith.constant 1.000000e+00 : f32
    %sub3A_153 = vector.broadcast %sub3A_152 : f32 to vector<16xf32>
    %sub3A_154 = arith.subf %mul3A_151, %sub3A_153 : vector<16xf32>
    %swap3A_155 = arith.constant 1 : i32
    %swap3A_156 = arith.index_cast %swap3A_155 : i32 to index
    %swap3A_157 = arith.constant 48 : index
    %swap3A_158 = tpu.vector_load %arg6[%swap3A_156, %swap3A_157] {strides = array<i32>} : memref<2x128xf32, #tpu.memory_space<vmem>>, vector<16xf32>,
    tpu.vector_store %arg6[%swap3A_156, %swap3A_157], %sub3A_154 {strides = array<i32>} : memref<2x128xf32, #tpu.memory_space<vmem>>, vector<16xf32>,
    %iota3A_159 = tpu.iota {dimensions = array<i32: 0>} : vector<16xi32>
    %add3A_160 = arith.constant 64 : i32
    %add3A_161 = arith.addi %mul3A_2, %add3A_160 : i32
    %add3A_162 = vector.broadcast %add3A_161 : i32 to vector<16xi32>
    %add3A_163 = arith.addi %iota3A_159, %add3A_162 : vector<16xi32>
    %rem3A_164 = arith.constant 64 : i32
    %rem3A_165 = vector.broadcast %rem3A_164 : i32 to vector<16xi32>
    %rem3A_166 = arith.remsi %add3A_163, %rem3A_165 : vector<16xi32>
    %div3A_167 = arith.constant 64 : i32
    %div3A_168 = vector.broadcast %div3A_167 : i32 to vector<16xi32>
    %div3A_169 = arith.divsi %add3A_163, %div3A_168 : vector<16xi32>
    %convert_element_type3A_170 = arith.sitofp %rem3A_166 : vector<16xi32> to vector<16xf32>
    %add3A_171 = arith.constant 5.000000e-01 : f32
    %add3A_172 = vector.broadcast %add3A_171 : f32 to vector<16xf32>
    %add3A_173 = arith.addf %convert_element_type3A_170, %add3A_172 : vector<16xf32>
    %mul3A_174 = arith.constant 3.125000e-02 : f32
    %mul3A_175 = vector.broadcast %mul3A_174 : f32 to vector<16xf32>
    %mul3A_176 = arith.mulf %add3A_173, %mul3A_175 : vector<16xf32>
    %sub3A_177 = arith.constant 1.000000e+00 : f32
    %sub3A_178 = vector.broadcast %sub3A_177 : f32 to vector<16xf32>
    %sub3A_179 = arith.subf %mul3A_176, %sub3A_178 : vector<16xf32>
    %swap3A_180 = arith.constant 0 : i32
    %swap3A_181 = arith.index_cast %swap3A_180 : i32 to index
    %swap3A_182 = arith.constant 64 : index
    %swap3A_183 = tpu.vector_load %arg6[%swap3A_181, %swap3A_182] {strides = array<i32>} : memref<2x128xf32, #tpu.memory_space<vmem>>, vector<16xf32>,
    tpu.vector_store %arg6[%swap3A_181, %swap3A_182], %sub3A_179 {strides = array<i32>} : memref<2x128xf32, #tpu.memory_space<vmem>>, vector<16xf32>,
    %convert_element_type3A_184 = arith.sitofp %div3A_169 : vector<16xi32> to vector<16xf32>
    %add3A_185 = arith.constant 5.000000e-01 : f32
    %add3A_186 = vector.broadcast %add3A_185 : f32 to vector<16xf32>
    %add3A_187 = arith.addf %convert_element_type3A_184, %add3A_186 : vector<16xf32>
    %mul3A_188 = arith.constant 3.125000e-02 : f32
    %mul3A_189 = vector.broadcast %mul3A_188 : f32 to vector<16xf32>
    %mul3A_190 = arith.mulf %add3A_187, %mul3A_189 : vector<16xf32>
    %sub3A_191 = arith.constant 1.000000e+00 : f32
    %sub3A_192 = vector.broadcast %sub3A_191 : f32 to vector<16xf32>
    %sub3A_193 = arith.subf %mul3A_190, %sub3A_192 : vector<16xf32>
    %swap3A_194 = arith.constant 1 : i32
    %swap3A_195 = arith.index_cast %swap3A_194 : i32 to index
    %swap3A_196 = arith.constant 64 : index
    %swap3A_197 = tpu.vector_load %arg6[%swap3A_195, %swap3A_196] {strides = array<i32>} : memref<2x128xf32, #tpu.memory_space<vmem>>, vector<16xf32>,
    tpu.vector_store %arg6[%swap3A_195, %swap3A_196], %sub3A_193 {strides = array<i32>} : memref<2x128xf32, #tpu.memory_space<vmem>>, vector<16xf32>,
    %iota3A_198 = tpu.iota {dimensions = array<i32: 0>} : vector<16xi32>
    %add3A_199 = arith.constant 80 : i32
    %add3A_200 = arith.addi %mul3A_2, %add3A_199 : i32
    %add3A_201 = vector.broadcast %add3A_200 : i32 to vector<16xi32>
    %add3A_202 = arith.addi %iota3A_198, %add3A_201 : vector<16xi32>
    %rem3A_203 = arith.constant 64 : i32
    %rem3A_204 = vector.broadcast %rem3A_203 : i32 to vector<16xi32>
    %rem3A_205 = arith.remsi %add3A_202, %rem3A_204 : vector<16xi32>
    %div3A_206 = arith.constant 64 : i32
    %div3A_207 = vector.broadcast %div3A_206 : i32 to vector<16xi32>
    %div3A_208 = arith.divsi %add3A_202, %div3A_207 : vector<16xi32>
    %convert_element_type3A_209 = arith.sitofp %rem3A_205 : vector<16xi32> to vector<16xf32>
    %add3A_210 = arith.constant 5.000000e-01 : f32
    %add3A_211 = vector.broadcast %add3A_210 : f32 to vector<16xf32>
    %add3A_212 = arith.addf %convert_element_type3A_209, %add3A_211 : vector<16xf32>
    %mul3A_213 = arith.constant 3.125000e-02 : f32
    %mul3A_214 = vector.broadcast %mul3A_213 : f32 to vector<16xf32>
    %mul3A_215 = arith.mulf %add3A_212, %mul3A_214 : vector<16xf32>
    %sub3A_216 = arith.constant 1.000000e+00 : f32
    %sub3A_217 = vector.broadcast %sub3A_216 : f32 to vector<16xf32>
    %sub3A_218 = arith.subf %mul3A_215, %sub3A_217 : vector<16xf32>
    %swap3A_219 = arith.constant 0 : i32
    %swap3A_220 = arith.index_cast %swap3A_219 : i32 to index
    %swap3A_221 = arith.constant 80 : index
    %swap3A_222 = tpu.vector_load %arg6[%swap3A_220, %swap3A_221] {strides = array<i32>} : memref<2x128xf32, #tpu.memory_space<vmem>>, vector<16xf32>,
    tpu.vector_store %arg6[%swap3A_220, %swap3A_221], %sub3A_218 {strides = array<i32>} : memref<2x128xf32, #tpu.memory_space<vmem>>, vector<16xf32>,
    %convert_element_type3A_223 = arith.sitofp %div3A_208 : vector<16xi32> to vector<16xf32>
    %add3A_224 = arith.constant 5.000000e-01 : f32
    %add3A_225 = vector.broadcast %add3A_224 : f32 to vector<16xf32>
    %add3A_226 = arith.addf %convert_element_type3A_223, %add3A_225 : vector<16xf32>
    %mul3A_227 = arith.constant 3.125000e-02 : f32
    %mul3A_228 = vector.broadcast %mul3A_227 : f32 to vector<16xf32>
    %mul3A_229 = arith.mulf %add3A_226, %mul3A_228 : vector<16xf32>
    %sub3A_230 = arith.constant 1.000000e+00 : f32
    %sub3A_231 = vector.broadcast %sub3A_230 : f32 to vector<16xf32>
    %sub3A_232 = arith.subf %mul3A_229, %sub3A_231 : vector<16xf32>
    %swap3A_233 = arith.constant 1 : i32
    %swap3A_234 = arith.index_cast %swap3A_233 : i32 to index
    %swap3A_235 = arith.constant 80 : index
    %swap3A_236 = tpu.vector_load %arg6[%swap3A_234, %swap3A_235] {strides = array<i32>} : memref<2x128xf32, #tpu.memory_space<vmem>>, vector<16xf32>,
    tpu.vector_store %arg6[%swap3A_234, %swap3A_235], %sub3A_232 {strides = array<i32>} : memref<2x128xf32, #tpu.memory_space<vmem>>, vector<16xf32>,
    %iota3A_237 = tpu.iota {dimensions = array<i32: 0>} : vector<16xi32>
    %add3A_238 = arith.constant 96 : i32
    %add3A_239 = arith.addi %mul3A_2, %add3A_238 : i32
    %add3A_240 = vector.broadcast %add3A_239 : i32 to vector<16xi32>
    %add3A_241 = arith.addi %iota3A_237, %add3A_240 : vector<16xi32>
    %rem3A_242 = arith.constant 64 : i32
    %rem3A_243 = vector.broadcast %rem3A_242 : i32 to vector<16xi32>
    %rem3A_244 = arith.remsi %add3A_241, %rem3A_243 : vector<16xi32>
    %div3A_245 = arith.constant 64 : i32
    %div3A_246 = vector.broadcast %div3A_245 : i32 to vector<16xi32>
    %div3A_247 = arith.divsi %add3A_241, %div3A_246 : vector<16xi32>
    %convert_element_type3A_248 = arith.sitofp %rem3A_244 : vector<16xi32> to vector<16xf32>
    %add3A_249 = arith.constant 5.000000e-01 : f32
    %add3A_250 = vector.broadcast %add3A_249 : f32 to vector<16xf32>
    %add3A_251 = arith.addf %convert_element_type3A_248, %add3A_250 : vector<16xf32>
    %mul3A_252 = arith.constant 3.125000e-02 : f32
    %mul3A_253 = vector.broadcast %mul3A_252 : f32 to vector<16xf32>
    %mul3A_254 = arith.mulf %add3A_251, %mul3A_253 : vector<16xf32>
    %sub3A_255 = arith.constant 1.000000e+00 : f32
    %sub3A_256 = vector.broadcast %sub3A_255 : f32 to vector<16xf32>
    %sub3A_257 = arith.subf %mul3A_254, %sub3A_256 : vector<16xf32>
    %swap3A_258 = arith.constant 0 : i32
    %swap3A_259 = arith.index_cast %swap3A_258 : i32 to index
    %swap3A_260 = arith.constant 96 : index
    %swap3A_261 = tpu.vector_load %arg6[%swap3A_259, %swap3A_260] {strides = array<i32>} : memref<2x128xf32, #tpu.memory_space<vmem>>, vector<16xf32>,
    tpu.vector_store %arg6[%swap3A_259, %swap3A_260], %sub3A_257 {strides = array<i32>} : memref<2x128xf32, #tpu.memory_space<vmem>>, vector<16xf32>,
    %convert_element_type3A_262 = arith.sitofp %div3A_247 : vector<16xi32> to vector<16xf32>
    %add3A_263 = arith.constant 5.000000e-01 : f32
    %add3A_264 = vector.broadcast %add3A_263 : f32 to vector<16xf32>
    %add3A_265 = arith.addf %convert_element_type3A_262, %add3A_264 : vector<16xf32>
    %mul3A_266 = arith.constant 3.125000e-02 : f32
    %mul3A_267 = vector.broadcast %mul3A_266 : f32 to vector<16xf32>
    %mul3A_268 = arith.mulf %add3A_265, %mul3A_267 : vector<16xf32>
    %sub3A_269 = arith.constant 1.000000e+00 : f32
    %sub3A_270 = vector.broadcast %sub3A_269 : f32 to vector<16xf32>
    %sub3A_271 = arith.subf %mul3A_268, %sub3A_270 : vector<16xf32>
    %swap3A_272 = arith.constant 1 : i32
    %swap3A_273 = arith.index_cast %swap3A_272 : i32 to index
    %swap3A_274 = arith.constant 96 : index
    %swap3A_275 = tpu.vector_load %arg6[%swap3A_273, %swap3A_274] {strides = array<i32>} : memref<2x128xf32, #tpu.memory_space<vmem>>, vector<16xf32>,
    tpu.vector_store %arg6[%swap3A_273, %swap3A_274], %sub3A_271 {strides = array<i32>} : memref<2x128xf32, #tpu.memory_space<vmem>>, vector<16xf32>,
    %iota3A_276 = tpu.iota {dimensions = array<i32: 0>} : vector<16xi32>
    %add3A_277 = arith.constant 112 : i32
    %add3A_278 = arith.addi %mul3A_2, %add3A_277 : i32
    %add3A_279 = vector.broadcast %add3A_278 : i32 to vector<16xi32>
    %add3A_280 = arith.addi %iota3A_276, %add3A_279 : vector<16xi32>
    %rem3A_281 = arith.constant 64 : i32
    %rem3A_282 = vector.broadcast %rem3A_281 : i32 to vector<16xi32>
    %rem3A_283 = arith.remsi %add3A_280, %rem3A_282 : vector<16xi32>
    %div3A_284 = arith.constant 64 : i32
    %div3A_285 = vector.broadcast %div3A_284 : i32 to vector<16xi32>
    %div3A_286 = arith.divsi %add3A_280, %div3A_285 : vector<16xi32>
    %convert_element_type3A_287 = arith.sitofp %rem3A_283 : vector<16xi32> to vector<16xf32>
    %add3A_288 = arith.constant 5.000000e-01 : f32
    %add3A_289 = vector.broadcast %add3A_288 : f32 to vector<16xf32>
    %add3A_290 = arith.addf %convert_element_type3A_287, %add3A_289 : vector<16xf32>
    %mul3A_291 = arith.constant 3.125000e-02 : f32
    %mul3A_292 = vector.broadcast %mul3A_291 : f32 to vector<16xf32>
    %mul3A_293 = arith.mulf %add3A_290, %mul3A_292 : vector<16xf32>
    %sub3A_294 = arith.constant 1.000000e+00 : f32
    %sub3A_295 = vector.broadcast %sub3A_294 : f32 to vector<16xf32>
    %sub3A_296 = arith.subf %mul3A_293, %sub3A_295 : vector<16xf32>
    %swap3A_297 = arith.constant 0 : i32
    %swap3A_298 = arith.index_cast %swap3A_297 : i32 to index
    %swap3A_299 = arith.constant 112 : index
    %swap3A_300 = tpu.vector_load %arg6[%swap3A_298, %swap3A_299] {strides = array<i32>} : memref<2x128xf32, #tpu.memory_space<vmem>>, vector<16xf32>,
    tpu.vector_store %arg6[%swap3A_298, %swap3A_299], %sub3A_296 {strides = array<i32>} : memref<2x128xf32, #tpu.memory_space<vmem>>, vector<16xf32>,
    %convert_element_type3A_301 = arith.sitofp %div3A_286 : vector<16xi32> to vector<16xf32>
    %add3A_302 = arith.constant 5.000000e-01 : f32
    %add3A_303 = vector.broadcast %add3A_302 : f32 to vector<16xf32>
    %add3A_304 = arith.addf %convert_element_type3A_301, %add3A_303 : vector<16xf32>
    %mul3A_305 = arith.constant 3.125000e-02 : f32
    %mul3A_306 = vector.broadcast %mul3A_305 : f32 to vector<16xf32>
    %mul3A_307 = arith.mulf %add3A_304, %mul3A_306 : vector<16xf32>
    %sub3A_308 = arith.constant 1.000000e+00 : f32
    %sub3A_309 = vector.broadcast %sub3A_308 : f32 to vector<16xf32>
    %sub3A_310 = arith.subf %mul3A_307, %sub3A_309 : vector<16xf32>
    %swap3A_311 = arith.constant 1 : i32
    %swap3A_312 = arith.index_cast %swap3A_311 : i32 to index
    %swap3A_313 = arith.constant 112 : index
    %swap3A_314 = tpu.vector_load %arg6[%swap3A_312, %swap3A_313] {strides = array<i32>} : memref<2x128xf32, #tpu.memory_space<vmem>>, vector<16xf32>,
    tpu.vector_store %arg6[%swap3A_312, %swap3A_313], %sub3A_310 {strides = array<i32>} : memref<2x128xf32, #tpu.memory_space<vmem>>, vector<16xf32>,
    %scan3A_315 = arith.constant 0 : i32
    %scan3A_316 = arith.constant 0 : i32
    %scan3A_317 = arith.constant 2 : i32
    %scan3A_318 = arith.addi %scan3A_316, %scan3A_317 : i32
    %scan3A_319 = arith.constant 1 : i32
    %scan3A_320 = scf.for %scan3A_322 = %scan3A_316 to %scan3A_318 step %scan3A_319 iter_args(%scan3A_323 = %scan3A_315) -> (i32)  : i32 {
      %scan3A_324 = arith.constant 0 : i32
      %scan3A_325 = arith.constant 0 : i32
      %scan3A_326 = arith.constant 16 : i32
      %scan3A_327 = arith.addi %scan3A_325, %scan3A_326 : i32
      %scan3A_328 = arith.constant 1 : i32
      %scan3A_329 = scf.for %scan3A_332 = %scan3A_325 to %scan3A_327 step %scan3A_328 iter_args(%scan3A_333 = %scan3A_324) -> (i32)  : i32 {
        %mul3A_334 = arith.constant 16 : i32
        %mul3A_335 = arith.muli %scan3A_322, %mul3A_334 : i32
        %add3A_336 = arith.constant 0 : i32
        %add3A_337 = arith.addi %mul3A_335, %add3A_336 : i32
        %mul3A_338 = arith.constant 4096 : i32
        %mul3A_339 = arith.muli %add3A_337, %mul3A_338 : i32
        %parallel_loop3A = arith.constant 0 : i32
        %parallel_loop3A_340 = arith.constant 8 : i32
        %parallel_loop3A_341 = arith.constant 1 : i32
        scf.for %parallel_loop3A_408 = %parallel_loop3A to %parallel_loop3A_340 step %parallel_loop3A_341  : i32 {
          %parallel_loop3A_409 = arith.constant 16 : i32
          %parallel_loop3A_410 = arith.muli %parallel_loop3A_408, %parallel_loop3A_409 : i32
          %parallel_loop3A_411 = arith.constant 0 : i32
          %parallel_loop3A_412 = arith.index_cast %scan3A_322 : i32 to index
          %parallel_loop3A_413 = arith.index_cast %scan3A_332 : i32 to index
          %parallel_loop3A_414 = arith.index_cast %parallel_loop3A_411 : i32 to index
          %parallel_loop3A_415 = arith.index_cast %parallel_loop3A_410 : i32 to index
          %parallel_loop3A_416 = tpu.vector_load %arg5[%parallel_loop3A_412, %parallel_loop3A_413, %parallel_loop3A_414, %parallel_loop3A_415] {strides = array<i32>} : memref<2x16x2x128xf32, #tpu.memory_space<vmem>>, vector<16xf32>,
          %parallel_loop3A_417 = arith.constant 0 : i32
          %parallel_loop3A_418 = arith.constant 0 : i32
          %parallel_loop3A_419 = arith.index_cast %scan3A_322 : i32 to index
          %parallel_loop3A_420 = arith.index_cast %parallel_loop3A_417 : i32 to index
          %parallel_loop3A_421 = arith.index_cast %parallel_loop3A_418 : i32 to index
          %parallel_loop3A_422 = arith.index_cast %parallel_loop3A_410 : i32 to index
          %parallel_loop3A_423 = tpu.vector_load %arg5[%parallel_loop3A_419, %parallel_loop3A_420, %parallel_loop3A_421, %parallel_loop3A_422] {strides = array<i32>} : memref<2x16x2x128xf32, #tpu.memory_space<vmem>>, vector<16xf32>,
          %parallel_loop3A_424 = arith.subf %parallel_loop3A_416, %parallel_loop3A_423 : vector<16xf32>
          %parallel_loop3A_425 = arith.constant 1 : i32
          %parallel_loop3A_426 = arith.index_cast %scan3A_322 : i32 to index
          %parallel_loop3A_427 = arith.index_cast %scan3A_332 : i32 to index
          %parallel_loop3A_428 = arith.index_cast %parallel_loop3A_425 : i32 to index
          %parallel_loop3A_429 = arith.index_cast %parallel_loop3A_410 : i32 to index
          %parallel_loop3A_430 = tpu.vector_load %arg5[%parallel_loop3A_426, %parallel_loop3A_427, %parallel_loop3A_428, %parallel_loop3A_429] {strides = array<i32>} : memref<2x16x2x128xf32, #tpu.memory_space<vmem>>, vector<16xf32>,
          %parallel_loop3A_431 = arith.constant 0 : i32
          %parallel_loop3A_432 = arith.constant 1 : i32
          %parallel_loop3A_433 = arith.index_cast %scan3A_322 : i32 to index
          %parallel_loop3A_434 = arith.index_cast %parallel_loop3A_431 : i32 to index
          %parallel_loop3A_435 = arith.index_cast %parallel_loop3A_432 : i32 to index
          %parallel_loop3A_436 = arith.index_cast %parallel_loop3A_410 : i32 to index
          %parallel_loop3A_437 = tpu.vector_load %arg5[%parallel_loop3A_433, %parallel_loop3A_434, %parallel_loop3A_435, %parallel_loop3A_436] {strides = array<i32>} : memref<2x16x2x128xf32, #tpu.memory_space<vmem>>, vector<16xf32>,
          %parallel_loop3A_438 = arith.subf %parallel_loop3A_430, %parallel_loop3A_437 : vector<16xf32>
          %parallel_loop3A_439 = arith.constant 0 : i32
          %parallel_loop3A_440 = arith.index_cast %parallel_loop3A_439 : i32 to index
          %parallel_loop3A_441 = arith.index_cast %parallel_loop3A_410 : i32 to index
          %parallel_loop3A_442 = tpu.vector_load %arg6[%parallel_loop3A_440, %parallel_loop3A_441] {strides = array<i32>} : memref<2x128xf32, #tpu.memory_space<vmem>>, vector<16xf32>,
          %parallel_loop3A_443 = arith.addf %parallel_loop3A_442, %parallel_loop3A_424 : vector<16xf32>
          %parallel_loop3A_444 = arith.constant 1.000000e+00 : f32
          %parallel_loop3A_445 = vector.broadcast %parallel_loop3A_444 : f32 to vector<16xf32>
          %parallel_loop3A_446 = arith.addf %parallel_loop3A_443, %parallel_loop3A_445 : vector<16xf32>
          %parallel_loop3A_447 = arith.constant 2.000000e+00 : f32
          %parallel_loop3A_448 = vector.broadcast %parallel_loop3A_447 : f32 to vector<16xf32>
          %parallel_loop3A_449 = arith.remf %parallel_loop3A_446, %parallel_loop3A_448 : vector<16xf32>
          %parallel_loop3A_450 = arith.constant 0.000000e+00 : f32
          %parallel_loop3A_451 = vector.broadcast %parallel_loop3A_450 : f32 to vector<16xf32>
          %parallel_loop3A_452 = arith.cmpf olt, %parallel_loop3A_449, %parallel_loop3A_451 : vector<16xf32>
          %parallel_loop3A_453 = arith.constant 2.000000e+00 : f32
          %parallel_loop3A_454 = vector.broadcast %parallel_loop3A_453 : f32 to vector<16xf32>
          %parallel_loop3A_455 = arith.addf %parallel_loop3A_449, %parallel_loop3A_454 : vector<16xf32>
          %parallel_loop3A_456 = arith.select %parallel_loop3A_452, %parallel_loop3A_455, %parallel_loop3A_449 : vector<16xi1>, vector<16xf32>
          %parallel_loop3A_457 = arith.constant 1.000000e+00 : f32
          %parallel_loop3A_458 = vector.broadcast %parallel_loop3A_457 : f32 to vector<16xf32>
          %parallel_loop3A_459 = arith.subf %parallel_loop3A_456, %parallel_loop3A_458 : vector<16xf32>
          %parallel_loop3A_460 = arith.constant 1.000000e+00 : f32
          %parallel_loop3A_461 = vector.broadcast %parallel_loop3A_460 : f32 to vector<16xf32>
          %parallel_loop3A_462 = arith.addf %parallel_loop3A_459, %parallel_loop3A_461 : vector<16xf32>
          %parallel_loop3A_463 = arith.constant 6.400000e+01 : f32
          %parallel_loop3A_464 = vector.broadcast %parallel_loop3A_463 : f32 to vector<16xf32>
          %parallel_loop3A_465 = arith.mulf %parallel_loop3A_462, %parallel_loop3A_464 : vector<16xf32>
          %parallel_loop3A_466 = arith.constant 1.000000e+00 : f32
          %parallel_loop3A_467 = vector.broadcast %parallel_loop3A_466 : f32 to vector<16xf32>
          %parallel_loop3A_468 = arith.subf %parallel_loop3A_465, %parallel_loop3A_467 : vector<16xf32>
          %parallel_loop3A_469 = arith.constant 5.000000e-01 : f32
          %parallel_loop3A_470 = vector.broadcast %parallel_loop3A_469 : f32 to vector<16xf32>
          %parallel_loop3A_471 = arith.mulf %parallel_loop3A_468, %parallel_loop3A_470 : vector<16xf32>
          %parallel_loop3A_472 = arith.fptosi %parallel_loop3A_471 : vector<16xf32> to vector<16xi32>
          %parallel_loop3A_473 = arith.constant 0.000000e+00 : f32
          %parallel_loop3A_474 = vector.broadcast %parallel_loop3A_473 : f32 to vector<16xf32>
          %parallel_loop3A_475 = arith.cmpf olt, %parallel_loop3A_471, %parallel_loop3A_474 : vector<16xf32>
          %parallel_loop3A_476 = arith.constant -1 : i32
          %parallel_loop3A_477 = vector.broadcast %parallel_loop3A_476 : i32 to vector<16xi32>
          %parallel_loop3A_478 = arith.select %parallel_loop3A_475, %parallel_loop3A_477, %parallel_loop3A_472 : vector<16xi1>, vector<16xi32>
          %parallel_loop3A_479 = arith.sitofp %parallel_loop3A_478 : vector<16xi32> to vector<16xf32>
          %parallel_loop3A_480 = arith.subf %parallel_loop3A_471, %parallel_loop3A_479 : vector<16xf32>
          %parallel_loop3A_481 = arith.constant 1.000000e+00 : f32
          %parallel_loop3A_482 = vector.broadcast %parallel_loop3A_481 : f32 to vector<16xf32>
          %parallel_loop3A_483 = arith.subf %parallel_loop3A_482, %parallel_loop3A_480 : vector<16xf32>
          %parallel_loop3A_484 = arith.constant 1 : i32
          %parallel_loop3A_485 = arith.index_cast %parallel_loop3A_484 : i32 to index
          %parallel_loop3A_486 = arith.index_cast %parallel_loop3A_410 : i32 to index
          %parallel_loop3A_487 = tpu.vector_load %arg6[%parallel_loop3A_485, %parallel_loop3A_486] {strides = array<i32>} : memref<2x128xf32, #tpu.memory_space<vmem>>, vector<16xf32>,
          %parallel_loop3A_488 = arith.addf %parallel_loop3A_487, %parallel_loop3A_438 : vector<16xf32>
          %parallel_loop3A_489 = arith.constant 1.000000e+00 : f32
          %parallel_loop3A_490 = vector.broadcast %parallel_loop3A_489 : f32 to vector<16xf32>
          %parallel_loop3A_491 = arith.addf %parallel_loop3A_488, %parallel_loop3A_490 : vector<16xf32>
          %parallel_loop3A_492 = arith.constant 6.400000e+01 : f32
          %parallel_loop3A_493 = vector.broadcast %parallel_loop3A_492 : f32 to vector<16xf32>
          %parallel_loop3A_494 = arith.mulf %parallel_loop3A_491, %parallel_loop3A_493 : vector<16xf32>
          %parallel_loop3A_495 = arith.constant 1.000000e+00 : f32
          %parallel_loop3A_496 = vector.broadcast %parallel_loop3A_495 : f32 to vector<16xf32>
          %parallel_loop3A_497 = arith.subf %parallel_loop3A_494, %parallel_loop3A_496 : vector<16xf32>
          %parallel_loop3A_498 = arith.constant 5.000000e-01 : f32
          %parallel_loop3A_499 = vector.broadcast %parallel_loop3A_498 : f32 to vector<16xf32>
          %parallel_loop3A_500 = arith.mulf %parallel_loop3A_497, %parallel_loop3A_499 : vector<16xf32>
          %parallel_loop3A_501 = arith.constant -4.000000e+00 : f32
          %parallel_loop3A_502 = vector.broadcast %parallel_loop3A_501 : f32 to vector<16xf32>
          %parallel_loop3A_503 = arith.maximumf %parallel_loop3A_500, %parallel_loop3A_502 : vector<16xf32>
          %parallel_loop3A_504 = arith.constant 6.800000e+01 : f32
          %parallel_loop3A_505 = vector.broadcast %parallel_loop3A_504 : f32 to vector<16xf32>
          %parallel_loop3A_506 = arith.minimumf %parallel_loop3A_503, %parallel_loop3A_505 : vector<16xf32>
          %parallel_loop3A_507 = arith.fptosi %parallel_loop3A_506 : vector<16xf32> to vector<16xi32>
          %parallel_loop3A_508 = arith.sitofp %parallel_loop3A_507 : vector<16xi32> to vector<16xf32>
          %parallel_loop3A_509 = arith.cmpf ogt, %parallel_loop3A_508, %parallel_loop3A_506 : vector<16xf32>
          %parallel_loop3A_510 = arith.constant 1 : i32
          %parallel_loop3A_511 = vector.broadcast %parallel_loop3A_510 : i32 to vector<16xi32>
          %parallel_loop3A_512 = arith.subi %parallel_loop3A_507, %parallel_loop3A_511 : vector<16xi32>
          %parallel_loop3A_513 = arith.select %parallel_loop3A_509, %parallel_loop3A_512, %parallel_loop3A_507 : vector<16xi1>, vector<16xi32>
          %parallel_loop3A_514 = arith.sitofp %parallel_loop3A_513 : vector<16xi32> to vector<16xf32>
          %parallel_loop3A_515 = arith.subf %parallel_loop3A_506, %parallel_loop3A_514 : vector<16xf32>
          %parallel_loop3A_516 = arith.constant 1.000000e+00 : f32
          %parallel_loop3A_517 = vector.broadcast %parallel_loop3A_516 : f32 to vector<16xf32>
          %parallel_loop3A_518 = arith.subf %parallel_loop3A_517, %parallel_loop3A_515 : vector<16xf32>
          %parallel_loop3A_519 = arith.constant 0 : i32
          %parallel_loop3A_520 = vector.broadcast %parallel_loop3A_519 : i32 to vector<16xi32>
          %parallel_loop3A_521 = arith.maxsi %parallel_loop3A_478, %parallel_loop3A_520 : vector<16xi32>
          %parallel_loop3A_522 = arith.constant 0 : i32
          %parallel_loop3A_523 = vector.broadcast %parallel_loop3A_522 : i32 to vector<16xi32>
          %parallel_loop3A_524 = arith.cmpi slt, %parallel_loop3A_478, %parallel_loop3A_523 : vector<16xi32>
          %parallel_loop3A_525 = arith.select %parallel_loop3A_524, %parallel_loop3A_480, %parallel_loop3A_483 : vector<16xi1>, vector<16xf32>
          %parallel_loop3A_526 = arith.constant 0 : i32
          %parallel_loop3A_527 = vector.broadcast %parallel_loop3A_526 : i32 to vector<16xi32>
          %parallel_loop3A_528 = arith.cmpi slt, %parallel_loop3A_478, %parallel_loop3A_527 : vector<16xi32>
          %parallel_loop3A_529 = arith.constant 63 : i32
          %parallel_loop3A_530 = vector.broadcast %parallel_loop3A_529 : i32 to vector<16xi32>
          %parallel_loop3A_531 = arith.cmpi sge, %parallel_loop3A_478, %parallel_loop3A_530 : vector<16xi32>
          %parallel_loop3A_532 = arith.ori %parallel_loop3A_528, %parallel_loop3A_531 : vector<16xi1>
          %parallel_loop3A_533 = arith.constant 0.000000e+00 : f32
          %parallel_loop3A_534 = vector.broadcast %parallel_loop3A_533 : f32 to vector<16xf32>
          %parallel_loop3A_535 = arith.select %parallel_loop3A_532, %parallel_loop3A_534, %parallel_loop3A_480 : vector<16xi1>, vector<16xf32>
          %parallel_loop3A_536 = arith.constant 63 : i32
          %parallel_loop3A_537 = vector.broadcast %parallel_loop3A_536 : i32 to vector<16xi32>
          %parallel_loop3A_538 = arith.cmpi sge, %parallel_loop3A_521, %parallel_loop3A_537 : vector<16xi32>
          %parallel_loop3A_539 = arith.constant 0 : i32
          %parallel_loop3A_540 = arith.constant 1 : i32
          %parallel_loop3A_541 = vector.broadcast %parallel_loop3A_539 : i32 to vector<16xi32>
          %parallel_loop3A_542 = vector.broadcast %parallel_loop3A_540 : i32 to vector<16xi32>
          %parallel_loop3A_543 = arith.select %parallel_loop3A_538, %parallel_loop3A_541, %parallel_loop3A_542 : vector<16xi1>, vector<16xi32>
          %parallel_loop3A_544 = arith.constant 0 : i32
          %parallel_loop3A_545 = vector.broadcast %parallel_loop3A_544 : i32 to vector<16xi32>
          %parallel_loop3A_546 = arith.addi %parallel_loop3A_513, %parallel_loop3A_545 : vector<16xi32>
          %parallel_loop3A_547 = arith.constant 0 : i32
          %parallel_loop3A_548 = vector.broadcast %parallel_loop3A_547 : i32 to vector<16xi32>
          %parallel_loop3A_549 = arith.cmpi sge, %parallel_loop3A_546, %parallel_loop3A_548 : vector<16xi32>
          %parallel_loop3A_550 = arith.constant 63 : i32
          %parallel_loop3A_551 = vector.broadcast %parallel_loop3A_550 : i32 to vector<16xi32>
          %parallel_loop3A_552 = arith.cmpi sle, %parallel_loop3A_546, %parallel_loop3A_551 : vector<16xi32>
          %parallel_loop3A_553 = arith.andi %parallel_loop3A_549, %parallel_loop3A_552 : vector<16xi1>
          %parallel_loop3A_554 = arith.constant 0 : i32
          %parallel_loop3A_555 = arith.constant 63 : i32
          %parallel_loop3A_556 = vector.broadcast %parallel_loop3A_554 : i32 to vector<16xi32>
          %parallel_loop3A_557 = arith.maxsi %parallel_loop3A_556, %parallel_loop3A_546 : vector<16xi32>
          %parallel_loop3A_558 = vector.broadcast %parallel_loop3A_555 : i32 to vector<16xi32>
          %parallel_loop3A_559 = arith.minsi %parallel_loop3A_558, %parallel_loop3A_557 : vector<16xi32>
          %parallel_loop3A_560 = arith.constant 0.000000e+00 : f32
          %parallel_loop3A_561 = vector.broadcast %parallel_loop3A_560 : f32 to vector<16xf32>
          %parallel_loop3A_562 = arith.select %parallel_loop3A_553, %parallel_loop3A_518, %parallel_loop3A_561 : vector<16xi1>, vector<16xf32>
          %parallel_loop3A_563 = arith.constant 64 : i32
          %parallel_loop3A_564 = vector.broadcast %parallel_loop3A_563 : i32 to vector<16xi32>
          %parallel_loop3A_565 = arith.muli %parallel_loop3A_559, %parallel_loop3A_564 : vector<16xi32>
          %parallel_loop3A_566 = vector.broadcast %mul3A_339 : i32 to vector<16xi32>
          %parallel_loop3A_567 = arith.addi %parallel_loop3A_566, %parallel_loop3A_565 : vector<16xi32>
          %parallel_loop3A_568 = arith.addi %parallel_loop3A_567, %parallel_loop3A_521 : vector<16xi32>
          %parallel_loop3A_569 = arith.constant 0 : i32
          %parallel_loop3A_570 = arith.index_cast %parallel_loop3A_569 : i32 to index
          %parallel_loop3A_571 = arith.index_cast %parallel_loop3A_410 : i32 to index
          %parallel_loop3A_572 = tpu.vector_load %arg7[%parallel_loop3A_570, %parallel_loop3A_571] {strides = array<i32>} : memref<4x128xi32, #tpu.memory_space<vmem>>, vector<16xi32>,
          tpu.vector_store %arg7[%parallel_loop3A_570, %parallel_loop3A_571], %parallel_loop3A_568 {strides = array<i32>} : memref<4x128xi32, #tpu.memory_space<vmem>>, vector<16xi32>,
          %parallel_loop3A_573 = arith.addi %parallel_loop3A_568, %parallel_loop3A_543 : vector<16xi32>
          %parallel_loop3A_574 = arith.constant 2 : i32
          %parallel_loop3A_575 = arith.index_cast %parallel_loop3A_574 : i32 to index
          %parallel_loop3A_576 = arith.index_cast %parallel_loop3A_410 : i32 to index
          %parallel_loop3A_577 = tpu.vector_load %arg7[%parallel_loop3A_575, %parallel_loop3A_576] {strides = array<i32>} : memref<4x128xi32, #tpu.memory_space<vmem>>, vector<16xi32>,
          tpu.vector_store %arg7[%parallel_loop3A_575, %parallel_loop3A_576], %parallel_loop3A_573 {strides = array<i32>} : memref<4x128xi32, #tpu.memory_space<vmem>>, vector<16xi32>,
          %parallel_loop3A_578 = arith.mulf %parallel_loop3A_562, %parallel_loop3A_525 : vector<16xf32>
          %parallel_loop3A_579 = arith.constant 16 : i32
          %parallel_loop3A_580 = arith.muli %parallel_loop3A_408, %parallel_loop3A_579 : i32
          %parallel_loop3A_581 = arith.constant 0 : i32
          %parallel_loop3A_582 = arith.addi %parallel_loop3A_581, %parallel_loop3A_580 : i32
          %parallel_loop3A_583 = arith.index_cast %parallel_loop3A_582 : i32 to index
          %parallel_loop3A_584 = tpu.vector_load %arg9[%parallel_loop3A_583] {strides = array<i32>} : memref<528xf32, #tpu.memory_space<vmem>>, vector<16xf32>,
          tpu.vector_store %arg9[%parallel_loop3A_583], %parallel_loop3A_578 {strides = array<i32>} : memref<528xf32, #tpu.memory_space<vmem>>, vector<16xf32>,
          %parallel_loop3A_585 = arith.mulf %parallel_loop3A_562, %parallel_loop3A_535 : vector<16xf32>
          %parallel_loop3A_586 = arith.constant 16 : i32
          %parallel_loop3A_587 = arith.muli %parallel_loop3A_408, %parallel_loop3A_586 : i32
          %parallel_loop3A_588 = arith.constant 128 : i32
          %parallel_loop3A_589 = arith.addi %parallel_loop3A_588, %parallel_loop3A_587 : i32
          %parallel_loop3A_590 = arith.index_cast %parallel_loop3A_589 : i32 to index
          %parallel_loop3A_591 = tpu.vector_load %arg9[%parallel_loop3A_590] {strides = array<i32>} : memref<528xf32, #tpu.memory_space<vmem>>, vector<16xf32>,
          tpu.vector_store %arg9[%parallel_loop3A_590], %parallel_loop3A_585 {strides = array<i32>} : memref<528xf32, #tpu.memory_space<vmem>>, vector<16xf32>,
          %parallel_loop3A_592 = arith.constant 1 : i32
          %parallel_loop3A_593 = vector.broadcast %parallel_loop3A_592 : i32 to vector<16xi32>
          %parallel_loop3A_594 = arith.addi %parallel_loop3A_513, %parallel_loop3A_593 : vector<16xi32>
          %parallel_loop3A_595 = arith.constant 0 : i32
          %parallel_loop3A_596 = vector.broadcast %parallel_loop3A_595 : i32 to vector<16xi32>
          %parallel_loop3A_597 = arith.cmpi sge, %parallel_loop3A_594, %parallel_loop3A_596 : vector<16xi32>
          %parallel_loop3A_598 = arith.constant 63 : i32
          %parallel_loop3A_599 = vector.broadcast %parallel_loop3A_598 : i32 to vector<16xi32>
          %parallel_loop3A_600 = arith.cmpi sle, %parallel_loop3A_594, %parallel_loop3A_599 : vector<16xi32>
          %parallel_loop3A_601 = arith.andi %parallel_loop3A_597, %parallel_loop3A_600 : vector<16xi1>
          %parallel_loop3A_602 = arith.constant 0 : i32
          %parallel_loop3A_603 = arith.constant 63 : i32
          %parallel_loop3A_604 = vector.broadcast %parallel_loop3A_602 : i32 to vector<16xi32>
          %parallel_loop3A_605 = arith.maxsi %parallel_loop3A_604, %parallel_loop3A_594 : vector<16xi32>
          %parallel_loop3A_606 = vector.broadcast %parallel_loop3A_603 : i32 to vector<16xi32>
          %parallel_loop3A_607 = arith.minsi %parallel_loop3A_606, %parallel_loop3A_605 : vector<16xi32>
          %parallel_loop3A_608 = arith.constant 0.000000e+00 : f32
          %parallel_loop3A_609 = vector.broadcast %parallel_loop3A_608 : f32 to vector<16xf32>
          %parallel_loop3A_610 = arith.select %parallel_loop3A_601, %parallel_loop3A_515, %parallel_loop3A_609 : vector<16xi1>, vector<16xf32>
          %parallel_loop3A_611 = arith.constant 64 : i32
          %parallel_loop3A_612 = vector.broadcast %parallel_loop3A_611 : i32 to vector<16xi32>
          %parallel_loop3A_613 = arith.muli %parallel_loop3A_607, %parallel_loop3A_612 : vector<16xi32>
          %parallel_loop3A_614 = vector.broadcast %mul3A_339 : i32 to vector<16xi32>
          %parallel_loop3A_615 = arith.addi %parallel_loop3A_614, %parallel_loop3A_613 : vector<16xi32>
          %parallel_loop3A_616 = arith.addi %parallel_loop3A_615, %parallel_loop3A_521 : vector<16xi32>
          %parallel_loop3A_617 = arith.constant 1 : i32
          %parallel_loop3A_618 = arith.index_cast %parallel_loop3A_617 : i32 to index
          %parallel_loop3A_619 = arith.index_cast %parallel_loop3A_410 : i32 to index
          %parallel_loop3A_620 = tpu.vector_load %arg7[%parallel_loop3A_618, %parallel_loop3A_619] {strides = array<i32>} : memref<4x128xi32, #tpu.memory_space<vmem>>, vector<16xi32>,
          tpu.vector_store %arg7[%parallel_loop3A_618, %parallel_loop3A_619], %parallel_loop3A_616 {strides = array<i32>} : memref<4x128xi32, #tpu.memory_space<vmem>>, vector<16xi32>,
          %parallel_loop3A_621 = arith.addi %parallel_loop3A_616, %parallel_loop3A_543 : vector<16xi32>
          %parallel_loop3A_622 = arith.constant 3 : i32
          %parallel_loop3A_623 = arith.index_cast %parallel_loop3A_622 : i32 to index
          %parallel_loop3A_624 = arith.index_cast %parallel_loop3A_410 : i32 to index
          %parallel_loop3A_625 = tpu.vector_load %arg7[%parallel_loop3A_623, %parallel_loop3A_624] {strides = array<i32>} : memref<4x128xi32, #tpu.memory_space<vmem>>, vector<16xi32>,
          tpu.vector_store %arg7[%parallel_loop3A_623, %parallel_loop3A_624], %parallel_loop3A_621 {strides = array<i32>} : memref<4x128xi32, #tpu.memory_space<vmem>>, vector<16xi32>,
          %parallel_loop3A_626 = arith.mulf %parallel_loop3A_610, %parallel_loop3A_525 : vector<16xf32>
          %parallel_loop3A_627 = arith.constant 16 : i32
          %parallel_loop3A_628 = arith.muli %parallel_loop3A_408, %parallel_loop3A_627 : i32
          %parallel_loop3A_629 = arith.constant 256 : i32
          %parallel_loop3A_630 = arith.addi %parallel_loop3A_629, %parallel_loop3A_628 : i32
          %parallel_loop3A_631 = arith.index_cast %parallel_loop3A_630 : i32 to index
          %parallel_loop3A_632 = tpu.vector_load %arg9[%parallel_loop3A_631] {strides = array<i32>} : memref<528xf32, #tpu.memory_space<vmem>>, vector<16xf32>,
          tpu.vector_store %arg9[%parallel_loop3A_631], %parallel_loop3A_626 {strides = array<i32>} : memref<528xf32, #tpu.memory_space<vmem>>, vector<16xf32>,
          %parallel_loop3A_633 = arith.mulf %parallel_loop3A_610, %parallel_loop3A_535 : vector<16xf32>
          %parallel_loop3A_634 = arith.constant 16 : i32
          %parallel_loop3A_635 = arith.muli %parallel_loop3A_408, %parallel_loop3A_634 : i32
          %parallel_loop3A_636 = arith.constant 384 : i32
          %parallel_loop3A_637 = arith.addi %parallel_loop3A_636, %parallel_loop3A_635 : i32
          %parallel_loop3A_638 = arith.index_cast %parallel_loop3A_637 : i32 to index
          %parallel_loop3A_639 = tpu.vector_load %arg9[%parallel_loop3A_638] {strides = array<i32>} : memref<528xf32, #tpu.memory_space<vmem>>, vector<16xf32>,
          tpu.vector_store %arg9[%parallel_loop3A_638], %parallel_loop3A_633 {strides = array<i32>} : memref<528xf32, #tpu.memory_space<vmem>>, vector<16xf32>,
        } {sc.loop_unroll_factor = 2 : i64, sc.parallel_access}
        %dma_start3A = arith.constant 0 : i32
        %dma_start3A_342 = arith.constant 0 : i32
        %dma_start3A_343 = arith.constant 0 : i32
        %dma_start3A_344 = arith.constant 0 : i32
        %dma_start3A_345 = tpu.memref_slice %arg11[%dma_start3A_342, %dma_start3A_343, %dma_start3A_344] : memref<4x128x32xbf16, #tpu.memory_space<vmem>> -> memref<1x128x32xbf16, #tpu.memory_space<vmem>>
        %dma_start3A_346 = tpu.memref_squeeze %dma_start3A_345 : memref<1x128x32xbf16, #tpu.memory_space<vmem>> -> memref<128x32xbf16, #tpu.memory_space<vmem>>
        %dma_start3A_347 = arith.constant 0 : i32
        %dma_start3A_348 = tpu.memref_slice %arg7[%dma_start3A, %dma_start3A_347] : memref<4x128xi32, #tpu.memory_space<vmem>> -> memref<1x128xi32, #tpu.memory_space<vmem>>
        %dma_start3A_349 = tpu.memref_squeeze %dma_start3A_348 : memref<1x128xi32, #tpu.memory_space<vmem>> -> memref<128xi32, #tpu.memory_space<vmem>>
        %dma_start3A_350 = arith.constant 0 : i32
        %dma_start3A_351 = arith.constant 0 : i32
        %dma_start3A_352 = tpu.memref_slice %arg3[%dma_start3A_350, %dma_start3A_351] : memref<131072x32xbf16, #tpu.memory_space<hbm>> -> memref<131072x32xbf16, #tpu.memory_space<hbm>>
        tpu.enqueue_indirect_dma source(%dma_start3A_352 : memref<131072x32xbf16, #tpu.memory_space<hbm>>) target(%dma_start3A_346 : memref<128x32xbf16, #tpu.memory_space<vmem>>) offsets(%dma_start3A_349 : memref<128xi32, #tpu.memory_space<vmem>>) semaphore(%arg14 : memref<!tpu.dma_semaphore, #tpu.memory_space<semaphore_mem>>)
        %dma_start3A_353 = arith.constant 1 : i32
        %dma_start3A_354 = arith.constant 1 : i32
        %dma_start3A_355 = arith.constant 0 : i32
        %dma_start3A_356 = arith.constant 0 : i32
        %dma_start3A_357 = tpu.memref_slice %arg11[%dma_start3A_354, %dma_start3A_355, %dma_start3A_356] : memref<4x128x32xbf16, #tpu.memory_space<vmem>> -> memref<1x128x32xbf16, #tpu.memory_space<vmem>>
        %dma_start3A_358 = tpu.memref_squeeze %dma_start3A_357 : memref<1x128x32xbf16, #tpu.memory_space<vmem>> -> memref<128x32xbf16, #tpu.memory_space<vmem>>
        %dma_start3A_359 = arith.constant 0 : i32
        %dma_start3A_360 = tpu.memref_slice %arg7[%dma_start3A_353, %dma_start3A_359] : memref<4x128xi32, #tpu.memory_space<vmem>> -> memref<1x128xi32, #tpu.memory_space<vmem>>
        %dma_start3A_361 = tpu.memref_squeeze %dma_start3A_360 : memref<1x128xi32, #tpu.memory_space<vmem>> -> memref<128xi32, #tpu.memory_space<vmem>>
        %dma_start3A_362 = arith.constant 0 : i32
        %dma_start3A_363 = arith.constant 0 : i32
        %dma_start3A_364 = tpu.memref_slice %arg3[%dma_start3A_362, %dma_start3A_363] : memref<131072x32xbf16, #tpu.memory_space<hbm>> -> memref<131072x32xbf16, #tpu.memory_space<hbm>>
        tpu.enqueue_indirect_dma source(%dma_start3A_364 : memref<131072x32xbf16, #tpu.memory_space<hbm>>) target(%dma_start3A_358 : memref<128x32xbf16, #tpu.memory_space<vmem>>) offsets(%dma_start3A_361 : memref<128xi32, #tpu.memory_space<vmem>>) semaphore(%arg14 : memref<!tpu.dma_semaphore, #tpu.memory_space<semaphore_mem>>)
        %dma_start3A_365 = arith.constant 2 : i32
        %dma_start3A_366 = arith.constant 2 : i32
        %dma_start3A_367 = arith.constant 0 : i32
        %dma_start3A_368 = arith.constant 0 : i32
        %dma_start3A_369 = tpu.memref_slice %arg11[%dma_start3A_366, %dma_start3A_367, %dma_start3A_368] : memref<4x128x32xbf16, #tpu.memory_space<vmem>> -> memref<1x128x32xbf16, #tpu.memory_space<vmem>>
        %dma_start3A_370 = tpu.memref_squeeze %dma_start3A_369 : memref<1x128x32xbf16, #tpu.memory_space<vmem>> -> memref<128x32xbf16, #tpu.memory_space<vmem>>
        %dma_start3A_371 = arith.constant 0 : i32
        %dma_start3A_372 = tpu.memref_slice %arg7[%dma_start3A_365, %dma_start3A_371] : memref<4x128xi32, #tpu.memory_space<vmem>> -> memref<1x128xi32, #tpu.memory_space<vmem>>
        %dma_start3A_373 = tpu.memref_squeeze %dma_start3A_372 : memref<1x128xi32, #tpu.memory_space<vmem>> -> memref<128xi32, #tpu.memory_space<vmem>>
        %dma_start3A_374 = arith.constant 0 : i32
        %dma_start3A_375 = arith.constant 0 : i32
        %dma_start3A_376 = tpu.memref_slice %arg3[%dma_start3A_374, %dma_start3A_375] : memref<131072x32xbf16, #tpu.memory_space<hbm>> -> memref<131072x32xbf16, #tpu.memory_space<hbm>>
        tpu.enqueue_indirect_dma source(%dma_start3A_376 : memref<131072x32xbf16, #tpu.memory_space<hbm>>) target(%dma_start3A_370 : memref<128x32xbf16, #tpu.memory_space<vmem>>) offsets(%dma_start3A_373 : memref<128xi32, #tpu.memory_space<vmem>>) semaphore(%arg14 : memref<!tpu.dma_semaphore, #tpu.memory_space<semaphore_mem>>)
        %dma_start3A_377 = arith.constant 3 : i32
        %dma_start3A_378 = arith.constant 3 : i32
        %dma_start3A_379 = arith.constant 0 : i32
        %dma_start3A_380 = arith.constant 0 : i32
        %dma_start3A_381 = tpu.memref_slice %arg11[%dma_start3A_378, %dma_start3A_379, %dma_start3A_380] : memref<4x128x32xbf16, #tpu.memory_space<vmem>> -> memref<1x128x32xbf16, #tpu.memory_space<vmem>>
        %dma_start3A_382 = tpu.memref_squeeze %dma_start3A_381 : memref<1x128x32xbf16, #tpu.memory_space<vmem>> -> memref<128x32xbf16, #tpu.memory_space<vmem>>
        %dma_start3A_383 = arith.constant 0 : i32
        %dma_start3A_384 = tpu.memref_slice %arg7[%dma_start3A_377, %dma_start3A_383] : memref<4x128xi32, #tpu.memory_space<vmem>> -> memref<1x128xi32, #tpu.memory_space<vmem>>
        %dma_start3A_385 = tpu.memref_squeeze %dma_start3A_384 : memref<1x128xi32, #tpu.memory_space<vmem>> -> memref<128xi32, #tpu.memory_space<vmem>>
        %dma_start3A_386 = arith.constant 0 : i32
        %dma_start3A_387 = arith.constant 0 : i32
        %dma_start3A_388 = tpu.memref_slice %arg3[%dma_start3A_386, %dma_start3A_387] : memref<131072x32xbf16, #tpu.memory_space<hbm>> -> memref<131072x32xbf16, #tpu.memory_space<hbm>>
        tpu.enqueue_indirect_dma source(%dma_start3A_388 : memref<131072x32xbf16, #tpu.memory_space<hbm>>) target(%dma_start3A_382 : memref<128x32xbf16, #tpu.memory_space<vmem>>) offsets(%dma_start3A_385 : memref<128xi32, #tpu.memory_space<vmem>>) semaphore(%arg14 : memref<!tpu.dma_semaphore, #tpu.memory_space<semaphore_mem>>)
        %parallel_loop3A_389 = arith.constant 0 : i32
        %parallel_loop3A_390 = arith.constant 128 : i32
        %parallel_loop3A_391 = arith.constant 1 : i32
        scf.for %parallel_loop3A_408 = %parallel_loop3A_389 to %parallel_loop3A_390 step %parallel_loop3A_391  : i32 {
          %parallel_loop3A_409 = arith.constant 0.000000e+00 : f32
          %parallel_loop3A_410 = vector.broadcast %parallel_loop3A_409 : f32 to vector<16xf32>
          %parallel_loop3A_411 = arith.index_cast %parallel_loop3A_408 : i32 to index
          %parallel_loop3A_412 = arith.constant 0 : index
          %parallel_loop3A_413 = tpu.vector_load %arg13[%parallel_loop3A_411, %parallel_loop3A_412] {strides = array<i32>} : memref<128x32xf32, #tpu.memory_space<vmem>>, vector<16xf32>,
          tpu.vector_store %arg13[%parallel_loop3A_411, %parallel_loop3A_412], %parallel_loop3A_410 {strides = array<i32>} : memref<128x32xf32, #tpu.memory_space<vmem>>, vector<16xf32>,
          %parallel_loop3A_414 = arith.index_cast %parallel_loop3A_408 : i32 to index
          %parallel_loop3A_415 = arith.constant 16 : index
          %parallel_loop3A_416 = tpu.vector_load %arg13[%parallel_loop3A_414, %parallel_loop3A_415] {strides = array<i32>} : memref<128x32xf32, #tpu.memory_space<vmem>>, vector<16xf32>,
          tpu.vector_store %arg13[%parallel_loop3A_414, %parallel_loop3A_415], %parallel_loop3A_410 {strides = array<i32>} : memref<128x32xf32, #tpu.memory_space<vmem>>, vector<16xf32>,
        } {sc.loop_unroll_factor = 8 : i64, sc.parallel_access}
        %add3A_392 = arith.constant 2 : i32
        %add3A_393 = arith.addi %scan3A_332, %add3A_392 : i32
        %div3A_394 = arith.constant 2 : i32
        %div3A_395 = arith.divsi %add3A_393, %div3A_394 : i32
        %while3A = arith.constant 0 : i32
        %while3A_396 = arith.constant 0 : i32
        %while3A_397 = arith.subi %div3A_395, %while3A : i32
        %while3A_398 = arith.addi %while3A, %while3A_397 : i32
        %while3A_399 = arith.constant 1 : i32
        %while3A_400 = arith.divsi %while3A_397, %while3A_399 : i32
        %while3A_401 = arith.muli %while3A_400, %while3A_399 : i32
        %while3A_402 = arith.addi %while3A, %while3A_401 : i32
        %while3A_403 = arith.constant 1 : i32
        %while3A_404 = scf.for %while3A_408 = %while3A to %while3A_402 step %while3A_403 iter_args(%while3A_409 = %while3A_396) -> (i32)  : i32 {
          %mul3A_410 = arith.constant 2 : i32
          %mul3A_411 = arith.muli %while3A_408, %mul3A_410 : i32
          %add3A_412 = arith.constant 1 : i32
          %add3A_413 = arith.addi %mul3A_411, %add3A_412 : i32
          %le3A = arith.cmpi sle, %add3A_413, %scan3A_332 : i32
          %convert_element_type3A_414 = arith.extui %le3A : i1 to i32
          %cond3A = arith.constant 0 : i32
          %cond3A_415 = arith.cmpi ne, %convert_element_type3A_414, %cond3A : i32
          scf.if %cond3A_415 {
            %add3A_473 = arith.constant 1 : i32
            %add3A_474 = arith.addi %mul3A_411, %add3A_473 : i32
            %mul3A_475 = arith.constant 16 : i32
            %mul3A_476 = arith.muli %scan3A_322, %mul3A_475 : i32
            %add3A_477 = arith.addi %mul3A_476, %add3A_474 : i32
            %mul3A_478 = arith.constant 4096 : i32
            %mul3A_479 = arith.muli %add3A_477, %mul3A_478 : i32
            %parallel_loop3A_480 = arith.constant 0 : i32
            %parallel_loop3A_481 = arith.constant 8 : i32
            %parallel_loop3A_482 = arith.constant 1 : i32
            scf.for %parallel_loop3A_531 = %parallel_loop3A_480 to %parallel_loop3A_481 step %parallel_loop3A_482  : i32 {
              %parallel_loop3A_532 = arith.constant 16 : i32
              %parallel_loop3A_533 = arith.muli %parallel_loop3A_531, %parallel_loop3A_532 : i32
              %parallel_loop3A_534 = arith.constant 0 : i32
              %parallel_loop3A_535 = arith.index_cast %scan3A_322 : i32 to index
              %parallel_loop3A_536 = arith.index_cast %scan3A_332 : i32 to index
              %parallel_loop3A_537 = arith.index_cast %parallel_loop3A_534 : i32 to index
              %parallel_loop3A_538 = arith.index_cast %parallel_loop3A_533 : i32 to index
              %parallel_loop3A_539 = tpu.vector_load %arg5[%parallel_loop3A_535, %parallel_loop3A_536, %parallel_loop3A_537, %parallel_loop3A_538] {strides = array<i32>} : memref<2x16x2x128xf32, #tpu.memory_space<vmem>>, vector<16xf32>,
              %parallel_loop3A_540 = arith.constant 0 : i32
              %parallel_loop3A_541 = arith.index_cast %scan3A_322 : i32 to index
              %parallel_loop3A_542 = arith.index_cast %add3A_474 : i32 to index
              %parallel_loop3A_543 = arith.index_cast %parallel_loop3A_540 : i32 to index
              %parallel_loop3A_544 = arith.index_cast %parallel_loop3A_533 : i32 to index
              %parallel_loop3A_545 = tpu.vector_load %arg5[%parallel_loop3A_541, %parallel_loop3A_542, %parallel_loop3A_543, %parallel_loop3A_544] {strides = array<i32>} : memref<2x16x2x128xf32, #tpu.memory_space<vmem>>, vector<16xf32>,
              %parallel_loop3A_546 = arith.subf %parallel_loop3A_539, %parallel_loop3A_545 : vector<16xf32>
              %parallel_loop3A_547 = arith.constant 1 : i32
              %parallel_loop3A_548 = arith.index_cast %scan3A_322 : i32 to index
              %parallel_loop3A_549 = arith.index_cast %scan3A_332 : i32 to index
              %parallel_loop3A_550 = arith.index_cast %parallel_loop3A_547 : i32 to index
              %parallel_loop3A_551 = arith.index_cast %parallel_loop3A_533 : i32 to index
              %parallel_loop3A_552 = tpu.vector_load %arg5[%parallel_loop3A_548, %parallel_loop3A_549, %parallel_loop3A_550, %parallel_loop3A_551] {strides = array<i32>} : memref<2x16x2x128xf32, #tpu.memory_space<vmem>>, vector<16xf32>,
              %parallel_loop3A_553 = arith.constant 1 : i32
              %parallel_loop3A_554 = arith.index_cast %scan3A_322 : i32 to index
              %parallel_loop3A_555 = arith.index_cast %add3A_474 : i32 to index
              %parallel_loop3A_556 = arith.index_cast %parallel_loop3A_553 : i32 to index
              %parallel_loop3A_557 = arith.index_cast %parallel_loop3A_533 : i32 to index
              %parallel_loop3A_558 = tpu.vector_load %arg5[%parallel_loop3A_554, %parallel_loop3A_555, %parallel_loop3A_556, %parallel_loop3A_557] {strides = array<i32>} : memref<2x16x2x128xf32, #tpu.memory_space<vmem>>, vector<16xf32>,
              %parallel_loop3A_559 = arith.subf %parallel_loop3A_552, %parallel_loop3A_558 : vector<16xf32>
              %parallel_loop3A_560 = arith.constant 0 : i32
              %parallel_loop3A_561 = arith.index_cast %parallel_loop3A_560 : i32 to index
              %parallel_loop3A_562 = arith.index_cast %parallel_loop3A_533 : i32 to index
              %parallel_loop3A_563 = tpu.vector_load %arg6[%parallel_loop3A_561, %parallel_loop3A_562] {strides = array<i32>} : memref<2x128xf32, #tpu.memory_space<vmem>>, vector<16xf32>,
              %parallel_loop3A_564 = arith.addf %parallel_loop3A_563, %parallel_loop3A_546 : vector<16xf32>
              %parallel_loop3A_565 = arith.constant 1.000000e+00 : f32
              %parallel_loop3A_566 = vector.broadcast %parallel_loop3A_565 : f32 to vector<16xf32>
              %parallel_loop3A_567 = arith.addf %parallel_loop3A_564, %parallel_loop3A_566 : vector<16xf32>
              %parallel_loop3A_568 = arith.constant 2.000000e+00 : f32
              %parallel_loop3A_569 = vector.broadcast %parallel_loop3A_568 : f32 to vector<16xf32>
              %parallel_loop3A_570 = arith.remf %parallel_loop3A_567, %parallel_loop3A_569 : vector<16xf32>
              %parallel_loop3A_571 = arith.constant 0.000000e+00 : f32
              %parallel_loop3A_572 = vector.broadcast %parallel_loop3A_571 : f32 to vector<16xf32>
              %parallel_loop3A_573 = arith.cmpf olt, %parallel_loop3A_570, %parallel_loop3A_572 : vector<16xf32>
              %parallel_loop3A_574 = arith.constant 2.000000e+00 : f32
              %parallel_loop3A_575 = vector.broadcast %parallel_loop3A_574 : f32 to vector<16xf32>
              %parallel_loop3A_576 = arith.addf %parallel_loop3A_570, %parallel_loop3A_575 : vector<16xf32>
              %parallel_loop3A_577 = arith.select %parallel_loop3A_573, %parallel_loop3A_576, %parallel_loop3A_570 : vector<16xi1>, vector<16xf32>
              %parallel_loop3A_578 = arith.constant 1.000000e+00 : f32
              %parallel_loop3A_579 = vector.broadcast %parallel_loop3A_578 : f32 to vector<16xf32>
              %parallel_loop3A_580 = arith.subf %parallel_loop3A_577, %parallel_loop3A_579 : vector<16xf32>
              %parallel_loop3A_581 = arith.constant 1.000000e+00 : f32
              %parallel_loop3A_582 = vector.broadcast %parallel_loop3A_581 : f32 to vector<16xf32>
              %parallel_loop3A_583 = arith.addf %parallel_loop3A_580, %parallel_loop3A_582 : vector<16xf32>
              %parallel_loop3A_584 = arith.constant 6.400000e+01 : f32
              %parallel_loop3A_585 = vector.broadcast %parallel_loop3A_584 : f32 to vector<16xf32>
              %parallel_loop3A_586 = arith.mulf %parallel_loop3A_583, %parallel_loop3A_585 : vector<16xf32>
              %parallel_loop3A_587 = arith.constant 1.000000e+00 : f32
              %parallel_loop3A_588 = vector.broadcast %parallel_loop3A_587 : f32 to vector<16xf32>
              %parallel_loop3A_589 = arith.subf %parallel_loop3A_586, %parallel_loop3A_588 : vector<16xf32>
              %parallel_loop3A_590 = arith.constant 5.000000e-01 : f32
              %parallel_loop3A_591 = vector.broadcast %parallel_loop3A_590 : f32 to vector<16xf32>
              %parallel_loop3A_592 = arith.mulf %parallel_loop3A_589, %parallel_loop3A_591 : vector<16xf32>
              %parallel_loop3A_593 = arith.fptosi %parallel_loop3A_592 : vector<16xf32> to vector<16xi32>
              %parallel_loop3A_594 = arith.constant 0.000000e+00 : f32
              %parallel_loop3A_595 = vector.broadcast %parallel_loop3A_594 : f32 to vector<16xf32>
              %parallel_loop3A_596 = arith.cmpf olt, %parallel_loop3A_592, %parallel_loop3A_595 : vector<16xf32>
              %parallel_loop3A_597 = arith.constant -1 : i32
              %parallel_loop3A_598 = vector.broadcast %parallel_loop3A_597 : i32 to vector<16xi32>
              %parallel_loop3A_599 = arith.select %parallel_loop3A_596, %parallel_loop3A_598, %parallel_loop3A_593 : vector<16xi1>, vector<16xi32>
              %parallel_loop3A_600 = arith.sitofp %parallel_loop3A_599 : vector<16xi32> to vector<16xf32>
              %parallel_loop3A_601 = arith.subf %parallel_loop3A_592, %parallel_loop3A_600 : vector<16xf32>
              %parallel_loop3A_602 = arith.constant 1.000000e+00 : f32
              %parallel_loop3A_603 = vector.broadcast %parallel_loop3A_602 : f32 to vector<16xf32>
              %parallel_loop3A_604 = arith.subf %parallel_loop3A_603, %parallel_loop3A_601 : vector<16xf32>
              %parallel_loop3A_605 = arith.constant 1 : i32
              %parallel_loop3A_606 = arith.index_cast %parallel_loop3A_605 : i32 to index
              %parallel_loop3A_607 = arith.index_cast %parallel_loop3A_533 : i32 to index
              %parallel_loop3A_608 = tpu.vector_load %arg6[%parallel_loop3A_606, %parallel_loop3A_607] {strides = array<i32>} : memref<2x128xf32, #tpu.memory_space<vmem>>, vector<16xf32>,
              %parallel_loop3A_609 = arith.addf %parallel_loop3A_608, %parallel_loop3A_559 : vector<16xf32>
              %parallel_loop3A_610 = arith.constant 1.000000e+00 : f32
              %parallel_loop3A_611 = vector.broadcast %parallel_loop3A_610 : f32 to vector<16xf32>
              %parallel_loop3A_612 = arith.addf %parallel_loop3A_609, %parallel_loop3A_611 : vector<16xf32>
              %parallel_loop3A_613 = arith.constant 6.400000e+01 : f32
              %parallel_loop3A_614 = vector.broadcast %parallel_loop3A_613 : f32 to vector<16xf32>
              %parallel_loop3A_615 = arith.mulf %parallel_loop3A_612, %parallel_loop3A_614 : vector<16xf32>
              %parallel_loop3A_616 = arith.constant 1.000000e+00 : f32
              %parallel_loop3A_617 = vector.broadcast %parallel_loop3A_616 : f32 to vector<16xf32>
              %parallel_loop3A_618 = arith.subf %parallel_loop3A_615, %parallel_loop3A_617 : vector<16xf32>
              %parallel_loop3A_619 = arith.constant 5.000000e-01 : f32
              %parallel_loop3A_620 = vector.broadcast %parallel_loop3A_619 : f32 to vector<16xf32>
              %parallel_loop3A_621 = arith.mulf %parallel_loop3A_618, %parallel_loop3A_620 : vector<16xf32>
              %parallel_loop3A_622 = arith.constant -4.000000e+00 : f32
              %parallel_loop3A_623 = vector.broadcast %parallel_loop3A_622 : f32 to vector<16xf32>
              %parallel_loop3A_624 = arith.maximumf %parallel_loop3A_621, %parallel_loop3A_623 : vector<16xf32>
              %parallel_loop3A_625 = arith.constant 6.800000e+01 : f32
              %parallel_loop3A_626 = vector.broadcast %parallel_loop3A_625 : f32 to vector<16xf32>
              %parallel_loop3A_627 = arith.minimumf %parallel_loop3A_624, %parallel_loop3A_626 : vector<16xf32>
              %parallel_loop3A_628 = arith.fptosi %parallel_loop3A_627 : vector<16xf32> to vector<16xi32>
              %parallel_loop3A_629 = arith.sitofp %parallel_loop3A_628 : vector<16xi32> to vector<16xf32>
              %parallel_loop3A_630 = arith.cmpf ogt, %parallel_loop3A_629, %parallel_loop3A_627 : vector<16xf32>
              %parallel_loop3A_631 = arith.constant 1 : i32
              %parallel_loop3A_632 = vector.broadcast %parallel_loop3A_631 : i32 to vector<16xi32>
              %parallel_loop3A_633 = arith.subi %parallel_loop3A_628, %parallel_loop3A_632 : vector<16xi32>
              %parallel_loop3A_634 = arith.select %parallel_loop3A_630, %parallel_loop3A_633, %parallel_loop3A_628 : vector<16xi1>, vector<16xi32>
              %parallel_loop3A_635 = arith.sitofp %parallel_loop3A_634 : vector<16xi32> to vector<16xf32>
              %parallel_loop3A_636 = arith.subf %parallel_loop3A_627, %parallel_loop3A_635 : vector<16xf32>
              %parallel_loop3A_637 = arith.constant 1.000000e+00 : f32
              %parallel_loop3A_638 = vector.broadcast %parallel_loop3A_637 : f32 to vector<16xf32>
              %parallel_loop3A_639 = arith.subf %parallel_loop3A_638, %parallel_loop3A_636 : vector<16xf32>
              %parallel_loop3A_640 = arith.constant 0 : i32
              %parallel_loop3A_641 = vector.broadcast %parallel_loop3A_640 : i32 to vector<16xi32>
              %parallel_loop3A_642 = arith.maxsi %parallel_loop3A_599, %parallel_loop3A_641 : vector<16xi32>
              %parallel_loop3A_643 = arith.constant 0 : i32
              %parallel_loop3A_644 = vector.broadcast %parallel_loop3A_643 : i32 to vector<16xi32>
              %parallel_loop3A_645 = arith.cmpi slt, %parallel_loop3A_599, %parallel_loop3A_644 : vector<16xi32>
              %parallel_loop3A_646 = arith.select %parallel_loop3A_645, %parallel_loop3A_601, %parallel_loop3A_604 : vector<16xi1>, vector<16xf32>
              %parallel_loop3A_647 = arith.constant 0 : i32
              %parallel_loop3A_648 = vector.broadcast %parallel_loop3A_647 : i32 to vector<16xi32>
              %parallel_loop3A_649 = arith.cmpi slt, %parallel_loop3A_599, %parallel_loop3A_648 : vector<16xi32>
              %parallel_loop3A_650 = arith.constant 63 : i32
              %parallel_loop3A_651 = vector.broadcast %parallel_loop3A_650 : i32 to vector<16xi32>
              %parallel_loop3A_652 = arith.cmpi sge, %parallel_loop3A_599, %parallel_loop3A_651 : vector<16xi32>
              %parallel_loop3A_653 = arith.ori %parallel_loop3A_649, %parallel_loop3A_652 : vector<16xi1>
              %parallel_loop3A_654 = arith.constant 0.000000e+00 : f32
              %parallel_loop3A_655 = vector.broadcast %parallel_loop3A_654 : f32 to vector<16xf32>
              %parallel_loop3A_656 = arith.select %parallel_loop3A_653, %parallel_loop3A_655, %parallel_loop3A_601 : vector<16xi1>, vector<16xf32>
              %parallel_loop3A_657 = arith.constant 63 : i32
              %parallel_loop3A_658 = vector.broadcast %parallel_loop3A_657 : i32 to vector<16xi32>
              %parallel_loop3A_659 = arith.cmpi sge, %parallel_loop3A_642, %parallel_loop3A_658 : vector<16xi32>
              %parallel_loop3A_660 = arith.constant 0 : i32
              %parallel_loop3A_661 = arith.constant 1 : i32
              %parallel_loop3A_662 = vector.broadcast %parallel_loop3A_660 : i32 to vector<16xi32>
              %parallel_loop3A_663 = vector.broadcast %parallel_loop3A_661 : i32 to vector<16xi32>
              %parallel_loop3A_664 = arith.select %parallel_loop3A_659, %parallel_loop3A_662, %parallel_loop3A_663 : vector<16xi1>, vector<16xi32>
              %parallel_loop3A_665 = arith.constant 0 : i32
              %parallel_loop3A_666 = vector.broadcast %parallel_loop3A_665 : i32 to vector<16xi32>
              %parallel_loop3A_667 = arith.addi %parallel_loop3A_634, %parallel_loop3A_666 : vector<16xi32>
              %parallel_loop3A_668 = arith.constant 0 : i32
              %parallel_loop3A_669 = vector.broadcast %parallel_loop3A_668 : i32 to vector<16xi32>
              %parallel_loop3A_670 = arith.cmpi sge, %parallel_loop3A_667, %parallel_loop3A_669 : vector<16xi32>
              %parallel_loop3A_671 = arith.constant 63 : i32
              %parallel_loop3A_672 = vector.broadcast %parallel_loop3A_671 : i32 to vector<16xi32>
              %parallel_loop3A_673 = arith.cmpi sle, %parallel_loop3A_667, %parallel_loop3A_672 : vector<16xi32>
              %parallel_loop3A_674 = arith.andi %parallel_loop3A_670, %parallel_loop3A_673 : vector<16xi1>
              %parallel_loop3A_675 = arith.constant 0 : i32
              %parallel_loop3A_676 = arith.constant 63 : i32
              %parallel_loop3A_677 = vector.broadcast %parallel_loop3A_675 : i32 to vector<16xi32>
              %parallel_loop3A_678 = arith.maxsi %parallel_loop3A_677, %parallel_loop3A_667 : vector<16xi32>
              %parallel_loop3A_679 = vector.broadcast %parallel_loop3A_676 : i32 to vector<16xi32>
              %parallel_loop3A_680 = arith.minsi %parallel_loop3A_679, %parallel_loop3A_678 : vector<16xi32>
              %parallel_loop3A_681 = arith.constant 0.000000e+00 : f32
              %parallel_loop3A_682 = vector.broadcast %parallel_loop3A_681 : f32 to vector<16xf32>
              %parallel_loop3A_683 = arith.select %parallel_loop3A_674, %parallel_loop3A_639, %parallel_loop3A_682 : vector<16xi1>, vector<16xf32>
              %parallel_loop3A_684 = arith.constant 64 : i32
              %parallel_loop3A_685 = vector.broadcast %parallel_loop3A_684 : i32 to vector<16xi32>
              %parallel_loop3A_686 = arith.muli %parallel_loop3A_680, %parallel_loop3A_685 : vector<16xi32>
              %parallel_loop3A_687 = vector.broadcast %mul3A_479 : i32 to vector<16xi32>
              %parallel_loop3A_688 = arith.addi %parallel_loop3A_687, %parallel_loop3A_686 : vector<16xi32>
              %parallel_loop3A_689 = arith.addi %parallel_loop3A_688, %parallel_loop3A_642 : vector<16xi32>
              %parallel_loop3A_690 = arith.constant 0 : i32
              %parallel_loop3A_691 = arith.index_cast %parallel_loop3A_690 : i32 to index
              %parallel_loop3A_692 = arith.index_cast %parallel_loop3A_533 : i32 to index
              %parallel_loop3A_693 = tpu.vector_load %arg8[%parallel_loop3A_691, %parallel_loop3A_692] {strides = array<i32>} : memref<4x128xi32, #tpu.memory_space<vmem>>, vector<16xi32>,
              tpu.vector_store %arg8[%parallel_loop3A_691, %parallel_loop3A_692], %parallel_loop3A_689 {strides = array<i32>} : memref<4x128xi32, #tpu.memory_space<vmem>>, vector<16xi32>,
              %parallel_loop3A_694 = arith.addi %parallel_loop3A_689, %parallel_loop3A_664 : vector<16xi32>
              %parallel_loop3A_695 = arith.constant 2 : i32
              %parallel_loop3A_696 = arith.index_cast %parallel_loop3A_695 : i32 to index
              %parallel_loop3A_697 = arith.index_cast %parallel_loop3A_533 : i32 to index
              %parallel_loop3A_698 = tpu.vector_load %arg8[%parallel_loop3A_696, %parallel_loop3A_697] {strides = array<i32>} : memref<4x128xi32, #tpu.memory_space<vmem>>, vector<16xi32>,
              tpu.vector_store %arg8[%parallel_loop3A_696, %parallel_loop3A_697], %parallel_loop3A_694 {strides = array<i32>} : memref<4x128xi32, #tpu.memory_space<vmem>>, vector<16xi32>,
              %parallel_loop3A_699 = arith.mulf %parallel_loop3A_683, %parallel_loop3A_646 : vector<16xf32>
              %parallel_loop3A_700 = arith.constant 16 : i32
              %parallel_loop3A_701 = arith.muli %parallel_loop3A_531, %parallel_loop3A_700 : i32
              %parallel_loop3A_702 = arith.constant 0 : i32
              %parallel_loop3A_703 = arith.addi %parallel_loop3A_702, %parallel_loop3A_701 : i32
              %parallel_loop3A_704 = arith.index_cast %parallel_loop3A_703 : i32 to index
              %parallel_loop3A_705 = tpu.vector_load %arg10[%parallel_loop3A_704] {strides = array<i32>} : memref<528xf32, #tpu.memory_space<vmem>>, vector<16xf32>,
              tpu.vector_store %arg10[%parallel_loop3A_704], %parallel_loop3A_699 {strides = array<i32>} : memref<528xf32, #tpu.memory_space<vmem>>, vector<16xf32>,
              %parallel_loop3A_706 = arith.mulf %parallel_loop3A_683, %parallel_loop3A_656 : vector<16xf32>
              %parallel_loop3A_707 = arith.constant 16 : i32
              %parallel_loop3A_708 = arith.muli %parallel_loop3A_531, %parallel_loop3A_707 : i32
              %parallel_loop3A_709 = arith.constant 128 : i32
              %parallel_loop3A_710 = arith.addi %parallel_loop3A_709, %parallel_loop3A_708 : i32
              %parallel_loop3A_711 = arith.index_cast %parallel_loop3A_710 : i32 to index
              %parallel_loop3A_712 = tpu.vector_load %arg10[%parallel_loop3A_711] {strides = array<i32>} : memref<528xf32, #tpu.memory_space<vmem>>, vector<16xf32>,
              tpu.vector_store %arg10[%parallel_loop3A_711], %parallel_loop3A_706 {strides = array<i32>} : memref<528xf32, #tpu.memory_space<vmem>>, vector<16xf32>,
              %parallel_loop3A_713 = arith.constant 1 : i32
              %parallel_loop3A_714 = vector.broadcast %parallel_loop3A_713 : i32 to vector<16xi32>
              %parallel_loop3A_715 = arith.addi %parallel_loop3A_634, %parallel_loop3A_714 : vector<16xi32>
              %parallel_loop3A_716 = arith.constant 0 : i32
              %parallel_loop3A_717 = vector.broadcast %parallel_loop3A_716 : i32 to vector<16xi32>
              %parallel_loop3A_718 = arith.cmpi sge, %parallel_loop3A_715, %parallel_loop3A_717 : vector<16xi32>
              %parallel_loop3A_719 = arith.constant 63 : i32
              %parallel_loop3A_720 = vector.broadcast %parallel_loop3A_719 : i32 to vector<16xi32>
              %parallel_loop3A_721 = arith.cmpi sle, %parallel_loop3A_715, %parallel_loop3A_720 : vector<16xi32>
              %parallel_loop3A_722 = arith.andi %parallel_loop3A_718, %parallel_loop3A_721 : vector<16xi1>
              %parallel_loop3A_723 = arith.constant 0 : i32
              %parallel_loop3A_724 = arith.constant 63 : i32
              %parallel_loop3A_725 = vector.broadcast %parallel_loop3A_723 : i32 to vector<16xi32>
              %parallel_loop3A_726 = arith.maxsi %parallel_loop3A_725, %parallel_loop3A_715 : vector<16xi32>
              %parallel_loop3A_727 = vector.broadcast %parallel_loop3A_724 : i32 to vector<16xi32>
              %parallel_loop3A_728 = arith.minsi %parallel_loop3A_727, %parallel_loop3A_726 : vector<16xi32>
              %parallel_loop3A_729 = arith.constant 0.000000e+00 : f32
              %parallel_loop3A_730 = vector.broadcast %parallel_loop3A_729 : f32 to vector<16xf32>
              %parallel_loop3A_731 = arith.select %parallel_loop3A_722, %parallel_loop3A_636, %parallel_loop3A_730 : vector<16xi1>, vector<16xf32>
              %parallel_loop3A_732 = arith.constant 64 : i32
              %parallel_loop3A_733 = vector.broadcast %parallel_loop3A_732 : i32 to vector<16xi32>
              %parallel_loop3A_734 = arith.muli %parallel_loop3A_728, %parallel_loop3A_733 : vector<16xi32>
              %parallel_loop3A_735 = vector.broadcast %mul3A_479 : i32 to vector<16xi32>
              %parallel_loop3A_736 = arith.addi %parallel_loop3A_735, %parallel_loop3A_734 : vector<16xi32>
              %parallel_loop3A_737 = arith.addi %parallel_loop3A_736, %parallel_loop3A_642 : vector<16xi32>
              %parallel_loop3A_738 = arith.constant 1 : i32
              %parallel_loop3A_739 = arith.index_cast %parallel_loop3A_738 : i32 to index
              %parallel_loop3A_740 = arith.index_cast %parallel_loop3A_533 : i32 to index
              %parallel_loop3A_741 = tpu.vector_load %arg8[%parallel_loop3A_739, %parallel_loop3A_740] {strides = array<i32>} : memref<4x128xi32, #tpu.memory_space<vmem>>, vector<16xi32>,
              tpu.vector_store %arg8[%parallel_loop3A_739, %parallel_loop3A_740], %parallel_loop3A_737 {strides = array<i32>} : memref<4x128xi32, #tpu.memory_space<vmem>>, vector<16xi32>,
              %parallel_loop3A_742 = arith.addi %parallel_loop3A_737, %parallel_loop3A_664 : vector<16xi32>
              %parallel_loop3A_743 = arith.constant 3 : i32
              %parallel_loop3A_744 = arith.index_cast %parallel_loop3A_743 : i32 to index
              %parallel_loop3A_745 = arith.index_cast %parallel_loop3A_533 : i32 to index
              %parallel_loop3A_746 = tpu.vector_load %arg8[%parallel_loop3A_744, %parallel_loop3A_745] {strides = array<i32>} : memref<4x128xi32, #tpu.memory_space<vmem>>, vector<16xi32>,
              tpu.vector_store %arg8[%parallel_loop3A_744, %parallel_loop3A_745], %parallel_loop3A_742 {strides = array<i32>} : memref<4x128xi32, #tpu.memory_space<vmem>>, vector<16xi32>,
              %parallel_loop3A_747 = arith.mulf %parallel_loop3A_731, %parallel_loop3A_646 : vector<16xf32>
              %parallel_loop3A_748 = arith.constant 16 : i32
              %parallel_loop3A_749 = arith.muli %parallel_loop3A_531, %parallel_loop3A_748 : i32
              %parallel_loop3A_750 = arith.constant 256 : i32
              %parallel_loop3A_751 = arith.addi %parallel_loop3A_750, %parallel_loop3A_749 : i32
              %parallel_loop3A_752 = arith.index_cast %parallel_loop3A_751 : i32 to index
              %parallel_loop3A_753 = tpu.vector_load %arg10[%parallel_loop3A_752] {strides = array<i32>} : memref<528xf32, #tpu.memory_space<vmem>>, vector<16xf32>,
              tpu.vector_store %arg10[%parallel_loop3A_752], %parallel_loop3A_747 {strides = array<i32>} : memref<528xf32, #tpu.memory_space<vmem>>, vector<16xf32>,
              %parallel_loop3A_754 = arith.mulf %parallel_loop3A_731, %parallel_loop3A_656 : vector<16xf32>
              %parallel_loop3A_755 = arith.constant 16 : i32
              %parallel_loop3A_756 = arith.muli %parallel_loop3A_531, %parallel_loop3A_755 : i32
              %parallel_loop3A_757 = arith.constant 384 : i32
              %parallel_loop3A_758 = arith.addi %parallel_loop3A_757, %parallel_loop3A_756 : i32
              %parallel_loop3A_759 = arith.index_cast %parallel_loop3A_758 : i32 to index
              %parallel_loop3A_760 = tpu.vector_load %arg10[%parallel_loop3A_759] {strides = array<i32>} : memref<528xf32, #tpu.memory_space<vmem>>, vector<16xf32>,
              tpu.vector_store %arg10[%parallel_loop3A_759], %parallel_loop3A_754 {strides = array<i32>} : memref<528xf32, #tpu.memory_space<vmem>>, vector<16xf32>,
            } {sc.loop_unroll_factor = 2 : i64, sc.parallel_access}
            %dma_start3A_483 = arith.constant 0 : i32
            %dma_start3A_484 = arith.constant 0 : i32
            %dma_start3A_485 = arith.constant 0 : i32
            %dma_start3A_486 = arith.constant 0 : i32
            %dma_start3A_487 = tpu.memref_slice %arg12[%dma_start3A_484, %dma_start3A_485, %dma_start3A_486] : memref<4x128x32xbf16, #tpu.memory_space<vmem>> -> memref<1x128x32xbf16, #tpu.memory_space<vmem>>
            %dma_start3A_488 = tpu.memref_squeeze %dma_start3A_487 : memref<1x128x32xbf16, #tpu.memory_space<vmem>> -> memref<128x32xbf16, #tpu.memory_space<vmem>>
            %dma_start3A_489 = arith.constant 0 : i32
            %dma_start3A_490 = tpu.memref_slice %arg8[%dma_start3A_483, %dma_start3A_489] : memref<4x128xi32, #tpu.memory_space<vmem>> -> memref<1x128xi32, #tpu.memory_space<vmem>>
            %dma_start3A_491 = tpu.memref_squeeze %dma_start3A_490 : memref<1x128xi32, #tpu.memory_space<vmem>> -> memref<128xi32, #tpu.memory_space<vmem>>
            %dma_start3A_492 = arith.constant 0 : i32
            %dma_start3A_493 = arith.constant 0 : i32
            %dma_start3A_494 = tpu.memref_slice %arg3[%dma_start3A_492, %dma_start3A_493] : memref<131072x32xbf16, #tpu.memory_space<hbm>> -> memref<131072x32xbf16, #tpu.memory_space<hbm>>
            tpu.enqueue_indirect_dma source(%dma_start3A_494 : memref<131072x32xbf16, #tpu.memory_space<hbm>>) target(%dma_start3A_488 : memref<128x32xbf16, #tpu.memory_space<vmem>>) offsets(%dma_start3A_491 : memref<128xi32, #tpu.memory_space<vmem>>) semaphore(%arg15 : memref<!tpu.dma_semaphore, #tpu.memory_space<semaphore_mem>>)
            %dma_start3A_495 = arith.constant 1 : i32
            %dma_start3A_496 = arith.constant 1 : i32
            %dma_start3A_497 = arith.constant 0 : i32
            %dma_start3A_498 = arith.constant 0 : i32
            %dma_start3A_499 = tpu.memref_slice %arg12[%dma_start3A_496, %dma_start3A_497, %dma_start3A_498] : memref<4x128x32xbf16, #tpu.memory_space<vmem>> -> memref<1x128x32xbf16, #tpu.memory_space<vmem>>
            %dma_start3A_500 = tpu.memref_squeeze %dma_start3A_499 : memref<1x128x32xbf16, #tpu.memory_space<vmem>> -> memref<128x32xbf16, #tpu.memory_space<vmem>>
            %dma_start3A_501 = arith.constant 0 : i32
            %dma_start3A_502 = tpu.memref_slice %arg8[%dma_start3A_495, %dma_start3A_501] : memref<4x128xi32, #tpu.memory_space<vmem>> -> memref<1x128xi32, #tpu.memory_space<vmem>>
            %dma_start3A_503 = tpu.memref_squeeze %dma_start3A_502 : memref<1x128xi32, #tpu.memory_space<vmem>> -> memref<128xi32, #tpu.memory_space<vmem>>
            %dma_start3A_504 = arith.constant 0 : i32
            %dma_start3A_505 = arith.constant 0 : i32
            %dma_start3A_506 = tpu.memref_slice %arg3[%dma_start3A_504, %dma_start3A_505] : memref<131072x32xbf16, #tpu.memory_space<hbm>> -> memref<131072x32xbf16, #tpu.memory_space<hbm>>
            tpu.enqueue_indirect_dma source(%dma_start3A_506 : memref<131072x32xbf16, #tpu.memory_space<hbm>>) target(%dma_start3A_500 : memref<128x32xbf16, #tpu.memory_space<vmem>>) offsets(%dma_start3A_503 : memref<128xi32, #tpu.memory_space<vmem>>) semaphore(%arg15 : memref<!tpu.dma_semaphore, #tpu.memory_space<semaphore_mem>>)
            %dma_start3A_507 = arith.constant 2 : i32
            %dma_start3A_508 = arith.constant 2 : i32
            %dma_start3A_509 = arith.constant 0 : i32
            %dma_start3A_510 = arith.constant 0 : i32
            %dma_start3A_511 = tpu.memref_slice %arg12[%dma_start3A_508, %dma_start3A_509, %dma_start3A_510] : memref<4x128x32xbf16, #tpu.memory_space<vmem>> -> memref<1x128x32xbf16, #tpu.memory_space<vmem>>
            %dma_start3A_512 = tpu.memref_squeeze %dma_start3A_511 : memref<1x128x32xbf16, #tpu.memory_space<vmem>> -> memref<128x32xbf16, #tpu.memory_space<vmem>>
            %dma_start3A_513 = arith.constant 0 : i32
            %dma_start3A_514 = tpu.memref_slice %arg8[%dma_start3A_507, %dma_start3A_513] : memref<4x128xi32, #tpu.memory_space<vmem>> -> memref<1x128xi32, #tpu.memory_space<vmem>>
            %dma_start3A_515 = tpu.memref_squeeze %dma_start3A_514 : memref<1x128xi32, #tpu.memory_space<vmem>> -> memref<128xi32, #tpu.memory_space<vmem>>
            %dma_start3A_516 = arith.constant 0 : i32
            %dma_start3A_517 = arith.constant 0 : i32
            %dma_start3A_518 = tpu.memref_slice %arg3[%dma_start3A_516, %dma_start3A_517] : memref<131072x32xbf16, #tpu.memory_space<hbm>> -> memref<131072x32xbf16, #tpu.memory_space<hbm>>
            tpu.enqueue_indirect_dma source(%dma_start3A_518 : memref<131072x32xbf16, #tpu.memory_space<hbm>>) target(%dma_start3A_512 : memref<128x32xbf16, #tpu.memory_space<vmem>>) offsets(%dma_start3A_515 : memref<128xi32, #tpu.memory_space<vmem>>) semaphore(%arg15 : memref<!tpu.dma_semaphore, #tpu.memory_space<semaphore_mem>>)
            %dma_start3A_519 = arith.constant 3 : i32
            %dma_start3A_520 = arith.constant 3 : i32
            %dma_start3A_521 = arith.constant 0 : i32
            %dma_start3A_522 = arith.constant 0 : i32
            %dma_start3A_523 = tpu.memref_slice %arg12[%dma_start3A_520, %dma_start3A_521, %dma_start3A_522] : memref<4x128x32xbf16, #tpu.memory_space<vmem>> -> memref<1x128x32xbf16, #tpu.memory_space<vmem>>
            %dma_start3A_524 = tpu.memref_squeeze %dma_start3A_523 : memref<1x128x32xbf16, #tpu.memory_space<vmem>> -> memref<128x32xbf16, #tpu.memory_space<vmem>>
            %dma_start3A_525 = arith.constant 0 : i32
            %dma_start3A_526 = tpu.memref_slice %arg8[%dma_start3A_519, %dma_start3A_525] : memref<4x128xi32, #tpu.memory_space<vmem>> -> memref<1x128xi32, #tpu.memory_space<vmem>>
            %dma_start3A_527 = tpu.memref_squeeze %dma_start3A_526 : memref<1x128xi32, #tpu.memory_space<vmem>> -> memref<128xi32, #tpu.memory_space<vmem>>
            %dma_start3A_528 = arith.constant 0 : i32
            %dma_start3A_529 = arith.constant 0 : i32
            %dma_start3A_530 = tpu.memref_slice %arg3[%dma_start3A_528, %dma_start3A_529] : memref<131072x32xbf16, #tpu.memory_space<hbm>> -> memref<131072x32xbf16, #tpu.memory_space<hbm>>
            tpu.enqueue_indirect_dma source(%dma_start3A_530 : memref<131072x32xbf16, #tpu.memory_space<hbm>>) target(%dma_start3A_524 : memref<128x32xbf16, #tpu.memory_space<vmem>>) offsets(%dma_start3A_527 : memref<128xi32, #tpu.memory_space<vmem>>) semaphore(%arg15 : memref<!tpu.dma_semaphore, #tpu.memory_space<semaphore_mem>>)
          } else {
          }
          %dma_wait3A = arith.constant 0 : i32
          %dma_wait3A_416 = arith.constant 0 : i32
          %dma_wait3A_417 = arith.constant 0 : i32
          %dma_wait3A_418 = arith.constant 0 : i32
          %dma_wait3A_419 = tpu.memref_slice %arg11[%dma_wait3A_416, %dma_wait3A_417, %dma_wait3A_418] : memref<4x128x32xbf16, #tpu.memory_space<vmem>> -> memref<1x128x32xbf16, #tpu.memory_space<vmem>>
          %dma_wait3A_420 = tpu.memref_squeeze %dma_wait3A_419 : memref<1x128x32xbf16, #tpu.memory_space<vmem>> -> memref<128x32xbf16, #tpu.memory_space<vmem>>
          %dma_wait3A_421 = arith.constant 0 : i32
          %dma_wait3A_422 = tpu.memref_slice %arg7[%dma_wait3A, %dma_wait3A_421] : memref<4x128xi32, #tpu.memory_space<vmem>> -> memref<1x128xi32, #tpu.memory_space<vmem>>
          %dma_wait3A_423 = tpu.memref_squeeze %dma_wait3A_422 : memref<1x128xi32, #tpu.memory_space<vmem>> -> memref<128xi32, #tpu.memory_space<vmem>>
          %dma_wait3A_424 = arith.constant 0 : i32
          %dma_wait3A_425 = arith.constant 0 : i32
          %dma_wait3A_426 = tpu.memref_slice %arg3[%dma_wait3A_424, %dma_wait3A_425] : memref<131072x32xbf16, #tpu.memory_space<hbm>> -> memref<131072x32xbf16, #tpu.memory_space<hbm>>
          tpu.wait_indirect_dma semaphore(%arg14 : memref<!tpu.dma_semaphore, #tpu.memory_space<semaphore_mem>>) src(%dma_wait3A_426 : memref<131072x32xbf16, #tpu.memory_space<hbm>>) dst(%dma_wait3A_420 : memref<128x32xbf16, #tpu.memory_space<vmem>>)
          %dma_wait3A_427 = arith.constant 1 : i32
          %dma_wait3A_428 = arith.constant 1 : i32
          %dma_wait3A_429 = arith.constant 0 : i32
          %dma_wait3A_430 = arith.constant 0 : i32
          %dma_wait3A_431 = tpu.memref_slice %arg11[%dma_wait3A_428, %dma_wait3A_429, %dma_wait3A_430] : memref<4x128x32xbf16, #tpu.memory_space<vmem>> -> memref<1x128x32xbf16, #tpu.memory_space<vmem>>
          %dma_wait3A_432 = tpu.memref_squeeze %dma_wait3A_431 : memref<1x128x32xbf16, #tpu.memory_space<vmem>> -> memref<128x32xbf16, #tpu.memory_space<vmem>>
          %dma_wait3A_433 = arith.constant 0 : i32
          %dma_wait3A_434 = tpu.memref_slice %arg7[%dma_wait3A_427, %dma_wait3A_433] : memref<4x128xi32, #tpu.memory_space<vmem>> -> memref<1x128xi32, #tpu.memory_space<vmem>>
          %dma_wait3A_435 = tpu.memref_squeeze %dma_wait3A_434 : memref<1x128xi32, #tpu.memory_space<vmem>> -> memref<128xi32, #tpu.memory_space<vmem>>
          %dma_wait3A_436 = arith.constant 0 : i32
          %dma_wait3A_437 = arith.constant 0 : i32
          %dma_wait3A_438 = tpu.memref_slice %arg3[%dma_wait3A_436, %dma_wait3A_437] : memref<131072x32xbf16, #tpu.memory_space<hbm>> -> memref<131072x32xbf16, #tpu.memory_space<hbm>>
          tpu.wait_indirect_dma semaphore(%arg14 : memref<!tpu.dma_semaphore, #tpu.memory_space<semaphore_mem>>) src(%dma_wait3A_438 : memref<131072x32xbf16, #tpu.memory_space<hbm>>) dst(%dma_wait3A_432 : memref<128x32xbf16, #tpu.memory_space<vmem>>)
          %dma_wait3A_439 = arith.constant 2 : i32
          %dma_wait3A_440 = arith.constant 2 : i32
          %dma_wait3A_441 = arith.constant 0 : i32
          %dma_wait3A_442 = arith.constant 0 : i32
          %dma_wait3A_443 = tpu.memref_slice %arg11[%dma_wait3A_440, %dma_wait3A_441, %dma_wait3A_442] : memref<4x128x32xbf16, #tpu.memory_space<vmem>> -> memref<1x128x32xbf16, #tpu.memory_space<vmem>>
          %dma_wait3A_444 = tpu.memref_squeeze %dma_wait3A_443 : memref<1x128x32xbf16, #tpu.memory_space<vmem>> -> memref<128x32xbf16, #tpu.memory_space<vmem>>
          %dma_wait3A_445 = arith.constant 0 : i32
          %dma_wait3A_446 = tpu.memref_slice %arg7[%dma_wait3A_439, %dma_wait3A_445] : memref<4x128xi32, #tpu.memory_space<vmem>> -> memref<1x128xi32, #tpu.memory_space<vmem>>
          %dma_wait3A_447 = tpu.memref_squeeze %dma_wait3A_446 : memref<1x128xi32, #tpu.memory_space<vmem>> -> memref<128xi32, #tpu.memory_space<vmem>>
          %dma_wait3A_448 = arith.constant 0 : i32
          %dma_wait3A_449 = arith.constant 0 : i32
          %dma_wait3A_450 = tpu.memref_slice %arg3[%dma_wait3A_448, %dma_wait3A_449] : memref<131072x32xbf16, #tpu.memory_space<hbm>> -> memref<131072x32xbf16, #tpu.memory_space<hbm>>
          tpu.wait_indirect_dma semaphore(%arg14 : memref<!tpu.dma_semaphore, #tpu.memory_space<semaphore_mem>>) src(%dma_wait3A_450 : memref<131072x32xbf16, #tpu.memory_space<hbm>>) dst(%dma_wait3A_444 : memref<128x32xbf16, #tpu.memory_space<vmem>>)
          %dma_wait3A_451 = arith.constant 3 : i32
          %dma_wait3A_452 = arith.constant 3 : i32
          %dma_wait3A_453 = arith.constant 0 : i32
          %dma_wait3A_454 = arith.constant 0 : i32
          %dma_wait3A_455 = tpu.memref_slice %arg11[%dma_wait3A_452, %dma_wait3A_453, %dma_wait3A_454] : memref<4x128x32xbf16, #tpu.memory_space<vmem>> -> memref<1x128x32xbf16, #tpu.memory_space<vmem>>
          %dma_wait3A_456 = tpu.memref_squeeze %dma_wait3A_455 : memref<1x128x32xbf16, #tpu.memory_space<vmem>> -> memref<128x32xbf16, #tpu.memory_space<vmem>>
          %dma_wait3A_457 = arith.constant 0 : i32
          %dma_wait3A_458 = tpu.memref_slice %arg7[%dma_wait3A_451, %dma_wait3A_457] : memref<4x128xi32, #tpu.memory_space<vmem>> -> memref<1x128xi32, #tpu.memory_space<vmem>>
          %dma_wait3A_459 = tpu.memref_squeeze %dma_wait3A_458 : memref<1x128xi32, #tpu.memory_space<vmem>> -> memref<128xi32, #tpu.memory_space<vmem>>
          %dma_wait3A_460 = arith.constant 0 : i32
          %dma_wait3A_461 = arith.constant 0 : i32
          %dma_wait3A_462 = tpu.memref_slice %arg3[%dma_wait3A_460, %dma_wait3A_461] : memref<131072x32xbf16, #tpu.memory_space<hbm>> -> memref<131072x32xbf16, #tpu.memory_space<hbm>>
          tpu.wait_indirect_dma semaphore(%arg14 : memref<!tpu.dma_semaphore, #tpu.memory_space<semaphore_mem>>) src(%dma_wait3A_462 : memref<131072x32xbf16, #tpu.memory_space<hbm>>) dst(%dma_wait3A_456 : memref<128x32xbf16, #tpu.memory_space<vmem>>)
          %parallel_loop3A_463 = arith.constant 0 : i32
          %parallel_loop3A_464 = arith.constant 128 : i32
          %parallel_loop3A_465 = arith.constant 1 : i32
          scf.for %parallel_loop3A_473 = %parallel_loop3A_463 to %parallel_loop3A_464 step %parallel_loop3A_465  : i32 {
            %parallel_loop3A_474 = arith.index_cast %parallel_loop3A_473 : i32 to index
            %parallel_loop3A_475 = arith.constant 0 : index
            %parallel_loop3A_476 = tpu.vector_load %arg13[%parallel_loop3A_474, %parallel_loop3A_475] {strides = array<i32>} : memref<128x32xf32, #tpu.memory_space<vmem>>, vector<16xf32>,
            %parallel_loop3A_477 = arith.index_cast %parallel_loop3A_473 : i32 to index
            %parallel_loop3A_478 = arith.constant 16 : index
            %parallel_loop3A_479 = tpu.vector_load %arg13[%parallel_loop3A_477, %parallel_loop3A_478] {strides = array<i32>} : memref<128x32xf32, #tpu.memory_space<vmem>>, vector<16xf32>,
            %parallel_loop3A_480 = arith.constant 0 : i32
            %parallel_loop3A_481 = arith.addi %parallel_loop3A_480, %parallel_loop3A_473 : i32
            %parallel_loop3A_482 = arith.index_cast %parallel_loop3A_481 : i32 to index
            %parallel_loop3A_483 = tpu.vector_load %arg9[%parallel_loop3A_482] {strides = array<i32>} : memref<528xf32, #tpu.memory_space<vmem>>, vector<16xf32>,
            %parallel_loop3A_484 = vector.extract_strided_slice %parallel_loop3A_483 {offsets = [0], sizes = [1], strides = [1]} : vector<16xf32> to vector<1xf32>
            %parallel_loop3A_485 = vector.extract %parallel_loop3A_484[0] : f32 from vector<1xf32>
            %parallel_loop3A_486 = arith.constant 128 : i32
            %parallel_loop3A_487 = arith.addi %parallel_loop3A_486, %parallel_loop3A_473 : i32
            %parallel_loop3A_488 = arith.index_cast %parallel_loop3A_487 : i32 to index
            %parallel_loop3A_489 = tpu.vector_load %arg9[%parallel_loop3A_488] {strides = array<i32>} : memref<528xf32, #tpu.memory_space<vmem>>, vector<16xf32>,
            %parallel_loop3A_490 = vector.extract_strided_slice %parallel_loop3A_489 {offsets = [0], sizes = [1], strides = [1]} : vector<16xf32> to vector<1xf32>
            %parallel_loop3A_491 = vector.extract %parallel_loop3A_490[0] : f32 from vector<1xf32>
            %parallel_loop3A_492 = arith.constant 0 : i32
            %parallel_loop3A_493 = arith.index_cast %parallel_loop3A_492 : i32 to index
            %parallel_loop3A_494 = arith.index_cast %parallel_loop3A_473 : i32 to index
            %parallel_loop3A_495 = arith.constant 0 : index
            %parallel_loop3A_496 = tpu.vector_load %arg11[%parallel_loop3A_493, %parallel_loop3A_494, %parallel_loop3A_495] {strides = array<i32>} : memref<4x128x32xbf16, #tpu.memory_space<vmem>>, vector<32xbf16>,
            %parallel_loop3A_497 = tpu.unpack_subelements %parallel_loop3A_496, 0 {pack_format = #tpu.pack_format<interleaved>} : vector<32xbf16> -> vector<16xf32>
            %parallel_loop3A_498 = tpu.unpack_subelements %parallel_loop3A_496, 1 {pack_format = #tpu.pack_format<interleaved>} : vector<32xbf16> -> vector<16xf32>
            %parallel_loop3A_499 = vector.broadcast %parallel_loop3A_485 : f32 to vector<16xf32>
            %parallel_loop3A_500 = arith.mulf %parallel_loop3A_499, %parallel_loop3A_497 : vector<16xf32>
            %parallel_loop3A_501 = arith.addf %parallel_loop3A_476, %parallel_loop3A_500 : vector<16xf32>
            %parallel_loop3A_502 = vector.broadcast %parallel_loop3A_485 : f32 to vector<16xf32>
            %parallel_loop3A_503 = arith.mulf %parallel_loop3A_502, %parallel_loop3A_498 : vector<16xf32>
            %parallel_loop3A_504 = arith.addf %parallel_loop3A_479, %parallel_loop3A_503 : vector<16xf32>
            %parallel_loop3A_505 = arith.constant 2 : i32
            %parallel_loop3A_506 = arith.index_cast %parallel_loop3A_505 : i32 to index
            %parallel_loop3A_507 = arith.index_cast %parallel_loop3A_473 : i32 to index
            %parallel_loop3A_508 = arith.constant 0 : index
            %parallel_loop3A_509 = tpu.vector_load %arg11[%parallel_loop3A_506, %parallel_loop3A_507, %parallel_loop3A_508] {strides = array<i32>} : memref<4x128x32xbf16, #tpu.memory_space<vmem>>, vector<32xbf16>,
            %parallel_loop3A_510 = tpu.unpack_subelements %parallel_loop3A_509, 0 {pack_format = #tpu.pack_format<interleaved>} : vector<32xbf16> -> vector<16xf32>
            %parallel_loop3A_511 = tpu.unpack_subelements %parallel_loop3A_509, 1 {pack_format = #tpu.pack_format<interleaved>} : vector<32xbf16> -> vector<16xf32>
            %parallel_loop3A_512 = vector.broadcast %parallel_loop3A_491 : f32 to vector<16xf32>
            %parallel_loop3A_513 = arith.mulf %parallel_loop3A_512, %parallel_loop3A_510 : vector<16xf32>
            %parallel_loop3A_514 = arith.addf %parallel_loop3A_501, %parallel_loop3A_513 : vector<16xf32>
            %parallel_loop3A_515 = vector.broadcast %parallel_loop3A_491 : f32 to vector<16xf32>
            %parallel_loop3A_516 = arith.mulf %parallel_loop3A_515, %parallel_loop3A_511 : vector<16xf32>
            %parallel_loop3A_517 = arith.addf %parallel_loop3A_504, %parallel_loop3A_516 : vector<16xf32>
            %parallel_loop3A_518 = arith.constant 256 : i32
            %parallel_loop3A_519 = arith.addi %parallel_loop3A_518, %parallel_loop3A_473 : i32
            %parallel_loop3A_520 = arith.index_cast %parallel_loop3A_519 : i32 to index
            %parallel_loop3A_521 = tpu.vector_load %arg9[%parallel_loop3A_520] {strides = array<i32>} : memref<528xf32, #tpu.memory_space<vmem>>, vector<16xf32>,
            %parallel_loop3A_522 = vector.extract_strided_slice %parallel_loop3A_521 {offsets = [0], sizes = [1], strides = [1]} : vector<16xf32> to vector<1xf32>
            %parallel_loop3A_523 = vector.extract %parallel_loop3A_522[0] : f32 from vector<1xf32>
            %parallel_loop3A_524 = arith.constant 384 : i32
            %parallel_loop3A_525 = arith.addi %parallel_loop3A_524, %parallel_loop3A_473 : i32
            %parallel_loop3A_526 = arith.index_cast %parallel_loop3A_525 : i32 to index
            %parallel_loop3A_527 = tpu.vector_load %arg9[%parallel_loop3A_526] {strides = array<i32>} : memref<528xf32, #tpu.memory_space<vmem>>, vector<16xf32>,
            %parallel_loop3A_528 = vector.extract_strided_slice %parallel_loop3A_527 {offsets = [0], sizes = [1], strides = [1]} : vector<16xf32> to vector<1xf32>
            %parallel_loop3A_529 = vector.extract %parallel_loop3A_528[0] : f32 from vector<1xf32>
            %parallel_loop3A_530 = arith.constant 1 : i32
            %parallel_loop3A_531 = arith.index_cast %parallel_loop3A_530 : i32 to index
            %parallel_loop3A_532 = arith.index_cast %parallel_loop3A_473 : i32 to index
            %parallel_loop3A_533 = arith.constant 0 : index
            %parallel_loop3A_534 = tpu.vector_load %arg11[%parallel_loop3A_531, %parallel_loop3A_532, %parallel_loop3A_533] {strides = array<i32>} : memref<4x128x32xbf16, #tpu.memory_space<vmem>>, vector<32xbf16>,
            %parallel_loop3A_535 = tpu.unpack_subelements %parallel_loop3A_534, 0 {pack_format = #tpu.pack_format<interleaved>} : vector<32xbf16> -> vector<16xf32>
            %parallel_loop3A_536 = tpu.unpack_subelements %parallel_loop3A_534, 1 {pack_format = #tpu.pack_format<interleaved>} : vector<32xbf16> -> vector<16xf32>
            %parallel_loop3A_537 = vector.broadcast %parallel_loop3A_523 : f32 to vector<16xf32>
            %parallel_loop3A_538 = arith.mulf %parallel_loop3A_537, %parallel_loop3A_535 : vector<16xf32>
            %parallel_loop3A_539 = arith.addf %parallel_loop3A_514, %parallel_loop3A_538 : vector<16xf32>
            %parallel_loop3A_540 = vector.broadcast %parallel_loop3A_523 : f32 to vector<16xf32>
            %parallel_loop3A_541 = arith.mulf %parallel_loop3A_540, %parallel_loop3A_536 : vector<16xf32>
            %parallel_loop3A_542 = arith.addf %parallel_loop3A_517, %parallel_loop3A_541 : vector<16xf32>
            %parallel_loop3A_543 = arith.constant 3 : i32
            %parallel_loop3A_544 = arith.index_cast %parallel_loop3A_543 : i32 to index
            %parallel_loop3A_545 = arith.index_cast %parallel_loop3A_473 : i32 to index
            %parallel_loop3A_546 = arith.constant 0 : index
            %parallel_loop3A_547 = tpu.vector_load %arg11[%parallel_loop3A_544, %parallel_loop3A_545, %parallel_loop3A_546] {strides = array<i32>} : memref<4x128x32xbf16, #tpu.memory_space<vmem>>, vector<32xbf16>,
            %parallel_loop3A_548 = tpu.unpack_subelements %parallel_loop3A_547, 0 {pack_format = #tpu.pack_format<interleaved>} : vector<32xbf16> -> vector<16xf32>
            %parallel_loop3A_549 = tpu.unpack_subelements %parallel_loop3A_547, 1 {pack_format = #tpu.pack_format<interleaved>} : vector<32xbf16> -> vector<16xf32>
            %parallel_loop3A_550 = vector.broadcast %parallel_loop3A_529 : f32 to vector<16xf32>
            %parallel_loop3A_551 = arith.mulf %parallel_loop3A_550, %parallel_loop3A_548 : vector<16xf32>
            %parallel_loop3A_552 = arith.addf %parallel_loop3A_539, %parallel_loop3A_551 : vector<16xf32>
            %parallel_loop3A_553 = vector.broadcast %parallel_loop3A_529 : f32 to vector<16xf32>
            %parallel_loop3A_554 = arith.mulf %parallel_loop3A_553, %parallel_loop3A_549 : vector<16xf32>
            %parallel_loop3A_555 = arith.addf %parallel_loop3A_542, %parallel_loop3A_554 : vector<16xf32>
            %parallel_loop3A_556 = arith.index_cast %parallel_loop3A_473 : i32 to index
            %parallel_loop3A_557 = arith.constant 0 : index
            %parallel_loop3A_558 = tpu.vector_load %arg13[%parallel_loop3A_556, %parallel_loop3A_557] {strides = array<i32>} : memref<128x32xf32, #tpu.memory_space<vmem>>, vector<16xf32>,
            tpu.vector_store %arg13[%parallel_loop3A_556, %parallel_loop3A_557], %parallel_loop3A_552 {strides = array<i32>} : memref<128x32xf32, #tpu.memory_space<vmem>>, vector<16xf32>,
            %parallel_loop3A_559 = arith.index_cast %parallel_loop3A_473 : i32 to index
            %parallel_loop3A_560 = arith.constant 16 : index
            %parallel_loop3A_561 = tpu.vector_load %arg13[%parallel_loop3A_559, %parallel_loop3A_560] {strides = array<i32>} : memref<128x32xf32, #tpu.memory_space<vmem>>, vector<16xf32>,
            tpu.vector_store %arg13[%parallel_loop3A_559, %parallel_loop3A_560], %parallel_loop3A_555 {strides = array<i32>} : memref<128x32xf32, #tpu.memory_space<vmem>>, vector<16xf32>,
          } {sc.loop_unroll_factor = 8 : i64, sc.parallel_access}
          %add3A_466 = arith.constant 1 : i32
          %add3A_467 = arith.addi %mul3A_411, %add3A_466 : i32
          %le3A_468 = arith.cmpi sle, %add3A_467, %scan3A_332 : i32
          %convert_element_type3A_469 = arith.extui %le3A_468 : i1 to i32
          %cond3A_470 = arith.constant 0 : i32
          %cond3A_471 = arith.cmpi ne, %convert_element_type3A_469, %cond3A_470 : i32
          scf.if %cond3A_471 {
            %add3A_473 = arith.constant 2 : i32
            %add3A_474 = arith.addi %mul3A_411, %add3A_473 : i32
            %le3A_475 = arith.cmpi sle, %add3A_474, %scan3A_332 : i32
            %convert_element_type3A_476 = arith.extui %le3A_475 : i1 to i32
            %cond3A_477 = arith.constant 0 : i32
            %cond3A_478 = arith.cmpi ne, %convert_element_type3A_476, %cond3A_477 : i32
            scf.if %cond3A_478 {
              %add3A_530 = arith.constant 2 : i32
              %add3A_531 = arith.addi %mul3A_411, %add3A_530 : i32
              %mul3A_532 = arith.constant 16 : i32
              %mul3A_533 = arith.muli %scan3A_322, %mul3A_532 : i32
              %add3A_534 = arith.addi %mul3A_533, %add3A_531 : i32
              %mul3A_535 = arith.constant 4096 : i32
              %mul3A_536 = arith.muli %add3A_534, %mul3A_535 : i32
              %parallel_loop3A_537 = arith.constant 0 : i32
              %parallel_loop3A_538 = arith.constant 8 : i32
              %parallel_loop3A_539 = arith.constant 1 : i32
              scf.for %parallel_loop3A_588 = %parallel_loop3A_537 to %parallel_loop3A_538 step %parallel_loop3A_539  : i32 {
                %parallel_loop3A_589 = arith.constant 16 : i32
                %parallel_loop3A_590 = arith.muli %parallel_loop3A_588, %parallel_loop3A_589 : i32
                %parallel_loop3A_591 = arith.constant 0 : i32
                %parallel_loop3A_592 = arith.index_cast %scan3A_322 : i32 to index
                %parallel_loop3A_593 = arith.index_cast %scan3A_332 : i32 to index
                %parallel_loop3A_594 = arith.index_cast %parallel_loop3A_591 : i32 to index
                %parallel_loop3A_595 = arith.index_cast %parallel_loop3A_590 : i32 to index
                %parallel_loop3A_596 = tpu.vector_load %arg5[%parallel_loop3A_592, %parallel_loop3A_593, %parallel_loop3A_594, %parallel_loop3A_595] {strides = array<i32>} : memref<2x16x2x128xf32, #tpu.memory_space<vmem>>, vector<16xf32>,
                %parallel_loop3A_597 = arith.constant 0 : i32
                %parallel_loop3A_598 = arith.index_cast %scan3A_322 : i32 to index
                %parallel_loop3A_599 = arith.index_cast %add3A_531 : i32 to index
                %parallel_loop3A_600 = arith.index_cast %parallel_loop3A_597 : i32 to index
                %parallel_loop3A_601 = arith.index_cast %parallel_loop3A_590 : i32 to index
                %parallel_loop3A_602 = tpu.vector_load %arg5[%parallel_loop3A_598, %parallel_loop3A_599, %parallel_loop3A_600, %parallel_loop3A_601] {strides = array<i32>} : memref<2x16x2x128xf32, #tpu.memory_space<vmem>>, vector<16xf32>,
                %parallel_loop3A_603 = arith.subf %parallel_loop3A_596, %parallel_loop3A_602 : vector<16xf32>
                %parallel_loop3A_604 = arith.constant 1 : i32
                %parallel_loop3A_605 = arith.index_cast %scan3A_322 : i32 to index
                %parallel_loop3A_606 = arith.index_cast %scan3A_332 : i32 to index
                %parallel_loop3A_607 = arith.index_cast %parallel_loop3A_604 : i32 to index
                %parallel_loop3A_608 = arith.index_cast %parallel_loop3A_590 : i32 to index
                %parallel_loop3A_609 = tpu.vector_load %arg5[%parallel_loop3A_605, %parallel_loop3A_606, %parallel_loop3A_607, %parallel_loop3A_608] {strides = array<i32>} : memref<2x16x2x128xf32, #tpu.memory_space<vmem>>, vector<16xf32>,
                %parallel_loop3A_610 = arith.constant 1 : i32
                %parallel_loop3A_611 = arith.index_cast %scan3A_322 : i32 to index
                %parallel_loop3A_612 = arith.index_cast %add3A_531 : i32 to index
                %parallel_loop3A_613 = arith.index_cast %parallel_loop3A_610 : i32 to index
                %parallel_loop3A_614 = arith.index_cast %parallel_loop3A_590 : i32 to index
                %parallel_loop3A_615 = tpu.vector_load %arg5[%parallel_loop3A_611, %parallel_loop3A_612, %parallel_loop3A_613, %parallel_loop3A_614] {strides = array<i32>} : memref<2x16x2x128xf32, #tpu.memory_space<vmem>>, vector<16xf32>,
                %parallel_loop3A_616 = arith.subf %parallel_loop3A_609, %parallel_loop3A_615 : vector<16xf32>
                %parallel_loop3A_617 = arith.constant 0 : i32
                %parallel_loop3A_618 = arith.index_cast %parallel_loop3A_617 : i32 to index
                %parallel_loop3A_619 = arith.index_cast %parallel_loop3A_590 : i32 to index
                %parallel_loop3A_620 = tpu.vector_load %arg6[%parallel_loop3A_618, %parallel_loop3A_619] {strides = array<i32>} : memref<2x128xf32, #tpu.memory_space<vmem>>, vector<16xf32>,
                %parallel_loop3A_621 = arith.addf %parallel_loop3A_620, %parallel_loop3A_603 : vector<16xf32>
                %parallel_loop3A_622 = arith.constant 1.000000e+00 : f32
                %parallel_loop3A_623 = vector.broadcast %parallel_loop3A_622 : f32 to vector<16xf32>
                %parallel_loop3A_624 = arith.addf %parallel_loop3A_621, %parallel_loop3A_623 : vector<16xf32>
                %parallel_loop3A_625 = arith.constant 2.000000e+00 : f32
                %parallel_loop3A_626 = vector.broadcast %parallel_loop3A_625 : f32 to vector<16xf32>
                %parallel_loop3A_627 = arith.remf %parallel_loop3A_624, %parallel_loop3A_626 : vector<16xf32>
                %parallel_loop3A_628 = arith.constant 0.000000e+00 : f32
                %parallel_loop3A_629 = vector.broadcast %parallel_loop3A_628 : f32 to vector<16xf32>
                %parallel_loop3A_630 = arith.cmpf olt, %parallel_loop3A_627, %parallel_loop3A_629 : vector<16xf32>
                %parallel_loop3A_631 = arith.constant 2.000000e+00 : f32
                %parallel_loop3A_632 = vector.broadcast %parallel_loop3A_631 : f32 to vector<16xf32>
                %parallel_loop3A_633 = arith.addf %parallel_loop3A_627, %parallel_loop3A_632 : vector<16xf32>
                %parallel_loop3A_634 = arith.select %parallel_loop3A_630, %parallel_loop3A_633, %parallel_loop3A_627 : vector<16xi1>, vector<16xf32>
                %parallel_loop3A_635 = arith.constant 1.000000e+00 : f32
                %parallel_loop3A_636 = vector.broadcast %parallel_loop3A_635 : f32 to vector<16xf32>
                %parallel_loop3A_637 = arith.subf %parallel_loop3A_634, %parallel_loop3A_636 : vector<16xf32>
                %parallel_loop3A_638 = arith.constant 1.000000e+00 : f32
                %parallel_loop3A_639 = vector.broadcast %parallel_loop3A_638 : f32 to vector<16xf32>
                %parallel_loop3A_640 = arith.addf %parallel_loop3A_637, %parallel_loop3A_639 : vector<16xf32>
                %parallel_loop3A_641 = arith.constant 6.400000e+01 : f32
                %parallel_loop3A_642 = vector.broadcast %parallel_loop3A_641 : f32 to vector<16xf32>
                %parallel_loop3A_643 = arith.mulf %parallel_loop3A_640, %parallel_loop3A_642 : vector<16xf32>
                %parallel_loop3A_644 = arith.constant 1.000000e+00 : f32
                %parallel_loop3A_645 = vector.broadcast %parallel_loop3A_644 : f32 to vector<16xf32>
                %parallel_loop3A_646 = arith.subf %parallel_loop3A_643, %parallel_loop3A_645 : vector<16xf32>
                %parallel_loop3A_647 = arith.constant 5.000000e-01 : f32
                %parallel_loop3A_648 = vector.broadcast %parallel_loop3A_647 : f32 to vector<16xf32>
                %parallel_loop3A_649 = arith.mulf %parallel_loop3A_646, %parallel_loop3A_648 : vector<16xf32>
                %parallel_loop3A_650 = arith.fptosi %parallel_loop3A_649 : vector<16xf32> to vector<16xi32>
                %parallel_loop3A_651 = arith.constant 0.000000e+00 : f32
                %parallel_loop3A_652 = vector.broadcast %parallel_loop3A_651 : f32 to vector<16xf32>
                %parallel_loop3A_653 = arith.cmpf olt, %parallel_loop3A_649, %parallel_loop3A_652 : vector<16xf32>
                %parallel_loop3A_654 = arith.constant -1 : i32
                %parallel_loop3A_655 = vector.broadcast %parallel_loop3A_654 : i32 to vector<16xi32>
                %parallel_loop3A_656 = arith.select %parallel_loop3A_653, %parallel_loop3A_655, %parallel_loop3A_650 : vector<16xi1>, vector<16xi32>
                %parallel_loop3A_657 = arith.sitofp %parallel_loop3A_656 : vector<16xi32> to vector<16xf32>
                %parallel_loop3A_658 = arith.subf %parallel_loop3A_649, %parallel_loop3A_657 : vector<16xf32>
                %parallel_loop3A_659 = arith.constant 1.000000e+00 : f32
                %parallel_loop3A_660 = vector.broadcast %parallel_loop3A_659 : f32 to vector<16xf32>
                %parallel_loop3A_661 = arith.subf %parallel_loop3A_660, %parallel_loop3A_658 : vector<16xf32>
                %parallel_loop3A_662 = arith.constant 1 : i32
                %parallel_loop3A_663 = arith.index_cast %parallel_loop3A_662 : i32 to index
                %parallel_loop3A_664 = arith.index_cast %parallel_loop3A_590 : i32 to index
                %parallel_loop3A_665 = tpu.vector_load %arg6[%parallel_loop3A_663, %parallel_loop3A_664] {strides = array<i32>} : memref<2x128xf32, #tpu.memory_space<vmem>>, vector<16xf32>,
                %parallel_loop3A_666 = arith.addf %parallel_loop3A_665, %parallel_loop3A_616 : vector<16xf32>
                %parallel_loop3A_667 = arith.constant 1.000000e+00 : f32
                %parallel_loop3A_668 = vector.broadcast %parallel_loop3A_667 : f32 to vector<16xf32>
                %parallel_loop3A_669 = arith.addf %parallel_loop3A_666, %parallel_loop3A_668 : vector<16xf32>
                %parallel_loop3A_670 = arith.constant 6.400000e+01 : f32
                %parallel_loop3A_671 = vector.broadcast %parallel_loop3A_670 : f32 to vector<16xf32>
                %parallel_loop3A_672 = arith.mulf %parallel_loop3A_669, %parallel_loop3A_671 : vector<16xf32>
                %parallel_loop3A_673 = arith.constant 1.000000e+00 : f32
                %parallel_loop3A_674 = vector.broadcast %parallel_loop3A_673 : f32 to vector<16xf32>
                %parallel_loop3A_675 = arith.subf %parallel_loop3A_672, %parallel_loop3A_674 : vector<16xf32>
                %parallel_loop3A_676 = arith.constant 5.000000e-01 : f32
                %parallel_loop3A_677 = vector.broadcast %parallel_loop3A_676 : f32 to vector<16xf32>
                %parallel_loop3A_678 = arith.mulf %parallel_loop3A_675, %parallel_loop3A_677 : vector<16xf32>
                %parallel_loop3A_679 = arith.constant -4.000000e+00 : f32
                %parallel_loop3A_680 = vector.broadcast %parallel_loop3A_679 : f32 to vector<16xf32>
                %parallel_loop3A_681 = arith.maximumf %parallel_loop3A_678, %parallel_loop3A_680 : vector<16xf32>
                %parallel_loop3A_682 = arith.constant 6.800000e+01 : f32
                %parallel_loop3A_683 = vector.broadcast %parallel_loop3A_682 : f32 to vector<16xf32>
                %parallel_loop3A_684 = arith.minimumf %parallel_loop3A_681, %parallel_loop3A_683 : vector<16xf32>
                %parallel_loop3A_685 = arith.fptosi %parallel_loop3A_684 : vector<16xf32> to vector<16xi32>
                %parallel_loop3A_686 = arith.sitofp %parallel_loop3A_685 : vector<16xi32> to vector<16xf32>
                %parallel_loop3A_687 = arith.cmpf ogt, %parallel_loop3A_686, %parallel_loop3A_684 : vector<16xf32>
                %parallel_loop3A_688 = arith.constant 1 : i32
                %parallel_loop3A_689 = vector.broadcast %parallel_loop3A_688 : i32 to vector<16xi32>
                %parallel_loop3A_690 = arith.subi %parallel_loop3A_685, %parallel_loop3A_689 : vector<16xi32>
                %parallel_loop3A_691 = arith.select %parallel_loop3A_687, %parallel_loop3A_690, %parallel_loop3A_685 : vector<16xi1>, vector<16xi32>
                %parallel_loop3A_692 = arith.sitofp %parallel_loop3A_691 : vector<16xi32> to vector<16xf32>
                %parallel_loop3A_693 = arith.subf %parallel_loop3A_684, %parallel_loop3A_692 : vector<16xf32>
                %parallel_loop3A_694 = arith.constant 1.000000e+00 : f32
                %parallel_loop3A_695 = vector.broadcast %parallel_loop3A_694 : f32 to vector<16xf32>
                %parallel_loop3A_696 = arith.subf %parallel_loop3A_695, %parallel_loop3A_693 : vector<16xf32>
                %parallel_loop3A_697 = arith.constant 0 : i32
                %parallel_loop3A_698 = vector.broadcast %parallel_loop3A_697 : i32 to vector<16xi32>
                %parallel_loop3A_699 = arith.maxsi %parallel_loop3A_656, %parallel_loop3A_698 : vector<16xi32>
                %parallel_loop3A_700 = arith.constant 0 : i32
                %parallel_loop3A_701 = vector.broadcast %parallel_loop3A_700 : i32 to vector<16xi32>
                %parallel_loop3A_702 = arith.cmpi slt, %parallel_loop3A_656, %parallel_loop3A_701 : vector<16xi32>
                %parallel_loop3A_703 = arith.select %parallel_loop3A_702, %parallel_loop3A_658, %parallel_loop3A_661 : vector<16xi1>, vector<16xf32>
                %parallel_loop3A_704 = arith.constant 0 : i32
                %parallel_loop3A_705 = vector.broadcast %parallel_loop3A_704 : i32 to vector<16xi32>
                %parallel_loop3A_706 = arith.cmpi slt, %parallel_loop3A_656, %parallel_loop3A_705 : vector<16xi32>
                %parallel_loop3A_707 = arith.constant 63 : i32
                %parallel_loop3A_708 = vector.broadcast %parallel_loop3A_707 : i32 to vector<16xi32>
                %parallel_loop3A_709 = arith.cmpi sge, %parallel_loop3A_656, %parallel_loop3A_708 : vector<16xi32>
                %parallel_loop3A_710 = arith.ori %parallel_loop3A_706, %parallel_loop3A_709 : vector<16xi1>
                %parallel_loop3A_711 = arith.constant 0.000000e+00 : f32
                %parallel_loop3A_712 = vector.broadcast %parallel_loop3A_711 : f32 to vector<16xf32>
                %parallel_loop3A_713 = arith.select %parallel_loop3A_710, %parallel_loop3A_712, %parallel_loop3A_658 : vector<16xi1>, vector<16xf32>
                %parallel_loop3A_714 = arith.constant 63 : i32
                %parallel_loop3A_715 = vector.broadcast %parallel_loop3A_714 : i32 to vector<16xi32>
                %parallel_loop3A_716 = arith.cmpi sge, %parallel_loop3A_699, %parallel_loop3A_715 : vector<16xi32>
                %parallel_loop3A_717 = arith.constant 0 : i32
                %parallel_loop3A_718 = arith.constant 1 : i32
                %parallel_loop3A_719 = vector.broadcast %parallel_loop3A_717 : i32 to vector<16xi32>
                %parallel_loop3A_720 = vector.broadcast %parallel_loop3A_718 : i32 to vector<16xi32>
                %parallel_loop3A_721 = arith.select %parallel_loop3A_716, %parallel_loop3A_719, %parallel_loop3A_720 : vector<16xi1>, vector<16xi32>
                %parallel_loop3A_722 = arith.constant 0 : i32
                %parallel_loop3A_723 = vector.broadcast %parallel_loop3A_722 : i32 to vector<16xi32>
                %parallel_loop3A_724 = arith.addi %parallel_loop3A_691, %parallel_loop3A_723 : vector<16xi32>
                %parallel_loop3A_725 = arith.constant 0 : i32
                %parallel_loop3A_726 = vector.broadcast %parallel_loop3A_725 : i32 to vector<16xi32>
                %parallel_loop3A_727 = arith.cmpi sge, %parallel_loop3A_724, %parallel_loop3A_726 : vector<16xi32>
                %parallel_loop3A_728 = arith.constant 63 : i32
                %parallel_loop3A_729 = vector.broadcast %parallel_loop3A_728 : i32 to vector<16xi32>
                %parallel_loop3A_730 = arith.cmpi sle, %parallel_loop3A_724, %parallel_loop3A_729 : vector<16xi32>
                %parallel_loop3A_731 = arith.andi %parallel_loop3A_727, %parallel_loop3A_730 : vector<16xi1>
                %parallel_loop3A_732 = arith.constant 0 : i32
                %parallel_loop3A_733 = arith.constant 63 : i32
                %parallel_loop3A_734 = vector.broadcast %parallel_loop3A_732 : i32 to vector<16xi32>
                %parallel_loop3A_735 = arith.maxsi %parallel_loop3A_734, %parallel_loop3A_724 : vector<16xi32>
                %parallel_loop3A_736 = vector.broadcast %parallel_loop3A_733 : i32 to vector<16xi32>
                %parallel_loop3A_737 = arith.minsi %parallel_loop3A_736, %parallel_loop3A_735 : vector<16xi32>
                %parallel_loop3A_738 = arith.constant 0.000000e+00 : f32
                %parallel_loop3A_739 = vector.broadcast %parallel_loop3A_738 : f32 to vector<16xf32>
                %parallel_loop3A_740 = arith.select %parallel_loop3A_731, %parallel_loop3A_696, %parallel_loop3A_739 : vector<16xi1>, vector<16xf32>
                %parallel_loop3A_741 = arith.constant 64 : i32
                %parallel_loop3A_742 = vector.broadcast %parallel_loop3A_741 : i32 to vector<16xi32>
                %parallel_loop3A_743 = arith.muli %parallel_loop3A_737, %parallel_loop3A_742 : vector<16xi32>
                %parallel_loop3A_744 = vector.broadcast %mul3A_536 : i32 to vector<16xi32>
                %parallel_loop3A_745 = arith.addi %parallel_loop3A_744, %parallel_loop3A_743 : vector<16xi32>
                %parallel_loop3A_746 = arith.addi %parallel_loop3A_745, %parallel_loop3A_699 : vector<16xi32>
                %parallel_loop3A_747 = arith.constant 0 : i32
                %parallel_loop3A_748 = arith.index_cast %parallel_loop3A_747 : i32 to index
                %parallel_loop3A_749 = arith.index_cast %parallel_loop3A_590 : i32 to index
                %parallel_loop3A_750 = tpu.vector_load %arg7[%parallel_loop3A_748, %parallel_loop3A_749] {strides = array<i32>} : memref<4x128xi32, #tpu.memory_space<vmem>>, vector<16xi32>,
                tpu.vector_store %arg7[%parallel_loop3A_748, %parallel_loop3A_749], %parallel_loop3A_746 {strides = array<i32>} : memref<4x128xi32, #tpu.memory_space<vmem>>, vector<16xi32>,
                %parallel_loop3A_751 = arith.addi %parallel_loop3A_746, %parallel_loop3A_721 : vector<16xi32>
                %parallel_loop3A_752 = arith.constant 2 : i32
                %parallel_loop3A_753 = arith.index_cast %parallel_loop3A_752 : i32 to index
                %parallel_loop3A_754 = arith.index_cast %parallel_loop3A_590 : i32 to index
                %parallel_loop3A_755 = tpu.vector_load %arg7[%parallel_loop3A_753, %parallel_loop3A_754] {strides = array<i32>} : memref<4x128xi32, #tpu.memory_space<vmem>>, vector<16xi32>,
                tpu.vector_store %arg7[%parallel_loop3A_753, %parallel_loop3A_754], %parallel_loop3A_751 {strides = array<i32>} : memref<4x128xi32, #tpu.memory_space<vmem>>, vector<16xi32>,
                %parallel_loop3A_756 = arith.mulf %parallel_loop3A_740, %parallel_loop3A_703 : vector<16xf32>
                %parallel_loop3A_757 = arith.constant 16 : i32
                %parallel_loop3A_758 = arith.muli %parallel_loop3A_588, %parallel_loop3A_757 : i32
                %parallel_loop3A_759 = arith.constant 0 : i32
                %parallel_loop3A_760 = arith.addi %parallel_loop3A_759, %parallel_loop3A_758 : i32
                %parallel_loop3A_761 = arith.index_cast %parallel_loop3A_760 : i32 to index
                %parallel_loop3A_762 = tpu.vector_load %arg9[%parallel_loop3A_761] {strides = array<i32>} : memref<528xf32, #tpu.memory_space<vmem>>, vector<16xf32>,
                tpu.vector_store %arg9[%parallel_loop3A_761], %parallel_loop3A_756 {strides = array<i32>} : memref<528xf32, #tpu.memory_space<vmem>>, vector<16xf32>,
                %parallel_loop3A_763 = arith.mulf %parallel_loop3A_740, %parallel_loop3A_713 : vector<16xf32>
                %parallel_loop3A_764 = arith.constant 16 : i32
                %parallel_loop3A_765 = arith.muli %parallel_loop3A_588, %parallel_loop3A_764 : i32
                %parallel_loop3A_766 = arith.constant 128 : i32
                %parallel_loop3A_767 = arith.addi %parallel_loop3A_766, %parallel_loop3A_765 : i32
                %parallel_loop3A_768 = arith.index_cast %parallel_loop3A_767 : i32 to index
                %parallel_loop3A_769 = tpu.vector_load %arg9[%parallel_loop3A_768] {strides = array<i32>} : memref<528xf32, #tpu.memory_space<vmem>>, vector<16xf32>,
                tpu.vector_store %arg9[%parallel_loop3A_768], %parallel_loop3A_763 {strides = array<i32>} : memref<528xf32, #tpu.memory_space<vmem>>, vector<16xf32>,
                %parallel_loop3A_770 = arith.constant 1 : i32
                %parallel_loop3A_771 = vector.broadcast %parallel_loop3A_770 : i32 to vector<16xi32>
                %parallel_loop3A_772 = arith.addi %parallel_loop3A_691, %parallel_loop3A_771 : vector<16xi32>
                %parallel_loop3A_773 = arith.constant 0 : i32
                %parallel_loop3A_774 = vector.broadcast %parallel_loop3A_773 : i32 to vector<16xi32>
                %parallel_loop3A_775 = arith.cmpi sge, %parallel_loop3A_772, %parallel_loop3A_774 : vector<16xi32>
                %parallel_loop3A_776 = arith.constant 63 : i32
                %parallel_loop3A_777 = vector.broadcast %parallel_loop3A_776 : i32 to vector<16xi32>
                %parallel_loop3A_778 = arith.cmpi sle, %parallel_loop3A_772, %parallel_loop3A_777 : vector<16xi32>
                %parallel_loop3A_779 = arith.andi %parallel_loop3A_775, %parallel_loop3A_778 : vector<16xi1>
                %parallel_loop3A_780 = arith.constant 0 : i32
                %parallel_loop3A_781 = arith.constant 63 : i32
                %parallel_loop3A_782 = vector.broadcast %parallel_loop3A_780 : i32 to vector<16xi32>
                %parallel_loop3A_783 = arith.maxsi %parallel_loop3A_782, %parallel_loop3A_772 : vector<16xi32>
                %parallel_loop3A_784 = vector.broadcast %parallel_loop3A_781 : i32 to vector<16xi32>
                %parallel_loop3A_785 = arith.minsi %parallel_loop3A_784, %parallel_loop3A_783 : vector<16xi32>
                %parallel_loop3A_786 = arith.constant 0.000000e+00 : f32
                %parallel_loop3A_787 = vector.broadcast %parallel_loop3A_786 : f32 to vector<16xf32>
                %parallel_loop3A_788 = arith.select %parallel_loop3A_779, %parallel_loop3A_693, %parallel_loop3A_787 : vector<16xi1>, vector<16xf32>
                %parallel_loop3A_789 = arith.constant 64 : i32
                %parallel_loop3A_790 = vector.broadcast %parallel_loop3A_789 : i32 to vector<16xi32>
                %parallel_loop3A_791 = arith.muli %parallel_loop3A_785, %parallel_loop3A_790 : vector<16xi32>
                %parallel_loop3A_792 = vector.broadcast %mul3A_536 : i32 to vector<16xi32>
                %parallel_loop3A_793 = arith.addi %parallel_loop3A_792, %parallel_loop3A_791 : vector<16xi32>
                %parallel_loop3A_794 = arith.addi %parallel_loop3A_793, %parallel_loop3A_699 : vector<16xi32>
                %parallel_loop3A_795 = arith.constant 1 : i32
                %parallel_loop3A_796 = arith.index_cast %parallel_loop3A_795 : i32 to index
                %parallel_loop3A_797 = arith.index_cast %parallel_loop3A_590 : i32 to index
                %parallel_loop3A_798 = tpu.vector_load %arg7[%parallel_loop3A_796, %parallel_loop3A_797] {strides = array<i32>} : memref<4x128xi32, #tpu.memory_space<vmem>>, vector<16xi32>,
                tpu.vector_store %arg7[%parallel_loop3A_796, %parallel_loop3A_797], %parallel_loop3A_794 {strides = array<i32>} : memref<4x128xi32, #tpu.memory_space<vmem>>, vector<16xi32>,
                %parallel_loop3A_799 = arith.addi %parallel_loop3A_794, %parallel_loop3A_721 : vector<16xi32>
                %parallel_loop3A_800 = arith.constant 3 : i32
                %parallel_loop3A_801 = arith.index_cast %parallel_loop3A_800 : i32 to index
                %parallel_loop3A_802 = arith.index_cast %parallel_loop3A_590 : i32 to index
                %parallel_loop3A_803 = tpu.vector_load %arg7[%parallel_loop3A_801, %parallel_loop3A_802] {strides = array<i32>} : memref<4x128xi32, #tpu.memory_space<vmem>>, vector<16xi32>,
                tpu.vector_store %arg7[%parallel_loop3A_801, %parallel_loop3A_802], %parallel_loop3A_799 {strides = array<i32>} : memref<4x128xi32, #tpu.memory_space<vmem>>, vector<16xi32>,
                %parallel_loop3A_804 = arith.mulf %parallel_loop3A_788, %parallel_loop3A_703 : vector<16xf32>
                %parallel_loop3A_805 = arith.constant 16 : i32
                %parallel_loop3A_806 = arith.muli %parallel_loop3A_588, %parallel_loop3A_805 : i32
                %parallel_loop3A_807 = arith.constant 256 : i32
                %parallel_loop3A_808 = arith.addi %parallel_loop3A_807, %parallel_loop3A_806 : i32
                %parallel_loop3A_809 = arith.index_cast %parallel_loop3A_808 : i32 to index
                %parallel_loop3A_810 = tpu.vector_load %arg9[%parallel_loop3A_809] {strides = array<i32>} : memref<528xf32, #tpu.memory_space<vmem>>, vector<16xf32>,
                tpu.vector_store %arg9[%parallel_loop3A_809], %parallel_loop3A_804 {strides = array<i32>} : memref<528xf32, #tpu.memory_space<vmem>>, vector<16xf32>,
                %parallel_loop3A_811 = arith.mulf %parallel_loop3A_788, %parallel_loop3A_713 : vector<16xf32>
                %parallel_loop3A_812 = arith.constant 16 : i32
                %parallel_loop3A_813 = arith.muli %parallel_loop3A_588, %parallel_loop3A_812 : i32
                %parallel_loop3A_814 = arith.constant 384 : i32
                %parallel_loop3A_815 = arith.addi %parallel_loop3A_814, %parallel_loop3A_813 : i32
                %parallel_loop3A_816 = arith.index_cast %parallel_loop3A_815 : i32 to index
                %parallel_loop3A_817 = tpu.vector_load %arg9[%parallel_loop3A_816] {strides = array<i32>} : memref<528xf32, #tpu.memory_space<vmem>>, vector<16xf32>,
                tpu.vector_store %arg9[%parallel_loop3A_816], %parallel_loop3A_811 {strides = array<i32>} : memref<528xf32, #tpu.memory_space<vmem>>, vector<16xf32>,
              } {sc.loop_unroll_factor = 2 : i64, sc.parallel_access}
              %dma_start3A_540 = arith.constant 0 : i32
              %dma_start3A_541 = arith.constant 0 : i32
              %dma_start3A_542 = arith.constant 0 : i32
              %dma_start3A_543 = arith.constant 0 : i32
              %dma_start3A_544 = tpu.memref_slice %arg11[%dma_start3A_541, %dma_start3A_542, %dma_start3A_543] : memref<4x128x32xbf16, #tpu.memory_space<vmem>> -> memref<1x128x32xbf16, #tpu.memory_space<vmem>>
              %dma_start3A_545 = tpu.memref_squeeze %dma_start3A_544 : memref<1x128x32xbf16, #tpu.memory_space<vmem>> -> memref<128x32xbf16, #tpu.memory_space<vmem>>
              %dma_start3A_546 = arith.constant 0 : i32
              %dma_start3A_547 = tpu.memref_slice %arg7[%dma_start3A_540, %dma_start3A_546] : memref<4x128xi32, #tpu.memory_space<vmem>> -> memref<1x128xi32, #tpu.memory_space<vmem>>
              %dma_start3A_548 = tpu.memref_squeeze %dma_start3A_547 : memref<1x128xi32, #tpu.memory_space<vmem>> -> memref<128xi32, #tpu.memory_space<vmem>>
              %dma_start3A_549 = arith.constant 0 : i32
              %dma_start3A_550 = arith.constant 0 : i32
              %dma_start3A_551 = tpu.memref_slice %arg3[%dma_start3A_549, %dma_start3A_550] : memref<131072x32xbf16, #tpu.memory_space<hbm>> -> memref<131072x32xbf16, #tpu.memory_space<hbm>>
              tpu.enqueue_indirect_dma source(%dma_start3A_551 : memref<131072x32xbf16, #tpu.memory_space<hbm>>) target(%dma_start3A_545 : memref<128x32xbf16, #tpu.memory_space<vmem>>) offsets(%dma_start3A_548 : memref<128xi32, #tpu.memory_space<vmem>>) semaphore(%arg14 : memref<!tpu.dma_semaphore, #tpu.memory_space<semaphore_mem>>)
              %dma_start3A_552 = arith.constant 1 : i32
              %dma_start3A_553 = arith.constant 1 : i32
              %dma_start3A_554 = arith.constant 0 : i32
              %dma_start3A_555 = arith.constant 0 : i32
              %dma_start3A_556 = tpu.memref_slice %arg11[%dma_start3A_553, %dma_start3A_554, %dma_start3A_555] : memref<4x128x32xbf16, #tpu.memory_space<vmem>> -> memref<1x128x32xbf16, #tpu.memory_space<vmem>>
              %dma_start3A_557 = tpu.memref_squeeze %dma_start3A_556 : memref<1x128x32xbf16, #tpu.memory_space<vmem>> -> memref<128x32xbf16, #tpu.memory_space<vmem>>
              %dma_start3A_558 = arith.constant 0 : i32
              %dma_start3A_559 = tpu.memref_slice %arg7[%dma_start3A_552, %dma_start3A_558] : memref<4x128xi32, #tpu.memory_space<vmem>> -> memref<1x128xi32, #tpu.memory_space<vmem>>
              %dma_start3A_560 = tpu.memref_squeeze %dma_start3A_559 : memref<1x128xi32, #tpu.memory_space<vmem>> -> memref<128xi32, #tpu.memory_space<vmem>>
              %dma_start3A_561 = arith.constant 0 : i32
              %dma_start3A_562 = arith.constant 0 : i32
              %dma_start3A_563 = tpu.memref_slice %arg3[%dma_start3A_561, %dma_start3A_562] : memref<131072x32xbf16, #tpu.memory_space<hbm>> -> memref<131072x32xbf16, #tpu.memory_space<hbm>>
              tpu.enqueue_indirect_dma source(%dma_start3A_563 : memref<131072x32xbf16, #tpu.memory_space<hbm>>) target(%dma_start3A_557 : memref<128x32xbf16, #tpu.memory_space<vmem>>) offsets(%dma_start3A_560 : memref<128xi32, #tpu.memory_space<vmem>>) semaphore(%arg14 : memref<!tpu.dma_semaphore, #tpu.memory_space<semaphore_mem>>)
              %dma_start3A_564 = arith.constant 2 : i32
              %dma_start3A_565 = arith.constant 2 : i32
              %dma_start3A_566 = arith.constant 0 : i32
              %dma_start3A_567 = arith.constant 0 : i32
              %dma_start3A_568 = tpu.memref_slice %arg11[%dma_start3A_565, %dma_start3A_566, %dma_start3A_567] : memref<4x128x32xbf16, #tpu.memory_space<vmem>> -> memref<1x128x32xbf16, #tpu.memory_space<vmem>>
              %dma_start3A_569 = tpu.memref_squeeze %dma_start3A_568 : memref<1x128x32xbf16, #tpu.memory_space<vmem>> -> memref<128x32xbf16, #tpu.memory_space<vmem>>
              %dma_start3A_570 = arith.constant 0 : i32
              %dma_start3A_571 = tpu.memref_slice %arg7[%dma_start3A_564, %dma_start3A_570] : memref<4x128xi32, #tpu.memory_space<vmem>> -> memref<1x128xi32, #tpu.memory_space<vmem>>
              %dma_start3A_572 = tpu.memref_squeeze %dma_start3A_571 : memref<1x128xi32, #tpu.memory_space<vmem>> -> memref<128xi32, #tpu.memory_space<vmem>>
              %dma_start3A_573 = arith.constant 0 : i32
              %dma_start3A_574 = arith.constant 0 : i32
              %dma_start3A_575 = tpu.memref_slice %arg3[%dma_start3A_573, %dma_start3A_574] : memref<131072x32xbf16, #tpu.memory_space<hbm>> -> memref<131072x32xbf16, #tpu.memory_space<hbm>>
              tpu.enqueue_indirect_dma source(%dma_start3A_575 : memref<131072x32xbf16, #tpu.memory_space<hbm>>) target(%dma_start3A_569 : memref<128x32xbf16, #tpu.memory_space<vmem>>) offsets(%dma_start3A_572 : memref<128xi32, #tpu.memory_space<vmem>>) semaphore(%arg14 : memref<!tpu.dma_semaphore, #tpu.memory_space<semaphore_mem>>)
              %dma_start3A_576 = arith.constant 3 : i32
              %dma_start3A_577 = arith.constant 3 : i32
              %dma_start3A_578 = arith.constant 0 : i32
              %dma_start3A_579 = arith.constant 0 : i32
              %dma_start3A_580 = tpu.memref_slice %arg11[%dma_start3A_577, %dma_start3A_578, %dma_start3A_579] : memref<4x128x32xbf16, #tpu.memory_space<vmem>> -> memref<1x128x32xbf16, #tpu.memory_space<vmem>>
              %dma_start3A_581 = tpu.memref_squeeze %dma_start3A_580 : memref<1x128x32xbf16, #tpu.memory_space<vmem>> -> memref<128x32xbf16, #tpu.memory_space<vmem>>
              %dma_start3A_582 = arith.constant 0 : i32
              %dma_start3A_583 = tpu.memref_slice %arg7[%dma_start3A_576, %dma_start3A_582] : memref<4x128xi32, #tpu.memory_space<vmem>> -> memref<1x128xi32, #tpu.memory_space<vmem>>
              %dma_start3A_584 = tpu.memref_squeeze %dma_start3A_583 : memref<1x128xi32, #tpu.memory_space<vmem>> -> memref<128xi32, #tpu.memory_space<vmem>>
              %dma_start3A_585 = arith.constant 0 : i32
              %dma_start3A_586 = arith.constant 0 : i32
              %dma_start3A_587 = tpu.memref_slice %arg3[%dma_start3A_585, %dma_start3A_586] : memref<131072x32xbf16, #tpu.memory_space<hbm>> -> memref<131072x32xbf16, #tpu.memory_space<hbm>>
              tpu.enqueue_indirect_dma source(%dma_start3A_587 : memref<131072x32xbf16, #tpu.memory_space<hbm>>) target(%dma_start3A_581 : memref<128x32xbf16, #tpu.memory_space<vmem>>) offsets(%dma_start3A_584 : memref<128xi32, #tpu.memory_space<vmem>>) semaphore(%arg14 : memref<!tpu.dma_semaphore, #tpu.memory_space<semaphore_mem>>)
            } else {
            }
            %dma_wait3A_479 = arith.constant 0 : i32
            %dma_wait3A_480 = arith.constant 0 : i32
            %dma_wait3A_481 = arith.constant 0 : i32
            %dma_wait3A_482 = arith.constant 0 : i32
            %dma_wait3A_483 = tpu.memref_slice %arg12[%dma_wait3A_480, %dma_wait3A_481, %dma_wait3A_482] : memref<4x128x32xbf16, #tpu.memory_space<vmem>> -> memref<1x128x32xbf16, #tpu.memory_space<vmem>>
            %dma_wait3A_484 = tpu.memref_squeeze %dma_wait3A_483 : memref<1x128x32xbf16, #tpu.memory_space<vmem>> -> memref<128x32xbf16, #tpu.memory_space<vmem>>
            %dma_wait3A_485 = arith.constant 0 : i32
            %dma_wait3A_486 = tpu.memref_slice %arg8[%dma_wait3A_479, %dma_wait3A_485] : memref<4x128xi32, #tpu.memory_space<vmem>> -> memref<1x128xi32, #tpu.memory_space<vmem>>
            %dma_wait3A_487 = tpu.memref_squeeze %dma_wait3A_486 : memref<1x128xi32, #tpu.memory_space<vmem>> -> memref<128xi32, #tpu.memory_space<vmem>>
            %dma_wait3A_488 = arith.constant 0 : i32
            %dma_wait3A_489 = arith.constant 0 : i32
            %dma_wait3A_490 = tpu.memref_slice %arg3[%dma_wait3A_488, %dma_wait3A_489] : memref<131072x32xbf16, #tpu.memory_space<hbm>> -> memref<131072x32xbf16, #tpu.memory_space<hbm>>
            tpu.wait_indirect_dma semaphore(%arg15 : memref<!tpu.dma_semaphore, #tpu.memory_space<semaphore_mem>>) src(%dma_wait3A_490 : memref<131072x32xbf16, #tpu.memory_space<hbm>>) dst(%dma_wait3A_484 : memref<128x32xbf16, #tpu.memory_space<vmem>>)
            %dma_wait3A_491 = arith.constant 1 : i32
            %dma_wait3A_492 = arith.constant 1 : i32
            %dma_wait3A_493 = arith.constant 0 : i32
            %dma_wait3A_494 = arith.constant 0 : i32
            %dma_wait3A_495 = tpu.memref_slice %arg12[%dma_wait3A_492, %dma_wait3A_493, %dma_wait3A_494] : memref<4x128x32xbf16, #tpu.memory_space<vmem>> -> memref<1x128x32xbf16, #tpu.memory_space<vmem>>
            %dma_wait3A_496 = tpu.memref_squeeze %dma_wait3A_495 : memref<1x128x32xbf16, #tpu.memory_space<vmem>> -> memref<128x32xbf16, #tpu.memory_space<vmem>>
            %dma_wait3A_497 = arith.constant 0 : i32
            %dma_wait3A_498 = tpu.memref_slice %arg8[%dma_wait3A_491, %dma_wait3A_497] : memref<4x128xi32, #tpu.memory_space<vmem>> -> memref<1x128xi32, #tpu.memory_space<vmem>>
            %dma_wait3A_499 = tpu.memref_squeeze %dma_wait3A_498 : memref<1x128xi32, #tpu.memory_space<vmem>> -> memref<128xi32, #tpu.memory_space<vmem>>
            %dma_wait3A_500 = arith.constant 0 : i32
            %dma_wait3A_501 = arith.constant 0 : i32
            %dma_wait3A_502 = tpu.memref_slice %arg3[%dma_wait3A_500, %dma_wait3A_501] : memref<131072x32xbf16, #tpu.memory_space<hbm>> -> memref<131072x32xbf16, #tpu.memory_space<hbm>>
            tpu.wait_indirect_dma semaphore(%arg15 : memref<!tpu.dma_semaphore, #tpu.memory_space<semaphore_mem>>) src(%dma_wait3A_502 : memref<131072x32xbf16, #tpu.memory_space<hbm>>) dst(%dma_wait3A_496 : memref<128x32xbf16, #tpu.memory_space<vmem>>)
            %dma_wait3A_503 = arith.constant 2 : i32
            %dma_wait3A_504 = arith.constant 2 : i32
            %dma_wait3A_505 = arith.constant 0 : i32
            %dma_wait3A_506 = arith.constant 0 : i32
            %dma_wait3A_507 = tpu.memref_slice %arg12[%dma_wait3A_504, %dma_wait3A_505, %dma_wait3A_506] : memref<4x128x32xbf16, #tpu.memory_space<vmem>> -> memref<1x128x32xbf16, #tpu.memory_space<vmem>>
            %dma_wait3A_508 = tpu.memref_squeeze %dma_wait3A_507 : memref<1x128x32xbf16, #tpu.memory_space<vmem>> -> memref<128x32xbf16, #tpu.memory_space<vmem>>
            %dma_wait3A_509 = arith.constant 0 : i32
            %dma_wait3A_510 = tpu.memref_slice %arg8[%dma_wait3A_503, %dma_wait3A_509] : memref<4x128xi32, #tpu.memory_space<vmem>> -> memref<1x128xi32, #tpu.memory_space<vmem>>
            %dma_wait3A_511 = tpu.memref_squeeze %dma_wait3A_510 : memref<1x128xi32, #tpu.memory_space<vmem>> -> memref<128xi32, #tpu.memory_space<vmem>>
            %dma_wait3A_512 = arith.constant 0 : i32
            %dma_wait3A_513 = arith.constant 0 : i32
            %dma_wait3A_514 = tpu.memref_slice %arg3[%dma_wait3A_512, %dma_wait3A_513] : memref<131072x32xbf16, #tpu.memory_space<hbm>> -> memref<131072x32xbf16, #tpu.memory_space<hbm>>
            tpu.wait_indirect_dma semaphore(%arg15 : memref<!tpu.dma_semaphore, #tpu.memory_space<semaphore_mem>>) src(%dma_wait3A_514 : memref<131072x32xbf16, #tpu.memory_space<hbm>>) dst(%dma_wait3A_508 : memref<128x32xbf16, #tpu.memory_space<vmem>>)
            %dma_wait3A_515 = arith.constant 3 : i32
            %dma_wait3A_516 = arith.constant 3 : i32
            %dma_wait3A_517 = arith.constant 0 : i32
            %dma_wait3A_518 = arith.constant 0 : i32
            %dma_wait3A_519 = tpu.memref_slice %arg12[%dma_wait3A_516, %dma_wait3A_517, %dma_wait3A_518] : memref<4x128x32xbf16, #tpu.memory_space<vmem>> -> memref<1x128x32xbf16, #tpu.memory_space<vmem>>
            %dma_wait3A_520 = tpu.memref_squeeze %dma_wait3A_519 : memref<1x128x32xbf16, #tpu.memory_space<vmem>> -> memref<128x32xbf16, #tpu.memory_space<vmem>>
            %dma_wait3A_521 = arith.constant 0 : i32
            %dma_wait3A_522 = tpu.memref_slice %arg8[%dma_wait3A_515, %dma_wait3A_521] : memref<4x128xi32, #tpu.memory_space<vmem>> -> memref<1x128xi32, #tpu.memory_space<vmem>>
            %dma_wait3A_523 = tpu.memref_squeeze %dma_wait3A_522 : memref<1x128xi32, #tpu.memory_space<vmem>> -> memref<128xi32, #tpu.memory_space<vmem>>
            %dma_wait3A_524 = arith.constant 0 : i32
            %dma_wait3A_525 = arith.constant 0 : i32
            %dma_wait3A_526 = tpu.memref_slice %arg3[%dma_wait3A_524, %dma_wait3A_525] : memref<131072x32xbf16, #tpu.memory_space<hbm>> -> memref<131072x32xbf16, #tpu.memory_space<hbm>>
            tpu.wait_indirect_dma semaphore(%arg15 : memref<!tpu.dma_semaphore, #tpu.memory_space<semaphore_mem>>) src(%dma_wait3A_526 : memref<131072x32xbf16, #tpu.memory_space<hbm>>) dst(%dma_wait3A_520 : memref<128x32xbf16, #tpu.memory_space<vmem>>)
            %parallel_loop3A_527 = arith.constant 0 : i32
            %parallel_loop3A_528 = arith.constant 128 : i32
            %parallel_loop3A_529 = arith.constant 1 : i32
            scf.for %parallel_loop3A_530 = %parallel_loop3A_527 to %parallel_loop3A_528 step %parallel_loop3A_529  : i32 {
              %parallel_loop3A_531 = arith.index_cast %parallel_loop3A_530 : i32 to index
              %parallel_loop3A_532 = arith.constant 0 : index
              %parallel_loop3A_533 = tpu.vector_load %arg13[%parallel_loop3A_531, %parallel_loop3A_532] {strides = array<i32>} : memref<128x32xf32, #tpu.memory_space<vmem>>, vector<16xf32>,
              %parallel_loop3A_534 = arith.index_cast %parallel_loop3A_530 : i32 to index
              %parallel_loop3A_535 = arith.constant 16 : index
              %parallel_loop3A_536 = tpu.vector_load %arg13[%parallel_loop3A_534, %parallel_loop3A_535] {strides = array<i32>} : memref<128x32xf32, #tpu.memory_space<vmem>>, vector<16xf32>,
              %parallel_loop3A_537 = arith.constant 0 : i32
              %parallel_loop3A_538 = arith.addi %parallel_loop3A_537, %parallel_loop3A_530 : i32
              %parallel_loop3A_539 = arith.index_cast %parallel_loop3A_538 : i32 to index
              %parallel_loop3A_540 = tpu.vector_load %arg10[%parallel_loop3A_539] {strides = array<i32>} : memref<528xf32, #tpu.memory_space<vmem>>, vector<16xf32>,
              %parallel_loop3A_541 = vector.extract_strided_slice %parallel_loop3A_540 {offsets = [0], sizes = [1], strides = [1]} : vector<16xf32> to vector<1xf32>
              %parallel_loop3A_542 = vector.extract %parallel_loop3A_541[0] : f32 from vector<1xf32>
              %parallel_loop3A_543 = arith.constant 128 : i32
              %parallel_loop3A_544 = arith.addi %parallel_loop3A_543, %parallel_loop3A_530 : i32
              %parallel_loop3A_545 = arith.index_cast %parallel_loop3A_544 : i32 to index
              %parallel_loop3A_546 = tpu.vector_load %arg10[%parallel_loop3A_545] {strides = array<i32>} : memref<528xf32, #tpu.memory_space<vmem>>, vector<16xf32>,
              %parallel_loop3A_547 = vector.extract_strided_slice %parallel_loop3A_546 {offsets = [0], sizes = [1], strides = [1]} : vector<16xf32> to vector<1xf32>
              %parallel_loop3A_548 = vector.extract %parallel_loop3A_547[0] : f32 from vector<1xf32>
              %parallel_loop3A_549 = arith.constant 0 : i32
              %parallel_loop3A_550 = arith.index_cast %parallel_loop3A_549 : i32 to index
              %parallel_loop3A_551 = arith.index_cast %parallel_loop3A_530 : i32 to index
              %parallel_loop3A_552 = arith.constant 0 : index
              %parallel_loop3A_553 = tpu.vector_load %arg12[%parallel_loop3A_550, %parallel_loop3A_551, %parallel_loop3A_552] {strides = array<i32>} : memref<4x128x32xbf16, #tpu.memory_space<vmem>>, vector<32xbf16>,
              %parallel_loop3A_554 = tpu.unpack_subelements %parallel_loop3A_553, 0 {pack_format = #tpu.pack_format<interleaved>} : vector<32xbf16> -> vector<16xf32>
              %parallel_loop3A_555 = tpu.unpack_subelements %parallel_loop3A_553, 1 {pack_format = #tpu.pack_format<interleaved>} : vector<32xbf16> -> vector<16xf32>
              %parallel_loop3A_556 = vector.broadcast %parallel_loop3A_542 : f32 to vector<16xf32>
              %parallel_loop3A_557 = arith.mulf %parallel_loop3A_556, %parallel_loop3A_554 : vector<16xf32>
              %parallel_loop3A_558 = arith.addf %parallel_loop3A_533, %parallel_loop3A_557 : vector<16xf32>
              %parallel_loop3A_559 = vector.broadcast %parallel_loop3A_542 : f32 to vector<16xf32>
              %parallel_loop3A_560 = arith.mulf %parallel_loop3A_559, %parallel_loop3A_555 : vector<16xf32>
              %parallel_loop3A_561 = arith.addf %parallel_loop3A_536, %parallel_loop3A_560 : vector<16xf32>
              %parallel_loop3A_562 = arith.constant 2 : i32
              %parallel_loop3A_563 = arith.index_cast %parallel_loop3A_562 : i32 to index
              %parallel_loop3A_564 = arith.index_cast %parallel_loop3A_530 : i32 to index
              %parallel_loop3A_565 = arith.constant 0 : index
              %parallel_loop3A_566 = tpu.vector_load %arg12[%parallel_loop3A_563, %parallel_loop3A_564, %parallel_loop3A_565] {strides = array<i32>} : memref<4x128x32xbf16, #tpu.memory_space<vmem>>, vector<32xbf16>,
              %parallel_loop3A_567 = tpu.unpack_subelements %parallel_loop3A_566, 0 {pack_format = #tpu.pack_format<interleaved>} : vector<32xbf16> -> vector<16xf32>
              %parallel_loop3A_568 = tpu.unpack_subelements %parallel_loop3A_566, 1 {pack_format = #tpu.pack_format<interleaved>} : vector<32xbf16> -> vector<16xf32>
              %parallel_loop3A_569 = vector.broadcast %parallel_loop3A_548 : f32 to vector<16xf32>
              %parallel_loop3A_570 = arith.mulf %parallel_loop3A_569, %parallel_loop3A_567 : vector<16xf32>
              %parallel_loop3A_571 = arith.addf %parallel_loop3A_558, %parallel_loop3A_570 : vector<16xf32>
              %parallel_loop3A_572 = vector.broadcast %parallel_loop3A_548 : f32 to vector<16xf32>
              %parallel_loop3A_573 = arith.mulf %parallel_loop3A_572, %parallel_loop3A_568 : vector<16xf32>
              %parallel_loop3A_574 = arith.addf %parallel_loop3A_561, %parallel_loop3A_573 : vector<16xf32>
              %parallel_loop3A_575 = arith.constant 256 : i32
              %parallel_loop3A_576 = arith.addi %parallel_loop3A_575, %parallel_loop3A_530 : i32
              %parallel_loop3A_577 = arith.index_cast %parallel_loop3A_576 : i32 to index
              %parallel_loop3A_578 = tpu.vector_load %arg10[%parallel_loop3A_577] {strides = array<i32>} : memref<528xf32, #tpu.memory_space<vmem>>, vector<16xf32>,
              %parallel_loop3A_579 = vector.extract_strided_slice %parallel_loop3A_578 {offsets = [0], sizes = [1], strides = [1]} : vector<16xf32> to vector<1xf32>
              %parallel_loop3A_580 = vector.extract %parallel_loop3A_579[0] : f32 from vector<1xf32>
              %parallel_loop3A_581 = arith.constant 384 : i32
              %parallel_loop3A_582 = arith.addi %parallel_loop3A_581, %parallel_loop3A_530 : i32
              %parallel_loop3A_583 = arith.index_cast %parallel_loop3A_582 : i32 to index
              %parallel_loop3A_584 = tpu.vector_load %arg10[%parallel_loop3A_583] {strides = array<i32>} : memref<528xf32, #tpu.memory_space<vmem>>, vector<16xf32>,
              %parallel_loop3A_585 = vector.extract_strided_slice %parallel_loop3A_584 {offsets = [0], sizes = [1], strides = [1]} : vector<16xf32> to vector<1xf32>
              %parallel_loop3A_586 = vector.extract %parallel_loop3A_585[0] : f32 from vector<1xf32>
              %parallel_loop3A_587 = arith.constant 1 : i32
              %parallel_loop3A_588 = arith.index_cast %parallel_loop3A_587 : i32 to index
              %parallel_loop3A_589 = arith.index_cast %parallel_loop3A_530 : i32 to index
              %parallel_loop3A_590 = arith.constant 0 : index
              %parallel_loop3A_591 = tpu.vector_load %arg12[%parallel_loop3A_588, %parallel_loop3A_589, %parallel_loop3A_590] {strides = array<i32>} : memref<4x128x32xbf16, #tpu.memory_space<vmem>>, vector<32xbf16>,
              %parallel_loop3A_592 = tpu.unpack_subelements %parallel_loop3A_591, 0 {pack_format = #tpu.pack_format<interleaved>} : vector<32xbf16> -> vector<16xf32>
              %parallel_loop3A_593 = tpu.unpack_subelements %parallel_loop3A_591, 1 {pack_format = #tpu.pack_format<interleaved>} : vector<32xbf16> -> vector<16xf32>
              %parallel_loop3A_594 = vector.broadcast %parallel_loop3A_580 : f32 to vector<16xf32>
              %parallel_loop3A_595 = arith.mulf %parallel_loop3A_594, %parallel_loop3A_592 : vector<16xf32>
              %parallel_loop3A_596 = arith.addf %parallel_loop3A_571, %parallel_loop3A_595 : vector<16xf32>
              %parallel_loop3A_597 = vector.broadcast %parallel_loop3A_580 : f32 to vector<16xf32>
              %parallel_loop3A_598 = arith.mulf %parallel_loop3A_597, %parallel_loop3A_593 : vector<16xf32>
              %parallel_loop3A_599 = arith.addf %parallel_loop3A_574, %parallel_loop3A_598 : vector<16xf32>
              %parallel_loop3A_600 = arith.constant 3 : i32
              %parallel_loop3A_601 = arith.index_cast %parallel_loop3A_600 : i32 to index
              %parallel_loop3A_602 = arith.index_cast %parallel_loop3A_530 : i32 to index
              %parallel_loop3A_603 = arith.constant 0 : index
              %parallel_loop3A_604 = tpu.vector_load %arg12[%parallel_loop3A_601, %parallel_loop3A_602, %parallel_loop3A_603] {strides = array<i32>} : memref<4x128x32xbf16, #tpu.memory_space<vmem>>, vector<32xbf16>,
              %parallel_loop3A_605 = tpu.unpack_subelements %parallel_loop3A_604, 0 {pack_format = #tpu.pack_format<interleaved>} : vector<32xbf16> -> vector<16xf32>
              %parallel_loop3A_606 = tpu.unpack_subelements %parallel_loop3A_604, 1 {pack_format = #tpu.pack_format<interleaved>} : vector<32xbf16> -> vector<16xf32>
              %parallel_loop3A_607 = vector.broadcast %parallel_loop3A_586 : f32 to vector<16xf32>
              %parallel_loop3A_608 = arith.mulf %parallel_loop3A_607, %parallel_loop3A_605 : vector<16xf32>
              %parallel_loop3A_609 = arith.addf %parallel_loop3A_596, %parallel_loop3A_608 : vector<16xf32>
              %parallel_loop3A_610 = vector.broadcast %parallel_loop3A_586 : f32 to vector<16xf32>
              %parallel_loop3A_611 = arith.mulf %parallel_loop3A_610, %parallel_loop3A_606 : vector<16xf32>
              %parallel_loop3A_612 = arith.addf %parallel_loop3A_599, %parallel_loop3A_611 : vector<16xf32>
              %parallel_loop3A_613 = arith.index_cast %parallel_loop3A_530 : i32 to index
              %parallel_loop3A_614 = arith.constant 0 : index
              %parallel_loop3A_615 = tpu.vector_load %arg13[%parallel_loop3A_613, %parallel_loop3A_614] {strides = array<i32>} : memref<128x32xf32, #tpu.memory_space<vmem>>, vector<16xf32>,
              tpu.vector_store %arg13[%parallel_loop3A_613, %parallel_loop3A_614], %parallel_loop3A_609 {strides = array<i32>} : memref<128x32xf32, #tpu.memory_space<vmem>>, vector<16xf32>,
              %parallel_loop3A_616 = arith.index_cast %parallel_loop3A_530 : i32 to index
              %parallel_loop3A_617 = arith.constant 16 : index
              %parallel_loop3A_618 = tpu.vector_load %arg13[%parallel_loop3A_616, %parallel_loop3A_617] {strides = array<i32>} : memref<128x32xf32, #tpu.memory_space<vmem>>, vector<16xf32>,
              tpu.vector_store %arg13[%parallel_loop3A_616, %parallel_loop3A_617], %parallel_loop3A_612 {strides = array<i32>} : memref<128x32xf32, #tpu.memory_space<vmem>>, vector<16xf32>,
            } {sc.loop_unroll_factor = 8 : i64, sc.parallel_access}
          } else {
          }
          %while3A_472 = arith.constant 0 : i32
          scf.yield %while3A_472 : i32
        }
        %while3A_405 = arith.constant 1 : i32
        %while3A_406 = scf.for %while3A_408 = %while3A_402 to %while3A_398 step %while3A_405 iter_args(%while3A_409 = %while3A_404) -> (i32)  : i32 {
          %mul3A_410 = arith.constant 2 : i32
          %mul3A_411 = arith.muli %while3A_408, %mul3A_410 : i32
          %add3A_412 = arith.constant 1 : i32
          %add3A_413 = arith.addi %mul3A_411, %add3A_412 : i32
          %le3A = arith.cmpi sle, %add3A_413, %scan3A_332 : i32
          %convert_element_type3A_414 = arith.extui %le3A : i1 to i32
          %cond3A = arith.constant 0 : i32
          %cond3A_415 = arith.cmpi ne, %convert_element_type3A_414, %cond3A : i32
          scf.if %cond3A_415 {
            %add3A_473 = arith.constant 1 : i32
            %add3A_474 = arith.addi %mul3A_411, %add3A_473 : i32
            %mul3A_475 = arith.constant 16 : i32
            %mul3A_476 = arith.muli %scan3A_322, %mul3A_475 : i32
            %add3A_477 = arith.addi %mul3A_476, %add3A_474 : i32
            %mul3A_478 = arith.constant 4096 : i32
            %mul3A_479 = arith.muli %add3A_477, %mul3A_478 : i32
            %parallel_loop3A_480 = arith.constant 0 : i32
            %parallel_loop3A_481 = arith.constant 8 : i32
            %parallel_loop3A_482 = arith.constant 1 : i32
            scf.for %parallel_loop3A_531 = %parallel_loop3A_480 to %parallel_loop3A_481 step %parallel_loop3A_482  : i32 {
              %parallel_loop3A_532 = arith.constant 16 : i32
              %parallel_loop3A_533 = arith.muli %parallel_loop3A_531, %parallel_loop3A_532 : i32
              %parallel_loop3A_534 = arith.constant 0 : i32
              %parallel_loop3A_535 = arith.index_cast %scan3A_322 : i32 to index
              %parallel_loop3A_536 = arith.index_cast %scan3A_332 : i32 to index
              %parallel_loop3A_537 = arith.index_cast %parallel_loop3A_534 : i32 to index
              %parallel_loop3A_538 = arith.index_cast %parallel_loop3A_533 : i32 to index
              %parallel_loop3A_539 = tpu.vector_load %arg5[%parallel_loop3A_535, %parallel_loop3A_536, %parallel_loop3A_537, %parallel_loop3A_538] {strides = array<i32>} : memref<2x16x2x128xf32, #tpu.memory_space<vmem>>, vector<16xf32>,
              %parallel_loop3A_540 = arith.constant 0 : i32
              %parallel_loop3A_541 = arith.index_cast %scan3A_322 : i32 to index
              %parallel_loop3A_542 = arith.index_cast %add3A_474 : i32 to index
              %parallel_loop3A_543 = arith.index_cast %parallel_loop3A_540 : i32 to index
              %parallel_loop3A_544 = arith.index_cast %parallel_loop3A_533 : i32 to index
              %parallel_loop3A_545 = tpu.vector_load %arg5[%parallel_loop3A_541, %parallel_loop3A_542, %parallel_loop3A_543, %parallel_loop3A_544] {strides = array<i32>} : memref<2x16x2x128xf32, #tpu.memory_space<vmem>>, vector<16xf32>,
              %parallel_loop3A_546 = arith.subf %parallel_loop3A_539, %parallel_loop3A_545 : vector<16xf32>
              %parallel_loop3A_547 = arith.constant 1 : i32
              %parallel_loop3A_548 = arith.index_cast %scan3A_322 : i32 to index
              %parallel_loop3A_549 = arith.index_cast %scan3A_332 : i32 to index
              %parallel_loop3A_550 = arith.index_cast %parallel_loop3A_547 : i32 to index
              %parallel_loop3A_551 = arith.index_cast %parallel_loop3A_533 : i32 to index
              %parallel_loop3A_552 = tpu.vector_load %arg5[%parallel_loop3A_548, %parallel_loop3A_549, %parallel_loop3A_550, %parallel_loop3A_551] {strides = array<i32>} : memref<2x16x2x128xf32, #tpu.memory_space<vmem>>, vector<16xf32>,
              %parallel_loop3A_553 = arith.constant 1 : i32
              %parallel_loop3A_554 = arith.index_cast %scan3A_322 : i32 to index
              %parallel_loop3A_555 = arith.index_cast %add3A_474 : i32 to index
              %parallel_loop3A_556 = arith.index_cast %parallel_loop3A_553 : i32 to index
              %parallel_loop3A_557 = arith.index_cast %parallel_loop3A_533 : i32 to index
              %parallel_loop3A_558 = tpu.vector_load %arg5[%parallel_loop3A_554, %parallel_loop3A_555, %parallel_loop3A_556, %parallel_loop3A_557] {strides = array<i32>} : memref<2x16x2x128xf32, #tpu.memory_space<vmem>>, vector<16xf32>,
              %parallel_loop3A_559 = arith.subf %parallel_loop3A_552, %parallel_loop3A_558 : vector<16xf32>
              %parallel_loop3A_560 = arith.constant 0 : i32
              %parallel_loop3A_561 = arith.index_cast %parallel_loop3A_560 : i32 to index
              %parallel_loop3A_562 = arith.index_cast %parallel_loop3A_533 : i32 to index
              %parallel_loop3A_563 = tpu.vector_load %arg6[%parallel_loop3A_561, %parallel_loop3A_562] {strides = array<i32>} : memref<2x128xf32, #tpu.memory_space<vmem>>, vector<16xf32>,
              %parallel_loop3A_564 = arith.addf %parallel_loop3A_563, %parallel_loop3A_546 : vector<16xf32>
              %parallel_loop3A_565 = arith.constant 1.000000e+00 : f32
              %parallel_loop3A_566 = vector.broadcast %parallel_loop3A_565 : f32 to vector<16xf32>
              %parallel_loop3A_567 = arith.addf %parallel_loop3A_564, %parallel_loop3A_566 : vector<16xf32>
              %parallel_loop3A_568 = arith.constant 2.000000e+00 : f32
              %parallel_loop3A_569 = vector.broadcast %parallel_loop3A_568 : f32 to vector<16xf32>
              %parallel_loop3A_570 = arith.remf %parallel_loop3A_567, %parallel_loop3A_569 : vector<16xf32>
              %parallel_loop3A_571 = arith.constant 0.000000e+00 : f32
              %parallel_loop3A_572 = vector.broadcast %parallel_loop3A_571 : f32 to vector<16xf32>
              %parallel_loop3A_573 = arith.cmpf olt, %parallel_loop3A_570, %parallel_loop3A_572 : vector<16xf32>
              %parallel_loop3A_574 = arith.constant 2.000000e+00 : f32
              %parallel_loop3A_575 = vector.broadcast %parallel_loop3A_574 : f32 to vector<16xf32>
              %parallel_loop3A_576 = arith.addf %parallel_loop3A_570, %parallel_loop3A_575 : vector<16xf32>
              %parallel_loop3A_577 = arith.select %parallel_loop3A_573, %parallel_loop3A_576, %parallel_loop3A_570 : vector<16xi1>, vector<16xf32>
              %parallel_loop3A_578 = arith.constant 1.000000e+00 : f32
              %parallel_loop3A_579 = vector.broadcast %parallel_loop3A_578 : f32 to vector<16xf32>
              %parallel_loop3A_580 = arith.subf %parallel_loop3A_577, %parallel_loop3A_579 : vector<16xf32>
              %parallel_loop3A_581 = arith.constant 1.000000e+00 : f32
              %parallel_loop3A_582 = vector.broadcast %parallel_loop3A_581 : f32 to vector<16xf32>
              %parallel_loop3A_583 = arith.addf %parallel_loop3A_580, %parallel_loop3A_582 : vector<16xf32>
              %parallel_loop3A_584 = arith.constant 6.400000e+01 : f32
              %parallel_loop3A_585 = vector.broadcast %parallel_loop3A_584 : f32 to vector<16xf32>
              %parallel_loop3A_586 = arith.mulf %parallel_loop3A_583, %parallel_loop3A_585 : vector<16xf32>
              %parallel_loop3A_587 = arith.constant 1.000000e+00 : f32
              %parallel_loop3A_588 = vector.broadcast %parallel_loop3A_587 : f32 to vector<16xf32>
              %parallel_loop3A_589 = arith.subf %parallel_loop3A_586, %parallel_loop3A_588 : vector<16xf32>
              %parallel_loop3A_590 = arith.constant 5.000000e-01 : f32
              %parallel_loop3A_591 = vector.broadcast %parallel_loop3A_590 : f32 to vector<16xf32>
              %parallel_loop3A_592 = arith.mulf %parallel_loop3A_589, %parallel_loop3A_591 : vector<16xf32>
              %parallel_loop3A_593 = arith.fptosi %parallel_loop3A_592 : vector<16xf32> to vector<16xi32>
              %parallel_loop3A_594 = arith.constant 0.000000e+00 : f32
              %parallel_loop3A_595 = vector.broadcast %parallel_loop3A_594 : f32 to vector<16xf32>
              %parallel_loop3A_596 = arith.cmpf olt, %parallel_loop3A_592, %parallel_loop3A_595 : vector<16xf32>
              %parallel_loop3A_597 = arith.constant -1 : i32
              %parallel_loop3A_598 = vector.broadcast %parallel_loop3A_597 : i32 to vector<16xi32>
              %parallel_loop3A_599 = arith.select %parallel_loop3A_596, %parallel_loop3A_598, %parallel_loop3A_593 : vector<16xi1>, vector<16xi32>
              %parallel_loop3A_600 = arith.sitofp %parallel_loop3A_599 : vector<16xi32> to vector<16xf32>
              %parallel_loop3A_601 = arith.subf %parallel_loop3A_592, %parallel_loop3A_600 : vector<16xf32>
              %parallel_loop3A_602 = arith.constant 1.000000e+00 : f32
              %parallel_loop3A_603 = vector.broadcast %parallel_loop3A_602 : f32 to vector<16xf32>
              %parallel_loop3A_604 = arith.subf %parallel_loop3A_603, %parallel_loop3A_601 : vector<16xf32>
              %parallel_loop3A_605 = arith.constant 1 : i32
              %parallel_loop3A_606 = arith.index_cast %parallel_loop3A_605 : i32 to index
              %parallel_loop3A_607 = arith.index_cast %parallel_loop3A_533 : i32 to index
              %parallel_loop3A_608 = tpu.vector_load %arg6[%parallel_loop3A_606, %parallel_loop3A_607] {strides = array<i32>} : memref<2x128xf32, #tpu.memory_space<vmem>>, vector<16xf32>,
              %parallel_loop3A_609 = arith.addf %parallel_loop3A_608, %parallel_loop3A_559 : vector<16xf32>
              %parallel_loop3A_610 = arith.constant 1.000000e+00 : f32
              %parallel_loop3A_611 = vector.broadcast %parallel_loop3A_610 : f32 to vector<16xf32>
              %parallel_loop3A_612 = arith.addf %parallel_loop3A_609, %parallel_loop3A_611 : vector<16xf32>
              %parallel_loop3A_613 = arith.constant 6.400000e+01 : f32
              %parallel_loop3A_614 = vector.broadcast %parallel_loop3A_613 : f32 to vector<16xf32>
              %parallel_loop3A_615 = arith.mulf %parallel_loop3A_612, %parallel_loop3A_614 : vector<16xf32>
              %parallel_loop3A_616 = arith.constant 1.000000e+00 : f32
              %parallel_loop3A_617 = vector.broadcast %parallel_loop3A_616 : f32 to vector<16xf32>
              %parallel_loop3A_618 = arith.subf %parallel_loop3A_615, %parallel_loop3A_617 : vector<16xf32>
              %parallel_loop3A_619 = arith.constant 5.000000e-01 : f32
              %parallel_loop3A_620 = vector.broadcast %parallel_loop3A_619 : f32 to vector<16xf32>
              %parallel_loop3A_621 = arith.mulf %parallel_loop3A_618, %parallel_loop3A_620 : vector<16xf32>
              %parallel_loop3A_622 = arith.constant -4.000000e+00 : f32
              %parallel_loop3A_623 = vector.broadcast %parallel_loop3A_622 : f32 to vector<16xf32>
              %parallel_loop3A_624 = arith.maximumf %parallel_loop3A_621, %parallel_loop3A_623 : vector<16xf32>
              %parallel_loop3A_625 = arith.constant 6.800000e+01 : f32
              %parallel_loop3A_626 = vector.broadcast %parallel_loop3A_625 : f32 to vector<16xf32>
              %parallel_loop3A_627 = arith.minimumf %parallel_loop3A_624, %parallel_loop3A_626 : vector<16xf32>
              %parallel_loop3A_628 = arith.fptosi %parallel_loop3A_627 : vector<16xf32> to vector<16xi32>
              %parallel_loop3A_629 = arith.sitofp %parallel_loop3A_628 : vector<16xi32> to vector<16xf32>
              %parallel_loop3A_630 = arith.cmpf ogt, %parallel_loop3A_629, %parallel_loop3A_627 : vector<16xf32>
              %parallel_loop3A_631 = arith.constant 1 : i32
              %parallel_loop3A_632 = vector.broadcast %parallel_loop3A_631 : i32 to vector<16xi32>
              %parallel_loop3A_633 = arith.subi %parallel_loop3A_628, %parallel_loop3A_632 : vector<16xi32>
              %parallel_loop3A_634 = arith.select %parallel_loop3A_630, %parallel_loop3A_633, %parallel_loop3A_628 : vector<16xi1>, vector<16xi32>
              %parallel_loop3A_635 = arith.sitofp %parallel_loop3A_634 : vector<16xi32> to vector<16xf32>
              %parallel_loop3A_636 = arith.subf %parallel_loop3A_627, %parallel_loop3A_635 : vector<16xf32>
              %parallel_loop3A_637 = arith.constant 1.000000e+00 : f32
              %parallel_loop3A_638 = vector.broadcast %parallel_loop3A_637 : f32 to vector<16xf32>
              %parallel_loop3A_639 = arith.subf %parallel_loop3A_638, %parallel_loop3A_636 : vector<16xf32>
              %parallel_loop3A_640 = arith.constant 0 : i32
              %parallel_loop3A_641 = vector.broadcast %parallel_loop3A_640 : i32 to vector<16xi32>
              %parallel_loop3A_642 = arith.maxsi %parallel_loop3A_599, %parallel_loop3A_641 : vector<16xi32>
              %parallel_loop3A_643 = arith.constant 0 : i32
              %parallel_loop3A_644 = vector.broadcast %parallel_loop3A_643 : i32 to vector<16xi32>
              %parallel_loop3A_645 = arith.cmpi slt, %parallel_loop3A_599, %parallel_loop3A_644 : vector<16xi32>
              %parallel_loop3A_646 = arith.select %parallel_loop3A_645, %parallel_loop3A_601, %parallel_loop3A_604 : vector<16xi1>, vector<16xf32>
              %parallel_loop3A_647 = arith.constant 0 : i32
              %parallel_loop3A_648 = vector.broadcast %parallel_loop3A_647 : i32 to vector<16xi32>
              %parallel_loop3A_649 = arith.cmpi slt, %parallel_loop3A_599, %parallel_loop3A_648 : vector<16xi32>
              %parallel_loop3A_650 = arith.constant 63 : i32
              %parallel_loop3A_651 = vector.broadcast %parallel_loop3A_650 : i32 to vector<16xi32>
              %parallel_loop3A_652 = arith.cmpi sge, %parallel_loop3A_599, %parallel_loop3A_651 : vector<16xi32>
              %parallel_loop3A_653 = arith.ori %parallel_loop3A_649, %parallel_loop3A_652 : vector<16xi1>
              %parallel_loop3A_654 = arith.constant 0.000000e+00 : f32
              %parallel_loop3A_655 = vector.broadcast %parallel_loop3A_654 : f32 to vector<16xf32>
              %parallel_loop3A_656 = arith.select %parallel_loop3A_653, %parallel_loop3A_655, %parallel_loop3A_601 : vector<16xi1>, vector<16xf32>
              %parallel_loop3A_657 = arith.constant 63 : i32
              %parallel_loop3A_658 = vector.broadcast %parallel_loop3A_657 : i32 to vector<16xi32>
              %parallel_loop3A_659 = arith.cmpi sge, %parallel_loop3A_642, %parallel_loop3A_658 : vector<16xi32>
              %parallel_loop3A_660 = arith.constant 0 : i32
              %parallel_loop3A_661 = arith.constant 1 : i32
              %parallel_loop3A_662 = vector.broadcast %parallel_loop3A_660 : i32 to vector<16xi32>
              %parallel_loop3A_663 = vector.broadcast %parallel_loop3A_661 : i32 to vector<16xi32>
              %parallel_loop3A_664 = arith.select %parallel_loop3A_659, %parallel_loop3A_662, %parallel_loop3A_663 : vector<16xi1>, vector<16xi32>
              %parallel_loop3A_665 = arith.constant 0 : i32
              %parallel_loop3A_666 = vector.broadcast %parallel_loop3A_665 : i32 to vector<16xi32>
              %parallel_loop3A_667 = arith.addi %parallel_loop3A_634, %parallel_loop3A_666 : vector<16xi32>
              %parallel_loop3A_668 = arith.constant 0 : i32
              %parallel_loop3A_669 = vector.broadcast %parallel_loop3A_668 : i32 to vector<16xi32>
              %parallel_loop3A_670 = arith.cmpi sge, %parallel_loop3A_667, %parallel_loop3A_669 : vector<16xi32>
              %parallel_loop3A_671 = arith.constant 63 : i32
              %parallel_loop3A_672 = vector.broadcast %parallel_loop3A_671 : i32 to vector<16xi32>
              %parallel_loop3A_673 = arith.cmpi sle, %parallel_loop3A_667, %parallel_loop3A_672 : vector<16xi32>
              %parallel_loop3A_674 = arith.andi %parallel_loop3A_670, %parallel_loop3A_673 : vector<16xi1>
              %parallel_loop3A_675 = arith.constant 0 : i32
              %parallel_loop3A_676 = arith.constant 63 : i32
              %parallel_loop3A_677 = vector.broadcast %parallel_loop3A_675 : i32 to vector<16xi32>
              %parallel_loop3A_678 = arith.maxsi %parallel_loop3A_677, %parallel_loop3A_667 : vector<16xi32>
              %parallel_loop3A_679 = vector.broadcast %parallel_loop3A_676 : i32 to vector<16xi32>
              %parallel_loop3A_680 = arith.minsi %parallel_loop3A_679, %parallel_loop3A_678 : vector<16xi32>
              %parallel_loop3A_681 = arith.constant 0.000000e+00 : f32
              %parallel_loop3A_682 = vector.broadcast %parallel_loop3A_681 : f32 to vector<16xf32>
              %parallel_loop3A_683 = arith.select %parallel_loop3A_674, %parallel_loop3A_639, %parallel_loop3A_682 : vector<16xi1>, vector<16xf32>
              %parallel_loop3A_684 = arith.constant 64 : i32
              %parallel_loop3A_685 = vector.broadcast %parallel_loop3A_684 : i32 to vector<16xi32>
              %parallel_loop3A_686 = arith.muli %parallel_loop3A_680, %parallel_loop3A_685 : vector<16xi32>
              %parallel_loop3A_687 = vector.broadcast %mul3A_479 : i32 to vector<16xi32>
              %parallel_loop3A_688 = arith.addi %parallel_loop3A_687, %parallel_loop3A_686 : vector<16xi32>
              %parallel_loop3A_689 = arith.addi %parallel_loop3A_688, %parallel_loop3A_642 : vector<16xi32>
              %parallel_loop3A_690 = arith.constant 0 : i32
              %parallel_loop3A_691 = arith.index_cast %parallel_loop3A_690 : i32 to index
              %parallel_loop3A_692 = arith.index_cast %parallel_loop3A_533 : i32 to index
              %parallel_loop3A_693 = tpu.vector_load %arg8[%parallel_loop3A_691, %parallel_loop3A_692] {strides = array<i32>} : memref<4x128xi32, #tpu.memory_space<vmem>>, vector<16xi32>,
              tpu.vector_store %arg8[%parallel_loop3A_691, %parallel_loop3A_692], %parallel_loop3A_689 {strides = array<i32>} : memref<4x128xi32, #tpu.memory_space<vmem>>, vector<16xi32>,
              %parallel_loop3A_694 = arith.addi %parallel_loop3A_689, %parallel_loop3A_664 : vector<16xi32>
              %parallel_loop3A_695 = arith.constant 2 : i32
              %parallel_loop3A_696 = arith.index_cast %parallel_loop3A_695 : i32 to index
              %parallel_loop3A_697 = arith.index_cast %parallel_loop3A_533 : i32 to index
              %parallel_loop3A_698 = tpu.vector_load %arg8[%parallel_loop3A_696, %parallel_loop3A_697] {strides = array<i32>} : memref<4x128xi32, #tpu.memory_space<vmem>>, vector<16xi32>,
              tpu.vector_store %arg8[%parallel_loop3A_696, %parallel_loop3A_697], %parallel_loop3A_694 {strides = array<i32>} : memref<4x128xi32, #tpu.memory_space<vmem>>, vector<16xi32>,
              %parallel_loop3A_699 = arith.mulf %parallel_loop3A_683, %parallel_loop3A_646 : vector<16xf32>
              %parallel_loop3A_700 = arith.constant 16 : i32
              %parallel_loop3A_701 = arith.muli %parallel_loop3A_531, %parallel_loop3A_700 : i32
              %parallel_loop3A_702 = arith.constant 0 : i32
              %parallel_loop3A_703 = arith.addi %parallel_loop3A_702, %parallel_loop3A_701 : i32
              %parallel_loop3A_704 = arith.index_cast %parallel_loop3A_703 : i32 to index
              %parallel_loop3A_705 = tpu.vector_load %arg10[%parallel_loop3A_704] {strides = array<i32>} : memref<528xf32, #tpu.memory_space<vmem>>, vector<16xf32>,
              tpu.vector_store %arg10[%parallel_loop3A_704], %parallel_loop3A_699 {strides = array<i32>} : memref<528xf32, #tpu.memory_space<vmem>>, vector<16xf32>,
              %parallel_loop3A_706 = arith.mulf %parallel_loop3A_683, %parallel_loop3A_656 : vector<16xf32>
              %parallel_loop3A_707 = arith.constant 16 : i32
              %parallel_loop3A_708 = arith.muli %parallel_loop3A_531, %parallel_loop3A_707 : i32
              %parallel_loop3A_709 = arith.constant 128 : i32
              %parallel_loop3A_710 = arith.addi %parallel_loop3A_709, %parallel_loop3A_708 : i32
              %parallel_loop3A_711 = arith.index_cast %parallel_loop3A_710 : i32 to index
              %parallel_loop3A_712 = tpu.vector_load %arg10[%parallel_loop3A_711] {strides = array<i32>} : memref<528xf32, #tpu.memory_space<vmem>>, vector<16xf32>,
              tpu.vector_store %arg10[%parallel_loop3A_711], %parallel_loop3A_706 {strides = array<i32>} : memref<528xf32, #tpu.memory_space<vmem>>, vector<16xf32>,
              %parallel_loop3A_713 = arith.constant 1 : i32
              %parallel_loop3A_714 = vector.broadcast %parallel_loop3A_713 : i32 to vector<16xi32>
              %parallel_loop3A_715 = arith.addi %parallel_loop3A_634, %parallel_loop3A_714 : vector<16xi32>
              %parallel_loop3A_716 = arith.constant 0 : i32
              %parallel_loop3A_717 = vector.broadcast %parallel_loop3A_716 : i32 to vector<16xi32>
              %parallel_loop3A_718 = arith.cmpi sge, %parallel_loop3A_715, %parallel_loop3A_717 : vector<16xi32>
              %parallel_loop3A_719 = arith.constant 63 : i32
              %parallel_loop3A_720 = vector.broadcast %parallel_loop3A_719 : i32 to vector<16xi32>
              %parallel_loop3A_721 = arith.cmpi sle, %parallel_loop3A_715, %parallel_loop3A_720 : vector<16xi32>
              %parallel_loop3A_722 = arith.andi %parallel_loop3A_718, %parallel_loop3A_721 : vector<16xi1>
              %parallel_loop3A_723 = arith.constant 0 : i32
              %parallel_loop3A_724 = arith.constant 63 : i32
              %parallel_loop3A_725 = vector.broadcast %parallel_loop3A_723 : i32 to vector<16xi32>
              %parallel_loop3A_726 = arith.maxsi %parallel_loop3A_725, %parallel_loop3A_715 : vector<16xi32>
              %parallel_loop3A_727 = vector.broadcast %parallel_loop3A_724 : i32 to vector<16xi32>
              %parallel_loop3A_728 = arith.minsi %parallel_loop3A_727, %parallel_loop3A_726 : vector<16xi32>
              %parallel_loop3A_729 = arith.constant 0.000000e+00 : f32
              %parallel_loop3A_730 = vector.broadcast %parallel_loop3A_729 : f32 to vector<16xf32>
              %parallel_loop3A_731 = arith.select %parallel_loop3A_722, %parallel_loop3A_636, %parallel_loop3A_730 : vector<16xi1>, vector<16xf32>
              %parallel_loop3A_732 = arith.constant 64 : i32
              %parallel_loop3A_733 = vector.broadcast %parallel_loop3A_732 : i32 to vector<16xi32>
              %parallel_loop3A_734 = arith.muli %parallel_loop3A_728, %parallel_loop3A_733 : vector<16xi32>
              %parallel_loop3A_735 = vector.broadcast %mul3A_479 : i32 to vector<16xi32>
              %parallel_loop3A_736 = arith.addi %parallel_loop3A_735, %parallel_loop3A_734 : vector<16xi32>
              %parallel_loop3A_737 = arith.addi %parallel_loop3A_736, %parallel_loop3A_642 : vector<16xi32>
              %parallel_loop3A_738 = arith.constant 1 : i32
              %parallel_loop3A_739 = arith.index_cast %parallel_loop3A_738 : i32 to index
              %parallel_loop3A_740 = arith.index_cast %parallel_loop3A_533 : i32 to index
              %parallel_loop3A_741 = tpu.vector_load %arg8[%parallel_loop3A_739, %parallel_loop3A_740] {strides = array<i32>} : memref<4x128xi32, #tpu.memory_space<vmem>>, vector<16xi32>,
              tpu.vector_store %arg8[%parallel_loop3A_739, %parallel_loop3A_740], %parallel_loop3A_737 {strides = array<i32>} : memref<4x128xi32, #tpu.memory_space<vmem>>, vector<16xi32>,
              %parallel_loop3A_742 = arith.addi %parallel_loop3A_737, %parallel_loop3A_664 : vector<16xi32>
              %parallel_loop3A_743 = arith.constant 3 : i32
              %parallel_loop3A_744 = arith.index_cast %parallel_loop3A_743 : i32 to index
              %parallel_loop3A_745 = arith.index_cast %parallel_loop3A_533 : i32 to index
              %parallel_loop3A_746 = tpu.vector_load %arg8[%parallel_loop3A_744, %parallel_loop3A_745] {strides = array<i32>} : memref<4x128xi32, #tpu.memory_space<vmem>>, vector<16xi32>,
              tpu.vector_store %arg8[%parallel_loop3A_744, %parallel_loop3A_745], %parallel_loop3A_742 {strides = array<i32>} : memref<4x128xi32, #tpu.memory_space<vmem>>, vector<16xi32>,
              %parallel_loop3A_747 = arith.mulf %parallel_loop3A_731, %parallel_loop3A_646 : vector<16xf32>
              %parallel_loop3A_748 = arith.constant 16 : i32
              %parallel_loop3A_749 = arith.muli %parallel_loop3A_531, %parallel_loop3A_748 : i32
              %parallel_loop3A_750 = arith.constant 256 : i32
              %parallel_loop3A_751 = arith.addi %parallel_loop3A_750, %parallel_loop3A_749 : i32
              %parallel_loop3A_752 = arith.index_cast %parallel_loop3A_751 : i32 to index
              %parallel_loop3A_753 = tpu.vector_load %arg10[%parallel_loop3A_752] {strides = array<i32>} : memref<528xf32, #tpu.memory_space<vmem>>, vector<16xf32>,
              tpu.vector_store %arg10[%parallel_loop3A_752], %parallel_loop3A_747 {strides = array<i32>} : memref<528xf32, #tpu.memory_space<vmem>>, vector<16xf32>,
              %parallel_loop3A_754 = arith.mulf %parallel_loop3A_731, %parallel_loop3A_656 : vector<16xf32>
              %parallel_loop3A_755 = arith.constant 16 : i32
              %parallel_loop3A_756 = arith.muli %parallel_loop3A_531, %parallel_loop3A_755 : i32
              %parallel_loop3A_757 = arith.constant 384 : i32
              %parallel_loop3A_758 = arith.addi %parallel_loop3A_757, %parallel_loop3A_756 : i32
              %parallel_loop3A_759 = arith.index_cast %parallel_loop3A_758 : i32 to index
              %parallel_loop3A_760 = tpu.vector_load %arg10[%parallel_loop3A_759] {strides = array<i32>} : memref<528xf32, #tpu.memory_space<vmem>>, vector<16xf32>,
              tpu.vector_store %arg10[%parallel_loop3A_759], %parallel_loop3A_754 {strides = array<i32>} : memref<528xf32, #tpu.memory_space<vmem>>, vector<16xf32>,
            } {sc.loop_unroll_factor = 2 : i64, sc.parallel_access}
            %dma_start3A_483 = arith.constant 0 : i32
            %dma_start3A_484 = arith.constant 0 : i32
            %dma_start3A_485 = arith.constant 0 : i32
            %dma_start3A_486 = arith.constant 0 : i32
            %dma_start3A_487 = tpu.memref_slice %arg12[%dma_start3A_484, %dma_start3A_485, %dma_start3A_486] : memref<4x128x32xbf16, #tpu.memory_space<vmem>> -> memref<1x128x32xbf16, #tpu.memory_space<vmem>>
            %dma_start3A_488 = tpu.memref_squeeze %dma_start3A_487 : memref<1x128x32xbf16, #tpu.memory_space<vmem>> -> memref<128x32xbf16, #tpu.memory_space<vmem>>
            %dma_start3A_489 = arith.constant 0 : i32
            %dma_start3A_490 = tpu.memref_slice %arg8[%dma_start3A_483, %dma_start3A_489] : memref<4x128xi32, #tpu.memory_space<vmem>> -> memref<1x128xi32, #tpu.memory_space<vmem>>
            %dma_start3A_491 = tpu.memref_squeeze %dma_start3A_490 : memref<1x128xi32, #tpu.memory_space<vmem>> -> memref<128xi32, #tpu.memory_space<vmem>>
            %dma_start3A_492 = arith.constant 0 : i32
            %dma_start3A_493 = arith.constant 0 : i32
            %dma_start3A_494 = tpu.memref_slice %arg3[%dma_start3A_492, %dma_start3A_493] : memref<131072x32xbf16, #tpu.memory_space<hbm>> -> memref<131072x32xbf16, #tpu.memory_space<hbm>>
            tpu.enqueue_indirect_dma source(%dma_start3A_494 : memref<131072x32xbf16, #tpu.memory_space<hbm>>) target(%dma_start3A_488 : memref<128x32xbf16, #tpu.memory_space<vmem>>) offsets(%dma_start3A_491 : memref<128xi32, #tpu.memory_space<vmem>>) semaphore(%arg15 : memref<!tpu.dma_semaphore, #tpu.memory_space<semaphore_mem>>)
            %dma_start3A_495 = arith.constant 1 : i32
            %dma_start3A_496 = arith.constant 1 : i32
            %dma_start3A_497 = arith.constant 0 : i32
            %dma_start3A_498 = arith.constant 0 : i32
            %dma_start3A_499 = tpu.memref_slice %arg12[%dma_start3A_496, %dma_start3A_497, %dma_start3A_498] : memref<4x128x32xbf16, #tpu.memory_space<vmem>> -> memref<1x128x32xbf16, #tpu.memory_space<vmem>>
            %dma_start3A_500 = tpu.memref_squeeze %dma_start3A_499 : memref<1x128x32xbf16, #tpu.memory_space<vmem>> -> memref<128x32xbf16, #tpu.memory_space<vmem>>
            %dma_start3A_501 = arith.constant 0 : i32
            %dma_start3A_502 = tpu.memref_slice %arg8[%dma_start3A_495, %dma_start3A_501] : memref<4x128xi32, #tpu.memory_space<vmem>> -> memref<1x128xi32, #tpu.memory_space<vmem>>
            %dma_start3A_503 = tpu.memref_squeeze %dma_start3A_502 : memref<1x128xi32, #tpu.memory_space<vmem>> -> memref<128xi32, #tpu.memory_space<vmem>>
            %dma_start3A_504 = arith.constant 0 : i32
            %dma_start3A_505 = arith.constant 0 : i32
            %dma_start3A_506 = tpu.memref_slice %arg3[%dma_start3A_504, %dma_start3A_505] : memref<131072x32xbf16, #tpu.memory_space<hbm>> -> memref<131072x32xbf16, #tpu.memory_space<hbm>>
            tpu.enqueue_indirect_dma source(%dma_start3A_506 : memref<131072x32xbf16, #tpu.memory_space<hbm>>) target(%dma_start3A_500 : memref<128x32xbf16, #tpu.memory_space<vmem>>) offsets(%dma_start3A_503 : memref<128xi32, #tpu.memory_space<vmem>>) semaphore(%arg15 : memref<!tpu.dma_semaphore, #tpu.memory_space<semaphore_mem>>)
            %dma_start3A_507 = arith.constant 2 : i32
            %dma_start3A_508 = arith.constant 2 : i32
            %dma_start3A_509 = arith.constant 0 : i32
            %dma_start3A_510 = arith.constant 0 : i32
            %dma_start3A_511 = tpu.memref_slice %arg12[%dma_start3A_508, %dma_start3A_509, %dma_start3A_510] : memref<4x128x32xbf16, #tpu.memory_space<vmem>> -> memref<1x128x32xbf16, #tpu.memory_space<vmem>>
            %dma_start3A_512 = tpu.memref_squeeze %dma_start3A_511 : memref<1x128x32xbf16, #tpu.memory_space<vmem>> -> memref<128x32xbf16, #tpu.memory_space<vmem>>
            %dma_start3A_513 = arith.constant 0 : i32
            %dma_start3A_514 = tpu.memref_slice %arg8[%dma_start3A_507, %dma_start3A_513] : memref<4x128xi32, #tpu.memory_space<vmem>> -> memref<1x128xi32, #tpu.memory_space<vmem>>
            %dma_start3A_515 = tpu.memref_squeeze %dma_start3A_514 : memref<1x128xi32, #tpu.memory_space<vmem>> -> memref<128xi32, #tpu.memory_space<vmem>>
            %dma_start3A_516 = arith.constant 0 : i32
            %dma_start3A_517 = arith.constant 0 : i32
            %dma_start3A_518 = tpu.memref_slice %arg3[%dma_start3A_516, %dma_start3A_517] : memref<131072x32xbf16, #tpu.memory_space<hbm>> -> memref<131072x32xbf16, #tpu.memory_space<hbm>>
            tpu.enqueue_indirect_dma source(%dma_start3A_518 : memref<131072x32xbf16, #tpu.memory_space<hbm>>) target(%dma_start3A_512 : memref<128x32xbf16, #tpu.memory_space<vmem>>) offsets(%dma_start3A_515 : memref<128xi32, #tpu.memory_space<vmem>>) semaphore(%arg15 : memref<!tpu.dma_semaphore, #tpu.memory_space<semaphore_mem>>)
            %dma_start3A_519 = arith.constant 3 : i32
            %dma_start3A_520 = arith.constant 3 : i32
            %dma_start3A_521 = arith.constant 0 : i32
            %dma_start3A_522 = arith.constant 0 : i32
            %dma_start3A_523 = tpu.memref_slice %arg12[%dma_start3A_520, %dma_start3A_521, %dma_start3A_522] : memref<4x128x32xbf16, #tpu.memory_space<vmem>> -> memref<1x128x32xbf16, #tpu.memory_space<vmem>>
            %dma_start3A_524 = tpu.memref_squeeze %dma_start3A_523 : memref<1x128x32xbf16, #tpu.memory_space<vmem>> -> memref<128x32xbf16, #tpu.memory_space<vmem>>
            %dma_start3A_525 = arith.constant 0 : i32
            %dma_start3A_526 = tpu.memref_slice %arg8[%dma_start3A_519, %dma_start3A_525] : memref<4x128xi32, #tpu.memory_space<vmem>> -> memref<1x128xi32, #tpu.memory_space<vmem>>
            %dma_start3A_527 = tpu.memref_squeeze %dma_start3A_526 : memref<1x128xi32, #tpu.memory_space<vmem>> -> memref<128xi32, #tpu.memory_space<vmem>>
            %dma_start3A_528 = arith.constant 0 : i32
            %dma_start3A_529 = arith.constant 0 : i32
            %dma_start3A_530 = tpu.memref_slice %arg3[%dma_start3A_528, %dma_start3A_529] : memref<131072x32xbf16, #tpu.memory_space<hbm>> -> memref<131072x32xbf16, #tpu.memory_space<hbm>>
            tpu.enqueue_indirect_dma source(%dma_start3A_530 : memref<131072x32xbf16, #tpu.memory_space<hbm>>) target(%dma_start3A_524 : memref<128x32xbf16, #tpu.memory_space<vmem>>) offsets(%dma_start3A_527 : memref<128xi32, #tpu.memory_space<vmem>>) semaphore(%arg15 : memref<!tpu.dma_semaphore, #tpu.memory_space<semaphore_mem>>)
          } else {
          }
          %dma_wait3A = arith.constant 0 : i32
          %dma_wait3A_416 = arith.constant 0 : i32
          %dma_wait3A_417 = arith.constant 0 : i32
          %dma_wait3A_418 = arith.constant 0 : i32
          %dma_wait3A_419 = tpu.memref_slice %arg11[%dma_wait3A_416, %dma_wait3A_417, %dma_wait3A_418] : memref<4x128x32xbf16, #tpu.memory_space<vmem>> -> memref<1x128x32xbf16, #tpu.memory_space<vmem>>
          %dma_wait3A_420 = tpu.memref_squeeze %dma_wait3A_419 : memref<1x128x32xbf16, #tpu.memory_space<vmem>> -> memref<128x32xbf16, #tpu.memory_space<vmem>>
          %dma_wait3A_421 = arith.constant 0 : i32
          %dma_wait3A_422 = tpu.memref_slice %arg7[%dma_wait3A, %dma_wait3A_421] : memref<4x128xi32, #tpu.memory_space<vmem>> -> memref<1x128xi32, #tpu.memory_space<vmem>>
          %dma_wait3A_423 = tpu.memref_squeeze %dma_wait3A_422 : memref<1x128xi32, #tpu.memory_space<vmem>> -> memref<128xi32, #tpu.memory_space<vmem>>
          %dma_wait3A_424 = arith.constant 0 : i32
          %dma_wait3A_425 = arith.constant 0 : i32
          %dma_wait3A_426 = tpu.memref_slice %arg3[%dma_wait3A_424, %dma_wait3A_425] : memref<131072x32xbf16, #tpu.memory_space<hbm>> -> memref<131072x32xbf16, #tpu.memory_space<hbm>>
          tpu.wait_indirect_dma semaphore(%arg14 : memref<!tpu.dma_semaphore, #tpu.memory_space<semaphore_mem>>) src(%dma_wait3A_426 : memref<131072x32xbf16, #tpu.memory_space<hbm>>) dst(%dma_wait3A_420 : memref<128x32xbf16, #tpu.memory_space<vmem>>)
          %dma_wait3A_427 = arith.constant 1 : i32
          %dma_wait3A_428 = arith.constant 1 : i32
          %dma_wait3A_429 = arith.constant 0 : i32
          %dma_wait3A_430 = arith.constant 0 : i32
          %dma_wait3A_431 = tpu.memref_slice %arg11[%dma_wait3A_428, %dma_wait3A_429, %dma_wait3A_430] : memref<4x128x32xbf16, #tpu.memory_space<vmem>> -> memref<1x128x32xbf16, #tpu.memory_space<vmem>>
          %dma_wait3A_432 = tpu.memref_squeeze %dma_wait3A_431 : memref<1x128x32xbf16, #tpu.memory_space<vmem>> -> memref<128x32xbf16, #tpu.memory_space<vmem>>
          %dma_wait3A_433 = arith.constant 0 : i32
          %dma_wait3A_434 = tpu.memref_slice %arg7[%dma_wait3A_427, %dma_wait3A_433] : memref<4x128xi32, #tpu.memory_space<vmem>> -> memref<1x128xi32, #tpu.memory_space<vmem>>
          %dma_wait3A_435 = tpu.memref_squeeze %dma_wait3A_434 : memref<1x128xi32, #tpu.memory_space<vmem>> -> memref<128xi32, #tpu.memory_space<vmem>>
          %dma_wait3A_436 = arith.constant 0 : i32
          %dma_wait3A_437 = arith.constant 0 : i32
          %dma_wait3A_438 = tpu.memref_slice %arg3[%dma_wait3A_436, %dma_wait3A_437] : memref<131072x32xbf16, #tpu.memory_space<hbm>> -> memref<131072x32xbf16, #tpu.memory_space<hbm>>
          tpu.wait_indirect_dma semaphore(%arg14 : memref<!tpu.dma_semaphore, #tpu.memory_space<semaphore_mem>>) src(%dma_wait3A_438 : memref<131072x32xbf16, #tpu.memory_space<hbm>>) dst(%dma_wait3A_432 : memref<128x32xbf16, #tpu.memory_space<vmem>>)
          %dma_wait3A_439 = arith.constant 2 : i32
          %dma_wait3A_440 = arith.constant 2 : i32
          %dma_wait3A_441 = arith.constant 0 : i32
          %dma_wait3A_442 = arith.constant 0 : i32
          %dma_wait3A_443 = tpu.memref_slice %arg11[%dma_wait3A_440, %dma_wait3A_441, %dma_wait3A_442] : memref<4x128x32xbf16, #tpu.memory_space<vmem>> -> memref<1x128x32xbf16, #tpu.memory_space<vmem>>
          %dma_wait3A_444 = tpu.memref_squeeze %dma_wait3A_443 : memref<1x128x32xbf16, #tpu.memory_space<vmem>> -> memref<128x32xbf16, #tpu.memory_space<vmem>>
          %dma_wait3A_445 = arith.constant 0 : i32
          %dma_wait3A_446 = tpu.memref_slice %arg7[%dma_wait3A_439, %dma_wait3A_445] : memref<4x128xi32, #tpu.memory_space<vmem>> -> memref<1x128xi32, #tpu.memory_space<vmem>>
          %dma_wait3A_447 = tpu.memref_squeeze %dma_wait3A_446 : memref<1x128xi32, #tpu.memory_space<vmem>> -> memref<128xi32, #tpu.memory_space<vmem>>
          %dma_wait3A_448 = arith.constant 0 : i32
          %dma_wait3A_449 = arith.constant 0 : i32
          %dma_wait3A_450 = tpu.memref_slice %arg3[%dma_wait3A_448, %dma_wait3A_449] : memref<131072x32xbf16, #tpu.memory_space<hbm>> -> memref<131072x32xbf16, #tpu.memory_space<hbm>>
          tpu.wait_indirect_dma semaphore(%arg14 : memref<!tpu.dma_semaphore, #tpu.memory_space<semaphore_mem>>) src(%dma_wait3A_450 : memref<131072x32xbf16, #tpu.memory_space<hbm>>) dst(%dma_wait3A_444 : memref<128x32xbf16, #tpu.memory_space<vmem>>)
          %dma_wait3A_451 = arith.constant 3 : i32
          %dma_wait3A_452 = arith.constant 3 : i32
          %dma_wait3A_453 = arith.constant 0 : i32
          %dma_wait3A_454 = arith.constant 0 : i32
          %dma_wait3A_455 = tpu.memref_slice %arg11[%dma_wait3A_452, %dma_wait3A_453, %dma_wait3A_454] : memref<4x128x32xbf16, #tpu.memory_space<vmem>> -> memref<1x128x32xbf16, #tpu.memory_space<vmem>>
          %dma_wait3A_456 = tpu.memref_squeeze %dma_wait3A_455 : memref<1x128x32xbf16, #tpu.memory_space<vmem>> -> memref<128x32xbf16, #tpu.memory_space<vmem>>
          %dma_wait3A_457 = arith.constant 0 : i32
          %dma_wait3A_458 = tpu.memref_slice %arg7[%dma_wait3A_451, %dma_wait3A_457] : memref<4x128xi32, #tpu.memory_space<vmem>> -> memref<1x128xi32, #tpu.memory_space<vmem>>
          %dma_wait3A_459 = tpu.memref_squeeze %dma_wait3A_458 : memref<1x128xi32, #tpu.memory_space<vmem>> -> memref<128xi32, #tpu.memory_space<vmem>>
          %dma_wait3A_460 = arith.constant 0 : i32
          %dma_wait3A_461 = arith.constant 0 : i32
          %dma_wait3A_462 = tpu.memref_slice %arg3[%dma_wait3A_460, %dma_wait3A_461] : memref<131072x32xbf16, #tpu.memory_space<hbm>> -> memref<131072x32xbf16, #tpu.memory_space<hbm>>
          tpu.wait_indirect_dma semaphore(%arg14 : memref<!tpu.dma_semaphore, #tpu.memory_space<semaphore_mem>>) src(%dma_wait3A_462 : memref<131072x32xbf16, #tpu.memory_space<hbm>>) dst(%dma_wait3A_456 : memref<128x32xbf16, #tpu.memory_space<vmem>>)
          %parallel_loop3A_463 = arith.constant 0 : i32
          %parallel_loop3A_464 = arith.constant 128 : i32
          %parallel_loop3A_465 = arith.constant 1 : i32
          scf.for %parallel_loop3A_473 = %parallel_loop3A_463 to %parallel_loop3A_464 step %parallel_loop3A_465  : i32 {
            %parallel_loop3A_474 = arith.index_cast %parallel_loop3A_473 : i32 to index
            %parallel_loop3A_475 = arith.constant 0 : index
            %parallel_loop3A_476 = tpu.vector_load %arg13[%parallel_loop3A_474, %parallel_loop3A_475] {strides = array<i32>} : memref<128x32xf32, #tpu.memory_space<vmem>>, vector<16xf32>,
            %parallel_loop3A_477 = arith.index_cast %parallel_loop3A_473 : i32 to index
            %parallel_loop3A_478 = arith.constant 16 : index
            %parallel_loop3A_479 = tpu.vector_load %arg13[%parallel_loop3A_477, %parallel_loop3A_478] {strides = array<i32>} : memref<128x32xf32, #tpu.memory_space<vmem>>, vector<16xf32>,
            %parallel_loop3A_480 = arith.constant 0 : i32
            %parallel_loop3A_481 = arith.addi %parallel_loop3A_480, %parallel_loop3A_473 : i32
            %parallel_loop3A_482 = arith.index_cast %parallel_loop3A_481 : i32 to index
            %parallel_loop3A_483 = tpu.vector_load %arg9[%parallel_loop3A_482] {strides = array<i32>} : memref<528xf32, #tpu.memory_space<vmem>>, vector<16xf32>,
            %parallel_loop3A_484 = vector.extract_strided_slice %parallel_loop3A_483 {offsets = [0], sizes = [1], strides = [1]} : vector<16xf32> to vector<1xf32>
            %parallel_loop3A_485 = vector.extract %parallel_loop3A_484[0] : f32 from vector<1xf32>
            %parallel_loop3A_486 = arith.constant 128 : i32
            %parallel_loop3A_487 = arith.addi %parallel_loop3A_486, %parallel_loop3A_473 : i32
            %parallel_loop3A_488 = arith.index_cast %parallel_loop3A_487 : i32 to index
            %parallel_loop3A_489 = tpu.vector_load %arg9[%parallel_loop3A_488] {strides = array<i32>} : memref<528xf32, #tpu.memory_space<vmem>>, vector<16xf32>,
            %parallel_loop3A_490 = vector.extract_strided_slice %parallel_loop3A_489 {offsets = [0], sizes = [1], strides = [1]} : vector<16xf32> to vector<1xf32>
            %parallel_loop3A_491 = vector.extract %parallel_loop3A_490[0] : f32 from vector<1xf32>
            %parallel_loop3A_492 = arith.constant 0 : i32
            %parallel_loop3A_493 = arith.index_cast %parallel_loop3A_492 : i32 to index
            %parallel_loop3A_494 = arith.index_cast %parallel_loop3A_473 : i32 to index
            %parallel_loop3A_495 = arith.constant 0 : index
            %parallel_loop3A_496 = tpu.vector_load %arg11[%parallel_loop3A_493, %parallel_loop3A_494, %parallel_loop3A_495] {strides = array<i32>} : memref<4x128x32xbf16, #tpu.memory_space<vmem>>, vector<32xbf16>,
            %parallel_loop3A_497 = tpu.unpack_subelements %parallel_loop3A_496, 0 {pack_format = #tpu.pack_format<interleaved>} : vector<32xbf16> -> vector<16xf32>
            %parallel_loop3A_498 = tpu.unpack_subelements %parallel_loop3A_496, 1 {pack_format = #tpu.pack_format<interleaved>} : vector<32xbf16> -> vector<16xf32>
            %parallel_loop3A_499 = vector.broadcast %parallel_loop3A_485 : f32 to vector<16xf32>
            %parallel_loop3A_500 = arith.mulf %parallel_loop3A_499, %parallel_loop3A_497 : vector<16xf32>
            %parallel_loop3A_501 = arith.addf %parallel_loop3A_476, %parallel_loop3A_500 : vector<16xf32>
            %parallel_loop3A_502 = vector.broadcast %parallel_loop3A_485 : f32 to vector<16xf32>
            %parallel_loop3A_503 = arith.mulf %parallel_loop3A_502, %parallel_loop3A_498 : vector<16xf32>
            %parallel_loop3A_504 = arith.addf %parallel_loop3A_479, %parallel_loop3A_503 : vector<16xf32>
            %parallel_loop3A_505 = arith.constant 2 : i32
            %parallel_loop3A_506 = arith.index_cast %parallel_loop3A_505 : i32 to index
            %parallel_loop3A_507 = arith.index_cast %parallel_loop3A_473 : i32 to index
            %parallel_loop3A_508 = arith.constant 0 : index
            %parallel_loop3A_509 = tpu.vector_load %arg11[%parallel_loop3A_506, %parallel_loop3A_507, %parallel_loop3A_508] {strides = array<i32>} : memref<4x128x32xbf16, #tpu.memory_space<vmem>>, vector<32xbf16>,
            %parallel_loop3A_510 = tpu.unpack_subelements %parallel_loop3A_509, 0 {pack_format = #tpu.pack_format<interleaved>} : vector<32xbf16> -> vector<16xf32>
            %parallel_loop3A_511 = tpu.unpack_subelements %parallel_loop3A_509, 1 {pack_format = #tpu.pack_format<interleaved>} : vector<32xbf16> -> vector<16xf32>
            %parallel_loop3A_512 = vector.broadcast %parallel_loop3A_491 : f32 to vector<16xf32>
            %parallel_loop3A_513 = arith.mulf %parallel_loop3A_512, %parallel_loop3A_510 : vector<16xf32>
            %parallel_loop3A_514 = arith.addf %parallel_loop3A_501, %parallel_loop3A_513 : vector<16xf32>
            %parallel_loop3A_515 = vector.broadcast %parallel_loop3A_491 : f32 to vector<16xf32>
            %parallel_loop3A_516 = arith.mulf %parallel_loop3A_515, %parallel_loop3A_511 : vector<16xf32>
            %parallel_loop3A_517 = arith.addf %parallel_loop3A_504, %parallel_loop3A_516 : vector<16xf32>
            %parallel_loop3A_518 = arith.constant 256 : i32
            %parallel_loop3A_519 = arith.addi %parallel_loop3A_518, %parallel_loop3A_473 : i32
            %parallel_loop3A_520 = arith.index_cast %parallel_loop3A_519 : i32 to index
            %parallel_loop3A_521 = tpu.vector_load %arg9[%parallel_loop3A_520] {strides = array<i32>} : memref<528xf32, #tpu.memory_space<vmem>>, vector<16xf32>,
            %parallel_loop3A_522 = vector.extract_strided_slice %parallel_loop3A_521 {offsets = [0], sizes = [1], strides = [1]} : vector<16xf32> to vector<1xf32>
            %parallel_loop3A_523 = vector.extract %parallel_loop3A_522[0] : f32 from vector<1xf32>
            %parallel_loop3A_524 = arith.constant 384 : i32
            %parallel_loop3A_525 = arith.addi %parallel_loop3A_524, %parallel_loop3A_473 : i32
            %parallel_loop3A_526 = arith.index_cast %parallel_loop3A_525 : i32 to index
            %parallel_loop3A_527 = tpu.vector_load %arg9[%parallel_loop3A_526] {strides = array<i32>} : memref<528xf32, #tpu.memory_space<vmem>>, vector<16xf32>,
            %parallel_loop3A_528 = vector.extract_strided_slice %parallel_loop3A_527 {offsets = [0], sizes = [1], strides = [1]} : vector<16xf32> to vector<1xf32>
            %parallel_loop3A_529 = vector.extract %parallel_loop3A_528[0] : f32 from vector<1xf32>
            %parallel_loop3A_530 = arith.constant 1 : i32
            %parallel_loop3A_531 = arith.index_cast %parallel_loop3A_530 : i32 to index
            %parallel_loop3A_532 = arith.index_cast %parallel_loop3A_473 : i32 to index
            %parallel_loop3A_533 = arith.constant 0 : index
            %parallel_loop3A_534 = tpu.vector_load %arg11[%parallel_loop3A_531, %parallel_loop3A_532, %parallel_loop3A_533] {strides = array<i32>} : memref<4x128x32xbf16, #tpu.memory_space<vmem>>, vector<32xbf16>,
            %parallel_loop3A_535 = tpu.unpack_subelements %parallel_loop3A_534, 0 {pack_format = #tpu.pack_format<interleaved>} : vector<32xbf16> -> vector<16xf32>
            %parallel_loop3A_536 = tpu.unpack_subelements %parallel_loop3A_534, 1 {pack_format = #tpu.pack_format<interleaved>} : vector<32xbf16> -> vector<16xf32>
            %parallel_loop3A_537 = vector.broadcast %parallel_loop3A_523 : f32 to vector<16xf32>
            %parallel_loop3A_538 = arith.mulf %parallel_loop3A_537, %parallel_loop3A_535 : vector<16xf32>
            %parallel_loop3A_539 = arith.addf %parallel_loop3A_514, %parallel_loop3A_538 : vector<16xf32>
            %parallel_loop3A_540 = vector.broadcast %parallel_loop3A_523 : f32 to vector<16xf32>
            %parallel_loop3A_541 = arith.mulf %parallel_loop3A_540, %parallel_loop3A_536 : vector<16xf32>
            %parallel_loop3A_542 = arith.addf %parallel_loop3A_517, %parallel_loop3A_541 : vector<16xf32>
            %parallel_loop3A_543 = arith.constant 3 : i32
            %parallel_loop3A_544 = arith.index_cast %parallel_loop3A_543 : i32 to index
            %parallel_loop3A_545 = arith.index_cast %parallel_loop3A_473 : i32 to index
            %parallel_loop3A_546 = arith.constant 0 : index
            %parallel_loop3A_547 = tpu.vector_load %arg11[%parallel_loop3A_544, %parallel_loop3A_545, %parallel_loop3A_546] {strides = array<i32>} : memref<4x128x32xbf16, #tpu.memory_space<vmem>>, vector<32xbf16>,
            %parallel_loop3A_548 = tpu.unpack_subelements %parallel_loop3A_547, 0 {pack_format = #tpu.pack_format<interleaved>} : vector<32xbf16> -> vector<16xf32>
            %parallel_loop3A_549 = tpu.unpack_subelements %parallel_loop3A_547, 1 {pack_format = #tpu.pack_format<interleaved>} : vector<32xbf16> -> vector<16xf32>
            %parallel_loop3A_550 = vector.broadcast %parallel_loop3A_529 : f32 to vector<16xf32>
            %parallel_loop3A_551 = arith.mulf %parallel_loop3A_550, %parallel_loop3A_548 : vector<16xf32>
            %parallel_loop3A_552 = arith.addf %parallel_loop3A_539, %parallel_loop3A_551 : vector<16xf32>
            %parallel_loop3A_553 = vector.broadcast %parallel_loop3A_529 : f32 to vector<16xf32>
            %parallel_loop3A_554 = arith.mulf %parallel_loop3A_553, %parallel_loop3A_549 : vector<16xf32>
            %parallel_loop3A_555 = arith.addf %parallel_loop3A_542, %parallel_loop3A_554 : vector<16xf32>
            %parallel_loop3A_556 = arith.index_cast %parallel_loop3A_473 : i32 to index
            %parallel_loop3A_557 = arith.constant 0 : index
            %parallel_loop3A_558 = tpu.vector_load %arg13[%parallel_loop3A_556, %parallel_loop3A_557] {strides = array<i32>} : memref<128x32xf32, #tpu.memory_space<vmem>>, vector<16xf32>,
            tpu.vector_store %arg13[%parallel_loop3A_556, %parallel_loop3A_557], %parallel_loop3A_552 {strides = array<i32>} : memref<128x32xf32, #tpu.memory_space<vmem>>, vector<16xf32>,
            %parallel_loop3A_559 = arith.index_cast %parallel_loop3A_473 : i32 to index
            %parallel_loop3A_560 = arith.constant 16 : index
            %parallel_loop3A_561 = tpu.vector_load %arg13[%parallel_loop3A_559, %parallel_loop3A_560] {strides = array<i32>} : memref<128x32xf32, #tpu.memory_space<vmem>>, vector<16xf32>,
            tpu.vector_store %arg13[%parallel_loop3A_559, %parallel_loop3A_560], %parallel_loop3A_555 {strides = array<i32>} : memref<128x32xf32, #tpu.memory_space<vmem>>, vector<16xf32>,
          } {sc.loop_unroll_factor = 8 : i64, sc.parallel_access}
          %add3A_466 = arith.constant 1 : i32
          %add3A_467 = arith.addi %mul3A_411, %add3A_466 : i32
          %le3A_468 = arith.cmpi sle, %add3A_467, %scan3A_332 : i32
          %convert_element_type3A_469 = arith.extui %le3A_468 : i1 to i32
          %cond3A_470 = arith.constant 0 : i32
          %cond3A_471 = arith.cmpi ne, %convert_element_type3A_469, %cond3A_470 : i32
          scf.if %cond3A_471 {
            %add3A_473 = arith.constant 2 : i32
            %add3A_474 = arith.addi %mul3A_411, %add3A_473 : i32
            %le3A_475 = arith.cmpi sle, %add3A_474, %scan3A_332 : i32
            %convert_element_type3A_476 = arith.extui %le3A_475 : i1 to i32
            %cond3A_477 = arith.constant 0 : i32
            %cond3A_478 = arith.cmpi ne, %convert_element_type3A_476, %cond3A_477 : i32
            scf.if %cond3A_478 {
              %add3A_530 = arith.constant 2 : i32
              %add3A_531 = arith.addi %mul3A_411, %add3A_530 : i32
              %mul3A_532 = arith.constant 16 : i32
              %mul3A_533 = arith.muli %scan3A_322, %mul3A_532 : i32
              %add3A_534 = arith.addi %mul3A_533, %add3A_531 : i32
              %mul3A_535 = arith.constant 4096 : i32
              %mul3A_536 = arith.muli %add3A_534, %mul3A_535 : i32
              %parallel_loop3A_537 = arith.constant 0 : i32
              %parallel_loop3A_538 = arith.constant 8 : i32
              %parallel_loop3A_539 = arith.constant 1 : i32
              scf.for %parallel_loop3A_588 = %parallel_loop3A_537 to %parallel_loop3A_538 step %parallel_loop3A_539  : i32 {
                %parallel_loop3A_589 = arith.constant 16 : i32
                %parallel_loop3A_590 = arith.muli %parallel_loop3A_588, %parallel_loop3A_589 : i32
                %parallel_loop3A_591 = arith.constant 0 : i32
                %parallel_loop3A_592 = arith.index_cast %scan3A_322 : i32 to index
                %parallel_loop3A_593 = arith.index_cast %scan3A_332 : i32 to index
                %parallel_loop3A_594 = arith.index_cast %parallel_loop3A_591 : i32 to index
                %parallel_loop3A_595 = arith.index_cast %parallel_loop3A_590 : i32 to index
                %parallel_loop3A_596 = tpu.vector_load %arg5[%parallel_loop3A_592, %parallel_loop3A_593, %parallel_loop3A_594, %parallel_loop3A_595] {strides = array<i32>} : memref<2x16x2x128xf32, #tpu.memory_space<vmem>>, vector<16xf32>,
                %parallel_loop3A_597 = arith.constant 0 : i32
                %parallel_loop3A_598 = arith.index_cast %scan3A_322 : i32 to index
                %parallel_loop3A_599 = arith.index_cast %add3A_531 : i32 to index
                %parallel_loop3A_600 = arith.index_cast %parallel_loop3A_597 : i32 to index
                %parallel_loop3A_601 = arith.index_cast %parallel_loop3A_590 : i32 to index
                %parallel_loop3A_602 = tpu.vector_load %arg5[%parallel_loop3A_598, %parallel_loop3A_599, %parallel_loop3A_600, %parallel_loop3A_601] {strides = array<i32>} : memref<2x16x2x128xf32, #tpu.memory_space<vmem>>, vector<16xf32>,
                %parallel_loop3A_603 = arith.subf %parallel_loop3A_596, %parallel_loop3A_602 : vector<16xf32>
                %parallel_loop3A_604 = arith.constant 1 : i32
                %parallel_loop3A_605 = arith.index_cast %scan3A_322 : i32 to index
                %parallel_loop3A_606 = arith.index_cast %scan3A_332 : i32 to index
                %parallel_loop3A_607 = arith.index_cast %parallel_loop3A_604 : i32 to index
                %parallel_loop3A_608 = arith.index_cast %parallel_loop3A_590 : i32 to index
                %parallel_loop3A_609 = tpu.vector_load %arg5[%parallel_loop3A_605, %parallel_loop3A_606, %parallel_loop3A_607, %parallel_loop3A_608] {strides = array<i32>} : memref<2x16x2x128xf32, #tpu.memory_space<vmem>>, vector<16xf32>,
                %parallel_loop3A_610 = arith.constant 1 : i32
                %parallel_loop3A_611 = arith.index_cast %scan3A_322 : i32 to index
                %parallel_loop3A_612 = arith.index_cast %add3A_531 : i32 to index
                %parallel_loop3A_613 = arith.index_cast %parallel_loop3A_610 : i32 to index
                %parallel_loop3A_614 = arith.index_cast %parallel_loop3A_590 : i32 to index
                %parallel_loop3A_615 = tpu.vector_load %arg5[%parallel_loop3A_611, %parallel_loop3A_612, %parallel_loop3A_613, %parallel_loop3A_614] {strides = array<i32>} : memref<2x16x2x128xf32, #tpu.memory_space<vmem>>, vector<16xf32>,
                %parallel_loop3A_616 = arith.subf %parallel_loop3A_609, %parallel_loop3A_615 : vector<16xf32>
                %parallel_loop3A_617 = arith.constant 0 : i32
                %parallel_loop3A_618 = arith.index_cast %parallel_loop3A_617 : i32 to index
                %parallel_loop3A_619 = arith.index_cast %parallel_loop3A_590 : i32 to index
                %parallel_loop3A_620 = tpu.vector_load %arg6[%parallel_loop3A_618, %parallel_loop3A_619] {strides = array<i32>} : memref<2x128xf32, #tpu.memory_space<vmem>>, vector<16xf32>,
                %parallel_loop3A_621 = arith.addf %parallel_loop3A_620, %parallel_loop3A_603 : vector<16xf32>
                %parallel_loop3A_622 = arith.constant 1.000000e+00 : f32
                %parallel_loop3A_623 = vector.broadcast %parallel_loop3A_622 : f32 to vector<16xf32>
                %parallel_loop3A_624 = arith.addf %parallel_loop3A_621, %parallel_loop3A_623 : vector<16xf32>
                %parallel_loop3A_625 = arith.constant 2.000000e+00 : f32
                %parallel_loop3A_626 = vector.broadcast %parallel_loop3A_625 : f32 to vector<16xf32>
                %parallel_loop3A_627 = arith.remf %parallel_loop3A_624, %parallel_loop3A_626 : vector<16xf32>
                %parallel_loop3A_628 = arith.constant 0.000000e+00 : f32
                %parallel_loop3A_629 = vector.broadcast %parallel_loop3A_628 : f32 to vector<16xf32>
                %parallel_loop3A_630 = arith.cmpf olt, %parallel_loop3A_627, %parallel_loop3A_629 : vector<16xf32>
                %parallel_loop3A_631 = arith.constant 2.000000e+00 : f32
                %parallel_loop3A_632 = vector.broadcast %parallel_loop3A_631 : f32 to vector<16xf32>
                %parallel_loop3A_633 = arith.addf %parallel_loop3A_627, %parallel_loop3A_632 : vector<16xf32>
                %parallel_loop3A_634 = arith.select %parallel_loop3A_630, %parallel_loop3A_633, %parallel_loop3A_627 : vector<16xi1>, vector<16xf32>
                %parallel_loop3A_635 = arith.constant 1.000000e+00 : f32
                %parallel_loop3A_636 = vector.broadcast %parallel_loop3A_635 : f32 to vector<16xf32>
                %parallel_loop3A_637 = arith.subf %parallel_loop3A_634, %parallel_loop3A_636 : vector<16xf32>
                %parallel_loop3A_638 = arith.constant 1.000000e+00 : f32
                %parallel_loop3A_639 = vector.broadcast %parallel_loop3A_638 : f32 to vector<16xf32>
                %parallel_loop3A_640 = arith.addf %parallel_loop3A_637, %parallel_loop3A_639 : vector<16xf32>
                %parallel_loop3A_641 = arith.constant 6.400000e+01 : f32
                %parallel_loop3A_642 = vector.broadcast %parallel_loop3A_641 : f32 to vector<16xf32>
                %parallel_loop3A_643 = arith.mulf %parallel_loop3A_640, %parallel_loop3A_642 : vector<16xf32>
                %parallel_loop3A_644 = arith.constant 1.000000e+00 : f32
                %parallel_loop3A_645 = vector.broadcast %parallel_loop3A_644 : f32 to vector<16xf32>
                %parallel_loop3A_646 = arith.subf %parallel_loop3A_643, %parallel_loop3A_645 : vector<16xf32>
                %parallel_loop3A_647 = arith.constant 5.000000e-01 : f32
                %parallel_loop3A_648 = vector.broadcast %parallel_loop3A_647 : f32 to vector<16xf32>
                %parallel_loop3A_649 = arith.mulf %parallel_loop3A_646, %parallel_loop3A_648 : vector<16xf32>
                %parallel_loop3A_650 = arith.fptosi %parallel_loop3A_649 : vector<16xf32> to vector<16xi32>
                %parallel_loop3A_651 = arith.constant 0.000000e+00 : f32
                %parallel_loop3A_652 = vector.broadcast %parallel_loop3A_651 : f32 to vector<16xf32>
                %parallel_loop3A_653 = arith.cmpf olt, %parallel_loop3A_649, %parallel_loop3A_652 : vector<16xf32>
                %parallel_loop3A_654 = arith.constant -1 : i32
                %parallel_loop3A_655 = vector.broadcast %parallel_loop3A_654 : i32 to vector<16xi32>
                %parallel_loop3A_656 = arith.select %parallel_loop3A_653, %parallel_loop3A_655, %parallel_loop3A_650 : vector<16xi1>, vector<16xi32>
                %parallel_loop3A_657 = arith.sitofp %parallel_loop3A_656 : vector<16xi32> to vector<16xf32>
                %parallel_loop3A_658 = arith.subf %parallel_loop3A_649, %parallel_loop3A_657 : vector<16xf32>
                %parallel_loop3A_659 = arith.constant 1.000000e+00 : f32
                %parallel_loop3A_660 = vector.broadcast %parallel_loop3A_659 : f32 to vector<16xf32>
                %parallel_loop3A_661 = arith.subf %parallel_loop3A_660, %parallel_loop3A_658 : vector<16xf32>
                %parallel_loop3A_662 = arith.constant 1 : i32
                %parallel_loop3A_663 = arith.index_cast %parallel_loop3A_662 : i32 to index
                %parallel_loop3A_664 = arith.index_cast %parallel_loop3A_590 : i32 to index
                %parallel_loop3A_665 = tpu.vector_load %arg6[%parallel_loop3A_663, %parallel_loop3A_664] {strides = array<i32>} : memref<2x128xf32, #tpu.memory_space<vmem>>, vector<16xf32>,
                %parallel_loop3A_666 = arith.addf %parallel_loop3A_665, %parallel_loop3A_616 : vector<16xf32>
                %parallel_loop3A_667 = arith.constant 1.000000e+00 : f32
                %parallel_loop3A_668 = vector.broadcast %parallel_loop3A_667 : f32 to vector<16xf32>
                %parallel_loop3A_669 = arith.addf %parallel_loop3A_666, %parallel_loop3A_668 : vector<16xf32>
                %parallel_loop3A_670 = arith.constant 6.400000e+01 : f32
                %parallel_loop3A_671 = vector.broadcast %parallel_loop3A_670 : f32 to vector<16xf32>
                %parallel_loop3A_672 = arith.mulf %parallel_loop3A_669, %parallel_loop3A_671 : vector<16xf32>
                %parallel_loop3A_673 = arith.constant 1.000000e+00 : f32
                %parallel_loop3A_674 = vector.broadcast %parallel_loop3A_673 : f32 to vector<16xf32>
                %parallel_loop3A_675 = arith.subf %parallel_loop3A_672, %parallel_loop3A_674 : vector<16xf32>
                %parallel_loop3A_676 = arith.constant 5.000000e-01 : f32
                %parallel_loop3A_677 = vector.broadcast %parallel_loop3A_676 : f32 to vector<16xf32>
                %parallel_loop3A_678 = arith.mulf %parallel_loop3A_675, %parallel_loop3A_677 : vector<16xf32>
                %parallel_loop3A_679 = arith.constant -4.000000e+00 : f32
                %parallel_loop3A_680 = vector.broadcast %parallel_loop3A_679 : f32 to vector<16xf32>
                %parallel_loop3A_681 = arith.maximumf %parallel_loop3A_678, %parallel_loop3A_680 : vector<16xf32>
                %parallel_loop3A_682 = arith.constant 6.800000e+01 : f32
                %parallel_loop3A_683 = vector.broadcast %parallel_loop3A_682 : f32 to vector<16xf32>
                %parallel_loop3A_684 = arith.minimumf %parallel_loop3A_681, %parallel_loop3A_683 : vector<16xf32>
                %parallel_loop3A_685 = arith.fptosi %parallel_loop3A_684 : vector<16xf32> to vector<16xi32>
                %parallel_loop3A_686 = arith.sitofp %parallel_loop3A_685 : vector<16xi32> to vector<16xf32>
                %parallel_loop3A_687 = arith.cmpf ogt, %parallel_loop3A_686, %parallel_loop3A_684 : vector<16xf32>
                %parallel_loop3A_688 = arith.constant 1 : i32
                %parallel_loop3A_689 = vector.broadcast %parallel_loop3A_688 : i32 to vector<16xi32>
                %parallel_loop3A_690 = arith.subi %parallel_loop3A_685, %parallel_loop3A_689 : vector<16xi32>
                %parallel_loop3A_691 = arith.select %parallel_loop3A_687, %parallel_loop3A_690, %parallel_loop3A_685 : vector<16xi1>, vector<16xi32>
                %parallel_loop3A_692 = arith.sitofp %parallel_loop3A_691 : vector<16xi32> to vector<16xf32>
                %parallel_loop3A_693 = arith.subf %parallel_loop3A_684, %parallel_loop3A_692 : vector<16xf32>
                %parallel_loop3A_694 = arith.constant 1.000000e+00 : f32
                %parallel_loop3A_695 = vector.broadcast %parallel_loop3A_694 : f32 to vector<16xf32>
                %parallel_loop3A_696 = arith.subf %parallel_loop3A_695, %parallel_loop3A_693 : vector<16xf32>
                %parallel_loop3A_697 = arith.constant 0 : i32
                %parallel_loop3A_698 = vector.broadcast %parallel_loop3A_697 : i32 to vector<16xi32>
                %parallel_loop3A_699 = arith.maxsi %parallel_loop3A_656, %parallel_loop3A_698 : vector<16xi32>
                %parallel_loop3A_700 = arith.constant 0 : i32
                %parallel_loop3A_701 = vector.broadcast %parallel_loop3A_700 : i32 to vector<16xi32>
                %parallel_loop3A_702 = arith.cmpi slt, %parallel_loop3A_656, %parallel_loop3A_701 : vector<16xi32>
                %parallel_loop3A_703 = arith.select %parallel_loop3A_702, %parallel_loop3A_658, %parallel_loop3A_661 : vector<16xi1>, vector<16xf32>
                %parallel_loop3A_704 = arith.constant 0 : i32
                %parallel_loop3A_705 = vector.broadcast %parallel_loop3A_704 : i32 to vector<16xi32>
                %parallel_loop3A_706 = arith.cmpi slt, %parallel_loop3A_656, %parallel_loop3A_705 : vector<16xi32>
                %parallel_loop3A_707 = arith.constant 63 : i32
                %parallel_loop3A_708 = vector.broadcast %parallel_loop3A_707 : i32 to vector<16xi32>
                %parallel_loop3A_709 = arith.cmpi sge, %parallel_loop3A_656, %parallel_loop3A_708 : vector<16xi32>
                %parallel_loop3A_710 = arith.ori %parallel_loop3A_706, %parallel_loop3A_709 : vector<16xi1>
                %parallel_loop3A_711 = arith.constant 0.000000e+00 : f32
                %parallel_loop3A_712 = vector.broadcast %parallel_loop3A_711 : f32 to vector<16xf32>
                %parallel_loop3A_713 = arith.select %parallel_loop3A_710, %parallel_loop3A_712, %parallel_loop3A_658 : vector<16xi1>, vector<16xf32>
                %parallel_loop3A_714 = arith.constant 63 : i32
                %parallel_loop3A_715 = vector.broadcast %parallel_loop3A_714 : i32 to vector<16xi32>
                %parallel_loop3A_716 = arith.cmpi sge, %parallel_loop3A_699, %parallel_loop3A_715 : vector<16xi32>
                %parallel_loop3A_717 = arith.constant 0 : i32
                %parallel_loop3A_718 = arith.constant 1 : i32
                %parallel_loop3A_719 = vector.broadcast %parallel_loop3A_717 : i32 to vector<16xi32>
                %parallel_loop3A_720 = vector.broadcast %parallel_loop3A_718 : i32 to vector<16xi32>
                %parallel_loop3A_721 = arith.select %parallel_loop3A_716, %parallel_loop3A_719, %parallel_loop3A_720 : vector<16xi1>, vector<16xi32>
                %parallel_loop3A_722 = arith.constant 0 : i32
                %parallel_loop3A_723 = vector.broadcast %parallel_loop3A_722 : i32 to vector<16xi32>
                %parallel_loop3A_724 = arith.addi %parallel_loop3A_691, %parallel_loop3A_723 : vector<16xi32>
                %parallel_loop3A_725 = arith.constant 0 : i32
                %parallel_loop3A_726 = vector.broadcast %parallel_loop3A_725 : i32 to vector<16xi32>
                %parallel_loop3A_727 = arith.cmpi sge, %parallel_loop3A_724, %parallel_loop3A_726 : vector<16xi32>
                %parallel_loop3A_728 = arith.constant 63 : i32
                %parallel_loop3A_729 = vector.broadcast %parallel_loop3A_728 : i32 to vector<16xi32>
                %parallel_loop3A_730 = arith.cmpi sle, %parallel_loop3A_724, %parallel_loop3A_729 : vector<16xi32>
                %parallel_loop3A_731 = arith.andi %parallel_loop3A_727, %parallel_loop3A_730 : vector<16xi1>
                %parallel_loop3A_732 = arith.constant 0 : i32
                %parallel_loop3A_733 = arith.constant 63 : i32
                %parallel_loop3A_734 = vector.broadcast %parallel_loop3A_732 : i32 to vector<16xi32>
                %parallel_loop3A_735 = arith.maxsi %parallel_loop3A_734, %parallel_loop3A_724 : vector<16xi32>
                %parallel_loop3A_736 = vector.broadcast %parallel_loop3A_733 : i32 to vector<16xi32>
                %parallel_loop3A_737 = arith.minsi %parallel_loop3A_736, %parallel_loop3A_735 : vector<16xi32>
                %parallel_loop3A_738 = arith.constant 0.000000e+00 : f32
                %parallel_loop3A_739 = vector.broadcast %parallel_loop3A_738 : f32 to vector<16xf32>
                %parallel_loop3A_740 = arith.select %parallel_loop3A_731, %parallel_loop3A_696, %parallel_loop3A_739 : vector<16xi1>, vector<16xf32>
                %parallel_loop3A_741 = arith.constant 64 : i32
                %parallel_loop3A_742 = vector.broadcast %parallel_loop3A_741 : i32 to vector<16xi32>
                %parallel_loop3A_743 = arith.muli %parallel_loop3A_737, %parallel_loop3A_742 : vector<16xi32>
                %parallel_loop3A_744 = vector.broadcast %mul3A_536 : i32 to vector<16xi32>
                %parallel_loop3A_745 = arith.addi %parallel_loop3A_744, %parallel_loop3A_743 : vector<16xi32>
                %parallel_loop3A_746 = arith.addi %parallel_loop3A_745, %parallel_loop3A_699 : vector<16xi32>
                %parallel_loop3A_747 = arith.constant 0 : i32
                %parallel_loop3A_748 = arith.index_cast %parallel_loop3A_747 : i32 to index
                %parallel_loop3A_749 = arith.index_cast %parallel_loop3A_590 : i32 to index
                %parallel_loop3A_750 = tpu.vector_load %arg7[%parallel_loop3A_748, %parallel_loop3A_749] {strides = array<i32>} : memref<4x128xi32, #tpu.memory_space<vmem>>, vector<16xi32>,
                tpu.vector_store %arg7[%parallel_loop3A_748, %parallel_loop3A_749], %parallel_loop3A_746 {strides = array<i32>} : memref<4x128xi32, #tpu.memory_space<vmem>>, vector<16xi32>,
                %parallel_loop3A_751 = arith.addi %parallel_loop3A_746, %parallel_loop3A_721 : vector<16xi32>
                %parallel_loop3A_752 = arith.constant 2 : i32
                %parallel_loop3A_753 = arith.index_cast %parallel_loop3A_752 : i32 to index
                %parallel_loop3A_754 = arith.index_cast %parallel_loop3A_590 : i32 to index
                %parallel_loop3A_755 = tpu.vector_load %arg7[%parallel_loop3A_753, %parallel_loop3A_754] {strides = array<i32>} : memref<4x128xi32, #tpu.memory_space<vmem>>, vector<16xi32>,
                tpu.vector_store %arg7[%parallel_loop3A_753, %parallel_loop3A_754], %parallel_loop3A_751 {strides = array<i32>} : memref<4x128xi32, #tpu.memory_space<vmem>>, vector<16xi32>,
                %parallel_loop3A_756 = arith.mulf %parallel_loop3A_740, %parallel_loop3A_703 : vector<16xf32>
                %parallel_loop3A_757 = arith.constant 16 : i32
                %parallel_loop3A_758 = arith.muli %parallel_loop3A_588, %parallel_loop3A_757 : i32
                %parallel_loop3A_759 = arith.constant 0 : i32
                %parallel_loop3A_760 = arith.addi %parallel_loop3A_759, %parallel_loop3A_758 : i32
                %parallel_loop3A_761 = arith.index_cast %parallel_loop3A_760 : i32 to index
                %parallel_loop3A_762 = tpu.vector_load %arg9[%parallel_loop3A_761] {strides = array<i32>} : memref<528xf32, #tpu.memory_space<vmem>>, vector<16xf32>,
                tpu.vector_store %arg9[%parallel_loop3A_761], %parallel_loop3A_756 {strides = array<i32>} : memref<528xf32, #tpu.memory_space<vmem>>, vector<16xf32>,
                %parallel_loop3A_763 = arith.mulf %parallel_loop3A_740, %parallel_loop3A_713 : vector<16xf32>
                %parallel_loop3A_764 = arith.constant 16 : i32
                %parallel_loop3A_765 = arith.muli %parallel_loop3A_588, %parallel_loop3A_764 : i32
                %parallel_loop3A_766 = arith.constant 128 : i32
                %parallel_loop3A_767 = arith.addi %parallel_loop3A_766, %parallel_loop3A_765 : i32
                %parallel_loop3A_768 = arith.index_cast %parallel_loop3A_767 : i32 to index
                %parallel_loop3A_769 = tpu.vector_load %arg9[%parallel_loop3A_768] {strides = array<i32>} : memref<528xf32, #tpu.memory_space<vmem>>, vector<16xf32>,
                tpu.vector_store %arg9[%parallel_loop3A_768], %parallel_loop3A_763 {strides = array<i32>} : memref<528xf32, #tpu.memory_space<vmem>>, vector<16xf32>,
                %parallel_loop3A_770 = arith.constant 1 : i32
                %parallel_loop3A_771 = vector.broadcast %parallel_loop3A_770 : i32 to vector<16xi32>
                %parallel_loop3A_772 = arith.addi %parallel_loop3A_691, %parallel_loop3A_771 : vector<16xi32>
                %parallel_loop3A_773 = arith.constant 0 : i32
                %parallel_loop3A_774 = vector.broadcast %parallel_loop3A_773 : i32 to vector<16xi32>
                %parallel_loop3A_775 = arith.cmpi sge, %parallel_loop3A_772, %parallel_loop3A_774 : vector<16xi32>
                %parallel_loop3A_776 = arith.constant 63 : i32
                %parallel_loop3A_777 = vector.broadcast %parallel_loop3A_776 : i32 to vector<16xi32>
                %parallel_loop3A_778 = arith.cmpi sle, %parallel_loop3A_772, %parallel_loop3A_777 : vector<16xi32>
                %parallel_loop3A_779 = arith.andi %parallel_loop3A_775, %parallel_loop3A_778 : vector<16xi1>
                %parallel_loop3A_780 = arith.constant 0 : i32
                %parallel_loop3A_781 = arith.constant 63 : i32
                %parallel_loop3A_782 = vector.broadcast %parallel_loop3A_780 : i32 to vector<16xi32>
                %parallel_loop3A_783 = arith.maxsi %parallel_loop3A_782, %parallel_loop3A_772 : vector<16xi32>
                %parallel_loop3A_784 = vector.broadcast %parallel_loop3A_781 : i32 to vector<16xi32>
                %parallel_loop3A_785 = arith.minsi %parallel_loop3A_784, %parallel_loop3A_783 : vector<16xi32>
                %parallel_loop3A_786 = arith.constant 0.000000e+00 : f32
                %parallel_loop3A_787 = vector.broadcast %parallel_loop3A_786 : f32 to vector<16xf32>
                %parallel_loop3A_788 = arith.select %parallel_loop3A_779, %parallel_loop3A_693, %parallel_loop3A_787 : vector<16xi1>, vector<16xf32>
                %parallel_loop3A_789 = arith.constant 64 : i32
                %parallel_loop3A_790 = vector.broadcast %parallel_loop3A_789 : i32 to vector<16xi32>
                %parallel_loop3A_791 = arith.muli %parallel_loop3A_785, %parallel_loop3A_790 : vector<16xi32>
                %parallel_loop3A_792 = vector.broadcast %mul3A_536 : i32 to vector<16xi32>
                %parallel_loop3A_793 = arith.addi %parallel_loop3A_792, %parallel_loop3A_791 : vector<16xi32>
                %parallel_loop3A_794 = arith.addi %parallel_loop3A_793, %parallel_loop3A_699 : vector<16xi32>
                %parallel_loop3A_795 = arith.constant 1 : i32
                %parallel_loop3A_796 = arith.index_cast %parallel_loop3A_795 : i32 to index
                %parallel_loop3A_797 = arith.index_cast %parallel_loop3A_590 : i32 to index
                %parallel_loop3A_798 = tpu.vector_load %arg7[%parallel_loop3A_796, %parallel_loop3A_797] {strides = array<i32>} : memref<4x128xi32, #tpu.memory_space<vmem>>, vector<16xi32>,
                tpu.vector_store %arg7[%parallel_loop3A_796, %parallel_loop3A_797], %parallel_loop3A_794 {strides = array<i32>} : memref<4x128xi32, #tpu.memory_space<vmem>>, vector<16xi32>,
                %parallel_loop3A_799 = arith.addi %parallel_loop3A_794, %parallel_loop3A_721 : vector<16xi32>
                %parallel_loop3A_800 = arith.constant 3 : i32
                %parallel_loop3A_801 = arith.index_cast %parallel_loop3A_800 : i32 to index
                %parallel_loop3A_802 = arith.index_cast %parallel_loop3A_590 : i32 to index
                %parallel_loop3A_803 = tpu.vector_load %arg7[%parallel_loop3A_801, %parallel_loop3A_802] {strides = array<i32>} : memref<4x128xi32, #tpu.memory_space<vmem>>, vector<16xi32>,
                tpu.vector_store %arg7[%parallel_loop3A_801, %parallel_loop3A_802], %parallel_loop3A_799 {strides = array<i32>} : memref<4x128xi32, #tpu.memory_space<vmem>>, vector<16xi32>,
                %parallel_loop3A_804 = arith.mulf %parallel_loop3A_788, %parallel_loop3A_703 : vector<16xf32>
                %parallel_loop3A_805 = arith.constant 16 : i32
                %parallel_loop3A_806 = arith.muli %parallel_loop3A_588, %parallel_loop3A_805 : i32
                %parallel_loop3A_807 = arith.constant 256 : i32
                %parallel_loop3A_808 = arith.addi %parallel_loop3A_807, %parallel_loop3A_806 : i32
                %parallel_loop3A_809 = arith.index_cast %parallel_loop3A_808 : i32 to index
                %parallel_loop3A_810 = tpu.vector_load %arg9[%parallel_loop3A_809] {strides = array<i32>} : memref<528xf32, #tpu.memory_space<vmem>>, vector<16xf32>,
                tpu.vector_store %arg9[%parallel_loop3A_809], %parallel_loop3A_804 {strides = array<i32>} : memref<528xf32, #tpu.memory_space<vmem>>, vector<16xf32>,
                %parallel_loop3A_811 = arith.mulf %parallel_loop3A_788, %parallel_loop3A_713 : vector<16xf32>
                %parallel_loop3A_812 = arith.constant 16 : i32
                %parallel_loop3A_813 = arith.muli %parallel_loop3A_588, %parallel_loop3A_812 : i32
                %parallel_loop3A_814 = arith.constant 384 : i32
                %parallel_loop3A_815 = arith.addi %parallel_loop3A_814, %parallel_loop3A_813 : i32
                %parallel_loop3A_816 = arith.index_cast %parallel_loop3A_815 : i32 to index
                %parallel_loop3A_817 = tpu.vector_load %arg9[%parallel_loop3A_816] {strides = array<i32>} : memref<528xf32, #tpu.memory_space<vmem>>, vector<16xf32>,
                tpu.vector_store %arg9[%parallel_loop3A_816], %parallel_loop3A_811 {strides = array<i32>} : memref<528xf32, #tpu.memory_space<vmem>>, vector<16xf32>,
              } {sc.loop_unroll_factor = 2 : i64, sc.parallel_access}
              %dma_start3A_540 = arith.constant 0 : i32
              %dma_start3A_541 = arith.constant 0 : i32
              %dma_start3A_542 = arith.constant 0 : i32
              %dma_start3A_543 = arith.constant 0 : i32
              %dma_start3A_544 = tpu.memref_slice %arg11[%dma_start3A_541, %dma_start3A_542, %dma_start3A_543] : memref<4x128x32xbf16, #tpu.memory_space<vmem>> -> memref<1x128x32xbf16, #tpu.memory_space<vmem>>
              %dma_start3A_545 = tpu.memref_squeeze %dma_start3A_544 : memref<1x128x32xbf16, #tpu.memory_space<vmem>> -> memref<128x32xbf16, #tpu.memory_space<vmem>>
              %dma_start3A_546 = arith.constant 0 : i32
              %dma_start3A_547 = tpu.memref_slice %arg7[%dma_start3A_540, %dma_start3A_546] : memref<4x128xi32, #tpu.memory_space<vmem>> -> memref<1x128xi32, #tpu.memory_space<vmem>>
              %dma_start3A_548 = tpu.memref_squeeze %dma_start3A_547 : memref<1x128xi32, #tpu.memory_space<vmem>> -> memref<128xi32, #tpu.memory_space<vmem>>
              %dma_start3A_549 = arith.constant 0 : i32
              %dma_start3A_550 = arith.constant 0 : i32
              %dma_start3A_551 = tpu.memref_slice %arg3[%dma_start3A_549, %dma_start3A_550] : memref<131072x32xbf16, #tpu.memory_space<hbm>> -> memref<131072x32xbf16, #tpu.memory_space<hbm>>
              tpu.enqueue_indirect_dma source(%dma_start3A_551 : memref<131072x32xbf16, #tpu.memory_space<hbm>>) target(%dma_start3A_545 : memref<128x32xbf16, #tpu.memory_space<vmem>>) offsets(%dma_start3A_548 : memref<128xi32, #tpu.memory_space<vmem>>) semaphore(%arg14 : memref<!tpu.dma_semaphore, #tpu.memory_space<semaphore_mem>>)
              %dma_start3A_552 = arith.constant 1 : i32
              %dma_start3A_553 = arith.constant 1 : i32
              %dma_start3A_554 = arith.constant 0 : i32
              %dma_start3A_555 = arith.constant 0 : i32
              %dma_start3A_556 = tpu.memref_slice %arg11[%dma_start3A_553, %dma_start3A_554, %dma_start3A_555] : memref<4x128x32xbf16, #tpu.memory_space<vmem>> -> memref<1x128x32xbf16, #tpu.memory_space<vmem>>
              %dma_start3A_557 = tpu.memref_squeeze %dma_start3A_556 : memref<1x128x32xbf16, #tpu.memory_space<vmem>> -> memref<128x32xbf16, #tpu.memory_space<vmem>>
              %dma_start3A_558 = arith.constant 0 : i32
              %dma_start3A_559 = tpu.memref_slice %arg7[%dma_start3A_552, %dma_start3A_558] : memref<4x128xi32, #tpu.memory_space<vmem>> -> memref<1x128xi32, #tpu.memory_space<vmem>>
              %dma_start3A_560 = tpu.memref_squeeze %dma_start3A_559 : memref<1x128xi32, #tpu.memory_space<vmem>> -> memref<128xi32, #tpu.memory_space<vmem>>
              %dma_start3A_561 = arith.constant 0 : i32
              %dma_start3A_562 = arith.constant 0 : i32
              %dma_start3A_563 = tpu.memref_slice %arg3[%dma_start3A_561, %dma_start3A_562] : memref<131072x32xbf16, #tpu.memory_space<hbm>> -> memref<131072x32xbf16, #tpu.memory_space<hbm>>
              tpu.enqueue_indirect_dma source(%dma_start3A_563 : memref<131072x32xbf16, #tpu.memory_space<hbm>>) target(%dma_start3A_557 : memref<128x32xbf16, #tpu.memory_space<vmem>>) offsets(%dma_start3A_560 : memref<128xi32, #tpu.memory_space<vmem>>) semaphore(%arg14 : memref<!tpu.dma_semaphore, #tpu.memory_space<semaphore_mem>>)
              %dma_start3A_564 = arith.constant 2 : i32
              %dma_start3A_565 = arith.constant 2 : i32
              %dma_start3A_566 = arith.constant 0 : i32
              %dma_start3A_567 = arith.constant 0 : i32
              %dma_start3A_568 = tpu.memref_slice %arg11[%dma_start3A_565, %dma_start3A_566, %dma_start3A_567] : memref<4x128x32xbf16, #tpu.memory_space<vmem>> -> memref<1x128x32xbf16, #tpu.memory_space<vmem>>
              %dma_start3A_569 = tpu.memref_squeeze %dma_start3A_568 : memref<1x128x32xbf16, #tpu.memory_space<vmem>> -> memref<128x32xbf16, #tpu.memory_space<vmem>>
              %dma_start3A_570 = arith.constant 0 : i32
              %dma_start3A_571 = tpu.memref_slice %arg7[%dma_start3A_564, %dma_start3A_570] : memref<4x128xi32, #tpu.memory_space<vmem>> -> memref<1x128xi32, #tpu.memory_space<vmem>>
              %dma_start3A_572 = tpu.memref_squeeze %dma_start3A_571 : memref<1x128xi32, #tpu.memory_space<vmem>> -> memref<128xi32, #tpu.memory_space<vmem>>
              %dma_start3A_573 = arith.constant 0 : i32
              %dma_start3A_574 = arith.constant 0 : i32
              %dma_start3A_575 = tpu.memref_slice %arg3[%dma_start3A_573, %dma_start3A_574] : memref<131072x32xbf16, #tpu.memory_space<hbm>> -> memref<131072x32xbf16, #tpu.memory_space<hbm>>
              tpu.enqueue_indirect_dma source(%dma_start3A_575 : memref<131072x32xbf16, #tpu.memory_space<hbm>>) target(%dma_start3A_569 : memref<128x32xbf16, #tpu.memory_space<vmem>>) offsets(%dma_start3A_572 : memref<128xi32, #tpu.memory_space<vmem>>) semaphore(%arg14 : memref<!tpu.dma_semaphore, #tpu.memory_space<semaphore_mem>>)
              %dma_start3A_576 = arith.constant 3 : i32
              %dma_start3A_577 = arith.constant 3 : i32
              %dma_start3A_578 = arith.constant 0 : i32
              %dma_start3A_579 = arith.constant 0 : i32
              %dma_start3A_580 = tpu.memref_slice %arg11[%dma_start3A_577, %dma_start3A_578, %dma_start3A_579] : memref<4x128x32xbf16, #tpu.memory_space<vmem>> -> memref<1x128x32xbf16, #tpu.memory_space<vmem>>
              %dma_start3A_581 = tpu.memref_squeeze %dma_start3A_580 : memref<1x128x32xbf16, #tpu.memory_space<vmem>> -> memref<128x32xbf16, #tpu.memory_space<vmem>>
              %dma_start3A_582 = arith.constant 0 : i32
              %dma_start3A_583 = tpu.memref_slice %arg7[%dma_start3A_576, %dma_start3A_582] : memref<4x128xi32, #tpu.memory_space<vmem>> -> memref<1x128xi32, #tpu.memory_space<vmem>>
              %dma_start3A_584 = tpu.memref_squeeze %dma_start3A_583 : memref<1x128xi32, #tpu.memory_space<vmem>> -> memref<128xi32, #tpu.memory_space<vmem>>
              %dma_start3A_585 = arith.constant 0 : i32
              %dma_start3A_586 = arith.constant 0 : i32
              %dma_start3A_587 = tpu.memref_slice %arg3[%dma_start3A_585, %dma_start3A_586] : memref<131072x32xbf16, #tpu.memory_space<hbm>> -> memref<131072x32xbf16, #tpu.memory_space<hbm>>
              tpu.enqueue_indirect_dma source(%dma_start3A_587 : memref<131072x32xbf16, #tpu.memory_space<hbm>>) target(%dma_start3A_581 : memref<128x32xbf16, #tpu.memory_space<vmem>>) offsets(%dma_start3A_584 : memref<128xi32, #tpu.memory_space<vmem>>) semaphore(%arg14 : memref<!tpu.dma_semaphore, #tpu.memory_space<semaphore_mem>>)
            } else {
            }
            %dma_wait3A_479 = arith.constant 0 : i32
            %dma_wait3A_480 = arith.constant 0 : i32
            %dma_wait3A_481 = arith.constant 0 : i32
            %dma_wait3A_482 = arith.constant 0 : i32
            %dma_wait3A_483 = tpu.memref_slice %arg12[%dma_wait3A_480, %dma_wait3A_481, %dma_wait3A_482] : memref<4x128x32xbf16, #tpu.memory_space<vmem>> -> memref<1x128x32xbf16, #tpu.memory_space<vmem>>
            %dma_wait3A_484 = tpu.memref_squeeze %dma_wait3A_483 : memref<1x128x32xbf16, #tpu.memory_space<vmem>> -> memref<128x32xbf16, #tpu.memory_space<vmem>>
            %dma_wait3A_485 = arith.constant 0 : i32
            %dma_wait3A_486 = tpu.memref_slice %arg8[%dma_wait3A_479, %dma_wait3A_485] : memref<4x128xi32, #tpu.memory_space<vmem>> -> memref<1x128xi32, #tpu.memory_space<vmem>>
            %dma_wait3A_487 = tpu.memref_squeeze %dma_wait3A_486 : memref<1x128xi32, #tpu.memory_space<vmem>> -> memref<128xi32, #tpu.memory_space<vmem>>
            %dma_wait3A_488 = arith.constant 0 : i32
            %dma_wait3A_489 = arith.constant 0 : i32
            %dma_wait3A_490 = tpu.memref_slice %arg3[%dma_wait3A_488, %dma_wait3A_489] : memref<131072x32xbf16, #tpu.memory_space<hbm>> -> memref<131072x32xbf16, #tpu.memory_space<hbm>>
            tpu.wait_indirect_dma semaphore(%arg15 : memref<!tpu.dma_semaphore, #tpu.memory_space<semaphore_mem>>) src(%dma_wait3A_490 : memref<131072x32xbf16, #tpu.memory_space<hbm>>) dst(%dma_wait3A_484 : memref<128x32xbf16, #tpu.memory_space<vmem>>)
            %dma_wait3A_491 = arith.constant 1 : i32
            %dma_wait3A_492 = arith.constant 1 : i32
            %dma_wait3A_493 = arith.constant 0 : i32
            %dma_wait3A_494 = arith.constant 0 : i32
            %dma_wait3A_495 = tpu.memref_slice %arg12[%dma_wait3A_492, %dma_wait3A_493, %dma_wait3A_494] : memref<4x128x32xbf16, #tpu.memory_space<vmem>> -> memref<1x128x32xbf16, #tpu.memory_space<vmem>>
            %dma_wait3A_496 = tpu.memref_squeeze %dma_wait3A_495 : memref<1x128x32xbf16, #tpu.memory_space<vmem>> -> memref<128x32xbf16, #tpu.memory_space<vmem>>
            %dma_wait3A_497 = arith.constant 0 : i32
            %dma_wait3A_498 = tpu.memref_slice %arg8[%dma_wait3A_491, %dma_wait3A_497] : memref<4x128xi32, #tpu.memory_space<vmem>> -> memref<1x128xi32, #tpu.memory_space<vmem>>
            %dma_wait3A_499 = tpu.memref_squeeze %dma_wait3A_498 : memref<1x128xi32, #tpu.memory_space<vmem>> -> memref<128xi32, #tpu.memory_space<vmem>>
            %dma_wait3A_500 = arith.constant 0 : i32
            %dma_wait3A_501 = arith.constant 0 : i32
            %dma_wait3A_502 = tpu.memref_slice %arg3[%dma_wait3A_500, %dma_wait3A_501] : memref<131072x32xbf16, #tpu.memory_space<hbm>> -> memref<131072x32xbf16, #tpu.memory_space<hbm>>
            tpu.wait_indirect_dma semaphore(%arg15 : memref<!tpu.dma_semaphore, #tpu.memory_space<semaphore_mem>>) src(%dma_wait3A_502 : memref<131072x32xbf16, #tpu.memory_space<hbm>>) dst(%dma_wait3A_496 : memref<128x32xbf16, #tpu.memory_space<vmem>>)
            %dma_wait3A_503 = arith.constant 2 : i32
            %dma_wait3A_504 = arith.constant 2 : i32
            %dma_wait3A_505 = arith.constant 0 : i32
            %dma_wait3A_506 = arith.constant 0 : i32
            %dma_wait3A_507 = tpu.memref_slice %arg12[%dma_wait3A_504, %dma_wait3A_505, %dma_wait3A_506] : memref<4x128x32xbf16, #tpu.memory_space<vmem>> -> memref<1x128x32xbf16, #tpu.memory_space<vmem>>
            %dma_wait3A_508 = tpu.memref_squeeze %dma_wait3A_507 : memref<1x128x32xbf16, #tpu.memory_space<vmem>> -> memref<128x32xbf16, #tpu.memory_space<vmem>>
            %dma_wait3A_509 = arith.constant 0 : i32
            %dma_wait3A_510 = tpu.memref_slice %arg8[%dma_wait3A_503, %dma_wait3A_509] : memref<4x128xi32, #tpu.memory_space<vmem>> -> memref<1x128xi32, #tpu.memory_space<vmem>>
            %dma_wait3A_511 = tpu.memref_squeeze %dma_wait3A_510 : memref<1x128xi32, #tpu.memory_space<vmem>> -> memref<128xi32, #tpu.memory_space<vmem>>
            %dma_wait3A_512 = arith.constant 0 : i32
            %dma_wait3A_513 = arith.constant 0 : i32
            %dma_wait3A_514 = tpu.memref_slice %arg3[%dma_wait3A_512, %dma_wait3A_513] : memref<131072x32xbf16, #tpu.memory_space<hbm>> -> memref<131072x32xbf16, #tpu.memory_space<hbm>>
            tpu.wait_indirect_dma semaphore(%arg15 : memref<!tpu.dma_semaphore, #tpu.memory_space<semaphore_mem>>) src(%dma_wait3A_514 : memref<131072x32xbf16, #tpu.memory_space<hbm>>) dst(%dma_wait3A_508 : memref<128x32xbf16, #tpu.memory_space<vmem>>)
            %dma_wait3A_515 = arith.constant 3 : i32
            %dma_wait3A_516 = arith.constant 3 : i32
            %dma_wait3A_517 = arith.constant 0 : i32
            %dma_wait3A_518 = arith.constant 0 : i32
            %dma_wait3A_519 = tpu.memref_slice %arg12[%dma_wait3A_516, %dma_wait3A_517, %dma_wait3A_518] : memref<4x128x32xbf16, #tpu.memory_space<vmem>> -> memref<1x128x32xbf16, #tpu.memory_space<vmem>>
            %dma_wait3A_520 = tpu.memref_squeeze %dma_wait3A_519 : memref<1x128x32xbf16, #tpu.memory_space<vmem>> -> memref<128x32xbf16, #tpu.memory_space<vmem>>
            %dma_wait3A_521 = arith.constant 0 : i32
            %dma_wait3A_522 = tpu.memref_slice %arg8[%dma_wait3A_515, %dma_wait3A_521] : memref<4x128xi32, #tpu.memory_space<vmem>> -> memref<1x128xi32, #tpu.memory_space<vmem>>
            %dma_wait3A_523 = tpu.memref_squeeze %dma_wait3A_522 : memref<1x128xi32, #tpu.memory_space<vmem>> -> memref<128xi32, #tpu.memory_space<vmem>>
            %dma_wait3A_524 = arith.constant 0 : i32
            %dma_wait3A_525 = arith.constant 0 : i32
            %dma_wait3A_526 = tpu.memref_slice %arg3[%dma_wait3A_524, %dma_wait3A_525] : memref<131072x32xbf16, #tpu.memory_space<hbm>> -> memref<131072x32xbf16, #tpu.memory_space<hbm>>
            tpu.wait_indirect_dma semaphore(%arg15 : memref<!tpu.dma_semaphore, #tpu.memory_space<semaphore_mem>>) src(%dma_wait3A_526 : memref<131072x32xbf16, #tpu.memory_space<hbm>>) dst(%dma_wait3A_520 : memref<128x32xbf16, #tpu.memory_space<vmem>>)
            %parallel_loop3A_527 = arith.constant 0 : i32
            %parallel_loop3A_528 = arith.constant 128 : i32
            %parallel_loop3A_529 = arith.constant 1 : i32
            scf.for %parallel_loop3A_530 = %parallel_loop3A_527 to %parallel_loop3A_528 step %parallel_loop3A_529  : i32 {
              %parallel_loop3A_531 = arith.index_cast %parallel_loop3A_530 : i32 to index
              %parallel_loop3A_532 = arith.constant 0 : index
              %parallel_loop3A_533 = tpu.vector_load %arg13[%parallel_loop3A_531, %parallel_loop3A_532] {strides = array<i32>} : memref<128x32xf32, #tpu.memory_space<vmem>>, vector<16xf32>,
              %parallel_loop3A_534 = arith.index_cast %parallel_loop3A_530 : i32 to index
              %parallel_loop3A_535 = arith.constant 16 : index
              %parallel_loop3A_536 = tpu.vector_load %arg13[%parallel_loop3A_534, %parallel_loop3A_535] {strides = array<i32>} : memref<128x32xf32, #tpu.memory_space<vmem>>, vector<16xf32>,
              %parallel_loop3A_537 = arith.constant 0 : i32
              %parallel_loop3A_538 = arith.addi %parallel_loop3A_537, %parallel_loop3A_530 : i32
              %parallel_loop3A_539 = arith.index_cast %parallel_loop3A_538 : i32 to index
              %parallel_loop3A_540 = tpu.vector_load %arg10[%parallel_loop3A_539] {strides = array<i32>} : memref<528xf32, #tpu.memory_space<vmem>>, vector<16xf32>,
              %parallel_loop3A_541 = vector.extract_strided_slice %parallel_loop3A_540 {offsets = [0], sizes = [1], strides = [1]} : vector<16xf32> to vector<1xf32>
              %parallel_loop3A_542 = vector.extract %parallel_loop3A_541[0] : f32 from vector<1xf32>
              %parallel_loop3A_543 = arith.constant 128 : i32
              %parallel_loop3A_544 = arith.addi %parallel_loop3A_543, %parallel_loop3A_530 : i32
              %parallel_loop3A_545 = arith.index_cast %parallel_loop3A_544 : i32 to index
              %parallel_loop3A_546 = tpu.vector_load %arg10[%parallel_loop3A_545] {strides = array<i32>} : memref<528xf32, #tpu.memory_space<vmem>>, vector<16xf32>,
              %parallel_loop3A_547 = vector.extract_strided_slice %parallel_loop3A_546 {offsets = [0], sizes = [1], strides = [1]} : vector<16xf32> to vector<1xf32>
              %parallel_loop3A_548 = vector.extract %parallel_loop3A_547[0] : f32 from vector<1xf32>
              %parallel_loop3A_549 = arith.constant 0 : i32
              %parallel_loop3A_550 = arith.index_cast %parallel_loop3A_549 : i32 to index
              %parallel_loop3A_551 = arith.index_cast %parallel_loop3A_530 : i32 to index
              %parallel_loop3A_552 = arith.constant 0 : index
              %parallel_loop3A_553 = tpu.vector_load %arg12[%parallel_loop3A_550, %parallel_loop3A_551, %parallel_loop3A_552] {strides = array<i32>} : memref<4x128x32xbf16, #tpu.memory_space<vmem>>, vector<32xbf16>,
              %parallel_loop3A_554 = tpu.unpack_subelements %parallel_loop3A_553, 0 {pack_format = #tpu.pack_format<interleaved>} : vector<32xbf16> -> vector<16xf32>
              %parallel_loop3A_555 = tpu.unpack_subelements %parallel_loop3A_553, 1 {pack_format = #tpu.pack_format<interleaved>} : vector<32xbf16> -> vector<16xf32>
              %parallel_loop3A_556 = vector.broadcast %parallel_loop3A_542 : f32 to vector<16xf32>
              %parallel_loop3A_557 = arith.mulf %parallel_loop3A_556, %parallel_loop3A_554 : vector<16xf32>
              %parallel_loop3A_558 = arith.addf %parallel_loop3A_533, %parallel_loop3A_557 : vector<16xf32>
              %parallel_loop3A_559 = vector.broadcast %parallel_loop3A_542 : f32 to vector<16xf32>
              %parallel_loop3A_560 = arith.mulf %parallel_loop3A_559, %parallel_loop3A_555 : vector<16xf32>
              %parallel_loop3A_561 = arith.addf %parallel_loop3A_536, %parallel_loop3A_560 : vector<16xf32>
              %parallel_loop3A_562 = arith.constant 2 : i32
              %parallel_loop3A_563 = arith.index_cast %parallel_loop3A_562 : i32 to index
              %parallel_loop3A_564 = arith.index_cast %parallel_loop3A_530 : i32 to index
              %parallel_loop3A_565 = arith.constant 0 : index
              %parallel_loop3A_566 = tpu.vector_load %arg12[%parallel_loop3A_563, %parallel_loop3A_564, %parallel_loop3A_565] {strides = array<i32>} : memref<4x128x32xbf16, #tpu.memory_space<vmem>>, vector<32xbf16>,
              %parallel_loop3A_567 = tpu.unpack_subelements %parallel_loop3A_566, 0 {pack_format = #tpu.pack_format<interleaved>} : vector<32xbf16> -> vector<16xf32>
              %parallel_loop3A_568 = tpu.unpack_subelements %parallel_loop3A_566, 1 {pack_format = #tpu.pack_format<interleaved>} : vector<32xbf16> -> vector<16xf32>
              %parallel_loop3A_569 = vector.broadcast %parallel_loop3A_548 : f32 to vector<16xf32>
              %parallel_loop3A_570 = arith.mulf %parallel_loop3A_569, %parallel_loop3A_567 : vector<16xf32>
              %parallel_loop3A_571 = arith.addf %parallel_loop3A_558, %parallel_loop3A_570 : vector<16xf32>
              %parallel_loop3A_572 = vector.broadcast %parallel_loop3A_548 : f32 to vector<16xf32>
              %parallel_loop3A_573 = arith.mulf %parallel_loop3A_572, %parallel_loop3A_568 : vector<16xf32>
              %parallel_loop3A_574 = arith.addf %parallel_loop3A_561, %parallel_loop3A_573 : vector<16xf32>
              %parallel_loop3A_575 = arith.constant 256 : i32
              %parallel_loop3A_576 = arith.addi %parallel_loop3A_575, %parallel_loop3A_530 : i32
              %parallel_loop3A_577 = arith.index_cast %parallel_loop3A_576 : i32 to index
              %parallel_loop3A_578 = tpu.vector_load %arg10[%parallel_loop3A_577] {strides = array<i32>} : memref<528xf32, #tpu.memory_space<vmem>>, vector<16xf32>,
              %parallel_loop3A_579 = vector.extract_strided_slice %parallel_loop3A_578 {offsets = [0], sizes = [1], strides = [1]} : vector<16xf32> to vector<1xf32>
              %parallel_loop3A_580 = vector.extract %parallel_loop3A_579[0] : f32 from vector<1xf32>
              %parallel_loop3A_581 = arith.constant 384 : i32
              %parallel_loop3A_582 = arith.addi %parallel_loop3A_581, %parallel_loop3A_530 : i32
              %parallel_loop3A_583 = arith.index_cast %parallel_loop3A_582 : i32 to index
              %parallel_loop3A_584 = tpu.vector_load %arg10[%parallel_loop3A_583] {strides = array<i32>} : memref<528xf32, #tpu.memory_space<vmem>>, vector<16xf32>,
              %parallel_loop3A_585 = vector.extract_strided_slice %parallel_loop3A_584 {offsets = [0], sizes = [1], strides = [1]} : vector<16xf32> to vector<1xf32>
              %parallel_loop3A_586 = vector.extract %parallel_loop3A_585[0] : f32 from vector<1xf32>
              %parallel_loop3A_587 = arith.constant 1 : i32
              %parallel_loop3A_588 = arith.index_cast %parallel_loop3A_587 : i32 to index
              %parallel_loop3A_589 = arith.index_cast %parallel_loop3A_530 : i32 to index
              %parallel_loop3A_590 = arith.constant 0 : index
              %parallel_loop3A_591 = tpu.vector_load %arg12[%parallel_loop3A_588, %parallel_loop3A_589, %parallel_loop3A_590] {strides = array<i32>} : memref<4x128x32xbf16, #tpu.memory_space<vmem>>, vector<32xbf16>,
              %parallel_loop3A_592 = tpu.unpack_subelements %parallel_loop3A_591, 0 {pack_format = #tpu.pack_format<interleaved>} : vector<32xbf16> -> vector<16xf32>
              %parallel_loop3A_593 = tpu.unpack_subelements %parallel_loop3A_591, 1 {pack_format = #tpu.pack_format<interleaved>} : vector<32xbf16> -> vector<16xf32>
              %parallel_loop3A_594 = vector.broadcast %parallel_loop3A_580 : f32 to vector<16xf32>
              %parallel_loop3A_595 = arith.mulf %parallel_loop3A_594, %parallel_loop3A_592 : vector<16xf32>
              %parallel_loop3A_596 = arith.addf %parallel_loop3A_571, %parallel_loop3A_595 : vector<16xf32>
              %parallel_loop3A_597 = vector.broadcast %parallel_loop3A_580 : f32 to vector<16xf32>
              %parallel_loop3A_598 = arith.mulf %parallel_loop3A_597, %parallel_loop3A_593 : vector<16xf32>
              %parallel_loop3A_599 = arith.addf %parallel_loop3A_574, %parallel_loop3A_598 : vector<16xf32>
              %parallel_loop3A_600 = arith.constant 3 : i32
              %parallel_loop3A_601 = arith.index_cast %parallel_loop3A_600 : i32 to index
              %parallel_loop3A_602 = arith.index_cast %parallel_loop3A_530 : i32 to index
              %parallel_loop3A_603 = arith.constant 0 : index
              %parallel_loop3A_604 = tpu.vector_load %arg12[%parallel_loop3A_601, %parallel_loop3A_602, %parallel_loop3A_603] {strides = array<i32>} : memref<4x128x32xbf16, #tpu.memory_space<vmem>>, vector<32xbf16>,
              %parallel_loop3A_605 = tpu.unpack_subelements %parallel_loop3A_604, 0 {pack_format = #tpu.pack_format<interleaved>} : vector<32xbf16> -> vector<16xf32>
              %parallel_loop3A_606 = tpu.unpack_subelements %parallel_loop3A_604, 1 {pack_format = #tpu.pack_format<interleaved>} : vector<32xbf16> -> vector<16xf32>
              %parallel_loop3A_607 = vector.broadcast %parallel_loop3A_586 : f32 to vector<16xf32>
              %parallel_loop3A_608 = arith.mulf %parallel_loop3A_607, %parallel_loop3A_605 : vector<16xf32>
              %parallel_loop3A_609 = arith.addf %parallel_loop3A_596, %parallel_loop3A_608 : vector<16xf32>
              %parallel_loop3A_610 = vector.broadcast %parallel_loop3A_586 : f32 to vector<16xf32>
              %parallel_loop3A_611 = arith.mulf %parallel_loop3A_610, %parallel_loop3A_606 : vector<16xf32>
              %parallel_loop3A_612 = arith.addf %parallel_loop3A_599, %parallel_loop3A_611 : vector<16xf32>
              %parallel_loop3A_613 = arith.index_cast %parallel_loop3A_530 : i32 to index
              %parallel_loop3A_614 = arith.constant 0 : index
              %parallel_loop3A_615 = tpu.vector_load %arg13[%parallel_loop3A_613, %parallel_loop3A_614] {strides = array<i32>} : memref<128x32xf32, #tpu.memory_space<vmem>>, vector<16xf32>,
              tpu.vector_store %arg13[%parallel_loop3A_613, %parallel_loop3A_614], %parallel_loop3A_609 {strides = array<i32>} : memref<128x32xf32, #tpu.memory_space<vmem>>, vector<16xf32>,
              %parallel_loop3A_616 = arith.index_cast %parallel_loop3A_530 : i32 to index
              %parallel_loop3A_617 = arith.constant 16 : index
              %parallel_loop3A_618 = tpu.vector_load %arg13[%parallel_loop3A_616, %parallel_loop3A_617] {strides = array<i32>} : memref<128x32xf32, #tpu.memory_space<vmem>>, vector<16xf32>,
              tpu.vector_store %arg13[%parallel_loop3A_616, %parallel_loop3A_617], %parallel_loop3A_612 {strides = array<i32>} : memref<128x32xf32, #tpu.memory_space<vmem>>, vector<16xf32>,
            } {sc.loop_unroll_factor = 8 : i64, sc.parallel_access}
          } else {
          }
          %while3A_472 = arith.constant 0 : i32
          scf.yield %while3A_472 : i32
        }
        "tpu.region"() ({
          %run_scoped3A = tpu.sem_alloc : memref<!tpu.dma_semaphore, #tpu.memory_space<semaphore_mem>>
          %dma_start3A_408 = arith.constant 0 : i32
          %dma_start3A_409 = tpu.memref_slice %arg4[%scan3A_322, %scan3A_332, %mul3A_2, %dma_start3A_408] : memref<2x16x4096x32xf32, #tpu.memory_space<hbm>> -> memref<1x1x128x32xf32, #tpu.memory_space<hbm>>
          %dma_start3A_410 = tpu.memref_squeeze %dma_start3A_409 : memref<1x1x128x32xf32, #tpu.memory_space<hbm>> -> memref<128x32xf32, #tpu.memory_space<hbm>>
          %dma_start3A_411 = arith.constant 0 : i32
          %dma_start3A_412 = tpu.memref_slice %arg4[%scan3A_322, %scan3A_332, %mul3A_2, %dma_start3A_411] : memref<2x16x4096x32xf32, #tpu.memory_space<hbm>> -> memref<1x1x128x32xf32, #tpu.memory_space<hbm>>
          %dma_start3A_413 = tpu.memref_squeeze %dma_start3A_412 : memref<1x1x128x32xf32, #tpu.memory_space<hbm>> -> memref<128x32xf32, #tpu.memory_space<hbm>>
          tpu.enqueue_dma source(%arg13 : memref<128x32xf32, #tpu.memory_space<vmem>>) target(%dma_start3A_413 : memref<128x32xf32, #tpu.memory_space<hbm>>) target_semaphore(%run_scoped3A : memref<!tpu.dma_semaphore, #tpu.memory_space<semaphore_mem>>)
          %dma_wait3A = arith.constant 0 : i32
          %dma_wait3A_414 = tpu.memref_slice %arg4[%scan3A_322, %scan3A_332, %mul3A_2, %dma_wait3A] : memref<2x16x4096x32xf32, #tpu.memory_space<hbm>> -> memref<1x1x128x32xf32, #tpu.memory_space<hbm>>
          %dma_wait3A_415 = tpu.memref_squeeze %dma_wait3A_414 : memref<1x1x128x32xf32, #tpu.memory_space<hbm>> -> memref<128x32xf32, #tpu.memory_space<hbm>>
          %dma_wait3A_416 = arith.constant 0 : i32
          %dma_wait3A_417 = tpu.memref_slice %arg4[%scan3A_322, %scan3A_332, %mul3A_2, %dma_wait3A_416] : memref<2x16x4096x32xf32, #tpu.memory_space<hbm>> -> memref<1x1x128x32xf32, #tpu.memory_space<hbm>>
          %dma_wait3A_418 = tpu.memref_squeeze %dma_wait3A_417 : memref<1x1x128x32xf32, #tpu.memory_space<hbm>> -> memref<128x32xf32, #tpu.memory_space<hbm>>
          tpu.wait_dma2 semaphore(%run_scoped3A : memref<!tpu.dma_semaphore, #tpu.memory_space<semaphore_mem>>) src(%arg13 : memref<128x32xf32, #tpu.memory_space<vmem>>) dst(%dma_wait3A_418 : memref<128x32xf32, #tpu.memory_space<hbm>>)
          tpu.yield
        }) : () -> ()
        %scan3A_407 = arith.constant 0 : i32
        scf.yield %scan3A_407 : i32
      }
      %scan3A_330 = arith.constant 16 : i32
      %scan3A_331 = arith.constant 0 : i32
      scf.yield %scan3A_331 : i32
    }
    %scan3A_321 = arith.constant 2 : i32
    return
  }
}

</mosaic_0001>

<sc_bundles>
// kernel: kernel.3.cloned.1.call-start
scs
__scs_entry_jumppad:
0x0: {  	(pc) =	sbr.rel $0x88, $3  }
0x1: {  	(tag) =	ssettag $0x0;
	lr =	simm.s32 $0x1  }
0x2: {  	[smem:$0x3F9F] =	sst lr;
	_ =	strace $0xD0000000  }
0x3: {  	_ = 	snop  }
0x4: {  	_ = 	snop  }
0x5: {  	_ = 	snop  }
0x6: {  	_ = 	snop  }
0x7: {  	_ = 	snop  }
__scs_overlays_trampoline_lowered:
0x8: {  	[smem:$0x3FAE] =	sst s0  }
0x9: {  	[smem:$0x3FAF] =	sst s1  }
0xa: {  	[smem:$0x3FB0] =	sst s2  }
0xb: {  	[smem:$0x3FB1] =	sst s3  }
0xc: {  	[smem:$0x3FB2] =	sst s4  }
0xd: {  	[smem:$0x3FB3] =	sst s5  }
0xe: {  	[smem:$0x3FB4] =	sst s6  }
0xf: {  	[smem:$0x3FB5] =	sst s7  }
0x10: {  	[smem:$0x3FB6] =	sst s8  }
0x11: {  	[smem:$0x3FB7] =	sst s9;
	s0 =	simm.s32 @!p0 $0x0  }
0x12: {  	s1 =	sld [smem:$0x3F9D];
	s0 =	simm.s32 @p0 $0x1  }
0x13: {  	[smem:$0x3FB8] =	sst s0;
	s0 =	simm.s32 @!p1 $0x0  }
0x14: {  	s2 =	sld [smem:$0x3F9C];
	s0 =	simm.s32 @p1 $0x1  }
0x15: {  	[smem:$0x3FB9] =	sst s0;
	s0 =	simm.s32 @!p2 $0x0  }
0x16: {  	s3 =	sld [smem:$0x3FDB];
	s0 =	simm.s32 @p2 $0x1  }
0x17: {  	s4 =	simm.s32 $0x1BF5;
	[smem:$0x3FBB] =	sst s0  }
0x18: {  	s0 =	sld [smem:$0x3F9E];
	_ =	swait.ge [sflag:s4], $0x0  }
0x19: {  	s7 =	sld [smem:$0x3F9F]  }
0x1a: {  	s8 =	sadd.s32 $0xFFFFE003, lr  }
0x1b: {  	s9 =	sadd.s32 $0xFFFFFEF7, lr;
	s5 =	simm.s32 $0xFFFFFFFF;
	p2 =	slt.u32 s8, $0xFFFFF086  }
0x1c: {  	p1 =	slt.u32 s9, $0xF7A;
	s5 =	simm.s32 @!p2 $0x0  }
0x1d: {  	s5 =	simm.s32 @p1 $0x1;
	p0 =	seq.s32 s7, s2  }
0x1e: {  	s7 =	smul.u32 @!p0 $0xF7A, s2;
	p2 =	seq.s32 @!p0 s5, $0x0  }
0x1f: {  	s9 =	smul.u32 $0xF7A, s1;
	s8 =	simm.s32 @!p0 $0x1BF5;
	p2 =	por !p2, p0  }
0x20: {  	[sflag:s8] =	ssyncset.s32 @!p0 $0xFFFFF086;
	s6 =	sadd.s32 @!p0 s3, s7;
	s7 =	simm.s32 @!p0 $0x108  }
0x21: {  	s3 =	sadd.s32 s3, s9;
	s6 =	sadd.s32 @!p0 $0x88, s6;
	s7 =	simm.s32 @p2 $0x1082  }
0x22: {  	[simem:s7], [sflag:s8] =	dma.local @!p0 [hbm:s6], $0xF7A  }
0x23: {  	s9 =	sor.u32 $0xD0000000, s2;
	s6 =	simm.s32 $0x108;
	_ =	swait.ge @!p0 [sflag:s8], $0x0  }
0x24: {  	s3 =	sadd.s32 $0x88, s3;
	s6 =	simm.s32 @!p1 $0x1082;
	[sflag:s4] =	ssyncset.s32 $0xFFFFF086  }
0x25: {  	[simem:s6], [sflag:s4] =	dma.local [hbm:s3], $0xF7A  }
0x26: {  	[smem:$0x3F9F] =	sst s1;
	(tag) =	ssettag s2;
	_ =	strace s9  }
0x27: {  	s1 =	sld [smem:$0x3FAF]  }
0x28: {  	s2 =	sld [smem:$0x3FB0]  }
0x29: {  	s4 =	sld [smem:$0x3FB2]  }
0x2a: {  	p0 =	seq.s32 s5, $0x0;
	s5 =	sld [smem:$0x3FB3]  }
0x2b: {  	s6 =	sld [smem:$0x3FB4]  }
0x2c: {  	s7 =	sld [smem:$0x3FB5]  }
0x2d: {  	s3 =	simm.s32 $0x108;
	s8 =	sld [smem:$0x3FB6]  }
0x2e: {  	s3 =	simm.s32 @!p0 $0x1082;
	s9 =	sld [smem:$0x3FB7]  }
0x2f: {  	lr =	sadd.s32 s0, s3;
	s0 =	sld [smem:$0x3FAE]  }
0x30: {  	s3 =	sld [smem:$0x3FB1]  }
0x31: {  	[smem:$0x3FBA] =	sst s10  }
0x32: {  	s10 =	sld [smem:$0x3FB8];
	_ =	sdelay $0x3  }
0x33: {  	p0 =	seq.s32 s10, $0x1;
	s10 =	sld [smem:$0x3FBA];
	_ =	sdelay $0x3  }
0x34: {  	[smem:$0x3FBA] =	sst s10  }
0x35: {  	s10 =	sld [smem:$0x3FB9];
	_ =	sdelay $0x3  }
0x36: {  	p1 =	seq.s32 s10, $0x1;
	s10 =	sld [smem:$0x3FBA];
	_ =	sdelay $0x3  }
0x37: {  	[smem:$0x3FBA] =	sst s10  }
0x38: {  	s10 =	sld [smem:$0x3FBB]  }
0x39: {  	_ = 	snop;
	(pc) =	sbr.ind lr, $3  }
0x3a: {  	_ = 	snop  }
0x3b: {  	_ = 	snop  }
0x3c: {  	p2 =	seq.s32 s10, $0x1;
	s10 =	sld [smem:$0x3FBA]  }
0x3d: {  	_ =	shalt  }
0x3e: {  	_ =	shalt  }
0x3f: {  	_ =	shalt  }
0x40: {  	_ =	shalt  }
0x41: {  	_ =	shalt  }
0x42: {  	_ =	shalt  }
0x43: {  	_ =	shalt  }
0x44: {  	_ =	shalt  }
0x45: {  	_ =	shalt  }
0x46: {  	_ =	shalt  }
0x47: {  	_ =	shalt  }
0x48: {  	_ =	shalt  }
0x49: {  	_ =	shalt  }
0x4a: {  	_ =	shalt  }
0x4b: {  	_ =	shalt  }
0x4c: {  	_ =	shalt  }
0x4d: {  	_ =	shalt  }
0x4e: {  	_ =	shalt  }
0x4f: {  	_ =	shalt  }
0x50: {  	_ =	shalt  }
0x51: {  	_ =	shalt  }
0x52: {  	_ =	shalt  }
0x53: {  	_ =	shalt  }
0x54: {  	_ =	shalt  }
0x55: {  	_ =	shalt  }
0x56: {  	_ =	shalt  }
0x57: {  	_ =	shalt  }
0x58: {  	_ =	shalt  }
0x59: {  	_ =	shalt  }
0x5a: {  	_ =	shalt  }
0x5b: {  	_ =	shalt  }
0x5c: {  	_ =	shalt  }
0x5d: {  	_ =	shalt  }
0x5e: {  	_ =	shalt  }
0x5f: {  	_ =	shalt  }
0x60: {  	_ =	shalt  }
0x61: {  	_ =	shalt  }
0x62: {  	_ =	shalt  }
0x63: {  	_ =	shalt  }
0x64: {  	_ =	shalt  }
0x65: {  	_ =	shalt  }
0x66: {  	_ =	shalt  }
0x67: {  	_ =	shalt  }
0x68: {  	_ =	shalt  }
0x69: {  	_ =	shalt  }
0x6a: {  	_ =	shalt  }
0x6b: {  	_ =	shalt  }
0x6c: {  	_ =	shalt  }
0x6d: {  	_ =	shalt  }
0x6e: {  	_ =	shalt  }
0x6f: {  	_ =	shalt  }
0x70: {  	_ =	shalt  }
0x71: {  	_ =	shalt  }
0x72: {  	_ =	shalt  }
0x73: {  	_ =	shalt  }
0x74: {  	_ =	shalt  }
0x75: {  	_ =	shalt  }
0x76: {  	_ =	shalt  }
0x77: {  	_ =	shalt  }
0x78: {  	_ =	shalt  }
0x79: {  	_ =	shalt  }
0x7a: {  	_ =	shalt  }
0x7b: {  	_ =	shalt  }
0x7c: {  	_ =	shalt  }
0x7d: {  	_ =	shalt  }
0x7e: {  	_ =	shalt  }
0x7f: {  	_ =	shalt  }
0x80: {  	_ =	shalt  }
0x81: {  	_ =	shalt  }
0x82: {  	_ =	shalt  }
0x83: {  	_ =	shalt  }
0x84: {  	_ =	shalt  }
0x85: {  	_ =	shalt  }
0x86: {  	_ =	shalt  }
0x87: {  	_ =	shalt  }
.Lfunc_end0:
.L_simem_size_0:
called_computation_lowered:
.L_overlay_start_0:
0x88: {  	s2 =	sld [smem:$0x3FD9]  }
0x89: {  	s3 =	sld [smem:$0x3FFE];
	_ =	sdelay $0x1  }
0x8a: {  	s1 =	srdreg.scid  }
0x8b: {  	s0 =	sand.u32 $0x1, s1  }
0x8c: {  	s17 =	sshll.u32 s0, $0xA;
	s2 =	sadd.s32 s3, s2  }
0x8d: {  	s2 =	sadd.s32 s2, s17  }
0x8e: {  	[smem:$0x3FC6] =	sst s2  }
0x8f: {  	_ = 	snop  }
0x90: {  	s2 =	sld [smem:$0x3FD0];
	(tm) =	ssettm $0x1  }
0x91: {  	s18 =	sld [smem:$0x3FFB];
	_ =	sdelay $0x3  }
0x92: {  	_ =	strace s18  }
0x93: {  	s3 =	sld [smem:$0x3FFC];
	_ =	sdelay $0x3  }
0x94: {  	_ =	strace s3  }
0x95: {  	s3 =	sld [smem:$0x3FFD];
	_ =	sdelay $0x3  }
0x96: {  	_ =	strace s3  }
0x97: {  	_ =	strace $0x8FFFFFFF  }
0x98: {  	s19 =	sld [smem:$0x3FDB];
	_ =	sdelay $0x1  }
0x99: {  	s4 =	simm.s32 $_scs_section_size  }
0x9a: {  	s5 =	simm.s32 $_size__tile_overlayer_lowered;
	s6 =	simm.s32 $_tile_overlayer_lowered  }
0x9b: {  	s22 =	simm.s32 $0x1BFF;
	s21 =	sshll.u32 s6, $0x1;
	s3 =	sadd.s32 s4, s19  }
0x9c: {  	s7 =	simm.s32 $0x0;
	s20 =	sshll.u32 s5, $0x1;
	s5 =	sadd.s32 s21, s3  }
0x9d: {  	[timem:s7], [sflag:s22] =	dma.local [hbm:s5], s20  }
0x9e: {  	_ =	swait.ge [sflag:s22], s20  }
0x9f: {  	s4 =	ssub.s32 $0x0, s20;
	[sflag:s22] =	ssyncset.done $0x0  }
0xa0: {  	[sflag:s22] =	ssyncadd.s32 s4;
	_ =	sdelay $0x1  }
0xa1: {  	s23 =	simm.s32 $0x1B8B  }
0xa2: {  	_ =	swait.ge [sflag:s23], $0x1  }
0xa3: {  	[sflag:s23] =	ssyncset.done $0x0  }
0xa4: {  	s25 =	simm.s32 $0x1B8E;
	s24 =	sld [smem:$0x3FFE];
	[sflag:s23] =	ssyncadd.s32 $0xFFFFFFFF  }
0xa5: {  	s26 =	simm.s32 $execute0_lowered;
	[smem:$0x3FD2] =	sst s25  }
0xa6: {  	s5 =	sshll.u32 s26, $0x1;
	_ =	strace $0x80000046;
	[dreg:$0x1] =	wrdreg $0xFFFFFFFF  }
0xa7: {  	s28 =	simm.s32 $_size_execute0_lowered;
	s3 =	sadd.s32 s3, s5;
	[dreg:$0x0] =	wrdreg $0x0  }
0xa8: {  	s5 =	sshll.u32 s28, $0x1;
	[dreg:$0x2] =	wrdreg s3  }
0xa9: {  	[dreg:$0x3] =	wrdreg s5  }
0xaa: {  	[dreg:$0x4] =	wrdreg $0xC0  }
0xab: {  	_ =	task [dreg:s7], $0x5FFFF  }
0xac: {  	[dreg:$0x1] =	wrdreg $0xFFFFFFFF  }
0xad: {  	[dreg:$0x0] =	wrdreg $0x60  }
0xae: {  	[dreg:$0x2] =	wrdreg s24  }
0xaf: {  	[dreg:$0x3] =	wrdreg s2  }
0xb0: {  	[dreg:$0x4] =	wrdreg $0x9  }
0xb1: {  	_ =	task.clear_ibuf [dreg:s7], $0x5FFFF;
	_ =	strace $0x90000046  }
0xb2: {  	s29 =	simm.s32 $0x9;
	_ =	strace $0x80000048  }
0xb3: {  	_ =	swait.ge [sflag:s29], $0x1  }
0xb4: {  	[sflag:s29] =	ssyncadd.s32 $0xFFFFFFFF  }
0xb5: {  	_ =	strace $0x90000048  }
0xb6: {  	_ =	sfence  }
0xb7: {  	s30 =	sld [smem:$0x0];
	_ =	sdelay $0x2  }
0xb8: {  	s31 =	sshll.u32 s1, $0xD;
	s1 =	sshrl.u32 s1, $0x2  }
0xb9: {  	s3 =	sand.u32 $0x4000, s31;
	s1 =	sadd.s32 s1, s30  }
0xba: {  	s0 =	sor.u32 s3, s0;
	s1 =	sshll.u32 s1, $0x11  }
0xbb: {  	s0 =	sor.u32 s1, s0  }
0xbc: {  	s0 =	sadd.s32 $0x8F2B, s0  }
0xbd: {  	[sflag:s0] =	ssyncadd.remote.s32 $0x1  }
0xbe: {  	_ =	sfence.sel $0xFFFF  }
0xbf: {  	[dreg:$0x0] =	wrdreg $0xFFFFFFFF;
	(pc) =	sbr.abs _section_cstart, $3  }
0xc0: {  	[dreg:$0x1] =	wrdreg $0xFFFFFFFF  }
0xc1: {  	_ =	task.clear_ibuf [dreg:s7], $0x2FFFF;
	_ =	strace $0x9FFFFFFF  }
0xc2: {  	(tm) =	ssettm $0x7FFFFFFF  }
0xc3: {  	_ =	shalt  }
tec
execute0_lowered:
.L_overlay_start_1:
0x0: {  	(tag) =	ssettag $0x1  }
0x1: {  	s0 =	srdreg.scid;
	v0 =	vimm.f32 $-5.156250000e-01;
	vm11 =	vcmask $0x300  }
0x2: {  	s2 =	stileid.u32;
	vm12 =	vcmask $0x704;
	vm14 =	vcmask $0xB08;
	vm13 =	vcmask $0xF0C;
	s1 =	sand.u32 $0x1, s0  }
0x3: {  	vm10 =	vcmask $0x1310;
	vm9 =	vcmask $0x1714;
	vm8 =	vcmask $0x1B18;
	s22 =	sshll.u32 s2, $0x8;
	s23 =	sshll.u32 s1, $0x7  }
0x4: {  	vm7 =	vcmask $0x1F1C;
	vm6 =	vcmask $0x2320;
	vm5 =	vcmask $0x2724;
	s0 =	sor.u32 s23, s22  }
0x5: {  	vm4 =	vcmask $0x2B28;
	vm3 =	vcmask $0x2F2C;
	v0 =	vsel vm11, $0xBF7C0000, v0;
	s2 =	sshrl.u32 s0, $0x6;
	s24 =	sor.u32 $0x40, s0  }
0x6: {  	vm2 =	vcmask $0x3330;
	v0 =	vsel vm12, $0xBF740000, v0;
	v1 =	vmov s2;
	s2 =	sshrl.u32 s24, $0x6  }
0x7: {  	v0 =	vsel vm14, $0xBF6C0000, v0;
	v1 =	vcvt.s32.f32 v1;
	v2 =	vmov s2  }
0x8: {  	vm1 =	vcmask $0x3734;
	v0 =	vsel vm13, $0xBF640000, v0;
	v2 =	vcvt.s32.f32 v2  }
0x9: {  	vm0 =	vcmask $0x3B38;
	v0 =	vsel vm10, $0xBF5C0000, v0;
	v1 =	vadd.f32 $5.000000000e-01, v1  }
0xa: {  	v4 =	vimm.f32 $4.843750000e-01;
	v0 =	vsel vm9, $0xBF540000, v0;
	v2 =	vadd.f32 $5.000000000e-01, v2  }
0xb: {  	v5 =	vimm.f32 $9.843750000e-01;
	v0 =	vsel vm8, $0xBF4C0000, v0;
	v1 =	vmul.f32 $3.125000000e-02, v1  }
0xc: {  	v7 =	vimm.s32 $0x0;
	v0 =	vsel vm7, $0xBF440000, v0;
	v2 =	vmul.f32 $3.125000000e-02, v2  }
0xd: {  	v8 =	vimm.f32 $0.0e+00;
	v0 =	vsel vm6, $0xBF3C0000, v0;
	v1 =	vadd.f32 $-1.000000000e+00, v1  }
0xe: {  	s25 =	rddreg [dreg:$0x0];
	s3 =	simm.s32 $0x0;
	v4 =	vsel vm11, $0x3C800000, v4;
	v3 =	vsel vm5, $0xBF340000, v0;
	v2 =	vadd.f32 $-1.000000000e+00, v2  }
0xf: {  	[smem:$0x7FF] =	sst s3;
	v5 =	vsel vm11, $0x3F040000, v5;
	v3 =	vsel vm4, $0xBF2C0000, v3;
	v0 =	vbroadcast v1, $0x0  }
0x10: {  	s4 =	rddreg [dreg:$0x1];
	_ =	strace $0x80000047;
	v1 =	vbroadcast v2, $0x0;
	v2 =	vsel vm3, $0xBF240000, v3;
	v3 =	vimm.f32 $2.000000000e+00  }
0x11: {  	v4 =	vsel vm12, $0x3D400000, v4;
	(erf) = vrcp.f32 v3;
	v3 =	vimm.f32 $-1.562500000e-02  }
0x12: {  	v5 =	vsel vm12, $0x3F0C0000, v5;
	v4 =	vsel vm14, $0x3DA00000, v4;
	v3 =	vsel vm11, $0xBEF80000, v3  }
0x13: {  	v5 =	vsel vm14, $0x3F140000, v5;
	v4 =	vsel vm13, $0x3DE00000, v4;
	v3 =	vsel vm12, $0xBEE80000, v3  }
0x14: {  	v5 =	vsel vm13, $0x3F1C0000, v5;
	v4 =	vsel vm10, $0x3E100000, v4;
	v3 =	vsel vm14, $0xBED80000, v3  }
0x15: {  	v5 =	vsel vm10, $0x3F240000, v5;
	v4 =	vsel vm9, $0x3E300000, v4;
	v3 =	vsel vm13, $0xBEC80000, v3  }
0x16: {  	v5 =	vsel vm9, $0x3F2C0000, v5;
	v4 =	vsel vm8, $0x3E500000, v4;
	v3 =	vsel vm10, $0xBEB80000, v3  }
0x17: {  	s7 =	simm.s32 $0x80;
	s15 =	simm.s32 $0x3920;
	v5 =	vsel vm8, $0x3F340000, v5;
	v4 =	vsel vm7, $0x3E700000, v4;
	v3 =	vsel vm9, $0xBEA80000, v3  }
0x18: {  	s16 =	simm.s32 $0x2280;
	s17 =	simm.s32 $0x4120;
	s18 =	simm.s32 $0x2300;
	v5 =	vsel vm7, $0x3F3C0000, v5;
	v4 =	vsel vm6, $0x3E880000, v4;
	v3 =	vsel vm8, $0xBE980000, v3  }
0x19: {  	s19 =	simm.s32 $0x4920;
	s20 =	simm.s32 $0x2380;
	s21 =	simm.s32 $0x5120;
	v5 =	vsel vm6, $0x3F440000, v5;
	v4 =	vsel vm5, $0x3E980000, v4;
	v3 =	vsel vm7, $0xBE880000, v3  }
0x1a: {  	s28 =	simm.s32 $0x2;
	s3 =	sadd.s32 $0x8400, s25;
	s1 =	ssub.s32 $0x2, s1;
	v5 =	vsel vm5, $0x3F4C0000, v5;
	v4 =	vsel vm4, $0x3EA80000, v4;
	v3 =	vsel vm6, $0xBE700000, v3  }
0x1b: {  	s29 =	sshrl.u32 s1, $0x1;
	s22 =	simm.s32 $0x2400;
	s23 =	simm.s32 $0x5920;
	v5 =	vsel vm4, $0x3F540000, v5;
	v4 =	vsel vm3, $0x3EB80000, v4;
	v3 =	vsel vm5, $0xBE500000, v3  }
.Ltmp0:
0x1c: {  	s26 =	sshrl.u32 s0, $0x3;
	s0 =	sshll.u32 s0, $0x2;
	v5 =	vsel vm3, $0x3F5C0000, v5;
	v4 =	vsel vm2, $0x3EC80000, v4;
	v3 =	vsel vm4, $0xBE300000, v3;
	(pc) =	sbr.rel .LBB2_1-.Ltmp0, $4  }
0x1d: {  	s1 =	ssub.s32 s1, s29;
	s5 =	sadd.s32 s26, s25;
	s0 =	sadd.s32 s4, s0;
	v5 =	vsel vm2, $0x3F640000, v5;
	v4 =	vsel vm1, $0x3ED80000, v4;
	v3 =	vsel vm3, $0xBE100000, v3  }
0x1e: {  	s31 =	smax.u32 s1, $0x1;
	s24 =	simm.s32 $0x2480;
	[dreg:$0x4] =	wrdreg s0;
	v6 =	vsel vm1, $0x3F6C0000, v5;
	v2 =	vsel vm2, $0xBF1C0000, v2;
	v3 =	vsel vm2, $0xBDE00000, v3  }
0x1f: {  	s25 =	simm.s32 $0x6120;
	s30 =	sadd.s32 $0x400, s5;
	[dreg:$0x5] =	wrdreg s31;
	v4 =	vsel vm0, $0x3EE80000, v4;
	v2 =	vsel vm1, $0xBF140000, v2;
	v3 =	vsel vm1, $0xBDA00000, v3  }
0x20: {  	s26 =	simm.s32 $0x1;
	s1 =	simm.s32 $0x0;
	[dreg:$0x3] =	wrdreg s30;
	v6 =	vsel vm0, $0x3F740000, v6;
	v2 =	vsel vm0, $0xBF0C0000, v2;
	v5 =	vpop (erf);
	v3 =	vsel vm0, $0xBD400000, v3  }
.LBB2_27:
0x21: {  	s1 =	rddreg [dreg:$0x6]  }
0x22: {  	s0 =	rddreg [dreg:$0x5];
	s1 =	sadd.s32 $0x1, s1  }
0x23: {  	p0 =	sne.s32 s1, s0  }
.Ltmp1:
0x24: {  	_ = 	snop;
	(pc) =	sbr.rel @!p0 .LBB2_28-.Ltmp1, $1  }
0x25: {  	_ =	sdelay $0x3  }
.LBB2_1:
0x26: {  	[dreg:$0x6] =	wrdreg s1;
	s0 =	simm.s32 $0x0  }
0x27: {  	s30 =	rddreg [dreg:$0x3];
	s2 =	simm.s32 $0x1000;
	s31 =	simm.s32 $0x3  }
0x28: {  	[tilespmem:s0], [sflag:$0x3] =	stream.strided.gather [hbm4b:s30+s7], $0x2000, s2, s7, $0x38;
	[tilespmem:$0x7920] =	vst v63  }
0x29: {  	_ =	swait.ge [sflag:s31], $0x2000  }
0x2a: {  	[sflag:s31] =	ssyncset.done $0x0  }
0x2b: {  	s0 =	simm.s32 $0x180;
	[sflag:s31] =	ssyncadd.s32 $0xFFFFE000  }
0x2c: {  	v15 =	vld [tilespmem:s0+$0xFFFFFE80]  }
0x2d: {  	v16 =	vld [tilespmem:s0+$0xFFFFFE90]  }
0x2e: {  	v17 =	vld [tilespmem:s0+$0xFFFFFEA0]  }
0x2f: {  	v18 =	vld [tilespmem:s0+$0xFFFFFEB0]  }
0x30: {  	v19 =	vld [tilespmem:s0+$0xFFFFFEC0]  }
0x31: {  	v20 =	vld [tilespmem:s0+$0xFFFFFED0]  }
0x32: {  	v21 =	vld [tilespmem:s0+$0xFFFFFEE0]  }
0x33: {  	v22 =	vld [tilespmem:s0+$0xFFFFFF00]  }
0x34: {  	v23 =	vld [tilespmem:s0+$0xFFFFFF10]  }
0x35: {  	v24 =	vld [tilespmem:s0+$0xFFFFFF20]  }
0x36: {  	v25 =	vld [tilespmem:s0+$0xFFFFFF30]  }
0x37: {  	v26 =	vld [tilespmem:s0+$0xFFFFFF40]  }
0x38: {  	v27 =	vld [tilespmem:s0+$0xFFFFFF50]  }
0x39: {  	v28 =	vld [tilespmem:s0+$0xFFFFFF60]  }
0x3a: {  	v29 =	vld [tilespmem:s0+$0xFFFFFF70]  }
0x3b: {  	v30 =	vld [tilespmem:s0+$0xE80]  }
0x3c: {  	v31 =	vld [tilespmem:s0+$0xE90]  }
0x3d: {  	v32 =	vld [tilespmem:s0+$0xEA0]  }
0x3e: {  	v33 =	vld [tilespmem:s0+$0xEB0]  }
0x3f: {  	v34 =	vld [tilespmem:s0+$0xEC0]  }
0x40: {  	v35 =	vld [tilespmem:s0+$0xED0]  }
0x41: {  	v36 =	vld [tilespmem:s0+$0xEE0]  }
0x42: {  	v37 =	vld [tilespmem:s0+$0xEF0]  }
0x43: {  	v38 =	vld [tilespmem:s0+$0xF00]  }
0x44: {  	v39 =	vld [tilespmem:s0+$0xF10]  }
0x45: {  	v14 =	vld [tilespmem:s0+$0xF20]  }
0x46: {  	v13 =	vld [tilespmem:s0+$0xF30]  }
0x47: {  	v12 =	vld [tilespmem:s0+$0xF40]  }
0x48: {  	v11 =	vld [tilespmem:s0+$0xF50]  }
0x49: {  	v10 =	vld [tilespmem:s0+$0xF60]  }
0x4a: {  	v9 =	vld [tilespmem:s0+$0xF70]  }
0x4b: {  	v40 =	vld [tilespmem:s0+$0xFFFFFF80]  }
0x4c: {  	v41 =	vld [tilespmem:s0+$0xFFFFFF90]  }
0x4d: {  	v42 =	vld [tilespmem:s0+$0xFFFFFFA0]  }
0x4e: {  	v43 =	vld [tilespmem:s0+$0xFFFFFFB0]  }
0x4f: {  	v44 =	vld [tilespmem:s0+$0xFFFFFFC0]  }
0x50: {  	v63 =	vld [tilespmem:s0+$0xFFFFFFD0];
	v15 =	vadd.f32 v15, v40  }
0x51: {  	v45 =	vld [tilespmem:s0+$0xFFFFFFE0];
	v16 =	vadd.f32 v16, v41  }
0x52: {  	v17 =	vadd.f32 v17, v42;
	[tilespmem:s0+$0xFFFFFF80] =	vst v15;
	v15 =	vld [tilespmem:s0+$0x0]  }
0x53: {  	v18 =	vadd.f32 v18, v43;
	[tilespmem:s0+$0xFFFFFF90] =	vst v16;
	v16 =	vld [tilespmem:s0+$0x10]  }
0x54: {  	v19 =	vadd.f32 v19, v44;
	[tilespmem:s0+$0xFFFFFFA0] =	vst v17;
	v17 =	vld [tilespmem:s0+$0x20]  }
0x55: {  	v20 =	vadd.f32 v20, v63;
	[tilespmem:s0+$0xFFFFFFB0] =	vst v18;
	v18 =	vld [tilespmem:s0+$0x30]  }
0x56: {  	v21 =	vadd.f32 v21, v45;
	[tilespmem:s0+$0xFFFFFFC0] =	vst v19;
	v19 =	vld [tilespmem:s0+$0x40]  }
0x57: {  	[tilespmem:s0+$0xFFFFFFD0] =	vst v20;
	v20 =	vld [tilespmem:s0+$0x50];
	v15 =	vadd.f32 v22, v15  }
0x58: {  	[tilespmem:s0+$0xFFFFFFE0] =	vst v21;
	v21 =	vld [tilespmem:s0+$0x60];
	v16 =	vadd.f32 v23, v16  }
0x59: {  	v17 =	vadd.f32 v24, v17;
	[tilespmem:s0+$0x0] =	vst v15;
	v15 =	vld [tilespmem:s0+$0x70]  }
0x5a: {  	v18 =	vadd.f32 v25, v18;
	[tilespmem:s0+$0x10] =	vst v16;
	v16 =	vld [tilespmem:s0+$0xF80]  }
0x5b: {  	v19 =	vadd.f32 v26, v19;
	[tilespmem:s0+$0x20] =	vst v17;
	v17 =	vld [tilespmem:s0+$0xF90]  }
0x5c: {  	v20 =	vadd.f32 v27, v20;
	[tilespmem:s0+$0x30] =	vst v18;
	v18 =	vld [tilespmem:s0+$0xFA0]  }
0x5d: {  	v21 =	vadd.f32 v28, v21;
	[tilespmem:s0+$0x40] =	vst v19;
	v19 =	vld [tilespmem:s0+$0xFB0]  }
0x5e: {  	[tilespmem:s0+$0x50] =	vst v20;
	v20 =	vld [tilespmem:s0+$0xFC0];
	v15 =	vadd.f32 v29, v15  }
0x5f: {  	[tilespmem:s0+$0x60] =	vst v21;
	v21 =	vld [tilespmem:s0+$0xFD0];
	v16 =	vadd.f32 v30, v16  }
0x60: {  	v17 =	vadd.f32 v31, v17;
	[tilespmem:s0+$0x70] =	vst v15;
	v15 =	vld [tilespmem:s0+$0xFE0]  }
0x61: {  	v22 =	vld [tilespmem:s0+$0xFF0];
	[tilespmem:s0+$0xF80] =	vst v16;
	v16 =	vadd.f32 v32, v18  }
0x62: {  	v23 =	vld [tilespmem:s0+$0x1000];
	[tilespmem:s0+$0xF90] =	vst v17;
	v17 =	vadd.f32 v33, v19  }
0x63: {  	v19 =	vld [tilespmem:s0+$0x1010];
	v18 =	vadd.f32 v34, v20;
	[tilespmem:s0+$0xFA0] =	vst v16  }
0x64: {  	v20 =	vadd.f32 v35, v21;
	[tilespmem:s0+$0xFB0] =	vst v17;
	v16 =	vld [tilespmem:s0+$0x1020]  }
0x65: {  	[tilespmem:s0+$0xFC0] =	vst v18;
	v17 =	vld [tilespmem:s0+$0x1030];
	v18 =	vadd.f32 v36, v15  }
0x66: {  	[tilespmem:s0+$0xFD0] =	vst v20;
	v20 =	vadd.f32 v37, v22;
	v15 =	vld [tilespmem:s0+$0x1040]  }
0x67: {  	v21 =	vadd.f32 v38, v23;
	[tilespmem:s0+$0xFE0] =	vst v18;
	v18 =	vld [tilespmem:s0+$0x1050]  }
0x68: {  	s1 =	simm.s32 $0xA00;
	[tilespmem:s0+$0xFF0] =	vst v20;
	v20 =	vadd.f32 v39, v19;
	v19 =	vld [tilespmem:s0+$0x1060]  }
.LBB2_2:
0x69: {  	p0 =	sne.s32 s1, $0x3E00;
	[tilespmem:s0+$0x1000] =	vst v21;
	v14 =	vadd.f32 v14, v16;
	v16 =	vld [tilespmem:s0+$0x1070]  }
0x6a: {  	v21 =	vld [tilespmem:s0+$0xFFFFFFF0];
	[tilespmem:s0+$0x1010] =	vst v20;
	v13 =	vadd.f32 v13, v17  }
0x6b: {  	s2 =	sshra.s32 s1, $0x2;
	v17 =	vld [tilespmem:s0+$0xFFFFFEF0];
	[tilespmem:s0+$0x1020] =	vst v14;
	v12 =	vadd.f32 v12, v15  }
0x6c: {  	v15 =	vld [tilespmem:s2+$0xFFFFFE80];
	[tilespmem:s0+$0x1030] =	vst v13;
	v11 =	vadd.f32 v11, v18  }
0x6d: {  	v18 =	vld [tilespmem:s2+$0xFFFFFE90];
	[tilespmem:s0+$0x1040] =	vst v12;
	v10 =	vadd.f32 v10, v19  }
0x6e: {  	v19 =	vld [tilespmem:s2+$0xFFFFFEA0];
	[tilespmem:s0+$0x1050] =	vst v11;
	v9 =	vadd.f32 v9, v16  }
0x6f: {  	v16 =	vld [tilespmem:s2+$0xFFFFFEB0];
	[tilespmem:s0+$0x1060] =	vst v10  }
0x70: {  	v20 =	vld [tilespmem:s2+$0xFFFFFEC0];
	v10 =	vadd.f32 v17, v21;
	[tilespmem:s0+$0x1070] =	vst v9  }
0x71: {  	v17 =	vld [tilespmem:s2+$0xFFFFFED0]  }
0x72: {  	v21 =	vld [tilespmem:s2+$0xFFFFFEE0];
	[tilespmem:s0+$0xFFFFFFF0] =	vst v10;
	s0 =	smov.u32 s2  }
0x73: {  	v22 =	vld [tilespmem:s0+$0xFFFFFF00]  }
0x74: {  	v23 =	vld [tilespmem:s0+$0xFFFFFF10]  }
0x75: {  	v24 =	vld [tilespmem:s0+$0xFFFFFF20]  }
0x76: {  	v25 =	vld [tilespmem:s0+$0xFFFFFF30]  }
0x77: {  	v26 =	vld [tilespmem:s0+$0xFFFFFF40]  }
0x78: {  	v27 =	vld [tilespmem:s0+$0xFFFFFF50]  }
0x79: {  	v28 =	vld [tilespmem:s0+$0xFFFFFF60]  }
0x7a: {  	v29 =	vld [tilespmem:s0+$0xFFFFFF70]  }
0x7b: {  	v30 =	vld [tilespmem:s0+$0xE80]  }
0x7c: {  	v31 =	vld [tilespmem:s0+$0xE90]  }
0x7d: {  	v32 =	vld [tilespmem:s0+$0xEA0]  }
0x7e: {  	v33 =	vld [tilespmem:s0+$0xEB0]  }
0x7f: {  	v34 =	vld [tilespmem:s0+$0xEC0]  }
0x80: {  	v35 =	vld [tilespmem:s0+$0xED0]  }
0x81: {  	v36 =	vld [tilespmem:s0+$0xEE0]  }
0x82: {  	v37 =	vld [tilespmem:s0+$0xEF0]  }
0x83: {  	v38 =	vld [tilespmem:s0+$0xF00]  }
0x84: {  	v39 =	vld [tilespmem:s0+$0xF10]  }
0x85: {  	v14 =	vld [tilespmem:s0+$0xF20]  }
0x86: {  	v13 =	vld [tilespmem:s0+$0xF30]  }
0x87: {  	v12 =	vld [tilespmem:s0+$0xF40]  }
0x88: {  	v11 =	vld [tilespmem:s0+$0xF50]  }
0x89: {  	v10 =	vld [tilespmem:s0+$0xF60]  }
0x8a: {  	v9 =	vld [tilespmem:s0+$0xF70]  }
0x8b: {  	v40 =	vld [tilespmem:s0+$0xFFFFFF80]  }
0x8c: {  	v41 =	vld [tilespmem:s0+$0xFFFFFF90]  }
0x8d: {  	v42 =	vld [tilespmem:s0+$0xFFFFFFA0]  }
0x8e: {  	v43 =	vld [tilespmem:s0+$0xFFFFFFB0]  }
0x8f: {  	v44 =	vld [tilespmem:s0+$0xFFFFFFC0]  }
0x90: {  	v15 =	vadd.f32 v15, v40;
	v40 =	vld [tilespmem:s0+$0xFFFFFFD0]  }
0x91: {  	v18 =	vadd.f32 v18, v41;
	v41 =	vld [tilespmem:s0+$0xFFFFFFE0]  }
0x92: {  	[tilespmem:s0+$0xFFFFFF80] =	vst v15;
	v15 =	vadd.f32 v19, v42;
	v19 =	vld [tilespmem:s0+$0x0]  }
0x93: {  	[tilespmem:s0+$0xFFFFFF90] =	vst v18;
	v16 =	vadd.f32 v16, v43;
	v18 =	vld [tilespmem:s0+$0x10]  }
0x94: {  	[tilespmem:s0+$0xFFFFFFA0] =	vst v15;
	v15 =	vadd.f32 v20, v44;
	v20 =	vld [tilespmem:s0+$0x20]  }
0x95: {  	[tilespmem:s0+$0xFFFFFFB0] =	vst v16;
	v16 =	vadd.f32 v17, v40;
	v17 =	vld [tilespmem:s0+$0x30]  }
0x96: {  	[tilespmem:s0+$0xFFFFFFC0] =	vst v15;
	v15 =	vadd.f32 v21, v41;
	v21 =	vld [tilespmem:s0+$0x40]  }
0x97: {  	[tilespmem:s0+$0xFFFFFFD0] =	vst v16;
	v16 =	vadd.f32 v22, v19;
	v19 =	vld [tilespmem:s0+$0x50]  }
0x98: {  	[tilespmem:s0+$0xFFFFFFE0] =	vst v15;
	v15 =	vadd.f32 v23, v18;
	v18 =	vld [tilespmem:s0+$0x60]  }
0x99: {  	[tilespmem:s0+$0x0] =	vst v16;
	v16 =	vadd.f32 v24, v20;
	v20 =	vld [tilespmem:s0+$0x70]  }
0x9a: {  	[tilespmem:s0+$0x10] =	vst v15;
	v15 =	vadd.f32 v25, v17;
	v17 =	vld [tilespmem:s0+$0xF80]  }
0x9b: {  	[tilespmem:s0+$0x20] =	vst v16;
	v16 =	vadd.f32 v26, v21;
	v21 =	vld [tilespmem:s0+$0xF90]  }
0x9c: {  	[tilespmem:s0+$0x30] =	vst v15;
	v15 =	vadd.f32 v27, v19;
	v19 =	vld [tilespmem:s0+$0xFA0]  }
0x9d: {  	[tilespmem:s0+$0x40] =	vst v16;
	v16 =	vadd.f32 v28, v18;
	v18 =	vld [tilespmem:s0+$0xFB0]  }
0x9e: {  	[tilespmem:s0+$0x50] =	vst v15;
	v15 =	vadd.f32 v29, v20;
	v20 =	vld [tilespmem:s0+$0xFC0]  }
0x9f: {  	[tilespmem:s0+$0x60] =	vst v16;
	v16 =	vadd.f32 v30, v17;
	v17 =	vld [tilespmem:s0+$0xFD0]  }
0xa0: {  	[tilespmem:s0+$0x70] =	vst v15;
	v15 =	vadd.f32 v31, v21;
	v21 =	vld [tilespmem:s0+$0xFE0]  }
0xa1: {  	[tilespmem:s0+$0xF80] =	vst v16;
	v16 =	vadd.f32 v32, v19;
	v19 =	vld [tilespmem:s0+$0xFF0]  }
0xa2: {  	[tilespmem:s0+$0xF90] =	vst v15;
	v15 =	vadd.f32 v33, v18;
	v18 =	vld [tilespmem:s0+$0x1000]  }
0xa3: {  	[tilespmem:s0+$0xFA0] =	vst v16;
	v20 =	vadd.f32 v34, v20;
	v22 =	vld [tilespmem:s0+$0x1010]  }
.Ltmp2:
0xa4: {  	[tilespmem:s0+$0xFB0] =	vst v15;
	v15 =	vadd.f32 v35, v17;
	v16 =	vld [tilespmem:s0+$0x1020];
	(pc) =	sbr.rel @p0 .LBB2_2-.Ltmp2, $4  }
0xa5: {  	[tilespmem:s0+$0xFC0] =	vst v20;
	v20 =	vadd.f32 v36, v21;
	v17 =	vld [tilespmem:s0+$0x1030]  }
0xa6: {  	[tilespmem:s0+$0xFD0] =	vst v15;
	v19 =	vadd.f32 v37, v19;
	v15 =	vld [tilespmem:s0+$0x1040]  }
0xa7: {  	[tilespmem:s0+$0xFE0] =	vst v20;
	v21 =	vadd.f32 v38, v18;
	v18 =	vld [tilespmem:s0+$0x1050]  }
0xa8: {  	s1 =	sadd.s32 $0x400, s1;
	[tilespmem:s0+$0xFF0] =	vst v19;
	v20 =	vadd.f32 v39, v22;
	v19 =	vld [tilespmem:s0+$0x1060]  }
0xa9: {  	v62 =	vld [tilespmem:s0+$0x1070]  }
0xaa: {  	[tilespmem:s0+$0x1000] =	vst v21;
	v22 =	vld [tilespmem:s0+$0xFFFFFFF0];
	v14 =	vadd.f32 v14, v16  }
0xab: {  	v63 =	vld [tilespmem:s0+$0xFFFFFEF0];
	[tilespmem:s0+$0x1010] =	vst v20;
	v13 =	vadd.f32 v13, v17  }
0xac: {  	[tilespmem:s0+$0x1020] =	vst v14;
	v12 =	vadd.f32 v12, v15  }
0xad: {  	[tilespmem:s0+$0x1030] =	vst v13;
	v11 =	vadd.f32 v11, v18  }
0xae: {  	[tilespmem:s0+$0x1040] =	vst v12;
	v10 =	vadd.f32 v10, v19  }
0xaf: {  	[tilespmem:s0+$0x1050] =	vst v11;
	v9 =	vadd.f32 v9, v62  }
0xb0: {  	[tilespmem:s0+$0x1060] =	vst v10;
	v10 =	vadd.f32 v63, v22  }
0xb1: {  	[tilespmem:s0+$0x1070] =	vst v9  }
0xb2: {  	[tilespmem:s0+$0xFFFFFFF0] =	vst v10  }
0xb3: {  	[tilespmem:$0x2000] =	vst v2  }
0xb4: {  	[tilespmem:$0x2080] =	vst v0  }
0xb5: {  	[tilespmem:$0x2010] =	vst v3  }
0xb6: {  	[tilespmem:$0x2090] =	vst v0  }
0xb7: {  	[tilespmem:$0x2020] =	vst v4  }
0xb8: {  	[tilespmem:$0x20A0] =	vst v0  }
0xb9: {  	[tilespmem:$0x2030] =	vst v6  }
0xba: {  	[tilespmem:$0x20B0] =	vst v0  }
0xbb: {  	[tilespmem:$0x2040] =	vst v2  }
0xbc: {  	[tilespmem:$0x20C0] =	vst v1  }
0xbd: {  	[tilespmem:$0x2050] =	vst v3  }
.Ltmp3:
0xbe: {  	[tilespmem:$0x20D0] =	vst v1;
	(pc) =	sbr.rel .LBB2_4-.Ltmp3, $4  }
0xbf: {  	[tilespmem:$0x2060] =	vst v4  }
0xc0: {  	[tilespmem:$0x20E0] =	vst v1  }
0xc1: {  	[tilespmem:$0x2070] =	vst v6  }
0xc2: {  	p1 =	por $0x1, $0x1;
	s0 =	simm.s32 $0x0;
	[tilespmem:$0x20F0] =	vst v1  }
.LBB2_26:
.Ltmp4:
0xc3: {  	(pc) =	sbr.rel @!p0 .LBB2_27-.Ltmp4, $2  }
0xc4: {  	_ =	sdelay $0x2  }
0xc5: {  	s0 =	simm.s32 $0x1;
	p1 =	por $0x0, $0x0  }
.LBB2_4:
0xc6: {  	s1 =	sshll.u32 s0, $0xC  }
.Ltmp5:
0xc7: {  	s13 =	sshll.u32 s0, $0x12;
	s2 =	rddreg [dreg:$0x4];
	(pc) =	sbr.rel .LBB2_5-.Ltmp5, $4  }
0xc8: {  	s31 =	sshll.u32 s0, $0x10;
	s1 =	sand.u32 $0x3FFFF000, s1;
	s0 =	sadd.s32 s13, s2  }
0xc9: {  	p0 =	por p1, p1;
	[dreg:$0x7] =	wrdreg s0;
	s14 =	sor.u32 $0x190, s1;
	v10 =	vmov s1  }
0xca: {  	s30 =	simm.s32 $0x2;
	s29 =	sor.u32 $0x290, s1;
	[dreg:$0x8] =	wrdreg s14  }
0xcb: {  	s5 =	simm.s32 $0x0;
	v9 =	vmov s31;
	s4 =	sor.u32 $0x90, s1;
	[dreg:$0x9] =	wrdreg s29  }
.LBB2_25:
0xcc: {  	s0 =	sshll.u32 s5, $0xE;
	s2 =	rddreg [dreg:$0x7];
	s5 =	sadd.s32 $0x1, s5  }
0xcd: {  	s14 =	simm.s32 $0x0;
	s6 =	simm.s32 $0x6920;
	p1 =	sne.s32 s5, $0x10  }
.Ltmp6:
0xce: {  	s29 =	simm.s32 $0x3;
	s0 =	sadd.s32 s0, s2;
	(pc) =	sbr.rel @!p1 .LBB2_26-.Ltmp6, $4  }
0xcf: {  	[hbm4b:s0+s14] =	stream.linear.scatter [tilespmem:s6], [sflag:$0x3], $0x1000, $0x38;
	[tilespmem:$0x7920] =	vst v63  }
0xd0: {  	_ =	swait.ge [sflag:s29], $0x1000  }
0xd1: {  	s30 =	sadd.s32 $0x1, s30;
	[sflag:s29] =	ssyncset.done $0x0  }
0xd2: {  	s1 =	sadd.s32 $0x100, s1;
	s4 =	sadd.s32 $0x100, s4;
	[sflag:s29] =	ssyncadd.s32 $0xFFFFF000  }
.LBB2_5:
0xd3: {  	_ = 	snop  }
0xd4: {  	v11 =	vmov s1;
	_ =	sdelay $0x1  }
0xd5: {  	s0 =	simm.s32 $0x0  }
0xd6: {  	v13 =	vld.idx.msk [tilespmem:v10+s0+$0x10 ss:$0x1], $0xffff  }
0xd7: {  	v15 =	vld.idx.msk [tilespmem:v10+s0+$0x0 ss:$0x1], $0xffff  }
0xd8: {  	v12 =	vld.idx.msk [tilespmem:v11+s0+$0x10 ss:$0x1], $0xffff  }
0xd9: {  	v16 =	vld [tilespmem:s0+$0x2010]  }
0xda: {  	v14 =	vld.idx.msk [tilespmem:v11+s0+$0x0 ss:$0x1], $0xffff;
	_ =	sdelay $0x1  }
0xdb: {  	v17 =	vld [tilespmem:s0+$0x2000]  }
0xdc: {  	v12 =	vsub.f32 v12, v13  }
0xdd: {  	v18 =	vld.idx.msk [tilespmem:v10+s0+$0x80 ss:$0x1], $0xffff  }
0xde: {  	v13 =	vld.idx.msk [tilespmem:v11+s0+$0x80 ss:$0x1], $0xffff;
	v14 =	vsub.f32 v14, v15;
	v12 =	vadd.f32 v16, v12;
	_ =	sdelay $0x1  }
0xdf: {  	v15 =	vld [tilespmem:s0+$0x2080];
	v14 =	vadd.f32 v17, v14;
	v12 =	vadd.f32 $1.000000000e+00, v12;
	_ =	sdelay $0x1  }
0xe0: {  	v14 =	vadd.f32 $1.000000000e+00, v14;
	v16 =	vand.u32 $0x7FFFFFFF, v12  }
0xe1: {  	v13 =	vsub.f32 v13, v18;
	v17 =	vmul.f32 v16, v5  }
0xe2: {  	v18 =	vand.u32 $0x7FFFFFFF, v14  }
0xe3: {  	v13 =	vadd.f32 v15, v13;
	v15 =	vmul.f32 v18, v5;
	v17 =	vfloor.f32 v17  }
0xe4: {  	v17 =	vadd.f32 v17, v17  }
0xe5: {  	v13 =	vadd.f32 $1.000000000e+00, v13;
	v15 =	vfloor.f32 v15  }
0xe6: {  	v15 =	vadd.f32 v15, v15;
	v16 =	vsub.f32 v16, v17  }
0xe7: {  	v19 =	vld.idx.msk [tilespmem:v10+s0+$0x90 ss:$0x1], $0xffff  }
0xe8: {  	v13 =	vmul.f32 $6.400000000e+01, v13;
	v17 =	vld.idx.msk [tilespmem:v11+s0+$0x90 ss:$0x1], $0xffff;
	v15 =	vsub.f32 v18, v15;
	vm0 =	veq.f32 v16, $2.000000000e+00  }
0xe9: {  	v12 =	vand.u32 $0x80000000, v12;
	v16 =	vsel vm0, $0x0, v16  }
0xea: {  	v18 =	vld [tilespmem:s0+$0x2090];
	v13 =	vadd.f32 $-1.000000000e+00, v13;
	vm0 =	veq.f32 v15, $2.000000000e+00;
	v16 =	vand.u32 $0x7FFFFFFF, v16  }
0xeb: {  	v14 =	vand.u32 $0x80000000, v14;
	v15 =	vsel vm0, $0x0, v15;
	v12 =	vor.u32 v12, v16  }
0xec: {  	v13 =	vmul.f32 $5.000000000e-01, v13;
	v15 =	vand.u32 $0x7FFFFFFF, v15;
	v16 =	vadd.f32 $2.000000000e+00, v12  }
0xed: {  	v14 =	vor.u32 v14, v15;
	v15 =	vsub.f32 v17, v19;
	vm0 =	vlt.f32 v12, $0.0e+00  }
0xee: {  	v13 =	vmax.f32 v13, $-4.000000000e+00;
	v17 =	vadd.f32 $2.000000000e+00, v14;
	v12 =	vsel vm0, v16, v12  }
0xef: {  	v13 =	vmin.f32 v13, $6.800000000e+01;
	v15 =	vadd.f32 v18, v15;
	v12 =	vadd.f32 $-1.000000000e+00, v12  }
0xf0: {  	vm1 =	vlt.f32 v14, $0.0e+00;
	v16 =	vtrunc.f32 v13  }
0xf1: {  	v14 =	vsel vm1, v17, v14;
	v15 =	vadd.f32 $1.000000000e+00, v15;
	v12 =	vadd.f32 $1.000000000e+00, v12  }
0xf2: {  	v17 =	vcvt.f32.s32 v16;
	vm0 =	vlt.f32 v13, v16;
	v14 =	vadd.f32 $-1.000000000e+00, v14  }
0xf3: {  	v16 =	vsel vm0, $0xFFFFFFFF, v7;
	v15 =	vmul.f32 $6.400000000e+01, v15;
	v12 =	vmul.f32 $6.400000000e+01, v12  }
0xf4: {  	v18 =	vadd.f32 $1.000000000e+00, v14;
	v14 =	vadd.s32 v17, v16  }
0xf5: {  	v17 =	vcvt.s32.f32 v14;
	v15 =	vadd.f32 $-1.000000000e+00, v15;
	v19 =	vadd.f32 $-1.000000000e+00, v12  }
0xf6: {  	vm0 =	vgt.s32 v14, $0x0;
	v16 =	vadd.s32 $0x1, v14;
	v18 =	vmul.f32 $6.400000000e+01, v18  }
0xf7: {  	v12 =	vsub.f32 v13, v17;
	v13 =	vmul.f32 $5.000000000e-01, v15;
	v20 =	vmul.f32 $5.000000000e-01, v19  }
0xf8: {  	v15 =	vadd.f32 $-1.000000000e+00, v18;
	v19 =	vnsel vm0, $0x0, v14;
	vm0 =	vgt.s32 v16, $0x0  }
0xf9: {  	v21 =	vnsel vm0, $0x0, v16;
	v13 =	vmax.f32 v13, $-4.000000000e+00;
	v17 =	vtrunc.f32 v20  }
0xfa: {  	v24 =	vmul.f32 $5.000000000e-01, v15;
	v26 =	vmin.f32 v13, $6.800000000e+01;
	v15 =	vcvt.f32.s32 v17  }
0xfb: {  	vm0 =	vlt.f32 v20, $0.0e+00;
	v25 =	vmin.u32 v21, $0x3F;
	v18 =	vtrunc.f32 v26  }
0xfc: {  	v13 =	vsel vm0, $0xFFFFFFFF, v15;
	v15 =	vcvt.f32.s32 v18;
	vm0 =	vlt.f32 v26, v18  }
0xfd: {  	v18 =	vtrunc.f32 v24;
	v23 =	vcvt.s32.f32 v13;
	v22 =	vsel vm0, $0xFFFFFFFF, v7  }
0xfe: {  	v17 =	vsub.f32 $1.000000000e+00, v12;
	v18 =	vcvt.f32.s32 v18;
	v22 =	vadd.s32 v15, v22  }
0xff: {  	vm0 =	vlt.f32 v24, $0.0e+00;
	v20 =	vsub.f32 v20, v23;
	v15 =	vcvt.s32.f32 v22  }
0x100: {  	vm1 =	vgt.s32 v22, $0x0;
	v18 =	vsel vm0, $0xFFFFFFFF, v18;
	vm0 =	vlt.s32 v13, $0x0  }
0x101: {  	v21 =	vsub.f32 $1.000000000e+00, v20;
	v27 =	vsub.f32 v26, v15;
	v26 =	vadd.s32 $0x1, v22  }
0x102: {  	v23 =	vnsel vm1, $0x0, v22;
	v28 =	vcvt.s32.f32 v18;
	vm2 =	vlt.u32 v26, $0x40  }
0x103: {  	s2 =	sshrl.u32 s30, $0x1;
	s6 =	simm.s32 $0x0;
	s8 =	simm.s32 $0x80;
	vm1 =	vgt.s32 v26, $0x0;
	v21 =	vsel vm0, v20, v21;
	v15 =	vnsel vm2, $0x0, v27  }
.LBB2_6:
0x104: {  	s9 =	sshra.s32 s8, $0x2;
	v24 =	vsub.f32 v24, v28;
	v26 =	vnsel vm1, $0x0, v26;
	v28 =	vmul.f32 v21, v15  }
0x105: {  	s6 =	sadd.s32 $0x2, s6;
	v19 =	vmin.u32 v19, $0x3F;
	v27 =	vsub.f32 $1.000000000e+00, v27;
	v29 =	vld.idx.msk [tilespmem:v11+s9+$0x10 ss:$0x1], $0xffff;
	v26 =	vmin.u32 v26, $0x3F  }
0x106: {  	vm1 =	vlt.s32 v18, $0x0;
	v23 =	vmin.u32 v23, $0x3F;
	p1 =	slt.u32 s6, $0x6;
	v30 =	vld.idx.msk [tilespmem:v10+s9+$0x10 ss:$0x1], $0xffff;
	v31 =	vsub.f32 $1.000000000e+00, v24;
	[tilespmem:s0+$0x2610] =	vst v28  }
0x107: {  	vm2 =	vgt.u32 v18, $0x3E;
	v25 =	vshll.u32 v25, $0x6;
	vm3 =	vgt.u32 v13, $0x3E;
	v28 =	vld.idx.msk [tilespmem:v11+s9+$0x0 ss:$0x1], $0xffff  }
0x108: {  	v19 =	vshll.u32 v19, $0x6;
	v23 =	vshll.u32 v23, $0x6;
	v26 =	vshll.u32 v26, $0x6;
	v32 =	vld.idx.msk [tilespmem:v10+s9+$0x0 ss:$0x1], $0xffff  }
0x109: {  	vm4 =	vlt.u32 v14, $0x40;
	vm5 =	vlt.u32 v16, $0x40;
	vm6 =	vlt.u32 v22, $0x40;
	v33 =	vld [tilespmem:s9+$0x2010]  }
0x10a: {  	v20 =	vsel vm3, $0x0, v20;
	v22 =	vsel vm2, $0x0, v24;
	v16 =	vsel vm1, v24, v31;
	v14 =	vld [tilespmem:s9+$0x2000]  }
0x10b: {  	v31 =	vsel vm1, $0x0, v18;
	vm1 =	vlt.s32 v18, $0x3F;
	v18 =	vsel vm0, $0x0, v13;
	v24 =	vld.idx.msk [tilespmem:v11+s9+$0x80 ss:$0x1], $0xffff  }
0x10c: {  	v17 =	vnsel vm4, $0x0, v17;
	vm0 =	vlt.s32 v13, $0x3F;
	v29 =	vsub.f32 v29, v30;
	v34 =	vld.idx.msk [tilespmem:v10+s9+$0x80 ss:$0x1], $0xffff  }
0x10d: {  	v25 =	vor.u32 v9, v25;
	v27 =	vnsel vm6, $0x0, v27;
	v26 =	vor.u32 v9, v26;
	v13 =	vld [tilespmem:s9+$0x2080]  }
0x10e: {  	v19 =	vor.u32 v9, v19;
	v28 =	vsub.f32 v28, v32;
	v29 =	vadd.f32 v33, v29  }
0x10f: {  	v12 =	vnsel vm5, $0x0, v12;
	v23 =	vor.u32 v9, v23;
	v30 =	vmul.f32 v16, v17  }
0x110: {  	v16 =	vmul.f32 v16, v12;
	v14 =	vadd.f32 v14, v28;
	v28 =	vadd.f32 $1.000000000e+00, v29  }
0x111: {  	v21 =	vmul.f32 v21, v27;
	v19 =	vadd.s32 v31, v19;
	v17 =	vmul.f32 v22, v17;
	[tilespmem:s0+$0x2500] =	vst v30  }
0x112: {  	v24 =	vsub.f32 v24, v34;
	v14 =	vadd.f32 $1.000000000e+00, v14;
	v29 =	vand.u32 $0x7FFFFFFF, v28;
	[tilespmem:s0+$0x2600] =	vst v16  }
0x113: {  	v25 =	vadd.s32 v31, v25;
	v12 =	vmul.f32 v22, v12;
	v16 =	vmul.f32 v29, v5;
	[tilespmem:s0+$0x2510] =	vst v21  }
0x114: {  	v21 =	vand.u32 $0x7FFFFFFF, v14;
	v14 =	vand.u32 $0x80000000, v14;
	v13 =	vadd.f32 v13, v24;
	[tilespmem:s0+$0x2580] =	vst v17  }
0x115: {  	v17 =	vmul.f32 v21, v5;
	v16 =	vfloor.f32 v16;
	[tilespmem:s0+$0x2680] =	vst v12;
	v12 =	vadd.s32 v18, v23  }
0x116: {  	v22 =	vmul.f32 v20, v27;
	v13 =	vadd.f32 $1.000000000e+00, v13;
	v16 =	vadd.f32 v16, v16;
	[tilespmem:s0+$0x2100] =	vst v19  }
0x117: {  	v15 =	vmul.f32 v20, v15;
	v18 =	vadd.s32 v18, v26;
	v17 =	vfloor.f32 v17;
	[tilespmem:s0+$0x2180] =	vst v25  }
0x118: {  	v17 =	vadd.f32 v17, v17;
	v13 =	vmul.f32 $6.400000000e+01, v13;
	v20 =	vld.idx.msk [tilespmem:v11+s9+$0x90 ss:$0x1], $0xffff;
	v16 =	vsub.f32 v29, v16;
	[tilespmem:s0+$0x2590] =	vst v22  }
0x119: {  	v24 =	vsel vm0, $0x1, v7;
	v23 =	vsel vm1, $0x1, v7;
	v22 =	vld.idx.msk [tilespmem:v10+s9+$0x90 ss:$0x1], $0xffff;
	[tilespmem:s0+$0x2690] =	vst v15  }
0x11a: {  	v15 =	vsub.f32 v21, v17;
	v13 =	vadd.f32 $-1.000000000e+00, v13;
	vm0 =	veq.f32 v16, $2.000000000e+00;
	[tilespmem:s0+$0x2110] =	vst v12  }
0x11b: {  	v17 =	vadd.s32 v23, v19;
	v19 =	vadd.s32 v23, v25;
	v16 =	vsel vm0, $0x0, v16;
	[tilespmem:s0+$0x2190] =	vst v18  }
0x11c: {  	v21 =	vand.u32 $0x80000000, v28;
	vm0 =	veq.f32 v15, $2.000000000e+00;
	v16 =	vand.u32 $0x7FFFFFFF, v16;
	v23 =	vld [tilespmem:s9+$0x2090];
	[tilespmem:s0+$0x2200] =	vst v17  }
0x11d: {  	v13 =	vmul.f32 $5.000000000e-01, v13;
	v15 =	vsel vm0, $0x0, v15;
	v16 =	vor.u32 v21, v16;
	[tilespmem:s0+$0x2280] =	vst v19  }
0x11e: {  	v12 =	vadd.s32 v24, v12;
	v15 =	vand.u32 $0x7FFFFFFF, v15;
	v17 =	vadd.f32 $2.000000000e+00, v16  }
0x11f: {  	v14 =	vor.u32 v14, v15;
	v15 =	vsub.f32 v20, v22;
	vm0 =	vlt.f32 v16, $0.0e+00;
	[tilespmem:s0+$0x2210] =	vst v12  }
0x120: {  	vm1 =	vlt.f32 v14, $0.0e+00;
	v12 =	vadd.f32 $2.000000000e+00, v14;
	v16 =	vsel vm0, v17, v16  }
0x121: {  	v13 =	vmax.f32 v13, $-4.000000000e+00;
	v16 =	vadd.f32 $-1.000000000e+00, v16;
	v15 =	vadd.f32 v23, v15  }
0x122: {  	v13 =	vmin.f32 v13, $6.800000000e+01;
	v12 =	vsel vm1, v12, v14;
	v14 =	vadd.s32 v24, v18  }
0x123: {  	v17 =	vtrunc.f32 v13;
	v16 =	vadd.f32 $1.000000000e+00, v16;
	v15 =	vadd.f32 $1.000000000e+00, v15;
	[tilespmem:s0+$0x2290] =	vst v14;
	s0 =	smov.u32 s9  }
0x124: {  	vm0 =	vlt.f32 v13, v17;
	v12 =	vadd.f32 $-1.000000000e+00, v12;
	v14 =	vcvt.f32.s32 v17  }
0x125: {  	v17 =	vsel vm0, $0xFFFFFFFF, v7;
	v16 =	vmul.f32 $6.400000000e+01, v16;
	v15 =	vmul.f32 $6.400000000e+01, v15  }
0x126: {  	v12 =	vadd.f32 $1.000000000e+00, v12;
	v14 =	vadd.s32 v14, v17  }
0x127: {  	v17 =	vcvt.s32.f32 v14;
	v18 =	vadd.f32 $-1.000000000e+00, v16;
	v15 =	vadd.f32 $-1.000000000e+00, v15  }
0x128: {  	v19 =	vmul.f32 $6.400000000e+01, v12;
	vm0 =	vgt.s32 v14, $0x0;
	v16 =	vadd.s32 $0x1, v14  }
0x129: {  	v12 =	vsub.f32 v13, v17;
	v18 =	vmul.f32 $5.000000000e-01, v18;
	v13 =	vmul.f32 $5.000000000e-01, v15  }
0x12a: {  	v15 =	vadd.f32 $-1.000000000e+00, v19;
	v19 =	vnsel vm0, $0x0, v14;
	vm0 =	vgt.s32 v16, $0x0  }
0x12b: {  	v21 =	vnsel vm0, $0x0, v16;
	v17 =	vtrunc.f32 v18;
	v13 =	vmax.f32 v13, $-4.000000000e+00  }
0x12c: {  	v24 =	vmul.f32 $5.000000000e-01, v15;
	v15 =	vcvt.f32.s32 v17;
	v26 =	vmin.f32 v13, $6.800000000e+01  }
0x12d: {  	vm0 =	vlt.f32 v18, $0.0e+00;
	v17 =	vsub.f32 $1.000000000e+00, v12;
	v20 =	vtrunc.f32 v26  }
0x12e: {  	v13 =	vsel vm0, $0xFFFFFFFF, v15;
	v15 =	vcvt.f32.s32 v20;
	vm0 =	vlt.f32 v26, v20  }
0x12f: {  	v20 =	vtrunc.f32 v24;
	v23 =	vcvt.s32.f32 v13;
	v22 =	vsel vm0, $0xFFFFFFFF, v7  }
0x130: {  	v25 =	vcvt.f32.s32 v20;
	vm0 =	vlt.f32 v24, $0.0e+00;
	v22 =	vadd.s32 v15, v22  }
.Ltmp7:
0x131: {  	v20 =	vsub.f32 v18, v23;
	v15 =	vcvt.s32.f32 v22;
	vm1 =	vgt.s32 v22, $0x0;
	(pc) =	sbr.rel @p1 .LBB2_6-.Ltmp7, $4  }
0x132: {  	v18 =	vsel vm0, $0xFFFFFFFF, v25;
	v25 =	vmin.u32 v21, $0x3F;
	v23 =	vnsel vm1, $0x0, v22  }
0x133: {  	v21 =	vsub.f32 $1.000000000e+00, v20;
	v27 =	vsub.f32 v26, v15;
	v26 =	vadd.s32 $0x1, v22  }
0x134: {  	vm0 =	vlt.s32 v13, $0x0;
	v28 =	vcvt.s32.f32 v18;
	vm2 =	vlt.u32 v26, $0x40  }
0x135: {  	s8 =	sadd.s32 $0x80, s8;
	vm1 =	vgt.s32 v26, $0x0;
	v21 =	vsel vm0, v20, v21;
	v15 =	vnsel vm2, $0x0, v27  }
0x136: {  	v11 =	vsub.f32 v24, v28  }
0x137: {  	v46 =	vmul.f32 v21, v15;
	v27 =	vsub.f32 $1.000000000e+00, v27;
	vm13 =	vgt.u32 v13, $0x3E  }
0x138: {  	vm2 =	vlt.s32 v18, $0x0;
	vm11 =	vlt.u32 v22, $0x40;
	v54 =	vsel vm13, $0x0, v20  }
0x139: {  	v28 =	vsub.f32 $1.000000000e+00, v11;
	v22 =	vnsel vm11, $0x0, v27;
	v57 =	vmul.f32 v54, v15  }
0x13a: {  	vm3 =	vlt.u32 v14, $0x40;
	vm4 =	vlt.u32 v16, $0x40;
	[tilespmem:s0+$0x2610] =	vst v46;
	v49 =	vmul.f32 v21, v22  }
0x13b: {  	v48 =	vnsel vm3, $0x0, v17;
	v55 =	vmul.f32 v54, v22;
	v47 =	vsel vm2, v11, v28;
	[tilespmem:s0+$0x2690] =	vst v57  }
0x13c: {  	vm12 =	vgt.u32 v18, $0x3E;
	v12 =	vnsel vm4, $0x0, v12;
	v17 =	vmul.f32 v47, v48;
	[tilespmem:s0+$0x2510] =	vst v49  }
0x13d: {  	v50 =	vnsel vm1, $0x0, v26;
	v11 =	vsel vm12, $0x0, v11;
	v14 =	vmul.f32 v47, v12;
	[tilespmem:s0+$0x2590] =	vst v55  }
0x13e: {  	v19 =	vmin.u32 v19, $0x3F;
	v51 =	vshll.u32 v25, $0x6;
	v16 =	vmul.f32 v11, v48;
	[tilespmem:s0+$0x2500] =	vst v17  }
0x13f: {  	v59 =	vsel vm0, $0x0, v13;
	v19 =	vshll.u32 v19, $0x6;
	v11 =	vmul.f32 v11, v12;
	[tilespmem:s0+$0x2600] =	vst v14  }
0x140: {  	v52 =	vsel vm2, $0x0, v18;
	v56 =	vmin.u32 v50, $0x3F;
	v53 =	vor.u32 v9, v19;
	[tilespmem:s0+$0x2580] =	vst v16  }
0x141: {  	v58 =	vshll.u32 v56, $0x6;
	v14 =	vor.u32 v9, v51;
	v17 =	vadd.s32 v52, v53;
	[tilespmem:s0+$0x2680] =	vst v11  }
0x142: {  	vm14 =	vlt.s32 v18, $0x3F;
	v60 =	vor.u32 v9, v58;
	v12 =	vadd.s32 v52, v14;
	[tilespmem:s0+$0x2100] =	vst v17  }
0x143: {  	v61 =	vsel vm14, $0x1, v7;
	v11 =	vmin.u32 v23, $0x3F;
	v14 =	vadd.s32 v59, v60;
	[tilespmem:s0+$0x2180] =	vst v12  }
0x144: {  	v11 =	vshll.u32 v11, $0x6;
	v62 =	vadd.s32 v61, v17;
	[tilespmem:s0+$0x2190] =	vst v14  }
0x145: {  	vm15 =	vlt.s32 v13, $0x3F;
	v11 =	vor.u32 v9, v11;
	v12 =	vadd.s32 v61, v12;
	[tilespmem:s0+$0x2200] =	vst v62  }
0x146: {  	v63 =	vsel vm15, $0x1, v7;
	v11 =	vadd.s32 v59, v11;
	[tilespmem:s0+$0x2280] =	vst v12  }
0x147: {  	[tilespmem:s0+$0x2110] =	vst v11;
	v11 =	vadd.s32 v63, v11  }
0x148: {  	[tilespmem:s0+$0x2210] =	vst v11;
	v11 =	vadd.s32 v63, v14  }
0x149: {  	s12 =	simm.s32 $0x2100;
	s6 =	simm.s32 $0x2920;
	[tilespmem:s0+$0x2290] =	vst v11  }
0x14a: {  	[tilespmem:s6], [sflag:$0x1] =	stream.indirect.gather [hbm4b:s3+s7], $0x10, s12, s7, $0xb8;
	[tilespmem:$0x7920] =	vst v63  }
0x14b: {  	s13 =	simm.s32 $0x2180;
	s14 =	simm.s32 $0x3120  }
0x14c: {  	[tilespmem:s14], [sflag:$0x1] =	stream.indirect.gather [hbm4b:s3+s7], $0x10, s13, s7, $0xb8;
	[tilespmem:$0x7920] =	vst v63  }
0x14d: {  	s29 =	simm.s32 $0x2200  }
0x14e: {  	[tilespmem:s15], [sflag:$0x1] =	stream.indirect.gather [hbm4b:s3+s7], $0x10, s29, s7, $0xb8;
	[tilespmem:$0x7920] =	vst v63  }
0x14f: {  	s0 =	simm.s32 $0x69A0  }
0x150: {  	[tilespmem:s17], [sflag:$0x1] =	stream.indirect.gather [hbm4b:s3+s7], $0x10, s16, s7, $0xb8;
	[tilespmem:$0x7920] =	vst v63  }
0x151: {  	[tilespmem:s0+$0xFFFFFF80] =	vst v8  }
0x152: {  	[tilespmem:s0+$0x70] =	vst v8  }
0x153: {  	[tilespmem:s0+$0x60] =	vst v8  }
0x154: {  	[tilespmem:s0+$0x50] =	vst v8  }
0x155: {  	[tilespmem:s0+$0x40] =	vst v8  }
0x156: {  	[tilespmem:s0+$0x30] =	vst v8  }
0x157: {  	[tilespmem:s0+$0x20] =	vst v8  }
0x158: {  	[tilespmem:s0+$0x10] =	vst v8  }
0x159: {  	[tilespmem:s0+$0x0] =	vst v8  }
0x15a: {  	[tilespmem:s0+$0xFFFFFFF0] =	vst v8  }
0x15b: {  	[tilespmem:s0+$0xFFFFFFE0] =	vst v8  }
0x15c: {  	[tilespmem:s0+$0xFFFFFFD0] =	vst v8  }
0x15d: {  	[tilespmem:s0+$0xFFFFFFC0] =	vst v8  }
0x15e: {  	[tilespmem:s0+$0xFFFFFFB0] =	vst v8  }
0x15f: {  	s6 =	simm.s32 $0x0;
	[tilespmem:s0+$0xFFFFFFA0] =	vst v8  }
.LBB2_8:
0x160: {  	s6 =	sadd.s32 $0x8, s6;
	[tilespmem:s0+$0xFFFFFF90] =	vst v8;
	s0 =	sadd.s32 $0x100, s0  }
0x161: {  	[tilespmem:s0+$0xFFFFFF80] =	vst v8;
	p1 =	slt.u32 s6, $0x78  }
0x162: {  	[tilespmem:s0+$0x70] =	vst v8  }
0x163: {  	[tilespmem:s0+$0x60] =	vst v8  }
0x164: {  	[tilespmem:s0+$0x50] =	vst v8  }
0x165: {  	[tilespmem:s0+$0x40] =	vst v8  }
0x166: {  	[tilespmem:s0+$0x30] =	vst v8  }
0x167: {  	[tilespmem:s0+$0x20] =	vst v8  }
0x168: {  	[tilespmem:s0+$0x10] =	vst v8  }
0x169: {  	[tilespmem:s0+$0x0] =	vst v8  }
0x16a: {  	[tilespmem:s0+$0xFFFFFFF0] =	vst v8  }
.Ltmp8:
0x16b: {  	[tilespmem:s0+$0xFFFFFFE0] =	vst v8;
	(pc) =	sbr.rel @p1 .LBB2_8-.Ltmp8, $4  }
0x16c: {  	[tilespmem:s0+$0xFFFFFFD0] =	vst v8  }
0x16d: {  	[tilespmem:s0+$0xFFFFFFC0] =	vst v8  }
0x16e: {  	[tilespmem:s0+$0xFFFFFFB0] =	vst v8  }
0x16f: {  	[tilespmem:s0+$0xFFFFFFA0] =	vst v8  }
.Ltmp9:
0x170: {  	(pc) =	sbr.rel .LBB2_10-.Ltmp9, $4  }
0x171: {  	_ = 	snop  }
0x172: {  	[tilespmem:s0+$0xFFFFFF90] =	vst v8  }
0x173: {  	s6 =	rddreg [dreg:$0x9]  }
0x174: {  	s29 =	simm.s32 $0x0;
	s14 =	rddreg [dreg:$0x8]  }
.LBB2_24:
0x175: {  	s29 =	sadd.s32 $0x1, s29  }
0x176: {  	p1 =	sne.s32 s29, s2  }
.Ltmp10:
0x177: {  	_ = 	snop;
	(pc) =	sbr.rel @!p1 .LBB2_25-.Ltmp10, $2  }
0x178: {  	_ =	sdelay $0x2  }
0x179: {  	s14 =	sadd.s32 $0x200, s14;
	s6 =	sadd.s32 $0x200, s6  }
.LBB2_10:
0x17a: {  	s0 =	sshll.u32 s29, $0x1  }
0x17b: {  	p1 =	sge.u32 s0, s5  }
.Ltmp11:
0x17c: {  	_ = 	snop;
	(pc) =	sbr.rel @p1 .LBB2_14-.Ltmp11, $1  }
0x17d: {  	_ =	sdelay $0x3  }
0x17e: {  	v11 =	vld [tilespmem:s4+$0xFFFFFF80]  }
0x17f: {  	v12 =	vld [tilespmem:s14+$0xFFFFFF80]  }
0x180: {  	s9 =	simm.s32 $0x2090;
	v13 =	vld [tilespmem:s14+$0xFFFFFF70]  }
0x181: {  	v14 =	vld [tilespmem:s9+$0xFFFFFF80]  }
0x182: {  	v15 =	vld [tilespmem:s4+$0xFFFFFF70];
	_ =	sdelay $0x1  }
0x183: {  	v16 =	vld [tilespmem:s9+$0xFFFFFF70];
	v11 =	vsub.f32 v11, v12;
	_ =	sdelay $0x1  }
0x184: {  	v11 =	vadd.f32 v14, v11  }
0x185: {  	v12 =	vld [tilespmem:s4+$0xFFFFFFF0];
	v13 =	vsub.f32 v15, v13  }
0x186: {  	v14 =	vld [tilespmem:s14+$0xFFFFFFF0];
	v11 =	vadd.f32 $1.000000000e+00, v11  }
0x187: {  	v13 =	vadd.f32 v16, v13  }
0x188: {  	v15 =	vld [tilespmem:s9+$0xFFFFFFF0];
	v16 =	vand.u32 $0x7FFFFFFF, v11  }
0x189: {  	v13 =	vadd.f32 $1.000000000e+00, v13;
	v17 =	vmul.f32 v16, v5  }
0x18a: {  	v18 =	vld [tilespmem:s4+$0x0]  }
0x18b: {  	v19 =	vld [tilespmem:s14+$0x0];
	v12 =	vsub.f32 v12, v14;
	v14 =	vand.u32 $0x7FFFFFFF, v13;
	v17 =	vfloor.f32 v17  }
0x18c: {  	v20 =	vmul.f32 v14, v5;
	v17 =	vadd.f32 v17, v17  }
0x18d: {  	v12 =	vadd.f32 v15, v12;
	v15 =	vld [tilespmem:s9+$0x0]  }
0x18e: {  	v20 =	vfloor.f32 v20;
	v16 =	vsub.f32 v16, v17  }
0x18f: {  	v12 =	vadd.f32 $1.000000000e+00, v12;
	v17 =	vadd.f32 v20, v20  }
0x190: {  	v18 =	vsub.f32 v18, v19;
	v11 =	vand.u32 $0x80000000, v11;
	vm0 =	veq.f32 v16, $2.000000000e+00  }
0x191: {  	v12 =	vmul.f32 $6.400000000e+01, v12;
	v14 =	vsub.f32 v14, v17;
	v16 =	vsel vm0, $0x0, v16  }
0x192: {  	v13 =	vand.u32 $0x80000000, v13;
	v15 =	vadd.f32 v15, v18;
	v16 =	vand.u32 $0x7FFFFFFF, v16  }
0x193: {  	v12 =	vadd.f32 $-1.000000000e+00, v12;
	vm0 =	veq.f32 v14, $2.000000000e+00;
	v11 =	vor.u32 v11, v16  }
0x194: {  	v15 =	vadd.f32 $1.000000000e+00, v15;
	v14 =	vsel vm0, $0x0, v14;
	v16 =	vadd.f32 $2.000000000e+00, v11  }
0x195: {  	s8 =	sshll.u32 s0, $0xC;
	v12 =	vmul.f32 $5.000000000e-01, v12;
	v14 =	vand.u32 $0x7FFFFFFF, v14;
	vm0 =	vlt.f32 v11, $0.0e+00  }
0x196: {  	s8 =	sadd.s32 s8, s31;
	v15 =	vmul.f32 $6.400000000e+01, v15;
	v13 =	vor.u32 v13, v14;
	v14 =	vsel vm0, v16, v11  }
0x197: {  	s8 =	sadd.s32 $0x1000, s8;
	v12 =	vmax.f32 v12, $-4.000000000e+00;
	v16 =	vadd.f32 $2.000000000e+00, v13;
	v14 =	vadd.f32 $-1.000000000e+00, v14  }
0x198: {  	v11 =	vmov s8;
	vm0 =	vlt.f32 v13, $0.0e+00;
	v15 =	vadd.f32 $-1.000000000e+00, v15  }
0x199: {  	v22 =	vmin.f32 v12, $6.800000000e+01;
	v12 =	vsel vm0, v16, v13;
	v13 =	vadd.f32 $1.000000000e+00, v14  }
0x19a: {  	v15 =	vmul.f32 $5.000000000e-01, v15;
	v14 =	vtrunc.f32 v22;
	v12 =	vadd.f32 $-1.000000000e+00, v12  }
0x19b: {  	v16 =	vcvt.f32.s32 v14;
	vm0 =	vlt.f32 v22, v14;
	v14 =	vmul.f32 $6.400000000e+01, v13  }
0x19c: {  	v15 =	vmax.f32 v15, $-4.000000000e+00;
	v12 =	vadd.f32 $1.000000000e+00, v12;
	v13 =	vsel vm0, $0xFFFFFFFF, v7  }
0x19d: {  	v15 =	vmin.f32 v15, $6.800000000e+01;
	v13 =	vadd.s32 v16, v13;
	v14 =	vadd.f32 $-1.000000000e+00, v14  }
0x19e: {  	v17 =	vtrunc.f32 v15;
	v16 =	vmul.f32 $6.400000000e+01, v12;
	v12 =	vadd.s32 $0x1, v13  }
0x19f: {  	v18 =	vcvt.f32.s32 v17;
	vm0 =	vlt.f32 v15, v17;
	v14 =	vmul.f32 $5.000000000e-01, v14  }
0x1a0: {  	v23 =	vcvt.s32.f32 v13;
	v17 =	vadd.f32 $-1.000000000e+00, v16;
	v16 =	vsel vm0, $0xFFFFFFFF, v7  }
0x1a1: {  	vm0 =	vgt.s32 v12, $0x0;
	v18 =	vadd.s32 v18, v16;
	v19 =	vtrunc.f32 v14  }
0x1a2: {  	vm1 =	vlt.u32 v18, $0x40;
	v16 =	vcvt.f32.s32 v19;
	v19 =	vcvt.s32.f32 v18  }
0x1a3: {  	vm2 =	vlt.f32 v14, $0.0e+00;
	vm3 =	vgt.s32 v18, $0x0;
	v24 =	vadd.s32 $0x1, v18  }
0x1a4: {  	v21 =	vsel vm2, $0xFFFFFFFF, v16;
	v16 =	vsub.f32 v15, v19;
	v15 =	vnsel vm3, $0x0, v18  }
0x1a5: {  	vm2 =	vgt.s32 v24, $0x0;
	v18 =	vcvt.s32.f32 v21;
	v15 =	vmin.u32 v15, $0x3F  }
0x1a6: {  	v20 =	vnsel vm2, $0x0, v24;
	vm2 =	vlt.s32 v21, $0x0;
	vm3 =	vlt.s32 v21, $0x3F  }
0x1a7: {  	v19 =	vsub.f32 $1.000000000e+00, v16;
	v15 =	vshll.u32 v15, $0x6;
	v14 =	vsub.f32 v14, v18  }
0x1a8: {  	v25 =	vmin.u32 v20, $0x3F;
	v20 =	vsel vm2, $0x0, v21;
	v15 =	vor.u32 v11, v15  }
0x1a9: {  	v26 =	vnsel vm1, $0x0, v19;
	vm1 =	vgt.u32 v21, $0x3E;
	v27 =	vsub.f32 $1.000000000e+00, v14  }
0x1aa: {  	s10 =	simm.s32 $0x2400;
	v19 =	vsel vm3, $0x1, v7;
	v15 =	vadd.s32 v20, v15;
	v18 =	vsel vm1, $0x0, v14  }
0x1ab: {  	[tilespmem:s10+$0xFFFFFF10] =	vst v15;
	v15 =	vadd.s32 v19, v15;
	v63 =	vmul.f32 v18, v26;
	v14 =	vsel vm2, v14, v27  }
0x1ac: {  	s11 =	simm.s32 $0x2810;
	v17 =	vmul.f32 $5.000000000e-01, v17;
	v25 =	vshll.u32 v25, $0x6;
	[tilespmem:s10+$0x10] =	vst v15;
	v21 =	vmul.f32 v14, v26  }
0x1ad: {  	s12 =	simm.s32 $0x0;
	s13 =	sadd.s32 $0x20, s4;
	s8 =	smov.u32 s14;
	vm1 =	vlt.u32 v24, $0x40;
	v15 =	vsub.f32 v22, v23;
	v22 =	vor.u32 v11, v25;
	[tilespmem:s11+$0xFFFFFF90] =	vst v63  }
.LBB2_12:
0x1ae: {  	v23 =	vld [tilespmem:s13+$0xFFFFFF80];
	v24 =	vtrunc.f32 v17;
	[tilespmem:s11+$0xFFFFFF10] =	vst v21;
	v16 =	vnsel vm1, $0x0, v16;
	v20 =	vadd.s32 v20, v22;
	s8 =	sadd.s32 $0x20, s8  }
0x1af: {  	v21 =	vld [tilespmem:s8+$0xFFFFFF80];
	v22 =	vcvt.f32.s32 v24;
	[tilespmem:s10+$0xFFFFFF90] =	vst v20;
	v19 =	vadd.s32 v19, v20;
	v18 =	vmul.f32 v18, v16  }
0x1b0: {  	vm1 =	vlt.f32 v17, $0.0e+00;
	vm2 =	vgt.s32 v13, $0x0;
	s9 =	sadd.s32 $0x20, s9;
	v24 =	vnsel vm0, $0x0, v12;
	v20 =	vld [tilespmem:s8+$0xFFFFFF70];
	[tilespmem:s10+$0x90] =	vst v19  }
0x1b1: {  	v25 =	vsub.f32 $1.000000000e+00, v15;
	v26 =	vnsel vm2, $0x0, v13;
	v19 =	vld [tilespmem:s9+$0xFFFFFF80];
	v22 =	vsel vm1, $0xFFFFFFFF, v22;
	[tilespmem:s11+$0x90] =	vst v18  }
0x1b2: {  	s12 =	sadd.s32 $0x2, s12;
	v26 =	vmin.u32 v26, $0x3F;
	v24 =	vmin.u32 v24, $0x3F;
	v18 =	vld [tilespmem:s13+$0xFFFFFF70];
	v27 =	vcvt.s32.f32 v22  }
0x1b3: {  	p2 =	slt.u32 s12, $0x6;
	v24 =	vshll.u32 v24, $0x6;
	vm1 =	vlt.s32 v22, $0x0;
	vm0 =	vgt.u32 v22, $0x3E;
	v28 =	vld [tilespmem:s9+$0xFFFFFF70]  }
0x1b4: {  	v29 =	vld [tilespmem:s13+$0xFFFFFFF0];
	v21 =	vsub.f32 v23, v21;
	v17 =	vsub.f32 v17, v27;
	v23 =	vshll.u32 v26, $0x6  }
0x1b5: {  	vm3 =	vlt.u32 v12, $0x40;
	vm2 =	vlt.u32 v13, $0x40;
	v27 =	vsel vm1, $0x0, v22;
	v26 =	vld [tilespmem:s8+$0xFFFFFFF0]  }
0x1b6: {  	v12 =	vld [tilespmem:s9+$0xFFFFFFF0];
	v13 =	vadd.f32 v19, v21;
	v19 =	vsub.f32 $1.000000000e+00, v17;
	v21 =	vsel vm0, $0x0, v17  }
0x1b7: {  	vm0 =	vlt.s32 v22, $0x3F;
	v18 =	vsub.f32 v18, v20;
	v20 =	vnsel vm2, $0x0, v25  }
0x1b8: {  	v13 =	vadd.f32 $1.000000000e+00, v13;
	v17 =	vsel vm1, v17, v19;
	v19 =	vor.u32 v11, v24  }
0x1b9: {  	v15 =	vnsel vm3, $0x0, v15;
	v22 =	vor.u32 v11, v23;
	v18 =	vadd.f32 v28, v18  }
0x1ba: {  	v25 =	vmul.f32 v17, v20;
	v23 =	vsub.f32 v29, v26;
	v24 =	vand.u32 $0x7FFFFFFF, v13  }
0x1bb: {  	v17 =	vmul.f32 v17, v15;
	v18 =	vadd.f32 $1.000000000e+00, v18;
	v26 =	vmul.f32 v24, v5  }
0x1bc: {  	v14 =	vmul.f32 v14, v16;
	v20 =	vmul.f32 v21, v20;
	v12 =	vadd.f32 v12, v23;
	v23 =	vld [tilespmem:s13+$0x0]  }
0x1bd: {  	v16 =	vand.u32 $0x7FFFFFFF, v18;
	v18 =	vand.u32 $0x80000000, v18;
	v28 =	vld [tilespmem:s8+$0x0];
	v26 =	vfloor.f32 v26  }
0x1be: {  	v29 =	vmul.f32 v16, v5;
	v12 =	vadd.f32 $1.000000000e+00, v12;
	v26 =	vadd.f32 v26, v26;
	[tilespmem:s11+$0x10] =	vst v14  }
0x1bf: {  	v22 =	vadd.s32 v27, v22;
	v19 =	vadd.s32 v27, v19;
	v15 =	vmul.f32 v21, v15;
	v14 =	vld [tilespmem:s9+$0x0]  }
0x1c0: {  	v21 =	vfloor.f32 v29;
	v12 =	vmul.f32 $6.400000000e+01, v12;
	v24 =	vsub.f32 v24, v26;
	[tilespmem:s10+$0xFFFFFF00] =	vst v22  }
0x1c1: {  	v26 =	vsel vm0, $0x1, v7;
	v21 =	vadd.f32 v21, v21  }
0x1c2: {  	v12 =	vadd.f32 $-1.000000000e+00, v12;
	v23 =	vsub.f32 v23, v28;
	vm0 =	veq.f32 v24, $2.000000000e+00  }
0x1c3: {  	v22 =	vadd.s32 v26, v22;
	v16 =	vsub.f32 v16, v21;
	v21 =	vsel vm0, $0x0, v24  }
0x1c4: {  	v13 =	vand.u32 $0x80000000, v13;
	v21 =	vand.u32 $0x7FFFFFFF, v21;
	v14 =	vadd.f32 v14, v23;
	[tilespmem:s10+$0x0] =	vst v22  }
0x1c5: {  	v12 =	vmul.f32 $5.000000000e-01, v12;
	vm0 =	veq.f32 v16, $2.000000000e+00;
	v13 =	vor.u32 v13, v21;
	[tilespmem:s11+$0xFFFFFF00] =	vst v25  }
0x1c6: {  	v16 =	vsel vm0, $0x0, v16;
	v21 =	vadd.f32 $2.000000000e+00, v13;
	v14 =	vadd.f32 $1.000000000e+00, v14;
	[tilespmem:s11+$0xFFFFFF80] =	vst v20  }
0x1c7: {  	v12 =	vmax.f32 v12, $-4.000000000e+00;
	vm0 =	vlt.f32 v13, $0.0e+00;
	v16 =	vand.u32 $0x7FFFFFFF, v16;
	[tilespmem:s10+$0xFFFFFF80] =	vst v19  }
0x1c8: {  	v16 =	vor.u32 v18, v16;
	v13 =	vsel vm0, v21, v13;
	v14 =	vmul.f32 $6.400000000e+01, v14  }
0x1c9: {  	vm0 =	vlt.f32 v16, $0.0e+00;
	v18 =	vadd.f32 $2.000000000e+00, v16;
	v13 =	vadd.f32 $-1.000000000e+00, v13  }
0x1ca: {  	v22 =	vmin.f32 v12, $6.800000000e+01;
	v12 =	vadd.f32 $-1.000000000e+00, v14;
	v14 =	vadd.s32 v26, v19  }
0x1cb: {  	v16 =	vsel vm0, v18, v16;
	v18 =	vtrunc.f32 v22;
	v13 =	vadd.f32 $1.000000000e+00, v13;
	[tilespmem:s10+$0x80] =	vst v14  }
0x1cc: {  	v14 =	vadd.f32 $-1.000000000e+00, v16;
	v16 =	vcvt.f32.s32 v18;
	v12 =	vmul.f32 $5.000000000e-01, v12;
	[tilespmem:s11+$0x0] =	vst v17  }
0x1cd: {  	vm0 =	vlt.f32 v22, v18;
	v17 =	vmul.f32 $6.400000000e+01, v13;
	[tilespmem:s11+$0x80] =	vst v15  }
0x1ce: {  	v13 =	vsel vm0, $0xFFFFFFFF, v7;
	v14 =	vadd.f32 $1.000000000e+00, v14;
	v12 =	vmax.f32 v12, $-4.000000000e+00  }
0x1cf: {  	v13 =	vadd.s32 v16, v13;
	v15 =	vadd.f32 $-1.000000000e+00, v17;
	v16 =	vmin.f32 v12, $6.800000000e+01  }
0x1d0: {  	v12 =	vadd.s32 $0x1, v13;
	v14 =	vmul.f32 $6.400000000e+01, v14;
	v17 =	vtrunc.f32 v16  }
0x1d1: {  	v15 =	vmul.f32 $5.000000000e-01, v15;
	v18 =	vcvt.f32.s32 v17;
	vm0 =	vlt.f32 v16, v17  }
0x1d2: {  	v23 =	vcvt.s32.f32 v13;
	v17 =	vadd.f32 $-1.000000000e+00, v14;
	v14 =	vsel vm0, $0xFFFFFFFF, v7  }
0x1d3: {  	vm0 =	vgt.s32 v12, $0x0;
	v19 =	vtrunc.f32 v15;
	v14 =	vadd.s32 v18, v14  }
0x1d4: {  	v18 =	vcvt.f32.s32 v19;
	v19 =	vcvt.s32.f32 v14;
	vm1 =	vlt.u32 v14, $0x40  }
0x1d5: {  	vm2 =	vlt.f32 v15, $0.0e+00;
	vm3 =	vgt.s32 v14, $0x0;
	v24 =	vadd.s32 $0x1, v14  }
0x1d6: {  	v14 =	vnsel vm3, $0x0, v14;
	v18 =	vsel vm2, $0xFFFFFFFF, v18;
	v16 =	vsub.f32 v16, v19  }
0x1d7: {  	v14 =	vmin.u32 v14, $0x3F;
	vm2 =	vgt.s32 v24, $0x0;
	v19 =	vcvt.s32.f32 v18  }
0x1d8: {  	v14 =	vshll.u32 v14, $0x6;
	v21 =	vnsel vm2, $0x0, v24;
	v20 =	vsub.f32 $1.000000000e+00, v16  }
0x1d9: {  	v14 =	vor.u32 v11, v14;
	v25 =	vmin.u32 v21, $0x3F;
	v15 =	vsub.f32 v15, v19  }
0x1da: {  	vm2 =	vlt.s32 v18, $0x0;
	vm3 =	vlt.s32 v18, $0x3F;
	v21 =	vnsel vm1, $0x0, v20  }
.Ltmp12:
0x1db: {  	v20 =	vsel vm2, $0x0, v18;
	vm1 =	vgt.u32 v18, $0x3E;
	v26 =	vsub.f32 $1.000000000e+00, v15;
	(pc) =	sbr.rel @p2 .LBB2_12-.Ltmp12, $4  }
0x1dc: {  	s10 =	sadd.s32 $0x20, s10;
	v19 =	vsel vm3, $0x1, v7;
	v18 =	vsel vm1, $0x0, v15;
	v27 =	vadd.s32 v20, v14  }
0x1dd: {  	v14 =	vsel vm2, v15, v26;
	[tilespmem:s10+$0xFFFFFF10] =	vst v27;
	v15 =	vadd.s32 v19, v27;
	v26 =	vmul.f32 v18, v21  }
0x1de: {  	s11 =	sadd.s32 $0x20, s11;
	v17 =	vmul.f32 $5.000000000e-01, v17;
	v25 =	vshll.u32 v25, $0x6;
	[tilespmem:s10+$0x10] =	vst v15;
	v21 =	vmul.f32 v14, v21  }
0x1df: {  	s13 =	sadd.s32 $0x20, s13;
	vm1 =	vlt.u32 v24, $0x40;
	v15 =	vsub.f32 v22, v23;
	v22 =	vor.u32 v11, v25;
	[tilespmem:s11+$0xFFFFFF90] =	vst v26  }
0x1e0: {  	v23 =	vtrunc.f32 v17;
	vm2 =	vlt.f32 v17, $0.0e+00  }
0x1e1: {  	v20 =	vadd.s32 v20, v22;
	v16 =	vnsel vm1, $0x0, v16;
	v23 =	vcvt.f32.s32 v23  }
0x1e2: {  	vm11 =	vgt.s32 v13, $0x0;
	v24 =	vnsel vm0, $0x0, v12;
	vm14 =	vlt.u32 v13, $0x40  }
0x1e3: {  	v19 =	vadd.s32 v19, v20;
	v18 =	vmul.f32 v18, v16;
	v48 =	vsel vm2, $0xFFFFFFFF, v23  }
0x1e4: {  	v25 =	vsub.f32 $1.000000000e+00, v15;
	v50 =	vnsel vm11, $0x0, v13;
	v23 =	vcvt.s32.f32 v48  }
0x1e5: {  	[tilespmem:s11+$0xFFFFFF10] =	vst v21;
	v52 =	vmin.u32 v24, $0x3F;
	v55 =	vmul.f32 v14, v16;
	v51 =	vmin.u32 v50, $0x3F  }
0x1e6: {  	[tilespmem:s10+$0xFFFFFF90] =	vst v20;
	v53 =	vshll.u32 v51, $0x6;
	v57 =	vnsel vm14, $0x0, v25;
	v49 =	vsub.f32 v17, v23  }
0x1e7: {  	[tilespmem:s10+$0x90] =	vst v19;
	vm12 =	vlt.s32 v48, $0x0;
	vm13 =	vgt.u32 v48, $0x3E;
	vm3 =	vlt.s32 v48, $0x3F  }
0x1e8: {  	[tilespmem:s11+$0x90] =	vst v18;
	v58 =	vor.u32 v11, v53;
	v54 =	vsel vm12, $0x0, v48;
	v56 =	vsub.f32 $1.000000000e+00, v49  }
0x1e9: {  	[tilespmem:s11+$0x10] =	vst v55;
	v60 =	vsel vm3, $0x1, v7;
	v59 =	vadd.s32 v54, v58;
	v17 =	vsel vm13, $0x0, v49  }
0x1ea: {  	[tilespmem:s10+$0xFFFFFF00] =	vst v59;
	v13 =	vadd.s32 v60, v59;
	v16 =	vmul.f32 v17, v57;
	v14 =	vsel vm12, v49, v56  }
0x1eb: {  	v62 =	vshll.u32 v52, $0x6;
	[tilespmem:s10+$0x0] =	vst v13;
	v61 =	vmul.f32 v14, v57  }
0x1ec: {  	vm15 =	vlt.u32 v12, $0x40;
	v11 =	vor.u32 v11, v62;
	[tilespmem:s11+$0xFFFFFF80] =	vst v16  }
0x1ed: {  	v12 =	vnsel vm15, $0x0, v15;
	v11 =	vadd.s32 v54, v11;
	[tilespmem:s11+$0xFFFFFF00] =	vst v61  }
0x1ee: {  	v63 =	vmul.f32 v14, v12;
	[tilespmem:s10+$0xFFFFFF80] =	vst v11;
	v11 =	vadd.s32 v60, v11  }
0x1ef: {  	v12 =	vmul.f32 v17, v12;
	[tilespmem:s10+$0x80] =	vst v11  }
0x1f0: {  	[tilespmem:s11+$0x0] =	vst v63  }
0x1f1: {  	[tilespmem:s11+$0x80] =	vst v12  }
0x1f2: {  	[tilespmem:s19], [sflag:$0x2] =	stream.indirect.gather [hbm4b:s3+s7], $0x10, s18, s7, $0xb8;
	[tilespmem:$0x7920] =	vst v63  }
0x1f3: {  	_ = 	snop  }
0x1f4: {  	[tilespmem:s21], [sflag:$0x2] =	stream.indirect.gather [hbm4b:s3+s7], $0x10, s20, s7, $0xb8;
	[tilespmem:$0x7920] =	vst v63  }
0x1f5: {  	_ = 	snop  }
0x1f6: {  	[tilespmem:s23], [sflag:$0x2] =	stream.indirect.gather [hbm4b:s3+s7], $0x10, s22, s7, $0xb8;
	[tilespmem:$0x7920] =	vst v63  }
0x1f7: {  	_ = 	snop  }
0x1f8: {  	[tilespmem:s25], [sflag:$0x2] =	stream.indirect.gather [hbm4b:s3+s7], $0x10, s24, s7, $0xb8;
	[tilespmem:$0x7920] =	vst v63  }
.LBB2_14:
0x1f9: {  	_ =	swait.ge [sflag:s26], $0x800  }
0x1fa: {  	[sflag:s26] =	ssyncset.done $0x0  }
0x1fb: {  	[sflag:s26] =	ssyncadd.s32 $0xFFFFF800  }
0x1fc: {  	_ =	swait.ge [sflag:s26], $0x800  }
0x1fd: {  	[sflag:s26] =	ssyncset.done $0x0  }
0x1fe: {  	[sflag:s26] =	ssyncadd.s32 $0xFFFFF800  }
0x1ff: {  	_ =	swait.ge [sflag:s26], $0x800  }
0x200: {  	[sflag:s26] =	ssyncset.done $0x0  }
0x201: {  	[sflag:s26] =	ssyncadd.s32 $0xFFFFF800  }
0x202: {  	_ =	swait.ge [sflag:s26], $0x800  }
0x203: {  	[sflag:s26] =	ssyncset.done $0x0  }
0x204: {  	s8 =	simm.s32 $0x3920;
	[sflag:s26] =	ssyncadd.s32 $0xFFFFF800  }
0x205: {  	v12 =	vld [tilespmem:s8+$0xFFFFF870]  }
0x206: {  	s10 =	simm.s32 $0x2600;
	v13 =	vld [tilespmem:s8+$0xFFFFF070]  }
0x207: {  	v14 =	vld.msk [tilespmem:s10+$0xFFFFFF07 ss:$0x0], $0xffff  }
0x208: {  	v15 =	vld [tilespmem:s8+$0x70]  }
0x209: {  	s9 =	simm.s32 $0x69A0;
	v16 =	vld.msk [tilespmem:s10+$0xFFFFFF87 ss:$0x0], $0xffff  }
0x20a: {  	v17 =	vld [tilespmem:s9+$0x70]  }
0x20b: {  	v18 =	vld.msk [tilespmem:s10+$0x7 ss:$0x0], $0xffff  }
0x20c: {  	v19 =	vld [tilespmem:s8+$0x870]  }
0x20d: {  	v20 =	vld.msk [tilespmem:s10+$0x87 ss:$0x0], $0xffff  }
0x20e: {  	v21 =	vld [tilespmem:s8+$0xFFFFF000]  }
0x20f: {  	v22 =	vld [tilespmem:s8+$0xFFFFF010]  }
0x210: {  	v23 =	vld [tilespmem:s8+$0xFFFFF020]  }
0x211: {  	v24 =	vld [tilespmem:s8+$0xFFFFF030]  }
0x212: {  	v25 =	vld [tilespmem:s8+$0xFFFFF040]  }
0x213: {  	v26 =	vld [tilespmem:s8+$0xFFFFF050]  }
0x214: {  	v27 =	vld [tilespmem:s8+$0xFFFFF060]  }
0x215: {  	v28 =	vld.msk [tilespmem:s10+$0xFFFFFF00 ss:$0x0], $0xffff  }
0x216: {  	v29 =	vld.msk [tilespmem:s10+$0xFFFFFF01 ss:$0x0], $0xffff  }
0x217: {  	v30 =	vld.msk [tilespmem:s10+$0xFFFFFF02 ss:$0x0], $0xffff  }
0x218: {  	v31 =	vld.msk [tilespmem:s10+$0xFFFFFF03 ss:$0x0], $0xffff  }
0x219: {  	v32 =	vld.msk [tilespmem:s10+$0xFFFFFF04 ss:$0x0], $0xffff  }
0x21a: {  	v33 =	vld.msk [tilespmem:s10+$0xFFFFFF05 ss:$0x0], $0xffff  }
0x21b: {  	v34 =	vld.msk [tilespmem:s10+$0xFFFFFF06 ss:$0x0], $0xffff  }
0x21c: {  	v11 =	vld [tilespmem:s8+$0x0]  }
0x21d: {  	v36 =	vld [tilespmem:s8+$0x10]  }
0x21e: {  	v37 =	vld [tilespmem:s8+$0x20]  }
0x21f: {  	v40 =	vld [tilespmem:s8+$0x30];
	v35 =	vunpack.i.u.bf16.f32 v13;
	v38 =	vunpack.i.l.bf16.f32 v12  }
0x220: {  	v41 =	vld.msk [tilespmem:s10+$0xFFFFFF80 ss:$0x0], $0xffff;
	v13 =	vunpack.i.l.bf16.f32 v13;
	v39 =	vunpack.i.u.bf16.f32 v15;
	v15 =	vunpack.i.l.bf16.f32 v15  }
0x221: {  	v61 =	vld.msk [tilespmem:s10+$0xFFFFFF81 ss:$0x0], $0xffff;
	v59 =	vunpack.i.u.bf16.f32 v19;
	v19 =	vunpack.i.l.bf16.f32 v19;
	v60 =	vunpack.i.u.bf16.f32 v21  }
0x222: {  	v44 =	vld.msk [tilespmem:s10+$0xFFFFFF82 ss:$0x0], $0xffff;
	v21 =	vunpack.i.l.bf16.f32 v21;
	v42 =	vunpack.i.u.bf16.f32 v22;
	v22 =	vunpack.i.l.bf16.f32 v22  }
0x223: {  	v46 =	vld.msk [tilespmem:s10+$0xFFFFFF83 ss:$0x0], $0xffff;
	v43 =	vunpack.i.u.bf16.f32 v23;
	v23 =	vunpack.i.l.bf16.f32 v23;
	v45 =	vunpack.i.u.bf16.f32 v24  }
0x224: {  	v47 =	vld.msk [tilespmem:s10+$0xFFFFFF84 ss:$0x0], $0xffff;
	v24 =	vunpack.i.l.bf16.f32 v24;
	v48 =	vunpack.i.u.bf16.f32 v26;
	v35 =	vmul.f32 v35, v14  }
0x225: {  	v62 =	vld [tilespmem:s9+$0xFFFFFF90];
	v26 =	vunpack.i.l.bf16.f32 v26;
	v58 =	vmul.f32 v39, v16;
	v14 =	vmul.f32 v13, v14  }
0x226: {  	v63 =	vld [tilespmem:s9+$0xFFFFFFA0];
	v13 =	vmul.f32 v15, v16;
	v15 =	vunpack.i.u.bf16.f32 v12;
	v12 =	vmul.f32 v38, v18  }
0x227: {  	v50 =	vld [tilespmem:s9+$0xFFFFFFC0];
	v49 =	vunpack.i.u.bf16.f32 v27;
	v19 =	vmul.f32 v19, v20;
	v21 =	vmul.f32 v21, v28  }
0x228: {  	v51 =	vld [tilespmem:s9+$0xFFFFFFD0];
	v27 =	vunpack.i.l.bf16.f32 v27;
	v28 =	vmul.f32 v60, v28;
	v22 =	vmul.f32 v22, v29  }
0x229: {  	v53 =	vld [tilespmem:s9+$0x30];
	v56 =	vunpack.i.u.bf16.f32 v11;
	v29 =	vmul.f32 v42, v29;
	v23 =	vmul.f32 v23, v30  }
0x22a: {  	v55 =	vld [tilespmem:s9+$0x40];
	v57 =	vunpack.i.u.bf16.f32 v36;
	v30 =	vmul.f32 v43, v30;
	v24 =	vmul.f32 v24, v31  }
0x22b: {  	v36 =	vunpack.i.l.bf16.f32 v36;
	v39 =	vld [tilespmem:s8+$0x40];
	v31 =	vmul.f32 v45, v31;
	v26 =	vmul.f32 v26, v33  }
0x22c: {  	v52 =	vunpack.i.u.bf16.f32 v37;
	v16 =	vld [tilespmem:s8+$0x50];
	v33 =	vmul.f32 v48, v33;
	v27 =	vmul.f32 v27, v34  }
0x22d: {  	v37 =	vunpack.i.l.bf16.f32 v37;
	v38 =	vld.msk [tilespmem:s10+$0xFFFFFF85 ss:$0x0], $0xffff;
	v34 =	vmul.f32 v49, v34;
	v36 =	vmul.f32 v36, v61  }
0x22e: {  	v11 =	vunpack.i.l.bf16.f32 v11;
	v42 =	vld.msk [tilespmem:s10+$0xFFFFFF86 ss:$0x0], $0xffff;
	v48 =	vmul.f32 v56, v41;
	v60 =	vmul.f32 v52, v44  }
0x22f: {  	v56 =	vld [tilespmem:s9+$0x60];
	v15 =	vmul.f32 v15, v18;
	v17 =	vadd.f32 v35, v17;
	v35 =	vmul.f32 v57, v61  }
0x230: {  	v52 =	vld [tilespmem:s9+$0x20];
	v28 =	vadd.f32 v28, v62;
	v22 =	vadd.f32 v22, v63;
	v62 =	vunpack.i.l.bf16.f32 v40  }
0x231: {  	v18 =	vld [tilespmem:s8+$0x60];
	v40 =	vunpack.i.u.bf16.f32 v40;
	v23 =	vadd.f32 v23, v50;
	v30 =	vadd.f32 v30, v51  }
0x232: {  	v61 =	vld [tilespmem:s9+$0x0];
	v45 =	vmul.f32 v62, v46;
	v17 =	vadd.f32 v58, v17;
	v28 =	vadd.f32 v48, v28  }
0x233: {  	v40 =	vmul.f32 v40, v46;
	v58 =	vld [tilespmem:s9+$0xFFFFFFE0];
	v22 =	vadd.f32 v36, v22;
	v30 =	vadd.f32 v60, v30  }
0x234: {  	v63 =	vld [tilespmem:s9+$0x10];
	v54 =	vunpack.i.u.bf16.f32 v39;
	v39 =	vunpack.i.l.bf16.f32 v39;
	v14 =	vadd.f32 v14, v56  }
0x235: {  	v62 =	vld [tilespmem:s8+$0xFFFFF830];
	v15 =	vadd.f32 v15, v17;
	v17 =	vmul.f32 v59, v20;
	v20 =	vunpack.i.u.bf16.f32 v25  }
0x236: {  	v25 =	vunpack.i.l.bf16.f32 v25;
	v59 =	vld [tilespmem:s9+$0xFFFFFFF0];
	v57 =	vunpack.i.u.bf16.f32 v18;
	v18 =	vunpack.i.l.bf16.f32 v18  }
0x237: {  	v25 =	vmul.f32 v25, v32;
	v20 =	vmul.f32 v20, v32;
	v32 =	vld [tilespmem:s9+$0xFFFFFFB0];
	v13 =	vadd.f32 v13, v14  }
0x238: {  	v56 =	vld.msk [tilespmem:s10+$0x5 ss:$0x0], $0xffff;
	v39 =	vmul.f32 v39, v47;
	v15 =	vadd.f32 v17, v15;
	v24 =	vadd.f32 v24, v58  }
0x239: {  	v14 =	vld.msk [tilespmem:s10+$0x1 ss:$0x0], $0xffff;
	v17 =	vmul.f32 v37, v44;
	v25 =	vadd.f32 v25, v61;
	v20 =	vadd.f32 v20, v63  }
0x23a: {  	v60 =	vmul.f32 v54, v47;
	v58 =	vld [tilespmem:s9+$0xFFFFFF80];
	v61 =	vadd.f32 v33, v53;
	v12 =	vadd.f32 v12, v13  }
0x23b: {  	v18 =	vmul.f32 v18, v42;
	v13 =	vld.msk [tilespmem:s10+$0x3 ss:$0x0], $0xffff;
	v17 =	vadd.f32 v17, v23;
	v31 =	vadd.f32 v31, v59  }
0x23c: {  	v53 =	vunpack.i.u.bf16.f32 v62;
	v23 =	vld [tilespmem:s9+$0x50];
	v24 =	vadd.f32 v45, v24;
	v29 =	vadd.f32 v29, v32  }
0x23d: {  	v33 =	vunpack.i.l.bf16.f32 v62;
	v59 =	vld [tilespmem:s8+$0xFFFFF800];
	v39 =	vadd.f32 v39, v25;
	v25 =	vadd.f32 v26, v52  }
0x23e: {  	[tilespmem:s9+$0x70] =	vst v15;
	v26 =	vld [tilespmem:s8+$0xFFFFF820];
	v15 =	vadd.f32 v35, v29;
	v29 =	vunpack.i.u.bf16.f32 v16;
	v16 =	vunpack.i.l.bf16.f32 v16  }
0x23f: {  	v20 =	vadd.f32 v60, v20;
	v45 =	vld.msk [tilespmem:s10+$0x2 ss:$0x0], $0xffff;
	v49 =	vadd.f32 v19, v12;
	v16 =	vmul.f32 v16, v38  }
0x240: {  	v46 =	vadd.f32 v40, v31;
	v31 =	vld [tilespmem:s8+$0xFFFFF810];
	v21 =	vadd.f32 v21, v58;
	v29 =	vmul.f32 v29, v38  }
0x241: {  	v33 =	vmul.f32 v33, v13;
	v23 =	vadd.f32 v34, v23;
	v36 =	vadd.f32 v16, v25;
	v25 =	vld [tilespmem:s8+$0xFFFFF840]  }
0x242: {  	v60 =	vmul.f32 v53, v13;
	v16 =	vadd.f32 v27, v55;
	v47 =	vadd.f32 v29, v61;
	v29 =	vld [tilespmem:s8+$0xFFFFF850]  }
0x243: {  	v63 =	vunpack.i.l.bf16.f32 v59;
	v52 =	vunpack.i.u.bf16.f32 v26;
	v27 =	vmul.f32 v57, v42;
	v55 =	vld.msk [tilespmem:s10+$0x4 ss:$0x0], $0xffff  }
0x244: {  	v26 =	vunpack.i.l.bf16.f32 v26;
	v61 =	vld [tilespmem:s8+$0x830];
	v48 =	vadd.f32 v18, v16;
	v18 =	vmul.f32 v11, v41  }
0x245: {  	v26 =	vmul.f32 v26, v45;
	v35 =	vmul.f32 v52, v45;
	v16 =	vld [tilespmem:s8+$0xFFFFF860];
	v11 =	vadd.f32 v27, v23  }
0x246: {  	v23 =	vld.msk [tilespmem:s10+$0x0 ss:$0x0], $0xffff;
	v27 =	vunpack.i.u.bf16.f32 v59;
	v18 =	vadd.f32 v18, v21;
	v21 =	vunpack.i.u.bf16.f32 v31  }
0x247: {  	v31 =	vunpack.i.l.bf16.f32 v31;
	v54 =	vunpack.i.u.bf16.f32 v25;
	v25 =	vunpack.i.l.bf16.f32 v25  }
0x248: {  	v44 =	vld.msk [tilespmem:s10+$0x80 ss:$0x0], $0xffff;
	v19 =	vunpack.i.u.bf16.f32 v29;
	v29 =	vunpack.i.l.bf16.f32 v29;
	v21 =	vmul.f32 v21, v14  }
0x249: {  	v58 =	vld.msk [tilespmem:s10+$0x6 ss:$0x0], $0xffff;
	v37 =	vunpack.i.l.bf16.f32 v61;
	v62 =	vmul.f32 v25, v55;
	v38 =	vmul.f32 v54, v55  }
0x24a: {  	v53 =	vmul.f32 v19, v56;
	v54 =	vld [tilespmem:s8+$0x850];
	v25 =	vadd.f32 v33, v24;
	v57 =	vunpack.i.u.bf16.f32 v16  }
0x24b: {  	v12 =	vmul.f32 v63, v23;
	v59 =	vunpack.i.l.bf16.f32 v16;
	v16 =	vmul.f32 v27, v23;
	v27 =	vld [tilespmem:s8+$0x800]  }
0x24c: {  	v19 =	vadd.f32 v60, v46;
	v23 =	vmul.f32 v31, v14;
	v13 =	vadd.f32 v21, v15;
	v15 =	vld [tilespmem:s8+$0x840]  }
0x24d: {  	v63 =	vmul.f32 v29, v56;
	v21 =	vadd.f32 v26, v17;
	v14 =	vadd.f32 v12, v18;
	v18 =	vld [tilespmem:s8+$0x810]  }
0x24e: {  	v29 =	vunpack.i.u.bf16.f32 v61;
	v24 =	vadd.f32 v62, v39;
	v16 =	vadd.f32 v16, v28;
	v28 =	vld [tilespmem:s8+$0x820]  }
0x24f: {  	v20 =	vadd.f32 v38, v20;
	v12 =	vadd.f32 v23, v22;
	v23 =	vmul.f32 v57, v58;
	v57 =	vld [tilespmem:s8+$0x860]  }
0x250: {  	v43 =	vld.msk [tilespmem:s10+$0x82 ss:$0x0], $0xffff;
	v55 =	vmul.f32 v59, v58;
	v17 =	vadd.f32 v53, v47;
	v22 =	vadd.f32 v35, v30  }
0x251: {  	v45 =	vld.msk [tilespmem:s10+$0x81 ss:$0x0], $0xffff;
	v33 =	vunpack.i.l.bf16.f32 v54;
	v31 =	vunpack.i.u.bf16.f32 v27;
	v56 =	vunpack.i.l.bf16.f32 v27  }
0x252: {  	v42 =	vld.msk [tilespmem:s10+$0x83 ss:$0x0], $0xffff;
	v35 =	vunpack.i.l.bf16.f32 v15;
	v27 =	vunpack.i.u.bf16.f32 v54;
	v46 =	vmul.f32 v56, v44  }
0x253: {  	v39 =	vld.msk [tilespmem:s10+$0x84 ss:$0x0], $0xffff;
	v34 =	vunpack.i.u.bf16.f32 v18;
	v40 =	vunpack.i.l.bf16.f32 v18;
	v32 =	vunpack.i.u.bf16.f32 v28  }
0x254: {  	v38 =	vld.msk [tilespmem:s10+$0x85 ss:$0x0], $0xffff;
	v41 =	vunpack.i.l.bf16.f32 v28;
	v28 =	vunpack.i.u.bf16.f32 v15;
	v26 =	vunpack.i.u.bf16.f32 v57  }
0x255: {  	s12 =	simm.s32 $0x0;
	s13 =	simm.s32 $0x39A0;
	s11 =	simm.s32 $0x69A0;
	[tilespmem:s9+$0x60] =	vst v49;
	v30 =	vunpack.i.l.bf16.f32 v57;
	v18 =	vadd.f32 v63, v36;
	v15 =	vadd.f32 v55, v48;
	v36 =	vld.msk [tilespmem:s10+$0x86 ss:$0x0], $0xffff  }
.LBB2_15:
0x256: {  	v47 =	vld [tilespmem:s13+$0xFFFFF870];
	v31 =	vmul.f32 v31, v44;
	v40 =	vmul.f32 v40, v45;
	v23 =	vadd.f32 v23, v11  }
0x257: {  	v34 =	vmul.f32 v34, v45;
	v41 =	vmul.f32 v41, v43;
	s10 =	sadd.s32 $0x8, s10;
	v11 =	vld [tilespmem:s13+$0xFFFFF070];
	v14 =	vadd.f32 v46, v14  }
0x258: {  	s12 =	sadd.s32 $0x8, s12;
	v44 =	vld.msk [tilespmem:s10+$0xFFFFFF07 ss:$0x0], $0xffff;
	v16 =	vadd.f32 v31, v16;
	v31 =	vmul.f32 v32, v43;
	v32 =	vmul.f32 v37, v42  }
0x259: {  	p2 =	slt.u32 s12, $0x78;
	v12 =	vadd.f32 v40, v12;
	v37 =	vld [tilespmem:s13+$0x70];
	[tilespmem:s9+$0xFFFFFF80] =	vst v14;
	v14 =	vmul.f32 v29, v42;
	v29 =	vmul.f32 v35, v39  }
0x25a: {  	v13 =	vadd.f32 v34, v13;
	s9 =	sadd.s32 $0x100, s9;
	v35 =	vld.msk [tilespmem:s10+$0xFFFFFF87 ss:$0x0], $0xffff;
	[tilespmem:s11+$0xFFFFFF90] =	vst v16;
	v16 =	vmul.f32 v28, v39;
	v28 =	vmul.f32 v33, v38  }
0x25b: {  	v27 =	vmul.f32 v27, v38;
	v30 =	vmul.f32 v30, v36;
	v33 =	vld [tilespmem:s9+$0x70];
	v34 =	vunpack.i.l.bf16.f32 v47;
	[tilespmem:s11+$0xFFFFFFA0] =	vst v12  }
0x25c: {  	v12 =	vunpack.i.l.bf16.f32 v11;
	v38 =	vld.msk [tilespmem:s10+$0x7 ss:$0x0], $0xffff;
	[tilespmem:s11+$0xFFFFFFB0] =	vst v13;
	v13 =	vadd.f32 v41, v21;
	v21 =	vmul.f32 v26, v36  }
0x25d: {  	v22 =	vadd.f32 v31, v22;
	v25 =	vadd.f32 v32, v25;
	v26 =	vunpack.i.u.bf16.f32 v11;
	v36 =	vld [tilespmem:s13+$0x870]  }
0x25e: {  	v11 =	vmul.f32 v12, v44;
	v12 =	vmul.f32 v26, v44;
	v26 =	vunpack.i.l.bf16.f32 v37;
	v31 =	vld.msk [tilespmem:s10+$0x87 ss:$0x0], $0xffff;
	[tilespmem:s11+$0xFFFFFFC0] =	vst v13  }
0x25f: {  	v14 =	vadd.f32 v14, v19;
	v19 =	vadd.f32 v29, v24;
	v13 =	vunpack.i.u.bf16.f32 v37;
	v32 =	vld [tilespmem:s13+$0xFFFFF000];
	[tilespmem:s11+$0xFFFFFFD0] =	vst v22  }
0x260: {  	v13 =	vmul.f32 v13, v35;
	v22 =	vld [tilespmem:s13+$0xFFFFF010];
	v24 =	vadd.f32 v12, v33;
	v12 =	vmul.f32 v26, v35;
	[tilespmem:s11+$0xFFFFFFE0] =	vst v25  }
0x261: {  	v26 =	vunpack.i.u.bf16.f32 v47;
	v25 =	vld [tilespmem:s13+$0xFFFFF020];
	[tilespmem:s11+$0xFFFFFFF0] =	vst v14;
	v14 =	vadd.f32 v16, v20;
	v16 =	vadd.f32 v28, v18  }
0x262: {  	v18 =	vld [tilespmem:s13+$0xFFFFF030];
	v20 =	vadd.f32 v13, v24;
	v13 =	vmul.f32 v34, v38;
	v24 =	vmul.f32 v26, v38;
	[tilespmem:s11+$0x0] =	vst v19  }
0x263: {  	v26 =	vunpack.i.u.bf16.f32 v36;
	v28 =	vunpack.i.l.bf16.f32 v36;
	v19 =	vld [tilespmem:s13+$0xFFFFF040];
	[tilespmem:s11+$0x10] =	vst v14;
	v14 =	vadd.f32 v27, v17  }
0x264: {  	v17 =	vunpack.i.u.bf16.f32 v32;
	v27 =	vld [tilespmem:s13+$0xFFFFF050];
	v20 =	vadd.f32 v24, v20;
	v24 =	vmul.f32 v26, v31;
	[tilespmem:s11+$0x20] =	vst v16  }
0x265: {  	v16 =	vunpack.i.l.bf16.f32 v32;
	v26 =	vunpack.i.u.bf16.f32 v22;
	v22 =	vunpack.i.l.bf16.f32 v22;
	v29 =	vld [tilespmem:s13+$0xFFFFF060];
	[tilespmem:s11+$0x30] =	vst v14  }
0x266: {  	v32 =	vld.msk [tilespmem:s10+$0xFFFFFF00 ss:$0x0], $0xffff;
	v33 =	vunpack.i.u.bf16.f32 v25;
	v25 =	vunpack.i.l.bf16.f32 v25;
	v20 =	vadd.f32 v24, v20  }
0x267: {  	v14 =	vmul.f32 v28, v31;
	v24 =	vld.msk [tilespmem:s10+$0xFFFFFF01 ss:$0x0], $0xffff;
	v34 =	vunpack.i.u.bf16.f32 v18;
	v18 =	vunpack.i.l.bf16.f32 v18  }
0x268: {  	v15 =	vadd.f32 v30, v15;
	v28 =	vld.msk [tilespmem:s10+$0xFFFFFF02 ss:$0x0], $0xffff;
	v31 =	vunpack.i.u.bf16.f32 v19;
	v19 =	vunpack.i.l.bf16.f32 v19;
	[tilespmem:s9+$0x70] =	vst v20  }
0x269: {  	v21 =	vadd.f32 v21, v23;
	v20 =	vld.msk [tilespmem:s10+$0xFFFFFF03 ss:$0x0], $0xffff;
	v30 =	vunpack.i.u.bf16.f32 v27;
	v27 =	vunpack.i.l.bf16.f32 v27  }
0x26a: {  	v23 =	vld.msk [tilespmem:s10+$0xFFFFFF04 ss:$0x0], $0xffff;
	v35 =	vunpack.i.u.bf16.f32 v29;
	v29 =	vunpack.i.l.bf16.f32 v29;
	[tilespmem:s11+$0x40] =	vst v15  }
0x26b: {  	v36 =	vld.msk [tilespmem:s10+$0xFFFFFF05 ss:$0x0], $0xffff;
	[tilespmem:s11+$0x50] =	vst v21;
	s11 =	smov.u32 s9  }
0x26c: {  	v15 =	vmul.f32 v16, v32;
	v16 =	vmul.f32 v17, v32;
	v17 =	vld.msk [tilespmem:s10+$0xFFFFFF06 ss:$0x0], $0xffff  }
0x26d: {  	v22 =	vmul.f32 v22, v24;
	v24 =	vmul.f32 v26, v24;
	v21 =	vld [tilespmem:s13+$0x0]  }
0x26e: {  	v25 =	vmul.f32 v25, v28;
	v28 =	vmul.f32 v33, v28;
	v26 =	vld [tilespmem:s13+$0x10]  }
0x26f: {  	v18 =	vmul.f32 v18, v20;
	v20 =	vmul.f32 v34, v20;
	v32 =	vld [tilespmem:s13+$0x20]  }
0x270: {  	v19 =	vmul.f32 v19, v23;
	v23 =	vmul.f32 v31, v23;
	v33 =	vld [tilespmem:s13+$0x30]  }
0x271: {  	v27 =	vmul.f32 v27, v36;
	v30 =	vmul.f32 v30, v36;
	v31 =	vld [tilespmem:s13+$0x40]  }
0x272: {  	v29 =	vmul.f32 v29, v17;
	v17 =	vmul.f32 v35, v17;
	v34 =	vunpack.i.u.bf16.f32 v21;
	v36 =	vld [tilespmem:s13+$0x50]  }
0x273: {  	v21 =	vunpack.i.l.bf16.f32 v21;
	v35 =	vunpack.i.u.bf16.f32 v26;
	v26 =	vunpack.i.l.bf16.f32 v26;
	v37 =	vld [tilespmem:s13+$0x60]  }
0x274: {  	v38 =	vld.msk [tilespmem:s10+$0xFFFFFF80 ss:$0x0], $0xffff;
	v39 =	vunpack.i.u.bf16.f32 v32;
	v32 =	vunpack.i.l.bf16.f32 v32  }
0x275: {  	v40 =	vld.msk [tilespmem:s10+$0xFFFFFF81 ss:$0x0], $0xffff;
	v41 =	vunpack.i.u.bf16.f32 v33;
	v33 =	vunpack.i.l.bf16.f32 v33  }
0x276: {  	v42 =	vld.msk [tilespmem:s10+$0xFFFFFF82 ss:$0x0], $0xffff;
	v43 =	vunpack.i.u.bf16.f32 v31;
	v31 =	vunpack.i.l.bf16.f32 v31  }
0x277: {  	v44 =	vld.msk [tilespmem:s10+$0xFFFFFF83 ss:$0x0], $0xffff;
	v45 =	vunpack.i.u.bf16.f32 v36;
	v36 =	vunpack.i.l.bf16.f32 v36  }
0x278: {  	v46 =	vld.msk [tilespmem:s10+$0xFFFFFF84 ss:$0x0], $0xffff;
	v47 =	vunpack.i.u.bf16.f32 v37;
	v37 =	vunpack.i.l.bf16.f32 v37  }
0x279: {  	v48 =	vld.msk [tilespmem:s10+$0xFFFFFF85 ss:$0x0], $0xffff  }
0x27a: {  	v21 =	vmul.f32 v21, v38;
	v34 =	vmul.f32 v34, v38;
	v38 =	vld.msk [tilespmem:s10+$0xFFFFFF86 ss:$0x0], $0xffff  }
0x27b: {  	v26 =	vmul.f32 v26, v40;
	v35 =	vmul.f32 v35, v40;
	v49 =	vld [tilespmem:s9+$0xFFFFFF90]  }
0x27c: {  	v32 =	vmul.f32 v32, v42;
	v39 =	vmul.f32 v39, v42;
	v40 =	vld [tilespmem:s9+$0xFFFFFFA0]  }
0x27d: {  	v33 =	vmul.f32 v33, v44;
	v41 =	vmul.f32 v41, v44;
	v42 =	vld [tilespmem:s9+$0xFFFFFFB0]  }
0x27e: {  	v31 =	vmul.f32 v31, v46;
	v43 =	vmul.f32 v43, v46;
	v44 =	vld [tilespmem:s9+$0xFFFFFFC0]  }
0x27f: {  	v36 =	vmul.f32 v36, v48;
	v45 =	vmul.f32 v45, v48;
	v46 =	vld [tilespmem:s9+$0xFFFFFFD0]  }
0x280: {  	v37 =	vmul.f32 v37, v38;
	v38 =	vmul.f32 v47, v38;
	v16 =	vadd.f32 v16, v49;
	v48 =	vld [tilespmem:s9+$0xFFFFFFE0]  }
0x281: {  	v22 =	vadd.f32 v22, v40;
	v40 =	vld [tilespmem:s9+$0xFFFFFFF0]  }
0x282: {  	v16 =	vadd.f32 v34, v16;
	v24 =	vadd.f32 v24, v42;
	v34 =	vld [tilespmem:s9+$0x0]  }
0x283: {  	v22 =	vadd.f32 v26, v22;
	v25 =	vadd.f32 v25, v44;
	v26 =	vld [tilespmem:s9+$0x10]  }
0x284: {  	v24 =	vadd.f32 v35, v24;
	v28 =	vadd.f32 v28, v46;
	v35 =	vld [tilespmem:s9+$0x20]  }
0x285: {  	v25 =	vadd.f32 v32, v25;
	v18 =	vadd.f32 v18, v48;
	v32 =	vld [tilespmem:s9+$0x30]  }
0x286: {  	v28 =	vadd.f32 v39, v28;
	v20 =	vadd.f32 v20, v40;
	v39 =	vld [tilespmem:s9+$0x40]  }
0x287: {  	v18 =	vadd.f32 v33, v18;
	v19 =	vadd.f32 v19, v34;
	v33 =	vld [tilespmem:s9+$0x50]  }
0x288: {  	v20 =	vadd.f32 v41, v20;
	v23 =	vadd.f32 v23, v26;
	v26 =	vld [tilespmem:s9+$0x60]  }
0x289: {  	v34 =	vld [tilespmem:s9+$0xFFFFFF80];
	v46 =	vadd.f32 v31, v19;
	v19 =	vadd.f32 v27, v35  }
0x28a: {  	v27 =	vld [tilespmem:s13+$0xFFFFF800];
	v47 =	vadd.f32 v43, v23;
	v23 =	vadd.f32 v30, v32  }
0x28b: {  	v30 =	vld [tilespmem:s13+$0xFFFFF810];
	v36 =	vadd.f32 v36, v19;
	v19 =	vadd.f32 v29, v39  }
0x28c: {  	v29 =	vld [tilespmem:s13+$0xFFFFF820];
	v48 =	vadd.f32 v45, v23;
	v17 =	vadd.f32 v17, v33  }
0x28d: {  	v23 =	vld [tilespmem:s13+$0xFFFFF830];
	v49 =	vadd.f32 v37, v19;
	v19 =	vadd.f32 v11, v26  }
0x28e: {  	v15 =	vadd.f32 v15, v34;
	v26 =	vld [tilespmem:s13+$0xFFFFF840];
	v11 =	vadd.f32 v38, v17  }
0x28f: {  	v17 =	vunpack.i.u.bf16.f32 v27;
	v27 =	vunpack.i.l.bf16.f32 v27;
	v31 =	vld [tilespmem:s13+$0xFFFFF850];
	v12 =	vadd.f32 v12, v19  }
0x290: {  	v15 =	vadd.f32 v21, v15;
	v19 =	vunpack.i.u.bf16.f32 v30;
	v21 =	vunpack.i.l.bf16.f32 v30;
	v30 =	vld [tilespmem:s13+$0xFFFFF860]  }
0x291: {  	v32 =	vld.msk [tilespmem:s10+$0x0 ss:$0x0], $0xffff;
	v33 =	vunpack.i.u.bf16.f32 v29;
	v29 =	vunpack.i.l.bf16.f32 v29;
	v12 =	vadd.f32 v13, v12  }
0x292: {  	v13 =	vld.msk [tilespmem:s10+$0x1 ss:$0x0], $0xffff;
	v34 =	vunpack.i.u.bf16.f32 v23;
	v23 =	vunpack.i.l.bf16.f32 v23  }
0x293: {  	v35 =	vld.msk [tilespmem:s10+$0x2 ss:$0x0], $0xffff;
	v37 =	vunpack.i.u.bf16.f32 v26;
	v26 =	vunpack.i.l.bf16.f32 v26;
	v12 =	vadd.f32 v14, v12  }
0x294: {  	v38 =	vld.msk [tilespmem:s10+$0x3 ss:$0x0], $0xffff;
	v39 =	vunpack.i.u.bf16.f32 v31;
	v31 =	vunpack.i.l.bf16.f32 v31  }
0x295: {  	v40 =	vld.msk [tilespmem:s10+$0x4 ss:$0x0], $0xffff;
	v41 =	vunpack.i.u.bf16.f32 v30;
	v30 =	vunpack.i.l.bf16.f32 v30;
	[tilespmem:s9+$0x60] =	vst v12  }
0x296: {  	v42 =	vld.msk [tilespmem:s10+$0x5 ss:$0x0], $0xffff  }
0x297: {  	v12 =	vmul.f32 v27, v32;
	v17 =	vmul.f32 v17, v32;
	v27 =	vld.msk [tilespmem:s10+$0x6 ss:$0x0], $0xffff  }
0x298: {  	v21 =	vmul.f32 v21, v13;
	v13 =	vmul.f32 v19, v13;
	v32 =	vld [tilespmem:s13+$0x800]  }
0x299: {  	v14 =	vadd.f32 v12, v15;
	v19 =	vmul.f32 v29, v35;
	v29 =	vmul.f32 v33, v35;
	v15 =	vld [tilespmem:s13+$0x810]  }
0x29a: {  	v16 =	vadd.f32 v17, v16;
	v33 =	vmul.f32 v23, v38;
	v38 =	vmul.f32 v34, v38;
	v17 =	vld [tilespmem:s13+$0x820]  }
0x29b: {  	v12 =	vadd.f32 v21, v22;
	v26 =	vmul.f32 v26, v40;
	v50 =	vmul.f32 v37, v40;
	v35 =	vld [tilespmem:s13+$0x830]  }
0x29c: {  	v13 =	vadd.f32 v13, v24;
	v51 =	vmul.f32 v31, v42;
	v52 =	vmul.f32 v39, v42;
	v24 =	vld [tilespmem:s13+$0x840]  }
0x29d: {  	v53 =	vmul.f32 v30, v27;
	v23 =	vmul.f32 v41, v27;
	v31 =	vunpack.i.u.bf16.f32 v32;
	v39 =	vld [tilespmem:s13+$0x850]  }
0x29e: {  	v54 =	vunpack.i.l.bf16.f32 v32;
	v34 =	vunpack.i.u.bf16.f32 v15;
	v40 =	vunpack.i.l.bf16.f32 v15;
	v15 =	vld [tilespmem:s13+$0x860]  }
0x29f: {  	v21 =	vadd.f32 v19, v25;
	v44 =	vld.msk [tilespmem:s10+$0x80 ss:$0x0], $0xffff;
	v32 =	vunpack.i.u.bf16.f32 v17;
	v41 =	vunpack.i.l.bf16.f32 v17  }
0x2a0: {  	v22 =	vadd.f32 v29, v28;
	v45 =	vld.msk [tilespmem:s10+$0x81 ss:$0x0], $0xffff;
	v29 =	vunpack.i.u.bf16.f32 v35;
	v37 =	vunpack.i.l.bf16.f32 v35  }
.Ltmp13:
0x2a1: {  	v25 =	vadd.f32 v33, v18;
	v43 =	vld.msk [tilespmem:s10+$0x82 ss:$0x0], $0xffff;
	v28 =	vunpack.i.u.bf16.f32 v24;
	v35 =	vunpack.i.l.bf16.f32 v24;
	(pc) =	sbr.rel @p2 .LBB2_15-.Ltmp13, $4  }
0x2a2: {  	v19 =	vadd.f32 v38, v20;
	v42 =	vld.msk [tilespmem:s10+$0x83 ss:$0x0], $0xffff;
	v27 =	vunpack.i.u.bf16.f32 v39;
	v33 =	vunpack.i.l.bf16.f32 v39  }
0x2a3: {  	v24 =	vadd.f32 v26, v46;
	v39 =	vld.msk [tilespmem:s10+$0x84 ss:$0x0], $0xffff;
	v26 =	vunpack.i.u.bf16.f32 v15;
	v30 =	vunpack.i.l.bf16.f32 v15  }
0x2a4: {  	v20 =	vadd.f32 v50, v47;
	v18 =	vadd.f32 v51, v36;
	v38 =	vld.msk [tilespmem:s10+$0x85 ss:$0x0], $0xffff  }
0x2a5: {  	s13 =	sadd.s32 $0x80, s13;
	v17 =	vadd.f32 v52, v48;
	v15 =	vadd.f32 v53, v49;
	v46 =	vmul.f32 v54, v44;
	v36 =	vld.msk [tilespmem:s10+$0x86 ss:$0x0], $0xffff  }
0x2a6: {  	v31 =	vmul.f32 v31, v44  }
0x2a7: {  	v40 =	vmul.f32 v40, v45;
	v14 =	vadd.f32 v46, v14  }
0x2a8: {  	v34 =	vmul.f32 v34, v45;
	v16 =	vadd.f32 v31, v16  }
0x2a9: {  	v50 =	vmul.f32 v41, v43;
	v12 =	vadd.f32 v40, v12;
	[tilespmem:s9+$0xFFFFFF80] =	vst v14  }
0x2aa: {  	v51 =	vmul.f32 v32, v43;
	v13 =	vadd.f32 v34, v13;
	[tilespmem:s11+$0xFFFFFF90] =	vst v16  }
0x2ab: {  	v54 =	vmul.f32 v29, v42;
	v53 =	vadd.f32 v50, v21;
	[tilespmem:s11+$0xFFFFFFA0] =	vst v12  }
0x2ac: {  	v52 =	vmul.f32 v37, v42;
	v55 =	vadd.f32 v51, v22;
	[tilespmem:s11+$0xFFFFFFB0] =	vst v13  }
0x2ad: {  	v56 =	vmul.f32 v35, v39;
	v58 =	vadd.f32 v54, v19;
	[tilespmem:s11+$0xFFFFFFC0] =	vst v53  }
0x2ae: {  	v57 =	vmul.f32 v28, v39;
	v16 =	vadd.f32 v52, v25;
	[tilespmem:s11+$0xFFFFFFD0] =	vst v55  }
0x2af: {  	v59 =	vmul.f32 v33, v38;
	v14 =	vadd.f32 v56, v24;
	[tilespmem:s11+$0xFFFFFFF0] =	vst v58  }
0x2b0: {  	v60 =	vmul.f32 v27, v38;
	v12 =	vadd.f32 v57, v20;
	[tilespmem:s11+$0xFFFFFFE0] =	vst v16  }
0x2b1: {  	v61 =	vmul.f32 v30, v36;
	v18 =	vadd.f32 v59, v18;
	[tilespmem:s11+$0x0] =	vst v14  }
.Ltmp14:
0x2b2: {  	v11 =	vadd.f32 v23, v11;
	v62 =	vmul.f32 v26, v36;
	v63 =	vadd.f32 v60, v17;
	[tilespmem:s11+$0x10] =	vst v12;
	(pc) =	sbr.rel @p1 .LBB2_24-.Ltmp14, $4  }
0x2b3: {  	v13 =	vadd.f32 v61, v15;
	[tilespmem:s11+$0x20] =	vst v18  }
0x2b4: {  	v11 =	vadd.f32 v62, v11;
	[tilespmem:s11+$0x30] =	vst v63  }
0x2b5: {  	[tilespmem:s11+$0x40] =	vst v13  }
0x2b6: {  	[tilespmem:s11+$0x50] =	vst v11  }
0x2b7: {  	s8 =	sadd.s32 $0x2, s0  }
0x2b8: {  	p1 =	sgt.u32 s8, s5  }
.Ltmp15:
0x2b9: {  	_ = 	snop;
	(pc) =	sbr.rel @p1 .LBB2_21-.Ltmp15, $1  }
0x2ba: {  	_ =	sdelay $0x3  }
0x2bb: {  	v11 =	vld [tilespmem:s4+$0xFFFFFF80]  }
0x2bc: {  	v12 =	vld [tilespmem:s6+$0xFFFFFF80]  }
0x2bd: {  	s0 =	simm.s32 $0x2090;
	v13 =	vld [tilespmem:s6+$0xFFFFFF70]  }
0x2be: {  	v14 =	vld [tilespmem:s0+$0xFFFFFF80]  }
0x2bf: {  	v15 =	vld [tilespmem:s4+$0xFFFFFF70];
	_ =	sdelay $0x1  }
0x2c0: {  	v16 =	vld [tilespmem:s0+$0xFFFFFF70];
	v11 =	vsub.f32 v11, v12;
	_ =	sdelay $0x1  }
0x2c1: {  	v11 =	vadd.f32 v14, v11  }
0x2c2: {  	v12 =	vld [tilespmem:s4+$0xFFFFFFF0];
	v13 =	vsub.f32 v15, v13  }
0x2c3: {  	v14 =	vld [tilespmem:s6+$0xFFFFFFF0];
	v11 =	vadd.f32 $1.000000000e+00, v11  }
0x2c4: {  	v13 =	vadd.f32 v16, v13  }
0x2c5: {  	v15 =	vld [tilespmem:s0+$0xFFFFFFF0];
	v16 =	vand.u32 $0x7FFFFFFF, v11  }
0x2c6: {  	v13 =	vadd.f32 $1.000000000e+00, v13;
	v17 =	vmul.f32 v16, v5  }
0x2c7: {  	v18 =	vld [tilespmem:s4+$0x0]  }
0x2c8: {  	v19 =	vld [tilespmem:s6+$0x0];
	v12 =	vsub.f32 v12, v14;
	v14 =	vand.u32 $0x7FFFFFFF, v13;
	v17 =	vfloor.f32 v17  }
0x2c9: {  	v20 =	vmul.f32 v14, v5;
	v17 =	vadd.f32 v17, v17  }
0x2ca: {  	v12 =	vadd.f32 v15, v12;
	v15 =	vld [tilespmem:s0+$0x0]  }
0x2cb: {  	v20 =	vfloor.f32 v20;
	v16 =	vsub.f32 v16, v17  }
0x2cc: {  	v12 =	vadd.f32 $1.000000000e+00, v12;
	v17 =	vadd.f32 v20, v20  }
0x2cd: {  	v18 =	vsub.f32 v18, v19;
	v11 =	vand.u32 $0x80000000, v11;
	vm0 =	veq.f32 v16, $2.000000000e+00  }
0x2ce: {  	v12 =	vmul.f32 $6.400000000e+01, v12;
	v14 =	vsub.f32 v14, v17;
	v16 =	vsel vm0, $0x0, v16  }
0x2cf: {  	v13 =	vand.u32 $0x80000000, v13;
	v15 =	vadd.f32 v15, v18;
	v16 =	vand.u32 $0x7FFFFFFF, v16  }
0x2d0: {  	v12 =	vadd.f32 $-1.000000000e+00, v12;
	vm0 =	veq.f32 v14, $2.000000000e+00;
	v11 =	vor.u32 v11, v16  }
0x2d1: {  	v15 =	vadd.f32 $1.000000000e+00, v15;
	v14 =	vsel vm0, $0x0, v14;
	v16 =	vadd.f32 $2.000000000e+00, v11  }
0x2d2: {  	v12 =	vmul.f32 $5.000000000e-01, v12;
	v14 =	vand.u32 $0x7FFFFFFF, v14;
	vm0 =	vlt.f32 v11, $0.0e+00  }
0x2d3: {  	s8 =	sshll.u32 s8, $0xC;
	v15 =	vmul.f32 $6.400000000e+01, v15;
	v13 =	vor.u32 v13, v14;
	v14 =	vsel vm0, v16, v11  }
0x2d4: {  	s8 =	sadd.s32 s31, s8;
	v12 =	vmax.f32 v12, $-4.000000000e+00;
	v16 =	vadd.f32 $2.000000000e+00, v13;
	v14 =	vadd.f32 $-1.000000000e+00, v14  }
0x2d5: {  	v11 =	vmov s8;
	vm0 =	vlt.f32 v13, $0.0e+00;
	v15 =	vadd.f32 $-1.000000000e+00, v15  }
0x2d6: {  	v22 =	vmin.f32 v12, $6.800000000e+01;
	v12 =	vsel vm0, v16, v13;
	v13 =	vadd.f32 $1.000000000e+00, v14  }
0x2d7: {  	v15 =	vmul.f32 $5.000000000e-01, v15;
	v14 =	vtrunc.f32 v22;
	v12 =	vadd.f32 $-1.000000000e+00, v12  }
0x2d8: {  	v16 =	vcvt.f32.s32 v14;
	vm0 =	vlt.f32 v22, v14;
	v14 =	vmul.f32 $6.400000000e+01, v13  }
0x2d9: {  	v15 =	vmax.f32 v15, $-4.000000000e+00;
	v12 =	vadd.f32 $1.000000000e+00, v12;
	v13 =	vsel vm0, $0xFFFFFFFF, v7  }
0x2da: {  	v15 =	vmin.f32 v15, $6.800000000e+01;
	v13 =	vadd.s32 v16, v13;
	v14 =	vadd.f32 $-1.000000000e+00, v14  }
0x2db: {  	v17 =	vtrunc.f32 v15;
	v16 =	vmul.f32 $6.400000000e+01, v12;
	v12 =	vadd.s32 $0x1, v13  }
0x2dc: {  	v18 =	vcvt.f32.s32 v17;
	vm0 =	vlt.f32 v15, v17;
	v14 =	vmul.f32 $5.000000000e-01, v14  }
0x2dd: {  	v23 =	vcvt.s32.f32 v13;
	v17 =	vadd.f32 $-1.000000000e+00, v16;
	v16 =	vsel vm0, $0xFFFFFFFF, v7  }
0x2de: {  	vm0 =	vgt.s32 v12, $0x0;
	v18 =	vadd.s32 v18, v16;
	v19 =	vtrunc.f32 v14  }
0x2df: {  	vm1 =	vlt.u32 v18, $0x40;
	v16 =	vcvt.f32.s32 v19;
	v19 =	vcvt.s32.f32 v18  }
0x2e0: {  	vm2 =	vlt.f32 v14, $0.0e+00;
	vm3 =	vgt.s32 v18, $0x0;
	v24 =	vadd.s32 $0x1, v18  }
0x2e1: {  	v21 =	vsel vm2, $0xFFFFFFFF, v16;
	v16 =	vsub.f32 v15, v19;
	v15 =	vnsel vm3, $0x0, v18  }
0x2e2: {  	vm2 =	vgt.s32 v24, $0x0;
	v18 =	vcvt.s32.f32 v21;
	v15 =	vmin.u32 v15, $0x3F  }
0x2e3: {  	v20 =	vnsel vm2, $0x0, v24;
	vm2 =	vlt.s32 v21, $0x0;
	vm3 =	vlt.s32 v21, $0x3F  }
0x2e4: {  	v19 =	vsub.f32 $1.000000000e+00, v16;
	v15 =	vshll.u32 v15, $0x6;
	v14 =	vsub.f32 v14, v18  }
0x2e5: {  	v25 =	vmin.u32 v20, $0x3F;
	v20 =	vsel vm2, $0x0, v21;
	v15 =	vor.u32 v11, v15  }
0x2e6: {  	v26 =	vnsel vm1, $0x0, v19;
	vm1 =	vgt.u32 v21, $0x3E;
	v27 =	vsub.f32 $1.000000000e+00, v14  }
0x2e7: {  	s9 =	simm.s32 $0x2200;
	v19 =	vsel vm3, $0x1, v7;
	v15 =	vadd.s32 v20, v15;
	v18 =	vsel vm1, $0x0, v14  }
0x2e8: {  	[tilespmem:s9+$0xFFFFFF10] =	vst v15;
	v15 =	vadd.s32 v19, v15;
	v63 =	vmul.f32 v18, v26;
	v14 =	vsel vm2, v14, v27  }
0x2e9: {  	s10 =	simm.s32 $0x2600;
	v17 =	vmul.f32 $5.000000000e-01, v17;
	v25 =	vshll.u32 v25, $0x6;
	[tilespmem:s9+$0x10] =	vst v15;
	v21 =	vmul.f32 v14, v26  }
0x2ea: {  	s11 =	simm.s32 $0x0;
	s12 =	sadd.s32 $0x20, s4;
	s8 =	smov.u32 s6;
	vm1 =	vlt.u32 v24, $0x40;
	v15 =	vsub.f32 v22, v23;
	v22 =	vor.u32 v11, v25;
	[tilespmem:s10+$0xFFFFFF90] =	vst v63  }
.LBB2_19:
0x2eb: {  	v23 =	vld [tilespmem:s12+$0xFFFFFF80];
	v24 =	vtrunc.f32 v17;
	[tilespmem:s10+$0xFFFFFF10] =	vst v21;
	v16 =	vnsel vm1, $0x0, v16;
	v20 =	vadd.s32 v20, v22;
	s8 =	sadd.s32 $0x20, s8  }
0x2ec: {  	v21 =	vld [tilespmem:s8+$0xFFFFFF80];
	v22 =	vcvt.f32.s32 v24;
	[tilespmem:s9+$0xFFFFFF90] =	vst v20;
	v19 =	vadd.s32 v19, v20;
	v18 =	vmul.f32 v18, v16  }
0x2ed: {  	vm1 =	vlt.f32 v17, $0.0e+00;
	vm2 =	vgt.s32 v13, $0x0;
	s0 =	sadd.s32 $0x20, s0;
	v24 =	vnsel vm0, $0x0, v12;
	v20 =	vld [tilespmem:s8+$0xFFFFFF70];
	[tilespmem:s9+$0x90] =	vst v19  }
0x2ee: {  	v25 =	vsub.f32 $1.000000000e+00, v15;
	v26 =	vnsel vm2, $0x0, v13;
	v19 =	vld [tilespmem:s0+$0xFFFFFF80];
	v22 =	vsel vm1, $0xFFFFFFFF, v22;
	[tilespmem:s10+$0x90] =	vst v18  }
0x2ef: {  	s11 =	sadd.s32 $0x2, s11;
	v26 =	vmin.u32 v26, $0x3F;
	v24 =	vmin.u32 v24, $0x3F;
	v18 =	vld [tilespmem:s12+$0xFFFFFF70];
	v27 =	vcvt.s32.f32 v22  }
0x2f0: {  	p1 =	slt.u32 s11, $0x6;
	v24 =	vshll.u32 v24, $0x6;
	vm1 =	vlt.s32 v22, $0x0;
	vm0 =	vgt.u32 v22, $0x3E;
	v28 =	vld [tilespmem:s0+$0xFFFFFF70]  }
0x2f1: {  	v29 =	vld [tilespmem:s12+$0xFFFFFFF0];
	v21 =	vsub.f32 v23, v21;
	v17 =	vsub.f32 v17, v27;
	v23 =	vshll.u32 v26, $0x6  }
0x2f2: {  	vm3 =	vlt.u32 v12, $0x40;
	vm2 =	vlt.u32 v13, $0x40;
	v27 =	vsel vm1, $0x0, v22;
	v26 =	vld [tilespmem:s8+$0xFFFFFFF0]  }
0x2f3: {  	v12 =	vld [tilespmem:s0+$0xFFFFFFF0];
	v13 =	vadd.f32 v19, v21;
	v19 =	vsub.f32 $1.000000000e+00, v17;
	v21 =	vsel vm0, $0x0, v17  }
0x2f4: {  	vm0 =	vlt.s32 v22, $0x3F;
	v18 =	vsub.f32 v18, v20;
	v20 =	vnsel vm2, $0x0, v25  }
0x2f5: {  	v13 =	vadd.f32 $1.000000000e+00, v13;
	v17 =	vsel vm1, v17, v19;
	v19 =	vor.u32 v11, v24  }
0x2f6: {  	v15 =	vnsel vm3, $0x0, v15;
	v22 =	vor.u32 v11, v23;
	v18 =	vadd.f32 v28, v18  }
0x2f7: {  	v25 =	vmul.f32 v17, v20;
	v23 =	vsub.f32 v29, v26;
	v24 =	vand.u32 $0x7FFFFFFF, v13  }
0x2f8: {  	v17 =	vmul.f32 v17, v15;
	v18 =	vadd.f32 $1.000000000e+00, v18;
	v26 =	vmul.f32 v24, v5  }
0x2f9: {  	v14 =	vmul.f32 v14, v16;
	v20 =	vmul.f32 v21, v20;
	v12 =	vadd.f32 v12, v23;
	v23 =	vld [tilespmem:s12+$0x0]  }
0x2fa: {  	v16 =	vand.u32 $0x7FFFFFFF, v18;
	v18 =	vand.u32 $0x80000000, v18;
	v28 =	vld [tilespmem:s8+$0x0];
	v26 =	vfloor.f32 v26  }
0x2fb: {  	v29 =	vmul.f32 v16, v5;
	v12 =	vadd.f32 $1.000000000e+00, v12;
	v26 =	vadd.f32 v26, v26;
	[tilespmem:s10+$0x10] =	vst v14  }
0x2fc: {  	v22 =	vadd.s32 v27, v22;
	v19 =	vadd.s32 v27, v19;
	v15 =	vmul.f32 v21, v15;
	v14 =	vld [tilespmem:s0+$0x0]  }
0x2fd: {  	v21 =	vfloor.f32 v29;
	v12 =	vmul.f32 $6.400000000e+01, v12;
	v24 =	vsub.f32 v24, v26;
	[tilespmem:s9+$0xFFFFFF00] =	vst v22  }
0x2fe: {  	v26 =	vsel vm0, $0x1, v7;
	v21 =	vadd.f32 v21, v21  }
0x2ff: {  	v12 =	vadd.f32 $-1.000000000e+00, v12;
	v23 =	vsub.f32 v23, v28;
	vm0 =	veq.f32 v24, $2.000000000e+00  }
0x300: {  	v22 =	vadd.s32 v26, v22;
	v16 =	vsub.f32 v16, v21;
	v21 =	vsel vm0, $0x0, v24  }
0x301: {  	v13 =	vand.u32 $0x80000000, v13;
	v21 =	vand.u32 $0x7FFFFFFF, v21;
	v14 =	vadd.f32 v14, v23;
	[tilespmem:s9+$0x0] =	vst v22  }
0x302: {  	v12 =	vmul.f32 $5.000000000e-01, v12;
	vm0 =	veq.f32 v16, $2.000000000e+00;
	v13 =	vor.u32 v13, v21;
	[tilespmem:s10+$0xFFFFFF00] =	vst v25  }
0x303: {  	v16 =	vsel vm0, $0x0, v16;
	v21 =	vadd.f32 $2.000000000e+00, v13;
	v14 =	vadd.f32 $1.000000000e+00, v14;
	[tilespmem:s10+$0xFFFFFF80] =	vst v20  }
0x304: {  	v12 =	vmax.f32 v12, $-4.000000000e+00;
	vm0 =	vlt.f32 v13, $0.0e+00;
	v16 =	vand.u32 $0x7FFFFFFF, v16;
	[tilespmem:s9+$0xFFFFFF80] =	vst v19  }
0x305: {  	v16 =	vor.u32 v18, v16;
	v13 =	vsel vm0, v21, v13;
	v14 =	vmul.f32 $6.400000000e+01, v14  }
0x306: {  	vm0 =	vlt.f32 v16, $0.0e+00;
	v18 =	vadd.f32 $2.000000000e+00, v16;
	v13 =	vadd.f32 $-1.000000000e+00, v13  }
0x307: {  	v22 =	vmin.f32 v12, $6.800000000e+01;
	v12 =	vadd.f32 $-1.000000000e+00, v14;
	v14 =	vadd.s32 v26, v19  }
0x308: {  	v16 =	vsel vm0, v18, v16;
	v18 =	vtrunc.f32 v22;
	v13 =	vadd.f32 $1.000000000e+00, v13;
	[tilespmem:s9+$0x80] =	vst v14  }
0x309: {  	v14 =	vadd.f32 $-1.000000000e+00, v16;
	v16 =	vcvt.f32.s32 v18;
	v12 =	vmul.f32 $5.000000000e-01, v12;
	[tilespmem:s10+$0x0] =	vst v17  }
0x30a: {  	vm0 =	vlt.f32 v22, v18;
	v17 =	vmul.f32 $6.400000000e+01, v13;
	[tilespmem:s10+$0x80] =	vst v15  }
0x30b: {  	v13 =	vsel vm0, $0xFFFFFFFF, v7;
	v14 =	vadd.f32 $1.000000000e+00, v14;
	v12 =	vmax.f32 v12, $-4.000000000e+00  }
0x30c: {  	v13 =	vadd.s32 v16, v13;
	v15 =	vadd.f32 $-1.000000000e+00, v17;
	v16 =	vmin.f32 v12, $6.800000000e+01  }
0x30d: {  	v12 =	vadd.s32 $0x1, v13;
	v14 =	vmul.f32 $6.400000000e+01, v14;
	v17 =	vtrunc.f32 v16  }
0x30e: {  	v15 =	vmul.f32 $5.000000000e-01, v15;
	v18 =	vcvt.f32.s32 v17;
	vm0 =	vlt.f32 v16, v17  }
0x30f: {  	v23 =	vcvt.s32.f32 v13;
	v17 =	vadd.f32 $-1.000000000e+00, v14;
	v14 =	vsel vm0, $0xFFFFFFFF, v7  }
0x310: {  	vm0 =	vgt.s32 v12, $0x0;
	v19 =	vtrunc.f32 v15;
	v14 =	vadd.s32 v18, v14  }
0x311: {  	v18 =	vcvt.f32.s32 v19;
	v19 =	vcvt.s32.f32 v14;
	vm1 =	vlt.u32 v14, $0x40  }
0x312: {  	vm2 =	vlt.f32 v15, $0.0e+00;
	vm3 =	vgt.s32 v14, $0x0;
	v24 =	vadd.s32 $0x1, v14  }
0x313: {  	v14 =	vnsel vm3, $0x0, v14;
	v18 =	vsel vm2, $0xFFFFFFFF, v18;
	v16 =	vsub.f32 v16, v19  }
0x314: {  	v14 =	vmin.u32 v14, $0x3F;
	vm2 =	vgt.s32 v24, $0x0;
	v19 =	vcvt.s32.f32 v18  }
0x315: {  	v14 =	vshll.u32 v14, $0x6;
	v21 =	vnsel vm2, $0x0, v24;
	v20 =	vsub.f32 $1.000000000e+00, v16  }
0x316: {  	v14 =	vor.u32 v11, v14;
	v25 =	vmin.u32 v21, $0x3F;
	v15 =	vsub.f32 v15, v19  }
0x317: {  	vm2 =	vlt.s32 v18, $0x0;
	vm3 =	vlt.s32 v18, $0x3F;
	v21 =	vnsel vm1, $0x0, v20  }
.Ltmp16:
0x318: {  	v20 =	vsel vm2, $0x0, v18;
	vm1 =	vgt.u32 v18, $0x3E;
	v26 =	vsub.f32 $1.000000000e+00, v15;
	(pc) =	sbr.rel @p1 .LBB2_19-.Ltmp16, $4  }
0x319: {  	s9 =	sadd.s32 $0x20, s9;
	v19 =	vsel vm3, $0x1, v7;
	v18 =	vsel vm1, $0x0, v15;
	v27 =	vadd.s32 v20, v14  }
0x31a: {  	v14 =	vsel vm2, v15, v26;
	[tilespmem:s9+$0xFFFFFF10] =	vst v27;
	v15 =	vadd.s32 v19, v27;
	v26 =	vmul.f32 v18, v21  }
0x31b: {  	s10 =	sadd.s32 $0x20, s10;
	v17 =	vmul.f32 $5.000000000e-01, v17;
	v25 =	vshll.u32 v25, $0x6;
	[tilespmem:s9+$0x10] =	vst v15;
	v21 =	vmul.f32 v14, v21  }
0x31c: {  	s12 =	sadd.s32 $0x20, s12;
	vm1 =	vlt.u32 v24, $0x40;
	v15 =	vsub.f32 v22, v23;
	v22 =	vor.u32 v11, v25;
	[tilespmem:s10+$0xFFFFFF90] =	vst v26  }
0x31d: {  	v23 =	vtrunc.f32 v17;
	vm2 =	vlt.f32 v17, $0.0e+00  }
0x31e: {  	v20 =	vadd.s32 v20, v22;
	v16 =	vnsel vm1, $0x0, v16;
	v23 =	vcvt.f32.s32 v23  }
0x31f: {  	vm11 =	vgt.s32 v13, $0x0;
	v24 =	vnsel vm0, $0x0, v12;
	vm14 =	vlt.u32 v13, $0x40  }
0x320: {  	v19 =	vadd.s32 v19, v20;
	v18 =	vmul.f32 v18, v16;
	v48 =	vsel vm2, $0xFFFFFFFF, v23  }
0x321: {  	v25 =	vsub.f32 $1.000000000e+00, v15;
	v50 =	vnsel vm11, $0x0, v13;
	v23 =	vcvt.s32.f32 v48  }
0x322: {  	[tilespmem:s10+$0xFFFFFF10] =	vst v21;
	v52 =	vmin.u32 v24, $0x3F;
	v55 =	vmul.f32 v14, v16;
	v51 =	vmin.u32 v50, $0x3F  }
0x323: {  	[tilespmem:s9+$0xFFFFFF90] =	vst v20;
	v53 =	vshll.u32 v51, $0x6;
	v57 =	vnsel vm14, $0x0, v25;
	v49 =	vsub.f32 v17, v23  }
0x324: {  	[tilespmem:s9+$0x90] =	vst v19;
	vm12 =	vlt.s32 v48, $0x0;
	vm13 =	vgt.u32 v48, $0x3E;
	vm3 =	vlt.s32 v48, $0x3F  }
0x325: {  	[tilespmem:s10+$0x90] =	vst v18;
	v58 =	vor.u32 v11, v53;
	v54 =	vsel vm12, $0x0, v48;
	v56 =	vsub.f32 $1.000000000e+00, v49  }
0x326: {  	[tilespmem:s10+$0x10] =	vst v55;
	v60 =	vsel vm3, $0x1, v7;
	v59 =	vadd.s32 v54, v58;
	v17 =	vsel vm13, $0x0, v49  }
0x327: {  	[tilespmem:s9+$0xFFFFFF00] =	vst v59;
	v13 =	vadd.s32 v60, v59;
	v16 =	vmul.f32 v17, v57;
	v14 =	vsel vm12, v49, v56  }
0x328: {  	v62 =	vshll.u32 v52, $0x6;
	[tilespmem:s9+$0x0] =	vst v13;
	v61 =	vmul.f32 v14, v57  }
0x329: {  	vm15 =	vlt.u32 v12, $0x40;
	v11 =	vor.u32 v11, v62;
	[tilespmem:s10+$0xFFFFFF80] =	vst v16  }
0x32a: {  	v12 =	vnsel vm15, $0x0, v15;
	v11 =	vadd.s32 v54, v11;
	[tilespmem:s10+$0xFFFFFF00] =	vst v61  }
0x32b: {  	v63 =	vmul.f32 v14, v12;
	[tilespmem:s9+$0xFFFFFF80] =	vst v11;
	v11 =	vadd.s32 v60, v11  }
0x32c: {  	v12 =	vmul.f32 v17, v12;
	[tilespmem:s9+$0x80] =	vst v11  }
0x32d: {  	[tilespmem:s10+$0x0] =	vst v63  }
0x32e: {  	s0 =	simm.s32 $0x2100;
	s8 =	simm.s32 $0x2920;
	[tilespmem:s10+$0x80] =	vst v12  }
0x32f: {  	[tilespmem:s8], [sflag:$0x1] =	stream.indirect.gather [hbm4b:s3+s7], $0x10, s0, s7, $0xb8;
	[tilespmem:$0x7920] =	vst v63  }
0x330: {  	s11 =	simm.s32 $0x2180;
	s12 =	simm.s32 $0x3120  }
0x331: {  	[tilespmem:s12], [sflag:$0x1] =	stream.indirect.gather [hbm4b:s3+s7], $0x10, s11, s7, $0xb8;
	[tilespmem:$0x7920] =	vst v63  }
0x332: {  	s13 =	simm.s32 $0x2200  }
0x333: {  	[tilespmem:s15], [sflag:$0x1] =	stream.indirect.gather [hbm4b:s3+s7], $0x10, s13, s7, $0xb8;
	[tilespmem:$0x7920] =	vst v63  }
0x334: {  	_ = 	snop  }
0x335: {  	[tilespmem:s17], [sflag:$0x1] =	stream.indirect.gather [hbm4b:s3+s7], $0x10, s16, s7, $0xb8;
	[tilespmem:$0x7920] =	vst v63  }
.LBB2_21:
0x336: {  	_ =	swait.ge [sflag:s28], $0x800  }
0x337: {  	[sflag:s28] =	ssyncset.done $0x0  }
0x338: {  	[sflag:s28] =	ssyncadd.s32 $0xFFFFF800  }
0x339: {  	_ =	swait.ge [sflag:s28], $0x800  }
0x33a: {  	[sflag:s28] =	ssyncset.done $0x0  }
0x33b: {  	[sflag:s28] =	ssyncadd.s32 $0xFFFFF800  }
0x33c: {  	_ =	swait.ge [sflag:s28], $0x800  }
0x33d: {  	[sflag:s28] =	ssyncset.done $0x0  }
0x33e: {  	[sflag:s28] =	ssyncadd.s32 $0xFFFFF800  }
0x33f: {  	_ =	swait.ge [sflag:s28], $0x800  }
0x340: {  	[sflag:s28] =	ssyncset.done $0x0  }
0x341: {  	s8 =	simm.s32 $0x5920;
	[sflag:s28] =	ssyncadd.s32 $0xFFFFF800  }
0x342: {  	v12 =	vld [tilespmem:s8+$0xFFFFF870]  }
0x343: {  	s9 =	simm.s32 $0x2810;
	v13 =	vld [tilespmem:s8+$0xFFFFF070]  }
0x344: {  	v14 =	vld.msk [tilespmem:s9+$0xFFFFFF07 ss:$0x0], $0xffff  }
0x345: {  	v15 =	vld [tilespmem:s8+$0x70]  }
0x346: {  	s0 =	simm.s32 $0x69A0;
	v16 =	vld.msk [tilespmem:s9+$0xFFFFFF87 ss:$0x0], $0xffff  }
0x347: {  	v17 =	vld [tilespmem:s0+$0x70]  }
0x348: {  	v18 =	vld.msk [tilespmem:s9+$0x7 ss:$0x0], $0xffff  }
0x349: {  	v19 =	vld [tilespmem:s8+$0x870]  }
0x34a: {  	v20 =	vld.msk [tilespmem:s9+$0x87 ss:$0x0], $0xffff  }
0x34b: {  	v21 =	vld [tilespmem:s8+$0xFFFFF000]  }
0x34c: {  	v22 =	vld [tilespmem:s8+$0xFFFFF010]  }
0x34d: {  	v23 =	vld [tilespmem:s8+$0xFFFFF020]  }
0x34e: {  	v24 =	vld [tilespmem:s8+$0xFFFFF030]  }
0x34f: {  	v25 =	vld [tilespmem:s8+$0xFFFFF040]  }
0x350: {  	v26 =	vld [tilespmem:s8+$0xFFFFF050]  }
0x351: {  	v27 =	vld [tilespmem:s8+$0xFFFFF060]  }
0x352: {  	v28 =	vld.msk [tilespmem:s9+$0xFFFFFF00 ss:$0x0], $0xffff  }
0x353: {  	v29 =	vld.msk [tilespmem:s9+$0xFFFFFF01 ss:$0x0], $0xffff  }
0x354: {  	v30 =	vld.msk [tilespmem:s9+$0xFFFFFF02 ss:$0x0], $0xffff  }
0x355: {  	v31 =	vld.msk [tilespmem:s9+$0xFFFFFF03 ss:$0x0], $0xffff  }
0x356: {  	v32 =	vld.msk [tilespmem:s9+$0xFFFFFF04 ss:$0x0], $0xffff  }
0x357: {  	v33 =	vld.msk [tilespmem:s9+$0xFFFFFF05 ss:$0x0], $0xffff  }
0x358: {  	v34 =	vld.msk [tilespmem:s9+$0xFFFFFF06 ss:$0x0], $0xffff  }
0x359: {  	v11 =	vld [tilespmem:s8+$0x0]  }
0x35a: {  	v36 =	vld [tilespmem:s8+$0x10]  }
0x35b: {  	v37 =	vld [tilespmem:s8+$0x20]  }
0x35c: {  	v40 =	vld [tilespmem:s8+$0x30];
	v35 =	vunpack.i.u.bf16.f32 v13;
	v38 =	vunpack.i.l.bf16.f32 v12  }
0x35d: {  	v41 =	vld.msk [tilespmem:s9+$0xFFFFFF80 ss:$0x0], $0xffff;
	v13 =	vunpack.i.l.bf16.f32 v13;
	v39 =	vunpack.i.u.bf16.f32 v15;
	v15 =	vunpack.i.l.bf16.f32 v15  }
0x35e: {  	v61 =	vld.msk [tilespmem:s9+$0xFFFFFF81 ss:$0x0], $0xffff;
	v59 =	vunpack.i.u.bf16.f32 v19;
	v19 =	vunpack.i.l.bf16.f32 v19;
	v60 =	vunpack.i.u.bf16.f32 v21  }
0x35f: {  	v44 =	vld.msk [tilespmem:s9+$0xFFFFFF82 ss:$0x0], $0xffff;
	v21 =	vunpack.i.l.bf16.f32 v21;
	v42 =	vunpack.i.u.bf16.f32 v22;
	v22 =	vunpack.i.l.bf16.f32 v22  }
0x360: {  	v46 =	vld.msk [tilespmem:s9+$0xFFFFFF83 ss:$0x0], $0xffff;
	v43 =	vunpack.i.u.bf16.f32 v23;
	v23 =	vunpack.i.l.bf16.f32 v23;
	v45 =	vunpack.i.u.bf16.f32 v24  }
0x361: {  	v47 =	vld.msk [tilespmem:s9+$0xFFFFFF84 ss:$0x0], $0xffff;
	v24 =	vunpack.i.l.bf16.f32 v24;
	v48 =	vunpack.i.u.bf16.f32 v26;
	v35 =	vmul.f32 v35, v14  }
0x362: {  	v62 =	vld [tilespmem:s0+$0xFFFFFF90];
	v26 =	vunpack.i.l.bf16.f32 v26;
	v58 =	vmul.f32 v39, v16;
	v14 =	vmul.f32 v13, v14  }
0x363: {  	v63 =	vld [tilespmem:s0+$0xFFFFFFA0];
	v13 =	vmul.f32 v15, v16;
	v15 =	vunpack.i.u.bf16.f32 v12;
	v12 =	vmul.f32 v38, v18  }
0x364: {  	v50 =	vld [tilespmem:s0+$0xFFFFFFC0];
	v49 =	vunpack.i.u.bf16.f32 v27;
	v19 =	vmul.f32 v19, v20;
	v21 =	vmul.f32 v21, v28  }
0x365: {  	v51 =	vld [tilespmem:s0+$0xFFFFFFD0];
	v27 =	vunpack.i.l.bf16.f32 v27;
	v28 =	vmul.f32 v60, v28;
	v22 =	vmul.f32 v22, v29  }
0x366: {  	v53 =	vld [tilespmem:s0+$0x30];
	v56 =	vunpack.i.u.bf16.f32 v11;
	v29 =	vmul.f32 v42, v29;
	v23 =	vmul.f32 v23, v30  }
0x367: {  	v55 =	vld [tilespmem:s0+$0x40];
	v57 =	vunpack.i.u.bf16.f32 v36;
	v30 =	vmul.f32 v43, v30;
	v24 =	vmul.f32 v24, v31  }
0x368: {  	v36 =	vunpack.i.l.bf16.f32 v36;
	v39 =	vld [tilespmem:s8+$0x40];
	v31 =	vmul.f32 v45, v31;
	v26 =	vmul.f32 v26, v33  }
0x369: {  	v52 =	vunpack.i.u.bf16.f32 v37;
	v16 =	vld [tilespmem:s8+$0x50];
	v33 =	vmul.f32 v48, v33;
	v27 =	vmul.f32 v27, v34  }
0x36a: {  	v37 =	vunpack.i.l.bf16.f32 v37;
	v38 =	vld.msk [tilespmem:s9+$0xFFFFFF85 ss:$0x0], $0xffff;
	v34 =	vmul.f32 v49, v34;
	v36 =	vmul.f32 v36, v61  }
0x36b: {  	v11 =	vunpack.i.l.bf16.f32 v11;
	v42 =	vld.msk [tilespmem:s9+$0xFFFFFF86 ss:$0x0], $0xffff;
	v48 =	vmul.f32 v56, v41;
	v60 =	vmul.f32 v52, v44  }
0x36c: {  	v56 =	vld [tilespmem:s0+$0x60];
	v15 =	vmul.f32 v15, v18;
	v17 =	vadd.f32 v35, v17;
	v35 =	vmul.f32 v57, v61  }
0x36d: {  	v52 =	vld [tilespmem:s0+$0x20];
	v28 =	vadd.f32 v28, v62;
	v22 =	vadd.f32 v22, v63;
	v62 =	vunpack.i.l.bf16.f32 v40  }
0x36e: {  	v18 =	vld [tilespmem:s8+$0x60];
	v40 =	vunpack.i.u.bf16.f32 v40;
	v23 =	vadd.f32 v23, v50;
	v30 =	vadd.f32 v30, v51  }
0x36f: {  	v61 =	vld [tilespmem:s0+$0x0];
	v45 =	vmul.f32 v62, v46;
	v17 =	vadd.f32 v58, v17;
	v28 =	vadd.f32 v48, v28  }
0x370: {  	v40 =	vmul.f32 v40, v46;
	v58 =	vld [tilespmem:s0+$0xFFFFFFE0];
	v22 =	vadd.f32 v36, v22;
	v30 =	vadd.f32 v60, v30  }
0x371: {  	v63 =	vld [tilespmem:s0+$0x10];
	v54 =	vunpack.i.u.bf16.f32 v39;
	v39 =	vunpack.i.l.bf16.f32 v39;
	v14 =	vadd.f32 v14, v56  }
0x372: {  	v62 =	vld [tilespmem:s8+$0xFFFFF830];
	v15 =	vadd.f32 v15, v17;
	v17 =	vmul.f32 v59, v20;
	v20 =	vunpack.i.u.bf16.f32 v25  }
0x373: {  	v25 =	vunpack.i.l.bf16.f32 v25;
	v59 =	vld [tilespmem:s0+$0xFFFFFFF0];
	v57 =	vunpack.i.u.bf16.f32 v18;
	v18 =	vunpack.i.l.bf16.f32 v18  }
0x374: {  	v25 =	vmul.f32 v25, v32;
	v20 =	vmul.f32 v20, v32;
	v32 =	vld [tilespmem:s0+$0xFFFFFFB0];
	v13 =	vadd.f32 v13, v14  }
0x375: {  	v56 =	vld.msk [tilespmem:s9+$0x5 ss:$0x0], $0xffff;
	v39 =	vmul.f32 v39, v47;
	v15 =	vadd.f32 v17, v15;
	v24 =	vadd.f32 v24, v58  }
0x376: {  	v14 =	vld.msk [tilespmem:s9+$0x1 ss:$0x0], $0xffff;
	v17 =	vmul.f32 v37, v44;
	v25 =	vadd.f32 v25, v61;
	v20 =	vadd.f32 v20, v63  }
0x377: {  	v60 =	vmul.f32 v54, v47;
	v58 =	vld [tilespmem:s0+$0xFFFFFF80];
	v61 =	vadd.f32 v33, v53;
	v12 =	vadd.f32 v12, v13  }
0x378: {  	v18 =	vmul.f32 v18, v42;
	v13 =	vld.msk [tilespmem:s9+$0x3 ss:$0x0], $0xffff;
	v17 =	vadd.f32 v17, v23;
	v31 =	vadd.f32 v31, v59  }
0x379: {  	v53 =	vunpack.i.u.bf16.f32 v62;
	v23 =	vld [tilespmem:s0+$0x50];
	v24 =	vadd.f32 v45, v24;
	v29 =	vadd.f32 v29, v32  }
0x37a: {  	v33 =	vunpack.i.l.bf16.f32 v62;
	v59 =	vld [tilespmem:s8+$0xFFFFF800];
	v39 =	vadd.f32 v39, v25;
	v25 =	vadd.f32 v26, v52  }
0x37b: {  	[tilespmem:s0+$0x70] =	vst v15;
	v26 =	vld [tilespmem:s8+$0xFFFFF820];
	v15 =	vadd.f32 v35, v29;
	v29 =	vunpack.i.u.bf16.f32 v16;
	v16 =	vunpack.i.l.bf16.f32 v16  }
0x37c: {  	v20 =	vadd.f32 v60, v20;
	v45 =	vld.msk [tilespmem:s9+$0x2 ss:$0x0], $0xffff;
	v49 =	vadd.f32 v19, v12;
	v16 =	vmul.f32 v16, v38  }
0x37d: {  	v46 =	vadd.f32 v40, v31;
	v31 =	vld [tilespmem:s8+$0xFFFFF810];
	v21 =	vadd.f32 v21, v58;
	v29 =	vmul.f32 v29, v38  }
0x37e: {  	v33 =	vmul.f32 v33, v13;
	v23 =	vadd.f32 v34, v23;
	v36 =	vadd.f32 v16, v25;
	v25 =	vld [tilespmem:s8+$0xFFFFF840]  }
0x37f: {  	v60 =	vmul.f32 v53, v13;
	v16 =	vadd.f32 v27, v55;
	v47 =	vadd.f32 v29, v61;
	v29 =	vld [tilespmem:s8+$0xFFFFF850]  }
0x380: {  	v63 =	vunpack.i.l.bf16.f32 v59;
	v52 =	vunpack.i.u.bf16.f32 v26;
	v27 =	vmul.f32 v57, v42;
	v55 =	vld.msk [tilespmem:s9+$0x4 ss:$0x0], $0xffff  }
0x381: {  	v26 =	vunpack.i.l.bf16.f32 v26;
	v61 =	vld [tilespmem:s8+$0x830];
	v48 =	vadd.f32 v18, v16;
	v18 =	vmul.f32 v11, v41  }
0x382: {  	v26 =	vmul.f32 v26, v45;
	v35 =	vmul.f32 v52, v45;
	v16 =	vld [tilespmem:s8+$0xFFFFF860];
	v11 =	vadd.f32 v27, v23  }
0x383: {  	v23 =	vld.msk [tilespmem:s9+$0x0 ss:$0x0], $0xffff;
	v27 =	vunpack.i.u.bf16.f32 v59;
	v18 =	vadd.f32 v18, v21;
	v21 =	vunpack.i.u.bf16.f32 v31  }
0x384: {  	v31 =	vunpack.i.l.bf16.f32 v31;
	v54 =	vunpack.i.u.bf16.f32 v25;
	v25 =	vunpack.i.l.bf16.f32 v25  }
0x385: {  	v44 =	vld.msk [tilespmem:s9+$0x80 ss:$0x0], $0xffff;
	v19 =	vunpack.i.u.bf16.f32 v29;
	v29 =	vunpack.i.l.bf16.f32 v29;
	v21 =	vmul.f32 v21, v14  }
0x386: {  	v58 =	vld.msk [tilespmem:s9+$0x6 ss:$0x0], $0xffff;
	v37 =	vunpack.i.l.bf16.f32 v61;
	v62 =	vmul.f32 v25, v55;
	v38 =	vmul.f32 v54, v55  }
0x387: {  	v53 =	vmul.f32 v19, v56;
	v54 =	vld [tilespmem:s8+$0x850];
	v25 =	vadd.f32 v33, v24;
	v57 =	vunpack.i.u.bf16.f32 v16  }
0x388: {  	v12 =	vmul.f32 v63, v23;
	v59 =	vunpack.i.l.bf16.f32 v16;
	v16 =	vmul.f32 v27, v23;
	v27 =	vld [tilespmem:s8+$0x800]  }
0x389: {  	v19 =	vadd.f32 v60, v46;
	v23 =	vmul.f32 v31, v14;
	v13 =	vadd.f32 v21, v15;
	v15 =	vld [tilespmem:s8+$0x840]  }
0x38a: {  	v63 =	vmul.f32 v29, v56;
	v21 =	vadd.f32 v26, v17;
	v14 =	vadd.f32 v12, v18;
	v18 =	vld [tilespmem:s8+$0x810]  }
0x38b: {  	v29 =	vunpack.i.u.bf16.f32 v61;
	v24 =	vadd.f32 v62, v39;
	v16 =	vadd.f32 v16, v28;
	v28 =	vld [tilespmem:s8+$0x820]  }
0x38c: {  	v20 =	vadd.f32 v38, v20;
	v12 =	vadd.f32 v23, v22;
	v23 =	vmul.f32 v57, v58;
	v57 =	vld [tilespmem:s8+$0x860]  }
0x38d: {  	v43 =	vld.msk [tilespmem:s9+$0x82 ss:$0x0], $0xffff;
	v55 =	vmul.f32 v59, v58;
	v17 =	vadd.f32 v53, v47;
	v22 =	vadd.f32 v35, v30  }
0x38e: {  	v45 =	vld.msk [tilespmem:s9+$0x81 ss:$0x0], $0xffff;
	v33 =	vunpack.i.l.bf16.f32 v54;
	v31 =	vunpack.i.u.bf16.f32 v27;
	v56 =	vunpack.i.l.bf16.f32 v27  }
0x38f: {  	v42 =	vld.msk [tilespmem:s9+$0x83 ss:$0x0], $0xffff;
	v35 =	vunpack.i.l.bf16.f32 v15;
	v27 =	vunpack.i.u.bf16.f32 v54;
	v46 =	vmul.f32 v56, v44  }
0x390: {  	v39 =	vld.msk [tilespmem:s9+$0x84 ss:$0x0], $0xffff;
	v34 =	vunpack.i.u.bf16.f32 v18;
	v40 =	vunpack.i.l.bf16.f32 v18;
	v32 =	vunpack.i.u.bf16.f32 v28  }
0x391: {  	v38 =	vld.msk [tilespmem:s9+$0x85 ss:$0x0], $0xffff;
	v41 =	vunpack.i.l.bf16.f32 v28;
	v28 =	vunpack.i.u.bf16.f32 v15;
	v26 =	vunpack.i.u.bf16.f32 v57  }
0x392: {  	s11 =	simm.s32 $0x0;
	s12 =	simm.s32 $0x59A0;
	s10 =	simm.s32 $0x69A0;
	[tilespmem:s0+$0x60] =	vst v49;
	v30 =	vunpack.i.l.bf16.f32 v57;
	v18 =	vadd.f32 v63, v36;
	v15 =	vadd.f32 v55, v48;
	v36 =	vld.msk [tilespmem:s9+$0x86 ss:$0x0], $0xffff  }
.LBB2_22:
0x393: {  	v47 =	vld [tilespmem:s12+$0xFFFFF870];
	v31 =	vmul.f32 v31, v44;
	v40 =	vmul.f32 v40, v45;
	v23 =	vadd.f32 v23, v11  }
0x394: {  	v34 =	vmul.f32 v34, v45;
	v41 =	vmul.f32 v41, v43;
	s9 =	sadd.s32 $0x8, s9;
	v11 =	vld [tilespmem:s12+$0xFFFFF070];
	v14 =	vadd.f32 v46, v14  }
0x395: {  	s11 =	sadd.s32 $0x8, s11;
	v44 =	vld.msk [tilespmem:s9+$0xFFFFFF07 ss:$0x0], $0xffff;
	v16 =	vadd.f32 v31, v16;
	v31 =	vmul.f32 v32, v43;
	v32 =	vmul.f32 v37, v42  }
0x396: {  	p1 =	slt.u32 s11, $0x78;
	v12 =	vadd.f32 v40, v12;
	v37 =	vld [tilespmem:s12+$0x70];
	[tilespmem:s0+$0xFFFFFF80] =	vst v14;
	v14 =	vmul.f32 v29, v42;
	v29 =	vmul.f32 v35, v39  }
0x397: {  	v13 =	vadd.f32 v34, v13;
	s0 =	sadd.s32 $0x100, s0;
	v35 =	vld.msk [tilespmem:s9+$0xFFFFFF87 ss:$0x0], $0xffff;
	[tilespmem:s10+$0xFFFFFF90] =	vst v16;
	v16 =	vmul.f32 v28, v39;
	v28 =	vmul.f32 v33, v38  }
0x398: {  	v27 =	vmul.f32 v27, v38;
	v30 =	vmul.f32 v30, v36;
	v33 =	vld [tilespmem:s0+$0x70];
	v34 =	vunpack.i.l.bf16.f32 v47;
	[tilespmem:s10+$0xFFFFFFA0] =	vst v12  }
0x399: {  	v12 =	vunpack.i.l.bf16.f32 v11;
	v38 =	vld.msk [tilespmem:s9+$0x7 ss:$0x0], $0xffff;
	[tilespmem:s10+$0xFFFFFFB0] =	vst v13;
	v13 =	vadd.f32 v41, v21;
	v21 =	vmul.f32 v26, v36  }
0x39a: {  	v22 =	vadd.f32 v31, v22;
	v25 =	vadd.f32 v32, v25;
	v26 =	vunpack.i.u.bf16.f32 v11;
	v36 =	vld [tilespmem:s12+$0x870]  }
0x39b: {  	v11 =	vmul.f32 v12, v44;
	v12 =	vmul.f32 v26, v44;
	v26 =	vunpack.i.l.bf16.f32 v37;
	v31 =	vld.msk [tilespmem:s9+$0x87 ss:$0x0], $0xffff;
	[tilespmem:s10+$0xFFFFFFC0] =	vst v13  }
0x39c: {  	v14 =	vadd.f32 v14, v19;
	v19 =	vadd.f32 v29, v24;
	v13 =	vunpack.i.u.bf16.f32 v37;
	v32 =	vld [tilespmem:s12+$0xFFFFF000];
	[tilespmem:s10+$0xFFFFFFD0] =	vst v22  }
0x39d: {  	v13 =	vmul.f32 v13, v35;
	v22 =	vld [tilespmem:s12+$0xFFFFF010];
	v24 =	vadd.f32 v12, v33;
	v12 =	vmul.f32 v26, v35;
	[tilespmem:s10+$0xFFFFFFE0] =	vst v25  }
0x39e: {  	v26 =	vunpack.i.u.bf16.f32 v47;
	v25 =	vld [tilespmem:s12+$0xFFFFF020];
	[tilespmem:s10+$0xFFFFFFF0] =	vst v14;
	v14 =	vadd.f32 v16, v20;
	v16 =	vadd.f32 v28, v18  }
0x39f: {  	v18 =	vld [tilespmem:s12+$0xFFFFF030];
	v20 =	vadd.f32 v13, v24;
	v13 =	vmul.f32 v34, v38;
	v24 =	vmul.f32 v26, v38;
	[tilespmem:s10+$0x0] =	vst v19  }
0x3a0: {  	v26 =	vunpack.i.u.bf16.f32 v36;
	v28 =	vunpack.i.l.bf16.f32 v36;
	v19 =	vld [tilespmem:s12+$0xFFFFF040];
	[tilespmem:s10+$0x10] =	vst v14;
	v14 =	vadd.f32 v27, v17  }
0x3a1: {  	v17 =	vunpack.i.u.bf16.f32 v32;
	v27 =	vld [tilespmem:s12+$0xFFFFF050];
	v20 =	vadd.f32 v24, v20;
	v24 =	vmul.f32 v26, v31;
	[tilespmem:s10+$0x20] =	vst v16  }
0x3a2: {  	v16 =	vunpack.i.l.bf16.f32 v32;
	v26 =	vunpack.i.u.bf16.f32 v22;
	v22 =	vunpack.i.l.bf16.f32 v22;
	v29 =	vld [tilespmem:s12+$0xFFFFF060];
	[tilespmem:s10+$0x30] =	vst v14  }
0x3a3: {  	v32 =	vld.msk [tilespmem:s9+$0xFFFFFF00 ss:$0x0], $0xffff;
	v33 =	vunpack.i.u.bf16.f32 v25;
	v25 =	vunpack.i.l.bf16.f32 v25;
	v20 =	vadd.f32 v24, v20  }
0x3a4: {  	v14 =	vmul.f32 v28, v31;
	v24 =	vld.msk [tilespmem:s9+$0xFFFFFF01 ss:$0x0], $0xffff;
	v34 =	vunpack.i.u.bf16.f32 v18;
	v18 =	vunpack.i.l.bf16.f32 v18  }
0x3a5: {  	v15 =	vadd.f32 v30, v15;
	v28 =	vld.msk [tilespmem:s9+$0xFFFFFF02 ss:$0x0], $0xffff;
	v31 =	vunpack.i.u.bf16.f32 v19;
	v19 =	vunpack.i.l.bf16.f32 v19;
	[tilespmem:s0+$0x70] =	vst v20  }
0x3a6: {  	v21 =	vadd.f32 v21, v23;
	v20 =	vld.msk [tilespmem:s9+$0xFFFFFF03 ss:$0x0], $0xffff;
	v30 =	vunpack.i.u.bf16.f32 v27;
	v27 =	vunpack.i.l.bf16.f32 v27  }
0x3a7: {  	v23 =	vld.msk [tilespmem:s9+$0xFFFFFF04 ss:$0x0], $0xffff;
	v35 =	vunpack.i.u.bf16.f32 v29;
	v29 =	vunpack.i.l.bf16.f32 v29;
	[tilespmem:s10+$0x40] =	vst v15  }
0x3a8: {  	v36 =	vld.msk [tilespmem:s9+$0xFFFFFF05 ss:$0x0], $0xffff;
	[tilespmem:s10+$0x50] =	vst v21;
	s10 =	smov.u32 s0  }
0x3a9: {  	v15 =	vmul.f32 v16, v32;
	v16 =	vmul.f32 v17, v32;
	v17 =	vld.msk [tilespmem:s9+$0xFFFFFF06 ss:$0x0], $0xffff  }
0x3aa: {  	v22 =	vmul.f32 v22, v24;
	v24 =	vmul.f32 v26, v24;
	v21 =	vld [tilespmem:s12+$0x0]  }
0x3ab: {  	v25 =	vmul.f32 v25, v28;
	v28 =	vmul.f32 v33, v28;
	v26 =	vld [tilespmem:s12+$0x10]  }
0x3ac: {  	v18 =	vmul.f32 v18, v20;
	v20 =	vmul.f32 v34, v20;
	v32 =	vld [tilespmem:s12+$0x20]  }
0x3ad: {  	v19 =	vmul.f32 v19, v23;
	v23 =	vmul.f32 v31, v23;
	v33 =	vld [tilespmem:s12+$0x30]  }
0x3ae: {  	v27 =	vmul.f32 v27, v36;
	v30 =	vmul.f32 v30, v36;
	v31 =	vld [tilespmem:s12+$0x40]  }
0x3af: {  	v29 =	vmul.f32 v29, v17;
	v17 =	vmul.f32 v35, v17;
	v34 =	vunpack.i.u.bf16.f32 v21;
	v36 =	vld [tilespmem:s12+$0x50]  }
0x3b0: {  	v21 =	vunpack.i.l.bf16.f32 v21;
	v35 =	vunpack.i.u.bf16.f32 v26;
	v26 =	vunpack.i.l.bf16.f32 v26;
	v37 =	vld [tilespmem:s12+$0x60]  }
0x3b1: {  	v38 =	vld.msk [tilespmem:s9+$0xFFFFFF80 ss:$0x0], $0xffff;
	v39 =	vunpack.i.u.bf16.f32 v32;
	v32 =	vunpack.i.l.bf16.f32 v32  }
0x3b2: {  	v40 =	vld.msk [tilespmem:s9+$0xFFFFFF81 ss:$0x0], $0xffff;
	v41 =	vunpack.i.u.bf16.f32 v33;
	v33 =	vunpack.i.l.bf16.f32 v33  }
0x3b3: {  	v42 =	vld.msk [tilespmem:s9+$0xFFFFFF82 ss:$0x0], $0xffff;
	v43 =	vunpack.i.u.bf16.f32 v31;
	v31 =	vunpack.i.l.bf16.f32 v31  }
0x3b4: {  	v44 =	vld.msk [tilespmem:s9+$0xFFFFFF83 ss:$0x0], $0xffff;
	v45 =	vunpack.i.u.bf16.f32 v36;
	v36 =	vunpack.i.l.bf16.f32 v36  }
0x3b5: {  	v46 =	vld.msk [tilespmem:s9+$0xFFFFFF84 ss:$0x0], $0xffff;
	v47 =	vunpack.i.u.bf16.f32 v37;
	v37 =	vunpack.i.l.bf16.f32 v37  }
0x3b6: {  	v48 =	vld.msk [tilespmem:s9+$0xFFFFFF85 ss:$0x0], $0xffff  }
0x3b7: {  	v21 =	vmul.f32 v21, v38;
	v34 =	vmul.f32 v34, v38;
	v38 =	vld.msk [tilespmem:s9+$0xFFFFFF86 ss:$0x0], $0xffff  }
0x3b8: {  	v26 =	vmul.f32 v26, v40;
	v35 =	vmul.f32 v35, v40;
	v49 =	vld [tilespmem:s0+$0xFFFFFF90]  }
0x3b9: {  	v32 =	vmul.f32 v32, v42;
	v39 =	vmul.f32 v39, v42;
	v40 =	vld [tilespmem:s0+$0xFFFFFFA0]  }
0x3ba: {  	v33 =	vmul.f32 v33, v44;
	v41 =	vmul.f32 v41, v44;
	v42 =	vld [tilespmem:s0+$0xFFFFFFB0]  }
0x3bb: {  	v31 =	vmul.f32 v31, v46;
	v43 =	vmul.f32 v43, v46;
	v44 =	vld [tilespmem:s0+$0xFFFFFFC0]  }
0x3bc: {  	v36 =	vmul.f32 v36, v48;
	v45 =	vmul.f32 v45, v48;
	v46 =	vld [tilespmem:s0+$0xFFFFFFD0]  }
0x3bd: {  	v37 =	vmul.f32 v37, v38;
	v38 =	vmul.f32 v47, v38;
	v16 =	vadd.f32 v16, v49;
	v48 =	vld [tilespmem:s0+$0xFFFFFFE0]  }
0x3be: {  	v22 =	vadd.f32 v22, v40;
	v40 =	vld [tilespmem:s0+$0xFFFFFFF0]  }
0x3bf: {  	v16 =	vadd.f32 v34, v16;
	v24 =	vadd.f32 v24, v42;
	v34 =	vld [tilespmem:s0+$0x0]  }
0x3c0: {  	v22 =	vadd.f32 v26, v22;
	v25 =	vadd.f32 v25, v44;
	v26 =	vld [tilespmem:s0+$0x10]  }
0x3c1: {  	v24 =	vadd.f32 v35, v24;
	v28 =	vadd.f32 v28, v46;
	v35 =	vld [tilespmem:s0+$0x20]  }
0x3c2: {  	v25 =	vadd.f32 v32, v25;
	v18 =	vadd.f32 v18, v48;
	v32 =	vld [tilespmem:s0+$0x30]  }
0x3c3: {  	v28 =	vadd.f32 v39, v28;
	v20 =	vadd.f32 v20, v40;
	v39 =	vld [tilespmem:s0+$0x40]  }
0x3c4: {  	v18 =	vadd.f32 v33, v18;
	v19 =	vadd.f32 v19, v34;
	v33 =	vld [tilespmem:s0+$0x50]  }
0x3c5: {  	v20 =	vadd.f32 v41, v20;
	v23 =	vadd.f32 v23, v26;
	v26 =	vld [tilespmem:s0+$0x60]  }
0x3c6: {  	v34 =	vld [tilespmem:s0+$0xFFFFFF80];
	v46 =	vadd.f32 v31, v19;
	v19 =	vadd.f32 v27, v35  }
0x3c7: {  	v27 =	vld [tilespmem:s12+$0xFFFFF800];
	v47 =	vadd.f32 v43, v23;
	v23 =	vadd.f32 v30, v32  }
0x3c8: {  	v30 =	vld [tilespmem:s12+$0xFFFFF810];
	v36 =	vadd.f32 v36, v19;
	v19 =	vadd.f32 v29, v39  }
0x3c9: {  	v29 =	vld [tilespmem:s12+$0xFFFFF820];
	v48 =	vadd.f32 v45, v23;
	v17 =	vadd.f32 v17, v33  }
0x3ca: {  	v23 =	vld [tilespmem:s12+$0xFFFFF830];
	v49 =	vadd.f32 v37, v19;
	v19 =	vadd.f32 v11, v26  }
0x3cb: {  	v15 =	vadd.f32 v15, v34;
	v26 =	vld [tilespmem:s12+$0xFFFFF840];
	v11 =	vadd.f32 v38, v17  }
0x3cc: {  	v17 =	vunpack.i.u.bf16.f32 v27;
	v27 =	vunpack.i.l.bf16.f32 v27;
	v31 =	vld [tilespmem:s12+$0xFFFFF850];
	v12 =	vadd.f32 v12, v19  }
0x3cd: {  	v15 =	vadd.f32 v21, v15;
	v19 =	vunpack.i.u.bf16.f32 v30;
	v21 =	vunpack.i.l.bf16.f32 v30;
	v30 =	vld [tilespmem:s12+$0xFFFFF860]  }
0x3ce: {  	v32 =	vld.msk [tilespmem:s9+$0x0 ss:$0x0], $0xffff;
	v33 =	vunpack.i.u.bf16.f32 v29;
	v29 =	vunpack.i.l.bf16.f32 v29;
	v12 =	vadd.f32 v13, v12  }
0x3cf: {  	v13 =	vld.msk [tilespmem:s9+$0x1 ss:$0x0], $0xffff;
	v34 =	vunpack.i.u.bf16.f32 v23;
	v23 =	vunpack.i.l.bf16.f32 v23  }
0x3d0: {  	v35 =	vld.msk [tilespmem:s9+$0x2 ss:$0x0], $0xffff;
	v37 =	vunpack.i.u.bf16.f32 v26;
	v26 =	vunpack.i.l.bf16.f32 v26;
	v12 =	vadd.f32 v14, v12  }
0x3d1: {  	v38 =	vld.msk [tilespmem:s9+$0x3 ss:$0x0], $0xffff;
	v39 =	vunpack.i.u.bf16.f32 v31;
	v31 =	vunpack.i.l.bf16.f32 v31  }
0x3d2: {  	v40 =	vld.msk [tilespmem:s9+$0x4 ss:$0x0], $0xffff;
	v41 =	vunpack.i.u.bf16.f32 v30;
	v30 =	vunpack.i.l.bf16.f32 v30;
	[tilespmem:s0+$0x60] =	vst v12  }
0x3d3: {  	v42 =	vld.msk [tilespmem:s9+$0x5 ss:$0x0], $0xffff  }
0x3d4: {  	v12 =	vmul.f32 v27, v32;
	v17 =	vmul.f32 v17, v32;
	v27 =	vld.msk [tilespmem:s9+$0x6 ss:$0x0], $0xffff  }
0x3d5: {  	v21 =	vmul.f32 v21, v13;
	v13 =	vmul.f32 v19, v13;
	v32 =	vld [tilespmem:s12+$0x800]  }
0x3d6: {  	v14 =	vadd.f32 v12, v15;
	v19 =	vmul.f32 v29, v35;
	v29 =	vmul.f32 v33, v35;
	v15 =	vld [tilespmem:s12+$0x810]  }
0x3d7: {  	v16 =	vadd.f32 v17, v16;
	v33 =	vmul.f32 v23, v38;
	v38 =	vmul.f32 v34, v38;
	v17 =	vld [tilespmem:s12+$0x820]  }
0x3d8: {  	v12 =	vadd.f32 v21, v22;
	v26 =	vmul.f32 v26, v40;
	v50 =	vmul.f32 v37, v40;
	v35 =	vld [tilespmem:s12+$0x830]  }
0x3d9: {  	v13 =	vadd.f32 v13, v24;
	v51 =	vmul.f32 v31, v42;
	v52 =	vmul.f32 v39, v42;
	v24 =	vld [tilespmem:s12+$0x840]  }
0x3da: {  	v53 =	vmul.f32 v30, v27;
	v23 =	vmul.f32 v41, v27;
	v31 =	vunpack.i.u.bf16.f32 v32;
	v39 =	vld [tilespmem:s12+$0x850]  }
0x3db: {  	v54 =	vunpack.i.l.bf16.f32 v32;
	v34 =	vunpack.i.u.bf16.f32 v15;
	v40 =	vunpack.i.l.bf16.f32 v15;
	v15 =	vld [tilespmem:s12+$0x860]  }
0x3dc: {  	v21 =	vadd.f32 v19, v25;
	v44 =	vld.msk [tilespmem:s9+$0x80 ss:$0x0], $0xffff;
	v32 =	vunpack.i.u.bf16.f32 v17;
	v41 =	vunpack.i.l.bf16.f32 v17  }
0x3dd: {  	v22 =	vadd.f32 v29, v28;
	v45 =	vld.msk [tilespmem:s9+$0x81 ss:$0x0], $0xffff;
	v29 =	vunpack.i.u.bf16.f32 v35;
	v37 =	vunpack.i.l.bf16.f32 v35  }
.Ltmp17:
0x3de: {  	v25 =	vadd.f32 v33, v18;
	v43 =	vld.msk [tilespmem:s9+$0x82 ss:$0x0], $0xffff;
	v28 =	vunpack.i.u.bf16.f32 v24;
	v35 =	vunpack.i.l.bf16.f32 v24;
	(pc) =	sbr.rel @p1 .LBB2_22-.Ltmp17, $4  }
0x3df: {  	v19 =	vadd.f32 v38, v20;
	v42 =	vld.msk [tilespmem:s9+$0x83 ss:$0x0], $0xffff;
	v27 =	vunpack.i.u.bf16.f32 v39;
	v33 =	vunpack.i.l.bf16.f32 v39  }
0x3e0: {  	v24 =	vadd.f32 v26, v46;
	v39 =	vld.msk [tilespmem:s9+$0x84 ss:$0x0], $0xffff;
	v26 =	vunpack.i.u.bf16.f32 v15;
	v30 =	vunpack.i.l.bf16.f32 v15  }
0x3e1: {  	v20 =	vadd.f32 v50, v47;
	v18 =	vadd.f32 v51, v36;
	v38 =	vld.msk [tilespmem:s9+$0x85 ss:$0x0], $0xffff  }
0x3e2: {  	s12 =	sadd.s32 $0x80, s12;
	v17 =	vadd.f32 v52, v48;
	v15 =	vadd.f32 v53, v49;
	v46 =	vmul.f32 v54, v44;
	v36 =	vld.msk [tilespmem:s9+$0x86 ss:$0x0], $0xffff  }
0x3e3: {  	v31 =	vmul.f32 v31, v44  }
0x3e4: {  	v40 =	vmul.f32 v40, v45;
	v14 =	vadd.f32 v46, v14  }
0x3e5: {  	v34 =	vmul.f32 v34, v45;
	v16 =	vadd.f32 v31, v16  }
0x3e6: {  	v50 =	vmul.f32 v41, v43;
	v12 =	vadd.f32 v40, v12;
	[tilespmem:s0+$0xFFFFFF80] =	vst v14  }
0x3e7: {  	v51 =	vmul.f32 v32, v43;
	v13 =	vadd.f32 v34, v13;
	[tilespmem:s10+$0xFFFFFF90] =	vst v16  }
0x3e8: {  	v54 =	vmul.f32 v29, v42;
	v53 =	vadd.f32 v50, v21;
	[tilespmem:s10+$0xFFFFFFA0] =	vst v12  }
0x3e9: {  	v52 =	vmul.f32 v37, v42;
	v55 =	vadd.f32 v51, v22;
	[tilespmem:s10+$0xFFFFFFB0] =	vst v13  }
0x3ea: {  	v56 =	vmul.f32 v35, v39;
	v58 =	vadd.f32 v54, v19;
	[tilespmem:s10+$0xFFFFFFC0] =	vst v53  }
0x3eb: {  	v57 =	vmul.f32 v28, v39;
	v16 =	vadd.f32 v52, v25;
	[tilespmem:s10+$0xFFFFFFD0] =	vst v55  }
0x3ec: {  	v59 =	vmul.f32 v33, v38;
	v14 =	vadd.f32 v56, v24;
	[tilespmem:s10+$0xFFFFFFF0] =	vst v58  }
0x3ed: {  	v60 =	vmul.f32 v27, v38;
	v12 =	vadd.f32 v57, v20;
	[tilespmem:s10+$0xFFFFFFE0] =	vst v16  }
0x3ee: {  	v61 =	vmul.f32 v30, v36;
	v18 =	vadd.f32 v59, v18;
	[tilespmem:s10+$0x0] =	vst v14  }
.Ltmp18:
0x3ef: {  	v11 =	vadd.f32 v23, v11;
	v62 =	vmul.f32 v26, v36;
	v63 =	vadd.f32 v60, v17;
	[tilespmem:s10+$0x10] =	vst v12;
	(pc) =	sbr.rel .LBB2_24-.Ltmp18, $4  }
0x3f0: {  	v13 =	vadd.f32 v61, v15;
	[tilespmem:s10+$0x20] =	vst v18  }
0x3f1: {  	v11 =	vadd.f32 v62, v11;
	[tilespmem:s10+$0x30] =	vst v63  }
0x3f2: {  	[tilespmem:s10+$0x40] =	vst v13  }
0x3f3: {  	[tilespmem:s10+$0x50] =	vst v11  }
.LBB2_28:
0x3f4: {  	_ =	sfence.sel $0x180000  }
0x3f5: {  	[bflag:$0x0] =	sbarrier.arrive $0xFFFF  }
0x3f6: {  	_ =	strace $0x90000047  }
0x3f7: {  	s0 =	stileid.u32;
	[bflag:$0x2] =	sbarrier.arrive $0xFFFF  }
0x3f8: {  	p0 =	sne.s32 s0, $0x0;
	s0 =	rddreg [dreg:$0x2]  }
0x3f9: {  	s0 =	sadd.s32 @!p0 $0x100000, s0  }
0x3fa: {  	[sflag:s0] =	ssyncadd.tile.s32 @!p0 $0x1;
	_ =	shalt  }
.Lfunc_end2:
_tile_overlayer_lowered:
.L_overlay_start_2:
0x3fb: {  	(tag) =	ssettag $0x2  }
0x3fc: {  	s0 =	rddreg [dreg:$0x0];
	s2 =	stileid.u32  }
0x3fd: {  	s1 =	rddreg [dreg:$0x1];
	p0 =	sne.s32 s2, $0x0  }
0x3fe: {  	s3 =	rddreg [dreg:$0x2];
	[bflag:$0x3] =	sbarrier.arrive $0xFFFF;
	s2 =	simm.s32 @!p0 $0x1C03  }
0x3ff: {  	[timem:s3], [sflag:s2] =	dma.local @!p0 [hbm:s0], s1  }
0x400: {  	s0 =	simm.s32 @!p0 $0x3  }
0x401: {  	_ =	swait.ge @!p0 [sflag:s0], s1  }
0x402: {  	s1 =	ssub.s32 @!p0 $0x0, s1;
	[sflag:s0] =	ssyncset.done @!p0 $0x0  }
0x403: {  	[sflag:s0] =	ssyncadd.s32 @!p0 s1  }
0x404: {  	[bflag:$0x3] =	sbarrier.arrive $0xFFFF  }
0x405: {  	_ =	shalt  }

</sc_bundles>
